<compile_context>
chip_gen: v7x
topology: tpu7x:2x2x1
jax: 0.10.2.dev20260603
libtpu: 0.0.44.dev20260713+nightly
codegen_flags: <defaults>
</compile_context>

<pallas_src>
import functools

import jax
import jax.numpy as jnp
from jax import lax
from jax.experimental import pallas as pl
from jax.experimental.pallas import tpu as pltpu
from jax.experimental.pallas import tpu_sc as plsc

_LANES = 16
_NC = 2
_NS = 16
_NW = _NC * _NS
_RING = 15


def kernel(user_id, item_id, users_table, items_table):
    batch = user_id.shape[0]
    vocab, latent = users_table.shape
    bpw = batch // _NW

    uid = user_id.astype(jnp.int32)
    iid = item_id.astype(jnp.int32)
    ut_t = users_table.T
    it_t = items_table.T

    @functools.partial(
        pl.kernel,
        out_type=jax.ShapeDtypeStruct((batch,), jnp.float32),
        mesh=plsc.VectorSubcoreMesh(core_axis_name="c", subcore_axis_name="s"),
        compiler_params=pltpu.CompilerParams(
            needs_layout_passes=False, use_tc_tiling_on_sc=True),
        scratch_types=[
            pltpu.VMEM((bpw,), jnp.int32),
            pltpu.VMEM((bpw,), jnp.int32),
            pltpu.SMEM((bpw,), jnp.float32),
            pltpu.VMEM((_RING, latent, 128), jnp.float32),
            pltpu.VMEM((_RING, latent, 128), jnp.float32),
            pltpu.VMEM((bpw,), jnp.float32),
            pltpu.SemaphoreType.DMA((_RING,)),
            pltpu.SemaphoreType.DMA((_RING,)),
        ],
    )
    def mf(uid_hbm, iid_hbm, ut_hbm, it_hbm, out_hbm,
           uids, iids, outs, uwin, vwin, outv, usem, vsem):
        wid = lax.axis_index("s") * _NC + lax.axis_index("c")
        base = wid * bpw
        pltpu.sync_copy(uid_hbm.at[pl.ds(base, bpw)], uids)
        pltpu.sync_copy(iid_hbm.at[pl.ds(base, bpw)], iids)

        lane = lax.iota(jnp.int32, _LANES)
        lane_hi = lane + _LANES
        zero = jnp.zeros((_LANES,), jnp.int32)

        def scalar_at(vec, mask):
            return jnp.sum(jnp.where(mask, vec, zero))

        def compute_scalars(i0, nb):
            us, vs = [], []
            for b in range(nb):
                e = jnp.minimum(i0 + b, bpw - 1)
                vbase = (e // _LANES) * _LANES
                uvec = uids[pl.ds(vbase, _LANES)]
                vvec = iids[pl.ds(vbase, _LANES)]
                mask = lane == (e % _LANES)
                us.append(scalar_at(uvec, mask))
                vs.append(scalar_at(vvec, mask))
            return tuple(us) + tuple(vs)

        def process_batch(i0, nb, scal, prefetch_next):
            us, vs = scal[:nb], scal[nb:]
            copies = []
            lanes_u = []
            lanes_v = []
            for b in range(nb):
                uoff = pl.multiple_of(
                    lax.shift_left(lax.shift_right_logical(us[b], 7), 7), 128)
                voff = pl.multiple_of(
                    lax.shift_left(lax.shift_right_logical(vs[b], 7), 7), 128)
                lanes_u.append(
                    jnp.full((_LANES,), jnp.bitwise_and(us[b], 127)))
                lanes_v.append(
                    jnp.full((_LANES,), jnp.bitwise_and(vs[b], 127)))
                copies.append((
                    pltpu.async_copy(
                        ut_hbm.at[:, pl.ds(uoff, 128)], uwin.at[b],
                        usem.at[b]),
                    pltpu.async_copy(
                        it_hbm.at[:, pl.ds(voff, 128)], vwin.at[b],
                        vsem.at[b]),
                ))

            nxt = compute_scalars(i0 + nb, nb) if prefetch_next else ()

            for b in range(nb):
                cu, cv = copies[b]
                cu.wait()
                cv.wait()
                bb = jnp.full((_LANES,), b, jnp.int32)
                ulo = plsc.load_gather(uwin, [bb, lane, lanes_u[b]])
                uhi = plsc.load_gather(uwin, [bb, lane_hi, lanes_u[b]])
                vlo = plsc.load_gather(vwin, [bb, lane, lanes_v[b]])
                vhi = plsc.load_gather(vwin, [bb, lane_hi, lanes_v[b]])
                prod = ulo * vlo + uhi * vhi
                outs[i0 + b] = jnp.sum(prod)
            return nxt

        def body(g, scal):
            return process_batch(g * _RING, _RING, scal, True)

        n_full = bpw // _RING
        lax.fori_loop(0, n_full, body, compute_scalars(0, _RING))
        if bpw % _RING:
            tail = bpw % _RING
            process_batch(n_full * _RING, tail,
                          compute_scalars(n_full * _RING, tail), False)

        def pack(g, carry):
            vals = jnp.zeros((_LANES,), jnp.float32)
            for j in range(_LANES):
                s = outs[g * _LANES + j]
                vals = jnp.where(lane == j, jnp.full((_LANES,), s), vals)
            outv[pl.ds(g * _LANES, _LANES)] = vals
            return carry

        lax.fori_loop(0, bpw // _LANES, pack, 0)
        pltpu.sync_copy(outv, out_hbm.at[pl.ds(base, bpw)])

    return mf(uid, iid, ut_t, it_t)

# --- scband reference (transcript-rebuilt; emitter-appended) ---
"""Pipeline reference for scband-mf-59691455480198 (READ-ONLY COPY).

The authoritative reference and input builder live on the scoring server;
editing this copy changes nothing except your own understanding.
"""

import jax, jax.numpy as jnp
import numpy as np

USER_COUNT = 1000000
ITEM_COUNT = 1000000
LATENT = 32
BATCH = 16384

def setup_inputs(seed: int = 0) -> dict:
    key = jax.random.key(seed)
    k1, k2, k3, k4 = jax.random.split(key, 4)
    user_id = jax.random.randint(k1, (BATCH,), 0, USER_COUNT, dtype=jnp.int64 if jax.config.jax_enable_x64 else jnp.int32)
    item_id = jax.random.randint(k2, (BATCH,), 0, ITEM_COUNT, dtype=jnp.int64 if jax.config.jax_enable_x64 else jnp.int32)
    users_table = jax.random.normal(k3, (USER_COUNT, LATENT), dtype=jnp.float32)
    items_table = jax.random.normal(k4, (ITEM_COUNT, LATENT), dtype=jnp.float32)
    return {"user_id": user_id, "item_id": item_id, "users_table": users_table, "items_table": items_table}

def reference(user_id, item_id, users_table, items_table):
    # MF.forward: (users(user_id) * items(item_id)).sum(1)
    u = jnp.take(users_table, user_id, axis=0)  # [B, latent]
    v = jnp.take(items_table, item_id, axis=0)  # [B, latent]
    return (u * v).sum(axis=1)  # [B]

if __name__ == "__main__":
    import jax
    _d = setup_inputs()
    print(jax.jit(kernel)(*tuple(_d.values())))

</pallas_src>

<mosaic_0001>
#map = affine_map<(d0, d1) -> (0)>
#map1 = affine_map<(d0, d1) -> (0, 0)>
module attributes {stable_mosaic.version = 14 : i64} {
  func.func @mf(%arg0: i32, %arg1: i32, %arg2: memref<16384xi32, #tpu.memory_space<hbm>>, %arg3: memref<16384xi32, #tpu.memory_space<hbm>>, %arg4: memref<32x1000000xf32, #tpu.memory_space<hbm>>, %arg5: memref<32x1000000xf32, #tpu.memory_space<hbm>>, %arg6: memref<16384xf32, #tpu.memory_space<hbm>>, %arg7: memref<512xi32, #tpu.memory_space<vmem>>, %arg8: memref<512xi32, #tpu.memory_space<vmem>>, %arg9: memref<512xf32, #tpu.memory_space<smem>>, %arg10: memref<15x32x128xf32, #tpu.memory_space<vmem>>, %arg11: memref<15x32x128xf32, #tpu.memory_space<vmem>>, %arg12: memref<512xf32, #tpu.memory_space<vmem>>, %arg13: memref<15x!tpu.dma_semaphore, #tpu.memory_space<semaphore_mem>>, %arg14: memref<15x!tpu.dma_semaphore, #tpu.memory_space<semaphore_mem>>) attributes {dimension_semantics = [#tpu.dimension_semantics<core_parallel>, #tpu.dimension_semantics<subcore_parallel>], iteration_bounds = array<i64: 2, 16>, scalar_prefetch = 0 : i64, scratch_operands = 8 : i64, tpu.core_type = #tpu.core_type<sc_vector_subcore>, window_params = [{transform_indices = #map}, {transform_indices = #map}, {transform_indices = #map1}, {transform_indices = #map1}, {transform_indices = #map}]} {
    %mul3A = arith.constant 2 : i32
    %mul3A_0 = arith.muli %arg1, %mul3A : i32
    %add3A = arith.addi %mul3A_0, %arg0 : i32
    %mul3A_1 = arith.constant 512 : i32
    %mul3A_2 = arith.muli %add3A, %mul3A_1 : i32
    "tpu.region"() ({
      %run_scoped3A = tpu.sem_alloc : memref<!tpu.dma_semaphore, #tpu.memory_space<semaphore_mem>>
      %dma_start3A_1227 = tpu.memref_slice %arg2[%mul3A_2] : memref<16384xi32, #tpu.memory_space<hbm>> -> memref<512xi32, #tpu.memory_space<hbm>>
      %dma_start3A_1228 = tpu.memref_slice %arg2[%mul3A_2] : memref<16384xi32, #tpu.memory_space<hbm>> -> memref<512xi32, #tpu.memory_space<hbm>>
      tpu.enqueue_dma source(%dma_start3A_1228 : memref<512xi32, #tpu.memory_space<hbm>>) target(%arg7 : memref<512xi32, #tpu.memory_space<vmem>>) target_semaphore(%run_scoped3A : memref<!tpu.dma_semaphore, #tpu.memory_space<semaphore_mem>>)
      %dma_wait3A_1229 = tpu.memref_slice %arg2[%mul3A_2] : memref<16384xi32, #tpu.memory_space<hbm>> -> memref<512xi32, #tpu.memory_space<hbm>>
      %dma_wait3A_1230 = tpu.memref_slice %arg2[%mul3A_2] : memref<16384xi32, #tpu.memory_space<hbm>> -> memref<512xi32, #tpu.memory_space<hbm>>
      tpu.wait_dma2 semaphore(%run_scoped3A : memref<!tpu.dma_semaphore, #tpu.memory_space<semaphore_mem>>) src(%dma_wait3A_1230 : memref<512xi32, #tpu.memory_space<hbm>>) dst(%arg7 : memref<512xi32, #tpu.memory_space<vmem>>)
      tpu.yield
    }) : () -> ()
    "tpu.region"() ({
      %run_scoped3A = tpu.sem_alloc : memref<!tpu.dma_semaphore, #tpu.memory_space<semaphore_mem>>
      %dma_start3A_1227 = tpu.memref_slice %arg3[%mul3A_2] : memref<16384xi32, #tpu.memory_space<hbm>> -> memref<512xi32, #tpu.memory_space<hbm>>
      %dma_start3A_1228 = tpu.memref_slice %arg3[%mul3A_2] : memref<16384xi32, #tpu.memory_space<hbm>> -> memref<512xi32, #tpu.memory_space<hbm>>
      tpu.enqueue_dma source(%dma_start3A_1228 : memref<512xi32, #tpu.memory_space<hbm>>) target(%arg8 : memref<512xi32, #tpu.memory_space<vmem>>) target_semaphore(%run_scoped3A : memref<!tpu.dma_semaphore, #tpu.memory_space<semaphore_mem>>)
      %dma_wait3A_1229 = tpu.memref_slice %arg3[%mul3A_2] : memref<16384xi32, #tpu.memory_space<hbm>> -> memref<512xi32, #tpu.memory_space<hbm>>
      %dma_wait3A_1230 = tpu.memref_slice %arg3[%mul3A_2] : memref<16384xi32, #tpu.memory_space<hbm>> -> memref<512xi32, #tpu.memory_space<hbm>>
      tpu.wait_dma2 semaphore(%run_scoped3A : memref<!tpu.dma_semaphore, #tpu.memory_space<semaphore_mem>>) src(%dma_wait3A_1230 : memref<512xi32, #tpu.memory_space<hbm>>) dst(%arg8 : memref<512xi32, #tpu.memory_space<vmem>>)
      tpu.yield
    }) : () -> ()
    %iota3A = tpu.iota {dimensions = array<i32: 0>} : vector<16xi32>
    %add3A_3 = arith.constant 16 : i32
    %add3A_4 = vector.broadcast %add3A_3 : i32 to vector<16xi32>
    %add3A_5 = arith.addi %iota3A, %add3A_4 : vector<16xi32>
    %broadcast_in_dim3A = arith.constant 0 : i32
    %broadcast_in_dim3A_6 = vector.broadcast %broadcast_in_dim3A : i32 to vector<16xi32>
    %min3A = arith.constant 0 : i32
    %min3A_7 = arith.constant 511 : i32
    %min3A_8 = arith.minsi %min3A, %min3A_7 : i32
    %jit3A = arith.constant 16 : i32
    %div3A = arith.divsi %min3A_8, %jit3A : i32
    %sign3A = arith.constant 0 : i32
    %sign3A_9 = arith.cmpi sgt, %min3A_8, %sign3A : i32
    %sign3A_10 = arith.extui %sign3A_9 : i1 to i32
    %sign3A_11 = arith.constant 0 : i32
    %sign3A_12 = arith.cmpi slt, %min3A_8, %sign3A_11 : i32
    %sign3A_13 = arith.extui %sign3A_12 : i1 to i32
    %sign3A_14 = arith.subi %sign3A_10, %sign3A_13 : i32
    %sign3A_15 = arith.constant 0 : i32
    %sign3A_16 = arith.cmpi sgt, %jit3A, %sign3A_15 : i32
    %sign3A_17 = arith.extui %sign3A_16 : i1 to i32
    %sign3A_18 = arith.constant 0 : i32
    %sign3A_19 = arith.cmpi slt, %jit3A, %sign3A_18 : i32
    %sign3A_20 = arith.extui %sign3A_19 : i1 to i32
    %sign3A_21 = arith.subi %sign3A_17, %sign3A_20 : i32
    %ne3A = arith.cmpi ne, %sign3A_14, %sign3A_21 : i32
    %rem3A = arith.remsi %min3A_8, %jit3A : i32
    %ne3A_22 = arith.constant 0 : i32
    %ne3A_23 = arith.cmpi ne, %rem3A, %ne3A_22 : i32
    %and3A = arith.andi %ne3A, %ne3A_23 : i1
    %sub3A = arith.constant 1 : i32
    %sub3A_24 = arith.subi %div3A, %sub3A : i32
    %select_n3A = arith.select %and3A, %sub3A_24, %div3A : i32
    %mul3A_25 = arith.constant 16 : i32
    %mul3A_26 = arith.muli %select_n3A, %mul3A_25 : i32
    %get3A = arith.index_cast %mul3A_26 : i32 to index
    %get3A_27 = tpu.vector_load %arg7[%get3A] {strides = array<i32>} : memref<512xi32, #tpu.memory_space<vmem>>, vector<16xi32>,
    %get3A_28 = arith.index_cast %mul3A_26 : i32 to index
    %get3A_29 = tpu.vector_load %arg8[%get3A_28] {strides = array<i32>} : memref<512xi32, #tpu.memory_space<vmem>>, vector<16xi32>,
    %jit3A_30 = arith.constant 16 : i32
    %eq3A = arith.constant 0 : i32
    %eq3A_31 = arith.cmpi eq, %jit3A_30, %eq3A : i32
    %jit3A_32 = arith.constant 1 : i32
    %select_n3A_33 = arith.select %eq3A_31, %jit3A_32, %jit3A_30 : i32
    %rem3A_34 = arith.remsi %min3A_8, %select_n3A_33 : i32
    %ne3A_35 = arith.constant 0 : i32
    %ne3A_36 = arith.cmpi ne, %rem3A_34, %ne3A_35 : i32
    %lt3A = arith.constant 0 : i32
    %lt3A_37 = arith.cmpi slt, %rem3A_34, %lt3A : i32
    %lt3A_38 = arith.constant 0 : i32
    %lt3A_39 = arith.cmpi slt, %select_n3A_33, %lt3A_38 : i32
    %ne3A_40 = arith.xori %lt3A_37, %lt3A_39 : i1
    %and3A_41 = arith.andi %ne3A_40, %ne3A_36 : i1
    %add3A_42 = arith.addi %rem3A_34, %select_n3A_33 : i32
    %select_n3A_43 = arith.select %and3A_41, %add3A_42, %rem3A_34 : i32
    %eq3A_44 = vector.broadcast %select_n3A_43 : i32 to vector<16xi32>
    %eq3A_45 = arith.cmpi eq, %iota3A, %eq3A_44 : vector<16xi32>
    %select_n3A_46 = arith.select %eq3A_45, %get3A_27, %broadcast_in_dim3A_6 : vector<16xi1>, vector<16xi32>
    %reduce_sum3A = arith.constant true
    %reduce_sum3A_47 = vector.broadcast %reduce_sum3A : i1 to vector<16xi1>
    %reduce_sum3A_48 = tpu.scan <sum>, %select_n3A_46 masked %reduce_sum3A_47 : vector<16xi32>, vector<16xi1> -> vector<16xi32>
    %reduce_sum3A_49 = vector.extract %reduce_sum3A_48[15] : i32 from vector<16xi32>
    %select_n3A_50 = arith.select %eq3A_45, %get3A_29, %broadcast_in_dim3A_6 : vector<16xi1>, vector<16xi32>
    %reduce_sum3A_51 = arith.constant true
    %reduce_sum3A_52 = vector.broadcast %reduce_sum3A_51 : i1 to vector<16xi1>
    %reduce_sum3A_53 = tpu.scan <sum>, %select_n3A_50 masked %reduce_sum3A_52 : vector<16xi32>, vector<16xi1> -> vector<16xi32>
    %reduce_sum3A_54 = vector.extract %reduce_sum3A_53[15] : i32 from vector<16xi32>
    %min3A_55 = arith.constant 1 : i32
    %min3A_56 = arith.constant 511 : i32
    %min3A_57 = arith.minsi %min3A_55, %min3A_56 : i32
    %jit3A_58 = arith.constant 16 : i32
    %div3A_59 = arith.divsi %min3A_57, %jit3A_58 : i32
    %sign3A_60 = arith.constant 0 : i32
    %sign3A_61 = arith.cmpi sgt, %min3A_57, %sign3A_60 : i32
    %sign3A_62 = arith.extui %sign3A_61 : i1 to i32
    %sign3A_63 = arith.constant 0 : i32
    %sign3A_64 = arith.cmpi slt, %min3A_57, %sign3A_63 : i32
    %sign3A_65 = arith.extui %sign3A_64 : i1 to i32
    %sign3A_66 = arith.subi %sign3A_62, %sign3A_65 : i32
    %sign3A_67 = arith.constant 0 : i32
    %sign3A_68 = arith.cmpi sgt, %jit3A_58, %sign3A_67 : i32
    %sign3A_69 = arith.extui %sign3A_68 : i1 to i32
    %sign3A_70 = arith.constant 0 : i32
    %sign3A_71 = arith.cmpi slt, %jit3A_58, %sign3A_70 : i32
    %sign3A_72 = arith.extui %sign3A_71 : i1 to i32
    %sign3A_73 = arith.subi %sign3A_69, %sign3A_72 : i32
    %ne3A_74 = arith.cmpi ne, %sign3A_66, %sign3A_73 : i32
    %rem3A_75 = arith.remsi %min3A_57, %jit3A_58 : i32
    %ne3A_76 = arith.constant 0 : i32
    %ne3A_77 = arith.cmpi ne, %rem3A_75, %ne3A_76 : i32
    %and3A_78 = arith.andi %ne3A_74, %ne3A_77 : i1
    %sub3A_79 = arith.constant 1 : i32
    %sub3A_80 = arith.subi %div3A_59, %sub3A_79 : i32
    %select_n3A_81 = arith.select %and3A_78, %sub3A_80, %div3A_59 : i32
    %mul3A_82 = arith.constant 16 : i32
    %mul3A_83 = arith.muli %select_n3A_81, %mul3A_82 : i32
    %get3A_84 = arith.index_cast %mul3A_83 : i32 to index
    %get3A_85 = tpu.vector_load %arg7[%get3A_84] {strides = array<i32>} : memref<512xi32, #tpu.memory_space<vmem>>, vector<16xi32>,
    %get3A_86 = arith.index_cast %mul3A_83 : i32 to index
    %get3A_87 = tpu.vector_load %arg8[%get3A_86] {strides = array<i32>} : memref<512xi32, #tpu.memory_space<vmem>>, vector<16xi32>,
    %jit3A_88 = arith.constant 16 : i32
    %eq3A_89 = arith.constant 0 : i32
    %eq3A_90 = arith.cmpi eq, %jit3A_88, %eq3A_89 : i32
    %jit3A_91 = arith.constant 1 : i32
    %select_n3A_92 = arith.select %eq3A_90, %jit3A_91, %jit3A_88 : i32
    %rem3A_93 = arith.remsi %min3A_57, %select_n3A_92 : i32
    %ne3A_94 = arith.constant 0 : i32
    %ne3A_95 = arith.cmpi ne, %rem3A_93, %ne3A_94 : i32
    %lt3A_96 = arith.constant 0 : i32
    %lt3A_97 = arith.cmpi slt, %rem3A_93, %lt3A_96 : i32
    %lt3A_98 = arith.constant 0 : i32
    %lt3A_99 = arith.cmpi slt, %select_n3A_92, %lt3A_98 : i32
    %ne3A_100 = arith.xori %lt3A_97, %lt3A_99 : i1
    %and3A_101 = arith.andi %ne3A_100, %ne3A_95 : i1
    %add3A_102 = arith.addi %rem3A_93, %select_n3A_92 : i32
    %select_n3A_103 = arith.select %and3A_101, %add3A_102, %rem3A_93 : i32
    %eq3A_104 = vector.broadcast %select_n3A_103 : i32 to vector<16xi32>
    %eq3A_105 = arith.cmpi eq, %iota3A, %eq3A_104 : vector<16xi32>
    %select_n3A_106 = arith.select %eq3A_105, %get3A_85, %broadcast_in_dim3A_6 : vector<16xi1>, vector<16xi32>
    %reduce_sum3A_107 = arith.constant true
    %reduce_sum3A_108 = vector.broadcast %reduce_sum3A_107 : i1 to vector<16xi1>
    %reduce_sum3A_109 = tpu.scan <sum>, %select_n3A_106 masked %reduce_sum3A_108 : vector<16xi32>, vector<16xi1> -> vector<16xi32>
    %reduce_sum3A_110 = vector.extract %reduce_sum3A_109[15] : i32 from vector<16xi32>
    %select_n3A_111 = arith.select %eq3A_105, %get3A_87, %broadcast_in_dim3A_6 : vector<16xi1>, vector<16xi32>
    %reduce_sum3A_112 = arith.constant true
    %reduce_sum3A_113 = vector.broadcast %reduce_sum3A_112 : i1 to vector<16xi1>
    %reduce_sum3A_114 = tpu.scan <sum>, %select_n3A_111 masked %reduce_sum3A_113 : vector<16xi32>, vector<16xi1> -> vector<16xi32>
    %reduce_sum3A_115 = vector.extract %reduce_sum3A_114[15] : i32 from vector<16xi32>
    %min3A_116 = arith.constant 2 : i32
    %min3A_117 = arith.constant 511 : i32
    %min3A_118 = arith.minsi %min3A_116, %min3A_117 : i32
    %jit3A_119 = arith.constant 16 : i32
    %div3A_120 = arith.divsi %min3A_118, %jit3A_119 : i32
    %sign3A_121 = arith.constant 0 : i32
    %sign3A_122 = arith.cmpi sgt, %min3A_118, %sign3A_121 : i32
    %sign3A_123 = arith.extui %sign3A_122 : i1 to i32
    %sign3A_124 = arith.constant 0 : i32
    %sign3A_125 = arith.cmpi slt, %min3A_118, %sign3A_124 : i32
    %sign3A_126 = arith.extui %sign3A_125 : i1 to i32
    %sign3A_127 = arith.subi %sign3A_123, %sign3A_126 : i32
    %sign3A_128 = arith.constant 0 : i32
    %sign3A_129 = arith.cmpi sgt, %jit3A_119, %sign3A_128 : i32
    %sign3A_130 = arith.extui %sign3A_129 : i1 to i32
    %sign3A_131 = arith.constant 0 : i32
    %sign3A_132 = arith.cmpi slt, %jit3A_119, %sign3A_131 : i32
    %sign3A_133 = arith.extui %sign3A_132 : i1 to i32
    %sign3A_134 = arith.subi %sign3A_130, %sign3A_133 : i32
    %ne3A_135 = arith.cmpi ne, %sign3A_127, %sign3A_134 : i32
    %rem3A_136 = arith.remsi %min3A_118, %jit3A_119 : i32
    %ne3A_137 = arith.constant 0 : i32
    %ne3A_138 = arith.cmpi ne, %rem3A_136, %ne3A_137 : i32
    %and3A_139 = arith.andi %ne3A_135, %ne3A_138 : i1
    %sub3A_140 = arith.constant 1 : i32
    %sub3A_141 = arith.subi %div3A_120, %sub3A_140 : i32
    %select_n3A_142 = arith.select %and3A_139, %sub3A_141, %div3A_120 : i32
    %mul3A_143 = arith.constant 16 : i32
    %mul3A_144 = arith.muli %select_n3A_142, %mul3A_143 : i32
    %get3A_145 = arith.index_cast %mul3A_144 : i32 to index
    %get3A_146 = tpu.vector_load %arg7[%get3A_145] {strides = array<i32>} : memref<512xi32, #tpu.memory_space<vmem>>, vector<16xi32>,
    %get3A_147 = arith.index_cast %mul3A_144 : i32 to index
    %get3A_148 = tpu.vector_load %arg8[%get3A_147] {strides = array<i32>} : memref<512xi32, #tpu.memory_space<vmem>>, vector<16xi32>,
    %jit3A_149 = arith.constant 16 : i32
    %eq3A_150 = arith.constant 0 : i32
    %eq3A_151 = arith.cmpi eq, %jit3A_149, %eq3A_150 : i32
    %jit3A_152 = arith.constant 1 : i32
    %select_n3A_153 = arith.select %eq3A_151, %jit3A_152, %jit3A_149 : i32
    %rem3A_154 = arith.remsi %min3A_118, %select_n3A_153 : i32
    %ne3A_155 = arith.constant 0 : i32
    %ne3A_156 = arith.cmpi ne, %rem3A_154, %ne3A_155 : i32
    %lt3A_157 = arith.constant 0 : i32
    %lt3A_158 = arith.cmpi slt, %rem3A_154, %lt3A_157 : i32
    %lt3A_159 = arith.constant 0 : i32
    %lt3A_160 = arith.cmpi slt, %select_n3A_153, %lt3A_159 : i32
    %ne3A_161 = arith.xori %lt3A_158, %lt3A_160 : i1
    %and3A_162 = arith.andi %ne3A_161, %ne3A_156 : i1
    %add3A_163 = arith.addi %rem3A_154, %select_n3A_153 : i32
    %select_n3A_164 = arith.select %and3A_162, %add3A_163, %rem3A_154 : i32
    %eq3A_165 = vector.broadcast %select_n3A_164 : i32 to vector<16xi32>
    %eq3A_166 = arith.cmpi eq, %iota3A, %eq3A_165 : vector<16xi32>
    %select_n3A_167 = arith.select %eq3A_166, %get3A_146, %broadcast_in_dim3A_6 : vector<16xi1>, vector<16xi32>
    %reduce_sum3A_168 = arith.constant true
    %reduce_sum3A_169 = vector.broadcast %reduce_sum3A_168 : i1 to vector<16xi1>
    %reduce_sum3A_170 = tpu.scan <sum>, %select_n3A_167 masked %reduce_sum3A_169 : vector<16xi32>, vector<16xi1> -> vector<16xi32>
    %reduce_sum3A_171 = vector.extract %reduce_sum3A_170[15] : i32 from vector<16xi32>
    %select_n3A_172 = arith.select %eq3A_166, %get3A_148, %broadcast_in_dim3A_6 : vector<16xi1>, vector<16xi32>
    %reduce_sum3A_173 = arith.constant true
    %reduce_sum3A_174 = vector.broadcast %reduce_sum3A_173 : i1 to vector<16xi1>
    %reduce_sum3A_175 = tpu.scan <sum>, %select_n3A_172 masked %reduce_sum3A_174 : vector<16xi32>, vector<16xi1> -> vector<16xi32>
    %reduce_sum3A_176 = vector.extract %reduce_sum3A_175[15] : i32 from vector<16xi32>
    %min3A_177 = arith.constant 3 : i32
    %min3A_178 = arith.constant 511 : i32
    %min3A_179 = arith.minsi %min3A_177, %min3A_178 : i32
    %jit3A_180 = arith.constant 16 : i32
    %div3A_181 = arith.divsi %min3A_179, %jit3A_180 : i32
    %sign3A_182 = arith.constant 0 : i32
    %sign3A_183 = arith.cmpi sgt, %min3A_179, %sign3A_182 : i32
    %sign3A_184 = arith.extui %sign3A_183 : i1 to i32
    %sign3A_185 = arith.constant 0 : i32
    %sign3A_186 = arith.cmpi slt, %min3A_179, %sign3A_185 : i32
    %sign3A_187 = arith.extui %sign3A_186 : i1 to i32
    %sign3A_188 = arith.subi %sign3A_184, %sign3A_187 : i32
    %sign3A_189 = arith.constant 0 : i32
    %sign3A_190 = arith.cmpi sgt, %jit3A_180, %sign3A_189 : i32
    %sign3A_191 = arith.extui %sign3A_190 : i1 to i32
    %sign3A_192 = arith.constant 0 : i32
    %sign3A_193 = arith.cmpi slt, %jit3A_180, %sign3A_192 : i32
    %sign3A_194 = arith.extui %sign3A_193 : i1 to i32
    %sign3A_195 = arith.subi %sign3A_191, %sign3A_194 : i32
    %ne3A_196 = arith.cmpi ne, %sign3A_188, %sign3A_195 : i32
    %rem3A_197 = arith.remsi %min3A_179, %jit3A_180 : i32
    %ne3A_198 = arith.constant 0 : i32
    %ne3A_199 = arith.cmpi ne, %rem3A_197, %ne3A_198 : i32
    %and3A_200 = arith.andi %ne3A_196, %ne3A_199 : i1
    %sub3A_201 = arith.constant 1 : i32
    %sub3A_202 = arith.subi %div3A_181, %sub3A_201 : i32
    %select_n3A_203 = arith.select %and3A_200, %sub3A_202, %div3A_181 : i32
    %mul3A_204 = arith.constant 16 : i32
    %mul3A_205 = arith.muli %select_n3A_203, %mul3A_204 : i32
    %get3A_206 = arith.index_cast %mul3A_205 : i32 to index
    %get3A_207 = tpu.vector_load %arg7[%get3A_206] {strides = array<i32>} : memref<512xi32, #tpu.memory_space<vmem>>, vector<16xi32>,
    %get3A_208 = arith.index_cast %mul3A_205 : i32 to index
    %get3A_209 = tpu.vector_load %arg8[%get3A_208] {strides = array<i32>} : memref<512xi32, #tpu.memory_space<vmem>>, vector<16xi32>,
    %jit3A_210 = arith.constant 16 : i32
    %eq3A_211 = arith.constant 0 : i32
    %eq3A_212 = arith.cmpi eq, %jit3A_210, %eq3A_211 : i32
    %jit3A_213 = arith.constant 1 : i32
    %select_n3A_214 = arith.select %eq3A_212, %jit3A_213, %jit3A_210 : i32
    %rem3A_215 = arith.remsi %min3A_179, %select_n3A_214 : i32
    %ne3A_216 = arith.constant 0 : i32
    %ne3A_217 = arith.cmpi ne, %rem3A_215, %ne3A_216 : i32
    %lt3A_218 = arith.constant 0 : i32
    %lt3A_219 = arith.cmpi slt, %rem3A_215, %lt3A_218 : i32
    %lt3A_220 = arith.constant 0 : i32
    %lt3A_221 = arith.cmpi slt, %select_n3A_214, %lt3A_220 : i32
    %ne3A_222 = arith.xori %lt3A_219, %lt3A_221 : i1
    %and3A_223 = arith.andi %ne3A_222, %ne3A_217 : i1
    %add3A_224 = arith.addi %rem3A_215, %select_n3A_214 : i32
    %select_n3A_225 = arith.select %and3A_223, %add3A_224, %rem3A_215 : i32
    %eq3A_226 = vector.broadcast %select_n3A_225 : i32 to vector<16xi32>
    %eq3A_227 = arith.cmpi eq, %iota3A, %eq3A_226 : vector<16xi32>
    %select_n3A_228 = arith.select %eq3A_227, %get3A_207, %broadcast_in_dim3A_6 : vector<16xi1>, vector<16xi32>
    %reduce_sum3A_229 = arith.constant true
    %reduce_sum3A_230 = vector.broadcast %reduce_sum3A_229 : i1 to vector<16xi1>
    %reduce_sum3A_231 = tpu.scan <sum>, %select_n3A_228 masked %reduce_sum3A_230 : vector<16xi32>, vector<16xi1> -> vector<16xi32>
    %reduce_sum3A_232 = vector.extract %reduce_sum3A_231[15] : i32 from vector<16xi32>
    %select_n3A_233 = arith.select %eq3A_227, %get3A_209, %broadcast_in_dim3A_6 : vector<16xi1>, vector<16xi32>
    %reduce_sum3A_234 = arith.constant true
    %reduce_sum3A_235 = vector.broadcast %reduce_sum3A_234 : i1 to vector<16xi1>
    %reduce_sum3A_236 = tpu.scan <sum>, %select_n3A_233 masked %reduce_sum3A_235 : vector<16xi32>, vector<16xi1> -> vector<16xi32>
    %reduce_sum3A_237 = vector.extract %reduce_sum3A_236[15] : i32 from vector<16xi32>
    %min3A_238 = arith.constant 4 : i32
    %min3A_239 = arith.constant 511 : i32
    %min3A_240 = arith.minsi %min3A_238, %min3A_239 : i32
    %jit3A_241 = arith.constant 16 : i32
    %div3A_242 = arith.divsi %min3A_240, %jit3A_241 : i32
    %sign3A_243 = arith.constant 0 : i32
    %sign3A_244 = arith.cmpi sgt, %min3A_240, %sign3A_243 : i32
    %sign3A_245 = arith.extui %sign3A_244 : i1 to i32
    %sign3A_246 = arith.constant 0 : i32
    %sign3A_247 = arith.cmpi slt, %min3A_240, %sign3A_246 : i32
    %sign3A_248 = arith.extui %sign3A_247 : i1 to i32
    %sign3A_249 = arith.subi %sign3A_245, %sign3A_248 : i32
    %sign3A_250 = arith.constant 0 : i32
    %sign3A_251 = arith.cmpi sgt, %jit3A_241, %sign3A_250 : i32
    %sign3A_252 = arith.extui %sign3A_251 : i1 to i32
    %sign3A_253 = arith.constant 0 : i32
    %sign3A_254 = arith.cmpi slt, %jit3A_241, %sign3A_253 : i32
    %sign3A_255 = arith.extui %sign3A_254 : i1 to i32
    %sign3A_256 = arith.subi %sign3A_252, %sign3A_255 : i32
    %ne3A_257 = arith.cmpi ne, %sign3A_249, %sign3A_256 : i32
    %rem3A_258 = arith.remsi %min3A_240, %jit3A_241 : i32
    %ne3A_259 = arith.constant 0 : i32
    %ne3A_260 = arith.cmpi ne, %rem3A_258, %ne3A_259 : i32
    %and3A_261 = arith.andi %ne3A_257, %ne3A_260 : i1
    %sub3A_262 = arith.constant 1 : i32
    %sub3A_263 = arith.subi %div3A_242, %sub3A_262 : i32
    %select_n3A_264 = arith.select %and3A_261, %sub3A_263, %div3A_242 : i32
    %mul3A_265 = arith.constant 16 : i32
    %mul3A_266 = arith.muli %select_n3A_264, %mul3A_265 : i32
    %get3A_267 = arith.index_cast %mul3A_266 : i32 to index
    %get3A_268 = tpu.vector_load %arg7[%get3A_267] {strides = array<i32>} : memref<512xi32, #tpu.memory_space<vmem>>, vector<16xi32>,
    %get3A_269 = arith.index_cast %mul3A_266 : i32 to index
    %get3A_270 = tpu.vector_load %arg8[%get3A_269] {strides = array<i32>} : memref<512xi32, #tpu.memory_space<vmem>>, vector<16xi32>,
    %jit3A_271 = arith.constant 16 : i32
    %eq3A_272 = arith.constant 0 : i32
    %eq3A_273 = arith.cmpi eq, %jit3A_271, %eq3A_272 : i32
    %jit3A_274 = arith.constant 1 : i32
    %select_n3A_275 = arith.select %eq3A_273, %jit3A_274, %jit3A_271 : i32
    %rem3A_276 = arith.remsi %min3A_240, %select_n3A_275 : i32
    %ne3A_277 = arith.constant 0 : i32
    %ne3A_278 = arith.cmpi ne, %rem3A_276, %ne3A_277 : i32
    %lt3A_279 = arith.constant 0 : i32
    %lt3A_280 = arith.cmpi slt, %rem3A_276, %lt3A_279 : i32
    %lt3A_281 = arith.constant 0 : i32
    %lt3A_282 = arith.cmpi slt, %select_n3A_275, %lt3A_281 : i32
    %ne3A_283 = arith.xori %lt3A_280, %lt3A_282 : i1
    %and3A_284 = arith.andi %ne3A_283, %ne3A_278 : i1
    %add3A_285 = arith.addi %rem3A_276, %select_n3A_275 : i32
    %select_n3A_286 = arith.select %and3A_284, %add3A_285, %rem3A_276 : i32
    %eq3A_287 = vector.broadcast %select_n3A_286 : i32 to vector<16xi32>
    %eq3A_288 = arith.cmpi eq, %iota3A, %eq3A_287 : vector<16xi32>
    %select_n3A_289 = arith.select %eq3A_288, %get3A_268, %broadcast_in_dim3A_6 : vector<16xi1>, vector<16xi32>
    %reduce_sum3A_290 = arith.constant true
    %reduce_sum3A_291 = vector.broadcast %reduce_sum3A_290 : i1 to vector<16xi1>
    %reduce_sum3A_292 = tpu.scan <sum>, %select_n3A_289 masked %reduce_sum3A_291 : vector<16xi32>, vector<16xi1> -> vector<16xi32>
    %reduce_sum3A_293 = vector.extract %reduce_sum3A_292[15] : i32 from vector<16xi32>
    %select_n3A_294 = arith.select %eq3A_288, %get3A_270, %broadcast_in_dim3A_6 : vector<16xi1>, vector<16xi32>
    %reduce_sum3A_295 = arith.constant true
    %reduce_sum3A_296 = vector.broadcast %reduce_sum3A_295 : i1 to vector<16xi1>
    %reduce_sum3A_297 = tpu.scan <sum>, %select_n3A_294 masked %reduce_sum3A_296 : vector<16xi32>, vector<16xi1> -> vector<16xi32>
    %reduce_sum3A_298 = vector.extract %reduce_sum3A_297[15] : i32 from vector<16xi32>
    %min3A_299 = arith.constant 5 : i32
    %min3A_300 = arith.constant 511 : i32
    %min3A_301 = arith.minsi %min3A_299, %min3A_300 : i32
    %jit3A_302 = arith.constant 16 : i32
    %div3A_303 = arith.divsi %min3A_301, %jit3A_302 : i32
    %sign3A_304 = arith.constant 0 : i32
    %sign3A_305 = arith.cmpi sgt, %min3A_301, %sign3A_304 : i32
    %sign3A_306 = arith.extui %sign3A_305 : i1 to i32
    %sign3A_307 = arith.constant 0 : i32
    %sign3A_308 = arith.cmpi slt, %min3A_301, %sign3A_307 : i32
    %sign3A_309 = arith.extui %sign3A_308 : i1 to i32
    %sign3A_310 = arith.subi %sign3A_306, %sign3A_309 : i32
    %sign3A_311 = arith.constant 0 : i32
    %sign3A_312 = arith.cmpi sgt, %jit3A_302, %sign3A_311 : i32
    %sign3A_313 = arith.extui %sign3A_312 : i1 to i32
    %sign3A_314 = arith.constant 0 : i32
    %sign3A_315 = arith.cmpi slt, %jit3A_302, %sign3A_314 : i32
    %sign3A_316 = arith.extui %sign3A_315 : i1 to i32
    %sign3A_317 = arith.subi %sign3A_313, %sign3A_316 : i32
    %ne3A_318 = arith.cmpi ne, %sign3A_310, %sign3A_317 : i32
    %rem3A_319 = arith.remsi %min3A_301, %jit3A_302 : i32
    %ne3A_320 = arith.constant 0 : i32
    %ne3A_321 = arith.cmpi ne, %rem3A_319, %ne3A_320 : i32
    %and3A_322 = arith.andi %ne3A_318, %ne3A_321 : i1
    %sub3A_323 = arith.constant 1 : i32
    %sub3A_324 = arith.subi %div3A_303, %sub3A_323 : i32
    %select_n3A_325 = arith.select %and3A_322, %sub3A_324, %div3A_303 : i32
    %mul3A_326 = arith.constant 16 : i32
    %mul3A_327 = arith.muli %select_n3A_325, %mul3A_326 : i32
    %get3A_328 = arith.index_cast %mul3A_327 : i32 to index
    %get3A_329 = tpu.vector_load %arg7[%get3A_328] {strides = array<i32>} : memref<512xi32, #tpu.memory_space<vmem>>, vector<16xi32>,
    %get3A_330 = arith.index_cast %mul3A_327 : i32 to index
    %get3A_331 = tpu.vector_load %arg8[%get3A_330] {strides = array<i32>} : memref<512xi32, #tpu.memory_space<vmem>>, vector<16xi32>,
    %jit3A_332 = arith.constant 16 : i32
    %eq3A_333 = arith.constant 0 : i32
    %eq3A_334 = arith.cmpi eq, %jit3A_332, %eq3A_333 : i32
    %jit3A_335 = arith.constant 1 : i32
    %select_n3A_336 = arith.select %eq3A_334, %jit3A_335, %jit3A_332 : i32
    %rem3A_337 = arith.remsi %min3A_301, %select_n3A_336 : i32
    %ne3A_338 = arith.constant 0 : i32
    %ne3A_339 = arith.cmpi ne, %rem3A_337, %ne3A_338 : i32
    %lt3A_340 = arith.constant 0 : i32
    %lt3A_341 = arith.cmpi slt, %rem3A_337, %lt3A_340 : i32
    %lt3A_342 = arith.constant 0 : i32
    %lt3A_343 = arith.cmpi slt, %select_n3A_336, %lt3A_342 : i32
    %ne3A_344 = arith.xori %lt3A_341, %lt3A_343 : i1
    %and3A_345 = arith.andi %ne3A_344, %ne3A_339 : i1
    %add3A_346 = arith.addi %rem3A_337, %select_n3A_336 : i32
    %select_n3A_347 = arith.select %and3A_345, %add3A_346, %rem3A_337 : i32
    %eq3A_348 = vector.broadcast %select_n3A_347 : i32 to vector<16xi32>
    %eq3A_349 = arith.cmpi eq, %iota3A, %eq3A_348 : vector<16xi32>
    %select_n3A_350 = arith.select %eq3A_349, %get3A_329, %broadcast_in_dim3A_6 : vector<16xi1>, vector<16xi32>
    %reduce_sum3A_351 = arith.constant true
    %reduce_sum3A_352 = vector.broadcast %reduce_sum3A_351 : i1 to vector<16xi1>
    %reduce_sum3A_353 = tpu.scan <sum>, %select_n3A_350 masked %reduce_sum3A_352 : vector<16xi32>, vector<16xi1> -> vector<16xi32>
    %reduce_sum3A_354 = vector.extract %reduce_sum3A_353[15] : i32 from vector<16xi32>
    %select_n3A_355 = arith.select %eq3A_349, %get3A_331, %broadcast_in_dim3A_6 : vector<16xi1>, vector<16xi32>
    %reduce_sum3A_356 = arith.constant true
    %reduce_sum3A_357 = vector.broadcast %reduce_sum3A_356 : i1 to vector<16xi1>
    %reduce_sum3A_358 = tpu.scan <sum>, %select_n3A_355 masked %reduce_sum3A_357 : vector<16xi32>, vector<16xi1> -> vector<16xi32>
    %reduce_sum3A_359 = vector.extract %reduce_sum3A_358[15] : i32 from vector<16xi32>
    %min3A_360 = arith.constant 6 : i32
    %min3A_361 = arith.constant 511 : i32
    %min3A_362 = arith.minsi %min3A_360, %min3A_361 : i32
    %jit3A_363 = arith.constant 16 : i32
    %div3A_364 = arith.divsi %min3A_362, %jit3A_363 : i32
    %sign3A_365 = arith.constant 0 : i32
    %sign3A_366 = arith.cmpi sgt, %min3A_362, %sign3A_365 : i32
    %sign3A_367 = arith.extui %sign3A_366 : i1 to i32
    %sign3A_368 = arith.constant 0 : i32
    %sign3A_369 = arith.cmpi slt, %min3A_362, %sign3A_368 : i32
    %sign3A_370 = arith.extui %sign3A_369 : i1 to i32
    %sign3A_371 = arith.subi %sign3A_367, %sign3A_370 : i32
    %sign3A_372 = arith.constant 0 : i32
    %sign3A_373 = arith.cmpi sgt, %jit3A_363, %sign3A_372 : i32
    %sign3A_374 = arith.extui %sign3A_373 : i1 to i32
    %sign3A_375 = arith.constant 0 : i32
    %sign3A_376 = arith.cmpi slt, %jit3A_363, %sign3A_375 : i32
    %sign3A_377 = arith.extui %sign3A_376 : i1 to i32
    %sign3A_378 = arith.subi %sign3A_374, %sign3A_377 : i32
    %ne3A_379 = arith.cmpi ne, %sign3A_371, %sign3A_378 : i32
    %rem3A_380 = arith.remsi %min3A_362, %jit3A_363 : i32
    %ne3A_381 = arith.constant 0 : i32
    %ne3A_382 = arith.cmpi ne, %rem3A_380, %ne3A_381 : i32
    %and3A_383 = arith.andi %ne3A_379, %ne3A_382 : i1
    %sub3A_384 = arith.constant 1 : i32
    %sub3A_385 = arith.subi %div3A_364, %sub3A_384 : i32
    %select_n3A_386 = arith.select %and3A_383, %sub3A_385, %div3A_364 : i32
    %mul3A_387 = arith.constant 16 : i32
    %mul3A_388 = arith.muli %select_n3A_386, %mul3A_387 : i32
    %get3A_389 = arith.index_cast %mul3A_388 : i32 to index
    %get3A_390 = tpu.vector_load %arg7[%get3A_389] {strides = array<i32>} : memref<512xi32, #tpu.memory_space<vmem>>, vector<16xi32>,
    %get3A_391 = arith.index_cast %mul3A_388 : i32 to index
    %get3A_392 = tpu.vector_load %arg8[%get3A_391] {strides = array<i32>} : memref<512xi32, #tpu.memory_space<vmem>>, vector<16xi32>,
    %jit3A_393 = arith.constant 16 : i32
    %eq3A_394 = arith.constant 0 : i32
    %eq3A_395 = arith.cmpi eq, %jit3A_393, %eq3A_394 : i32
    %jit3A_396 = arith.constant 1 : i32
    %select_n3A_397 = arith.select %eq3A_395, %jit3A_396, %jit3A_393 : i32
    %rem3A_398 = arith.remsi %min3A_362, %select_n3A_397 : i32
    %ne3A_399 = arith.constant 0 : i32
    %ne3A_400 = arith.cmpi ne, %rem3A_398, %ne3A_399 : i32
    %lt3A_401 = arith.constant 0 : i32
    %lt3A_402 = arith.cmpi slt, %rem3A_398, %lt3A_401 : i32
    %lt3A_403 = arith.constant 0 : i32
    %lt3A_404 = arith.cmpi slt, %select_n3A_397, %lt3A_403 : i32
    %ne3A_405 = arith.xori %lt3A_402, %lt3A_404 : i1
    %and3A_406 = arith.andi %ne3A_405, %ne3A_400 : i1
    %add3A_407 = arith.addi %rem3A_398, %select_n3A_397 : i32
    %select_n3A_408 = arith.select %and3A_406, %add3A_407, %rem3A_398 : i32
    %eq3A_409 = vector.broadcast %select_n3A_408 : i32 to vector<16xi32>
    %eq3A_410 = arith.cmpi eq, %iota3A, %eq3A_409 : vector<16xi32>
    %select_n3A_411 = arith.select %eq3A_410, %get3A_390, %broadcast_in_dim3A_6 : vector<16xi1>, vector<16xi32>
    %reduce_sum3A_412 = arith.constant true
    %reduce_sum3A_413 = vector.broadcast %reduce_sum3A_412 : i1 to vector<16xi1>
    %reduce_sum3A_414 = tpu.scan <sum>, %select_n3A_411 masked %reduce_sum3A_413 : vector<16xi32>, vector<16xi1> -> vector<16xi32>
    %reduce_sum3A_415 = vector.extract %reduce_sum3A_414[15] : i32 from vector<16xi32>
    %select_n3A_416 = arith.select %eq3A_410, %get3A_392, %broadcast_in_dim3A_6 : vector<16xi1>, vector<16xi32>
    %reduce_sum3A_417 = arith.constant true
    %reduce_sum3A_418 = vector.broadcast %reduce_sum3A_417 : i1 to vector<16xi1>
    %reduce_sum3A_419 = tpu.scan <sum>, %select_n3A_416 masked %reduce_sum3A_418 : vector<16xi32>, vector<16xi1> -> vector<16xi32>
    %reduce_sum3A_420 = vector.extract %reduce_sum3A_419[15] : i32 from vector<16xi32>
    %min3A_421 = arith.constant 7 : i32
    %min3A_422 = arith.constant 511 : i32
    %min3A_423 = arith.minsi %min3A_421, %min3A_422 : i32
    %jit3A_424 = arith.constant 16 : i32
    %div3A_425 = arith.divsi %min3A_423, %jit3A_424 : i32
    %sign3A_426 = arith.constant 0 : i32
    %sign3A_427 = arith.cmpi sgt, %min3A_423, %sign3A_426 : i32
    %sign3A_428 = arith.extui %sign3A_427 : i1 to i32
    %sign3A_429 = arith.constant 0 : i32
    %sign3A_430 = arith.cmpi slt, %min3A_423, %sign3A_429 : i32
    %sign3A_431 = arith.extui %sign3A_430 : i1 to i32
    %sign3A_432 = arith.subi %sign3A_428, %sign3A_431 : i32
    %sign3A_433 = arith.constant 0 : i32
    %sign3A_434 = arith.cmpi sgt, %jit3A_424, %sign3A_433 : i32
    %sign3A_435 = arith.extui %sign3A_434 : i1 to i32
    %sign3A_436 = arith.constant 0 : i32
    %sign3A_437 = arith.cmpi slt, %jit3A_424, %sign3A_436 : i32
    %sign3A_438 = arith.extui %sign3A_437 : i1 to i32
    %sign3A_439 = arith.subi %sign3A_435, %sign3A_438 : i32
    %ne3A_440 = arith.cmpi ne, %sign3A_432, %sign3A_439 : i32
    %rem3A_441 = arith.remsi %min3A_423, %jit3A_424 : i32
    %ne3A_442 = arith.constant 0 : i32
    %ne3A_443 = arith.cmpi ne, %rem3A_441, %ne3A_442 : i32
    %and3A_444 = arith.andi %ne3A_440, %ne3A_443 : i1
    %sub3A_445 = arith.constant 1 : i32
    %sub3A_446 = arith.subi %div3A_425, %sub3A_445 : i32
    %select_n3A_447 = arith.select %and3A_444, %sub3A_446, %div3A_425 : i32
    %mul3A_448 = arith.constant 16 : i32
    %mul3A_449 = arith.muli %select_n3A_447, %mul3A_448 : i32
    %get3A_450 = arith.index_cast %mul3A_449 : i32 to index
    %get3A_451 = tpu.vector_load %arg7[%get3A_450] {strides = array<i32>} : memref<512xi32, #tpu.memory_space<vmem>>, vector<16xi32>,
    %get3A_452 = arith.index_cast %mul3A_449 : i32 to index
    %get3A_453 = tpu.vector_load %arg8[%get3A_452] {strides = array<i32>} : memref<512xi32, #tpu.memory_space<vmem>>, vector<16xi32>,
    %jit3A_454 = arith.constant 16 : i32
    %eq3A_455 = arith.constant 0 : i32
    %eq3A_456 = arith.cmpi eq, %jit3A_454, %eq3A_455 : i32
    %jit3A_457 = arith.constant 1 : i32
    %select_n3A_458 = arith.select %eq3A_456, %jit3A_457, %jit3A_454 : i32
    %rem3A_459 = arith.remsi %min3A_423, %select_n3A_458 : i32
    %ne3A_460 = arith.constant 0 : i32
    %ne3A_461 = arith.cmpi ne, %rem3A_459, %ne3A_460 : i32
    %lt3A_462 = arith.constant 0 : i32
    %lt3A_463 = arith.cmpi slt, %rem3A_459, %lt3A_462 : i32
    %lt3A_464 = arith.constant 0 : i32
    %lt3A_465 = arith.cmpi slt, %select_n3A_458, %lt3A_464 : i32
    %ne3A_466 = arith.xori %lt3A_463, %lt3A_465 : i1
    %and3A_467 = arith.andi %ne3A_466, %ne3A_461 : i1
    %add3A_468 = arith.addi %rem3A_459, %select_n3A_458 : i32
    %select_n3A_469 = arith.select %and3A_467, %add3A_468, %rem3A_459 : i32
    %eq3A_470 = vector.broadcast %select_n3A_469 : i32 to vector<16xi32>
    %eq3A_471 = arith.cmpi eq, %iota3A, %eq3A_470 : vector<16xi32>
    %select_n3A_472 = arith.select %eq3A_471, %get3A_451, %broadcast_in_dim3A_6 : vector<16xi1>, vector<16xi32>
    %reduce_sum3A_473 = arith.constant true
    %reduce_sum3A_474 = vector.broadcast %reduce_sum3A_473 : i1 to vector<16xi1>
    %reduce_sum3A_475 = tpu.scan <sum>, %select_n3A_472 masked %reduce_sum3A_474 : vector<16xi32>, vector<16xi1> -> vector<16xi32>
    %reduce_sum3A_476 = vector.extract %reduce_sum3A_475[15] : i32 from vector<16xi32>
    %select_n3A_477 = arith.select %eq3A_471, %get3A_453, %broadcast_in_dim3A_6 : vector<16xi1>, vector<16xi32>
    %reduce_sum3A_478 = arith.constant true
    %reduce_sum3A_479 = vector.broadcast %reduce_sum3A_478 : i1 to vector<16xi1>
    %reduce_sum3A_480 = tpu.scan <sum>, %select_n3A_477 masked %reduce_sum3A_479 : vector<16xi32>, vector<16xi1> -> vector<16xi32>
    %reduce_sum3A_481 = vector.extract %reduce_sum3A_480[15] : i32 from vector<16xi32>
    %min3A_482 = arith.constant 8 : i32
    %min3A_483 = arith.constant 511 : i32
    %min3A_484 = arith.minsi %min3A_482, %min3A_483 : i32
    %jit3A_485 = arith.constant 16 : i32
    %div3A_486 = arith.divsi %min3A_484, %jit3A_485 : i32
    %sign3A_487 = arith.constant 0 : i32
    %sign3A_488 = arith.cmpi sgt, %min3A_484, %sign3A_487 : i32
    %sign3A_489 = arith.extui %sign3A_488 : i1 to i32
    %sign3A_490 = arith.constant 0 : i32
    %sign3A_491 = arith.cmpi slt, %min3A_484, %sign3A_490 : i32
    %sign3A_492 = arith.extui %sign3A_491 : i1 to i32
    %sign3A_493 = arith.subi %sign3A_489, %sign3A_492 : i32
    %sign3A_494 = arith.constant 0 : i32
    %sign3A_495 = arith.cmpi sgt, %jit3A_485, %sign3A_494 : i32
    %sign3A_496 = arith.extui %sign3A_495 : i1 to i32
    %sign3A_497 = arith.constant 0 : i32
    %sign3A_498 = arith.cmpi slt, %jit3A_485, %sign3A_497 : i32
    %sign3A_499 = arith.extui %sign3A_498 : i1 to i32
    %sign3A_500 = arith.subi %sign3A_496, %sign3A_499 : i32
    %ne3A_501 = arith.cmpi ne, %sign3A_493, %sign3A_500 : i32
    %rem3A_502 = arith.remsi %min3A_484, %jit3A_485 : i32
    %ne3A_503 = arith.constant 0 : i32
    %ne3A_504 = arith.cmpi ne, %rem3A_502, %ne3A_503 : i32
    %and3A_505 = arith.andi %ne3A_501, %ne3A_504 : i1
    %sub3A_506 = arith.constant 1 : i32
    %sub3A_507 = arith.subi %div3A_486, %sub3A_506 : i32
    %select_n3A_508 = arith.select %and3A_505, %sub3A_507, %div3A_486 : i32
    %mul3A_509 = arith.constant 16 : i32
    %mul3A_510 = arith.muli %select_n3A_508, %mul3A_509 : i32
    %get3A_511 = arith.index_cast %mul3A_510 : i32 to index
    %get3A_512 = tpu.vector_load %arg7[%get3A_511] {strides = array<i32>} : memref<512xi32, #tpu.memory_space<vmem>>, vector<16xi32>,
    %get3A_513 = arith.index_cast %mul3A_510 : i32 to index
    %get3A_514 = tpu.vector_load %arg8[%get3A_513] {strides = array<i32>} : memref<512xi32, #tpu.memory_space<vmem>>, vector<16xi32>,
    %jit3A_515 = arith.constant 16 : i32
    %eq3A_516 = arith.constant 0 : i32
    %eq3A_517 = arith.cmpi eq, %jit3A_515, %eq3A_516 : i32
    %jit3A_518 = arith.constant 1 : i32
    %select_n3A_519 = arith.select %eq3A_517, %jit3A_518, %jit3A_515 : i32
    %rem3A_520 = arith.remsi %min3A_484, %select_n3A_519 : i32
    %ne3A_521 = arith.constant 0 : i32
    %ne3A_522 = arith.cmpi ne, %rem3A_520, %ne3A_521 : i32
    %lt3A_523 = arith.constant 0 : i32
    %lt3A_524 = arith.cmpi slt, %rem3A_520, %lt3A_523 : i32
    %lt3A_525 = arith.constant 0 : i32
    %lt3A_526 = arith.cmpi slt, %select_n3A_519, %lt3A_525 : i32
    %ne3A_527 = arith.xori %lt3A_524, %lt3A_526 : i1
    %and3A_528 = arith.andi %ne3A_527, %ne3A_522 : i1
    %add3A_529 = arith.addi %rem3A_520, %select_n3A_519 : i32
    %select_n3A_530 = arith.select %and3A_528, %add3A_529, %rem3A_520 : i32
    %eq3A_531 = vector.broadcast %select_n3A_530 : i32 to vector<16xi32>
    %eq3A_532 = arith.cmpi eq, %iota3A, %eq3A_531 : vector<16xi32>
    %select_n3A_533 = arith.select %eq3A_532, %get3A_512, %broadcast_in_dim3A_6 : vector<16xi1>, vector<16xi32>
    %reduce_sum3A_534 = arith.constant true
    %reduce_sum3A_535 = vector.broadcast %reduce_sum3A_534 : i1 to vector<16xi1>
    %reduce_sum3A_536 = tpu.scan <sum>, %select_n3A_533 masked %reduce_sum3A_535 : vector<16xi32>, vector<16xi1> -> vector<16xi32>
    %reduce_sum3A_537 = vector.extract %reduce_sum3A_536[15] : i32 from vector<16xi32>
    %select_n3A_538 = arith.select %eq3A_532, %get3A_514, %broadcast_in_dim3A_6 : vector<16xi1>, vector<16xi32>
    %reduce_sum3A_539 = arith.constant true
    %reduce_sum3A_540 = vector.broadcast %reduce_sum3A_539 : i1 to vector<16xi1>
    %reduce_sum3A_541 = tpu.scan <sum>, %select_n3A_538 masked %reduce_sum3A_540 : vector<16xi32>, vector<16xi1> -> vector<16xi32>
    %reduce_sum3A_542 = vector.extract %reduce_sum3A_541[15] : i32 from vector<16xi32>
    %min3A_543 = arith.constant 9 : i32
    %min3A_544 = arith.constant 511 : i32
    %min3A_545 = arith.minsi %min3A_543, %min3A_544 : i32
    %jit3A_546 = arith.constant 16 : i32
    %div3A_547 = arith.divsi %min3A_545, %jit3A_546 : i32
    %sign3A_548 = arith.constant 0 : i32
    %sign3A_549 = arith.cmpi sgt, %min3A_545, %sign3A_548 : i32
    %sign3A_550 = arith.extui %sign3A_549 : i1 to i32
    %sign3A_551 = arith.constant 0 : i32
    %sign3A_552 = arith.cmpi slt, %min3A_545, %sign3A_551 : i32
    %sign3A_553 = arith.extui %sign3A_552 : i1 to i32
    %sign3A_554 = arith.subi %sign3A_550, %sign3A_553 : i32
    %sign3A_555 = arith.constant 0 : i32
    %sign3A_556 = arith.cmpi sgt, %jit3A_546, %sign3A_555 : i32
    %sign3A_557 = arith.extui %sign3A_556 : i1 to i32
    %sign3A_558 = arith.constant 0 : i32
    %sign3A_559 = arith.cmpi slt, %jit3A_546, %sign3A_558 : i32
    %sign3A_560 = arith.extui %sign3A_559 : i1 to i32
    %sign3A_561 = arith.subi %sign3A_557, %sign3A_560 : i32
    %ne3A_562 = arith.cmpi ne, %sign3A_554, %sign3A_561 : i32
    %rem3A_563 = arith.remsi %min3A_545, %jit3A_546 : i32
    %ne3A_564 = arith.constant 0 : i32
    %ne3A_565 = arith.cmpi ne, %rem3A_563, %ne3A_564 : i32
    %and3A_566 = arith.andi %ne3A_562, %ne3A_565 : i1
    %sub3A_567 = arith.constant 1 : i32
    %sub3A_568 = arith.subi %div3A_547, %sub3A_567 : i32
    %select_n3A_569 = arith.select %and3A_566, %sub3A_568, %div3A_547 : i32
    %mul3A_570 = arith.constant 16 : i32
    %mul3A_571 = arith.muli %select_n3A_569, %mul3A_570 : i32
    %get3A_572 = arith.index_cast %mul3A_571 : i32 to index
    %get3A_573 = tpu.vector_load %arg7[%get3A_572] {strides = array<i32>} : memref<512xi32, #tpu.memory_space<vmem>>, vector<16xi32>,
    %get3A_574 = arith.index_cast %mul3A_571 : i32 to index
    %get3A_575 = tpu.vector_load %arg8[%get3A_574] {strides = array<i32>} : memref<512xi32, #tpu.memory_space<vmem>>, vector<16xi32>,
    %jit3A_576 = arith.constant 16 : i32
    %eq3A_577 = arith.constant 0 : i32
    %eq3A_578 = arith.cmpi eq, %jit3A_576, %eq3A_577 : i32
    %jit3A_579 = arith.constant 1 : i32
    %select_n3A_580 = arith.select %eq3A_578, %jit3A_579, %jit3A_576 : i32
    %rem3A_581 = arith.remsi %min3A_545, %select_n3A_580 : i32
    %ne3A_582 = arith.constant 0 : i32
    %ne3A_583 = arith.cmpi ne, %rem3A_581, %ne3A_582 : i32
    %lt3A_584 = arith.constant 0 : i32
    %lt3A_585 = arith.cmpi slt, %rem3A_581, %lt3A_584 : i32
    %lt3A_586 = arith.constant 0 : i32
    %lt3A_587 = arith.cmpi slt, %select_n3A_580, %lt3A_586 : i32
    %ne3A_588 = arith.xori %lt3A_585, %lt3A_587 : i1
    %and3A_589 = arith.andi %ne3A_588, %ne3A_583 : i1
    %add3A_590 = arith.addi %rem3A_581, %select_n3A_580 : i32
    %select_n3A_591 = arith.select %and3A_589, %add3A_590, %rem3A_581 : i32
    %eq3A_592 = vector.broadcast %select_n3A_591 : i32 to vector<16xi32>
    %eq3A_593 = arith.cmpi eq, %iota3A, %eq3A_592 : vector<16xi32>
    %select_n3A_594 = arith.select %eq3A_593, %get3A_573, %broadcast_in_dim3A_6 : vector<16xi1>, vector<16xi32>
    %reduce_sum3A_595 = arith.constant true
    %reduce_sum3A_596 = vector.broadcast %reduce_sum3A_595 : i1 to vector<16xi1>
    %reduce_sum3A_597 = tpu.scan <sum>, %select_n3A_594 masked %reduce_sum3A_596 : vector<16xi32>, vector<16xi1> -> vector<16xi32>
    %reduce_sum3A_598 = vector.extract %reduce_sum3A_597[15] : i32 from vector<16xi32>
    %select_n3A_599 = arith.select %eq3A_593, %get3A_575, %broadcast_in_dim3A_6 : vector<16xi1>, vector<16xi32>
    %reduce_sum3A_600 = arith.constant true
    %reduce_sum3A_601 = vector.broadcast %reduce_sum3A_600 : i1 to vector<16xi1>
    %reduce_sum3A_602 = tpu.scan <sum>, %select_n3A_599 masked %reduce_sum3A_601 : vector<16xi32>, vector<16xi1> -> vector<16xi32>
    %reduce_sum3A_603 = vector.extract %reduce_sum3A_602[15] : i32 from vector<16xi32>
    %min3A_604 = arith.constant 10 : i32
    %min3A_605 = arith.constant 511 : i32
    %min3A_606 = arith.minsi %min3A_604, %min3A_605 : i32
    %jit3A_607 = arith.constant 16 : i32
    %div3A_608 = arith.divsi %min3A_606, %jit3A_607 : i32
    %sign3A_609 = arith.constant 0 : i32
    %sign3A_610 = arith.cmpi sgt, %min3A_606, %sign3A_609 : i32
    %sign3A_611 = arith.extui %sign3A_610 : i1 to i32
    %sign3A_612 = arith.constant 0 : i32
    %sign3A_613 = arith.cmpi slt, %min3A_606, %sign3A_612 : i32
    %sign3A_614 = arith.extui %sign3A_613 : i1 to i32
    %sign3A_615 = arith.subi %sign3A_611, %sign3A_614 : i32
    %sign3A_616 = arith.constant 0 : i32
    %sign3A_617 = arith.cmpi sgt, %jit3A_607, %sign3A_616 : i32
    %sign3A_618 = arith.extui %sign3A_617 : i1 to i32
    %sign3A_619 = arith.constant 0 : i32
    %sign3A_620 = arith.cmpi slt, %jit3A_607, %sign3A_619 : i32
    %sign3A_621 = arith.extui %sign3A_620 : i1 to i32
    %sign3A_622 = arith.subi %sign3A_618, %sign3A_621 : i32
    %ne3A_623 = arith.cmpi ne, %sign3A_615, %sign3A_622 : i32
    %rem3A_624 = arith.remsi %min3A_606, %jit3A_607 : i32
    %ne3A_625 = arith.constant 0 : i32
    %ne3A_626 = arith.cmpi ne, %rem3A_624, %ne3A_625 : i32
    %and3A_627 = arith.andi %ne3A_623, %ne3A_626 : i1
    %sub3A_628 = arith.constant 1 : i32
    %sub3A_629 = arith.subi %div3A_608, %sub3A_628 : i32
    %select_n3A_630 = arith.select %and3A_627, %sub3A_629, %div3A_608 : i32
    %mul3A_631 = arith.constant 16 : i32
    %mul3A_632 = arith.muli %select_n3A_630, %mul3A_631 : i32
    %get3A_633 = arith.index_cast %mul3A_632 : i32 to index
    %get3A_634 = tpu.vector_load %arg7[%get3A_633] {strides = array<i32>} : memref<512xi32, #tpu.memory_space<vmem>>, vector<16xi32>,
    %get3A_635 = arith.index_cast %mul3A_632 : i32 to index
    %get3A_636 = tpu.vector_load %arg8[%get3A_635] {strides = array<i32>} : memref<512xi32, #tpu.memory_space<vmem>>, vector<16xi32>,
    %jit3A_637 = arith.constant 16 : i32
    %eq3A_638 = arith.constant 0 : i32
    %eq3A_639 = arith.cmpi eq, %jit3A_637, %eq3A_638 : i32
    %jit3A_640 = arith.constant 1 : i32
    %select_n3A_641 = arith.select %eq3A_639, %jit3A_640, %jit3A_637 : i32
    %rem3A_642 = arith.remsi %min3A_606, %select_n3A_641 : i32
    %ne3A_643 = arith.constant 0 : i32
    %ne3A_644 = arith.cmpi ne, %rem3A_642, %ne3A_643 : i32
    %lt3A_645 = arith.constant 0 : i32
    %lt3A_646 = arith.cmpi slt, %rem3A_642, %lt3A_645 : i32
    %lt3A_647 = arith.constant 0 : i32
    %lt3A_648 = arith.cmpi slt, %select_n3A_641, %lt3A_647 : i32
    %ne3A_649 = arith.xori %lt3A_646, %lt3A_648 : i1
    %and3A_650 = arith.andi %ne3A_649, %ne3A_644 : i1
    %add3A_651 = arith.addi %rem3A_642, %select_n3A_641 : i32
    %select_n3A_652 = arith.select %and3A_650, %add3A_651, %rem3A_642 : i32
    %eq3A_653 = vector.broadcast %select_n3A_652 : i32 to vector<16xi32>
    %eq3A_654 = arith.cmpi eq, %iota3A, %eq3A_653 : vector<16xi32>
    %select_n3A_655 = arith.select %eq3A_654, %get3A_634, %broadcast_in_dim3A_6 : vector<16xi1>, vector<16xi32>
    %reduce_sum3A_656 = arith.constant true
    %reduce_sum3A_657 = vector.broadcast %reduce_sum3A_656 : i1 to vector<16xi1>
    %reduce_sum3A_658 = tpu.scan <sum>, %select_n3A_655 masked %reduce_sum3A_657 : vector<16xi32>, vector<16xi1> -> vector<16xi32>
    %reduce_sum3A_659 = vector.extract %reduce_sum3A_658[15] : i32 from vector<16xi32>
    %select_n3A_660 = arith.select %eq3A_654, %get3A_636, %broadcast_in_dim3A_6 : vector<16xi1>, vector<16xi32>
    %reduce_sum3A_661 = arith.constant true
    %reduce_sum3A_662 = vector.broadcast %reduce_sum3A_661 : i1 to vector<16xi1>
    %reduce_sum3A_663 = tpu.scan <sum>, %select_n3A_660 masked %reduce_sum3A_662 : vector<16xi32>, vector<16xi1> -> vector<16xi32>
    %reduce_sum3A_664 = vector.extract %reduce_sum3A_663[15] : i32 from vector<16xi32>
    %min3A_665 = arith.constant 11 : i32
    %min3A_666 = arith.constant 511 : i32
    %min3A_667 = arith.minsi %min3A_665, %min3A_666 : i32
    %jit3A_668 = arith.constant 16 : i32
    %div3A_669 = arith.divsi %min3A_667, %jit3A_668 : i32
    %sign3A_670 = arith.constant 0 : i32
    %sign3A_671 = arith.cmpi sgt, %min3A_667, %sign3A_670 : i32
    %sign3A_672 = arith.extui %sign3A_671 : i1 to i32
    %sign3A_673 = arith.constant 0 : i32
    %sign3A_674 = arith.cmpi slt, %min3A_667, %sign3A_673 : i32
    %sign3A_675 = arith.extui %sign3A_674 : i1 to i32
    %sign3A_676 = arith.subi %sign3A_672, %sign3A_675 : i32
    %sign3A_677 = arith.constant 0 : i32
    %sign3A_678 = arith.cmpi sgt, %jit3A_668, %sign3A_677 : i32
    %sign3A_679 = arith.extui %sign3A_678 : i1 to i32
    %sign3A_680 = arith.constant 0 : i32
    %sign3A_681 = arith.cmpi slt, %jit3A_668, %sign3A_680 : i32
    %sign3A_682 = arith.extui %sign3A_681 : i1 to i32
    %sign3A_683 = arith.subi %sign3A_679, %sign3A_682 : i32
    %ne3A_684 = arith.cmpi ne, %sign3A_676, %sign3A_683 : i32
    %rem3A_685 = arith.remsi %min3A_667, %jit3A_668 : i32
    %ne3A_686 = arith.constant 0 : i32
    %ne3A_687 = arith.cmpi ne, %rem3A_685, %ne3A_686 : i32
    %and3A_688 = arith.andi %ne3A_684, %ne3A_687 : i1
    %sub3A_689 = arith.constant 1 : i32
    %sub3A_690 = arith.subi %div3A_669, %sub3A_689 : i32
    %select_n3A_691 = arith.select %and3A_688, %sub3A_690, %div3A_669 : i32
    %mul3A_692 = arith.constant 16 : i32
    %mul3A_693 = arith.muli %select_n3A_691, %mul3A_692 : i32
    %get3A_694 = arith.index_cast %mul3A_693 : i32 to index
    %get3A_695 = tpu.vector_load %arg7[%get3A_694] {strides = array<i32>} : memref<512xi32, #tpu.memory_space<vmem>>, vector<16xi32>,
    %get3A_696 = arith.index_cast %mul3A_693 : i32 to index
    %get3A_697 = tpu.vector_load %arg8[%get3A_696] {strides = array<i32>} : memref<512xi32, #tpu.memory_space<vmem>>, vector<16xi32>,
    %jit3A_698 = arith.constant 16 : i32
    %eq3A_699 = arith.constant 0 : i32
    %eq3A_700 = arith.cmpi eq, %jit3A_698, %eq3A_699 : i32
    %jit3A_701 = arith.constant 1 : i32
    %select_n3A_702 = arith.select %eq3A_700, %jit3A_701, %jit3A_698 : i32
    %rem3A_703 = arith.remsi %min3A_667, %select_n3A_702 : i32
    %ne3A_704 = arith.constant 0 : i32
    %ne3A_705 = arith.cmpi ne, %rem3A_703, %ne3A_704 : i32
    %lt3A_706 = arith.constant 0 : i32
    %lt3A_707 = arith.cmpi slt, %rem3A_703, %lt3A_706 : i32
    %lt3A_708 = arith.constant 0 : i32
    %lt3A_709 = arith.cmpi slt, %select_n3A_702, %lt3A_708 : i32
    %ne3A_710 = arith.xori %lt3A_707, %lt3A_709 : i1
    %and3A_711 = arith.andi %ne3A_710, %ne3A_705 : i1
    %add3A_712 = arith.addi %rem3A_703, %select_n3A_702 : i32
    %select_n3A_713 = arith.select %and3A_711, %add3A_712, %rem3A_703 : i32
    %eq3A_714 = vector.broadcast %select_n3A_713 : i32 to vector<16xi32>
    %eq3A_715 = arith.cmpi eq, %iota3A, %eq3A_714 : vector<16xi32>
    %select_n3A_716 = arith.select %eq3A_715, %get3A_695, %broadcast_in_dim3A_6 : vector<16xi1>, vector<16xi32>
    %reduce_sum3A_717 = arith.constant true
    %reduce_sum3A_718 = vector.broadcast %reduce_sum3A_717 : i1 to vector<16xi1>
    %reduce_sum3A_719 = tpu.scan <sum>, %select_n3A_716 masked %reduce_sum3A_718 : vector<16xi32>, vector<16xi1> -> vector<16xi32>
    %reduce_sum3A_720 = vector.extract %reduce_sum3A_719[15] : i32 from vector<16xi32>
    %select_n3A_721 = arith.select %eq3A_715, %get3A_697, %broadcast_in_dim3A_6 : vector<16xi1>, vector<16xi32>
    %reduce_sum3A_722 = arith.constant true
    %reduce_sum3A_723 = vector.broadcast %reduce_sum3A_722 : i1 to vector<16xi1>
    %reduce_sum3A_724 = tpu.scan <sum>, %select_n3A_721 masked %reduce_sum3A_723 : vector<16xi32>, vector<16xi1> -> vector<16xi32>
    %reduce_sum3A_725 = vector.extract %reduce_sum3A_724[15] : i32 from vector<16xi32>
    %min3A_726 = arith.constant 12 : i32
    %min3A_727 = arith.constant 511 : i32
    %min3A_728 = arith.minsi %min3A_726, %min3A_727 : i32
    %jit3A_729 = arith.constant 16 : i32
    %div3A_730 = arith.divsi %min3A_728, %jit3A_729 : i32
    %sign3A_731 = arith.constant 0 : i32
    %sign3A_732 = arith.cmpi sgt, %min3A_728, %sign3A_731 : i32
    %sign3A_733 = arith.extui %sign3A_732 : i1 to i32
    %sign3A_734 = arith.constant 0 : i32
    %sign3A_735 = arith.cmpi slt, %min3A_728, %sign3A_734 : i32
    %sign3A_736 = arith.extui %sign3A_735 : i1 to i32
    %sign3A_737 = arith.subi %sign3A_733, %sign3A_736 : i32
    %sign3A_738 = arith.constant 0 : i32
    %sign3A_739 = arith.cmpi sgt, %jit3A_729, %sign3A_738 : i32
    %sign3A_740 = arith.extui %sign3A_739 : i1 to i32
    %sign3A_741 = arith.constant 0 : i32
    %sign3A_742 = arith.cmpi slt, %jit3A_729, %sign3A_741 : i32
    %sign3A_743 = arith.extui %sign3A_742 : i1 to i32
    %sign3A_744 = arith.subi %sign3A_740, %sign3A_743 : i32
    %ne3A_745 = arith.cmpi ne, %sign3A_737, %sign3A_744 : i32
    %rem3A_746 = arith.remsi %min3A_728, %jit3A_729 : i32
    %ne3A_747 = arith.constant 0 : i32
    %ne3A_748 = arith.cmpi ne, %rem3A_746, %ne3A_747 : i32
    %and3A_749 = arith.andi %ne3A_745, %ne3A_748 : i1
    %sub3A_750 = arith.constant 1 : i32
    %sub3A_751 = arith.subi %div3A_730, %sub3A_750 : i32
    %select_n3A_752 = arith.select %and3A_749, %sub3A_751, %div3A_730 : i32
    %mul3A_753 = arith.constant 16 : i32
    %mul3A_754 = arith.muli %select_n3A_752, %mul3A_753 : i32
    %get3A_755 = arith.index_cast %mul3A_754 : i32 to index
    %get3A_756 = tpu.vector_load %arg7[%get3A_755] {strides = array<i32>} : memref<512xi32, #tpu.memory_space<vmem>>, vector<16xi32>,
    %get3A_757 = arith.index_cast %mul3A_754 : i32 to index
    %get3A_758 = tpu.vector_load %arg8[%get3A_757] {strides = array<i32>} : memref<512xi32, #tpu.memory_space<vmem>>, vector<16xi32>,
    %jit3A_759 = arith.constant 16 : i32
    %eq3A_760 = arith.constant 0 : i32
    %eq3A_761 = arith.cmpi eq, %jit3A_759, %eq3A_760 : i32
    %jit3A_762 = arith.constant 1 : i32
    %select_n3A_763 = arith.select %eq3A_761, %jit3A_762, %jit3A_759 : i32
    %rem3A_764 = arith.remsi %min3A_728, %select_n3A_763 : i32
    %ne3A_765 = arith.constant 0 : i32
    %ne3A_766 = arith.cmpi ne, %rem3A_764, %ne3A_765 : i32
    %lt3A_767 = arith.constant 0 : i32
    %lt3A_768 = arith.cmpi slt, %rem3A_764, %lt3A_767 : i32
    %lt3A_769 = arith.constant 0 : i32
    %lt3A_770 = arith.cmpi slt, %select_n3A_763, %lt3A_769 : i32
    %ne3A_771 = arith.xori %lt3A_768, %lt3A_770 : i1
    %and3A_772 = arith.andi %ne3A_771, %ne3A_766 : i1
    %add3A_773 = arith.addi %rem3A_764, %select_n3A_763 : i32
    %select_n3A_774 = arith.select %and3A_772, %add3A_773, %rem3A_764 : i32
    %eq3A_775 = vector.broadcast %select_n3A_774 : i32 to vector<16xi32>
    %eq3A_776 = arith.cmpi eq, %iota3A, %eq3A_775 : vector<16xi32>
    %select_n3A_777 = arith.select %eq3A_776, %get3A_756, %broadcast_in_dim3A_6 : vector<16xi1>, vector<16xi32>
    %reduce_sum3A_778 = arith.constant true
    %reduce_sum3A_779 = vector.broadcast %reduce_sum3A_778 : i1 to vector<16xi1>
    %reduce_sum3A_780 = tpu.scan <sum>, %select_n3A_777 masked %reduce_sum3A_779 : vector<16xi32>, vector<16xi1> -> vector<16xi32>
    %reduce_sum3A_781 = vector.extract %reduce_sum3A_780[15] : i32 from vector<16xi32>
    %select_n3A_782 = arith.select %eq3A_776, %get3A_758, %broadcast_in_dim3A_6 : vector<16xi1>, vector<16xi32>
    %reduce_sum3A_783 = arith.constant true
    %reduce_sum3A_784 = vector.broadcast %reduce_sum3A_783 : i1 to vector<16xi1>
    %reduce_sum3A_785 = tpu.scan <sum>, %select_n3A_782 masked %reduce_sum3A_784 : vector<16xi32>, vector<16xi1> -> vector<16xi32>
    %reduce_sum3A_786 = vector.extract %reduce_sum3A_785[15] : i32 from vector<16xi32>
    %min3A_787 = arith.constant 13 : i32
    %min3A_788 = arith.constant 511 : i32
    %min3A_789 = arith.minsi %min3A_787, %min3A_788 : i32
    %jit3A_790 = arith.constant 16 : i32
    %div3A_791 = arith.divsi %min3A_789, %jit3A_790 : i32
    %sign3A_792 = arith.constant 0 : i32
    %sign3A_793 = arith.cmpi sgt, %min3A_789, %sign3A_792 : i32
    %sign3A_794 = arith.extui %sign3A_793 : i1 to i32
    %sign3A_795 = arith.constant 0 : i32
    %sign3A_796 = arith.cmpi slt, %min3A_789, %sign3A_795 : i32
    %sign3A_797 = arith.extui %sign3A_796 : i1 to i32
    %sign3A_798 = arith.subi %sign3A_794, %sign3A_797 : i32
    %sign3A_799 = arith.constant 0 : i32
    %sign3A_800 = arith.cmpi sgt, %jit3A_790, %sign3A_799 : i32
    %sign3A_801 = arith.extui %sign3A_800 : i1 to i32
    %sign3A_802 = arith.constant 0 : i32
    %sign3A_803 = arith.cmpi slt, %jit3A_790, %sign3A_802 : i32
    %sign3A_804 = arith.extui %sign3A_803 : i1 to i32
    %sign3A_805 = arith.subi %sign3A_801, %sign3A_804 : i32
    %ne3A_806 = arith.cmpi ne, %sign3A_798, %sign3A_805 : i32
    %rem3A_807 = arith.remsi %min3A_789, %jit3A_790 : i32
    %ne3A_808 = arith.constant 0 : i32
    %ne3A_809 = arith.cmpi ne, %rem3A_807, %ne3A_808 : i32
    %and3A_810 = arith.andi %ne3A_806, %ne3A_809 : i1
    %sub3A_811 = arith.constant 1 : i32
    %sub3A_812 = arith.subi %div3A_791, %sub3A_811 : i32
    %select_n3A_813 = arith.select %and3A_810, %sub3A_812, %div3A_791 : i32
    %mul3A_814 = arith.constant 16 : i32
    %mul3A_815 = arith.muli %select_n3A_813, %mul3A_814 : i32
    %get3A_816 = arith.index_cast %mul3A_815 : i32 to index
    %get3A_817 = tpu.vector_load %arg7[%get3A_816] {strides = array<i32>} : memref<512xi32, #tpu.memory_space<vmem>>, vector<16xi32>,
    %get3A_818 = arith.index_cast %mul3A_815 : i32 to index
    %get3A_819 = tpu.vector_load %arg8[%get3A_818] {strides = array<i32>} : memref<512xi32, #tpu.memory_space<vmem>>, vector<16xi32>,
    %jit3A_820 = arith.constant 16 : i32
    %eq3A_821 = arith.constant 0 : i32
    %eq3A_822 = arith.cmpi eq, %jit3A_820, %eq3A_821 : i32
    %jit3A_823 = arith.constant 1 : i32
    %select_n3A_824 = arith.select %eq3A_822, %jit3A_823, %jit3A_820 : i32
    %rem3A_825 = arith.remsi %min3A_789, %select_n3A_824 : i32
    %ne3A_826 = arith.constant 0 : i32
    %ne3A_827 = arith.cmpi ne, %rem3A_825, %ne3A_826 : i32
    %lt3A_828 = arith.constant 0 : i32
    %lt3A_829 = arith.cmpi slt, %rem3A_825, %lt3A_828 : i32
    %lt3A_830 = arith.constant 0 : i32
    %lt3A_831 = arith.cmpi slt, %select_n3A_824, %lt3A_830 : i32
    %ne3A_832 = arith.xori %lt3A_829, %lt3A_831 : i1
    %and3A_833 = arith.andi %ne3A_832, %ne3A_827 : i1
    %add3A_834 = arith.addi %rem3A_825, %select_n3A_824 : i32
    %select_n3A_835 = arith.select %and3A_833, %add3A_834, %rem3A_825 : i32
    %eq3A_836 = vector.broadcast %select_n3A_835 : i32 to vector<16xi32>
    %eq3A_837 = arith.cmpi eq, %iota3A, %eq3A_836 : vector<16xi32>
    %select_n3A_838 = arith.select %eq3A_837, %get3A_817, %broadcast_in_dim3A_6 : vector<16xi1>, vector<16xi32>
    %reduce_sum3A_839 = arith.constant true
    %reduce_sum3A_840 = vector.broadcast %reduce_sum3A_839 : i1 to vector<16xi1>
    %reduce_sum3A_841 = tpu.scan <sum>, %select_n3A_838 masked %reduce_sum3A_840 : vector<16xi32>, vector<16xi1> -> vector<16xi32>
    %reduce_sum3A_842 = vector.extract %reduce_sum3A_841[15] : i32 from vector<16xi32>
    %select_n3A_843 = arith.select %eq3A_837, %get3A_819, %broadcast_in_dim3A_6 : vector<16xi1>, vector<16xi32>
    %reduce_sum3A_844 = arith.constant true
    %reduce_sum3A_845 = vector.broadcast %reduce_sum3A_844 : i1 to vector<16xi1>
    %reduce_sum3A_846 = tpu.scan <sum>, %select_n3A_843 masked %reduce_sum3A_845 : vector<16xi32>, vector<16xi1> -> vector<16xi32>
    %reduce_sum3A_847 = vector.extract %reduce_sum3A_846[15] : i32 from vector<16xi32>
    %min3A_848 = arith.constant 14 : i32
    %min3A_849 = arith.constant 511 : i32
    %min3A_850 = arith.minsi %min3A_848, %min3A_849 : i32
    %jit3A_851 = arith.constant 16 : i32
    %div3A_852 = arith.divsi %min3A_850, %jit3A_851 : i32
    %sign3A_853 = arith.constant 0 : i32
    %sign3A_854 = arith.cmpi sgt, %min3A_850, %sign3A_853 : i32
    %sign3A_855 = arith.extui %sign3A_854 : i1 to i32
    %sign3A_856 = arith.constant 0 : i32
    %sign3A_857 = arith.cmpi slt, %min3A_850, %sign3A_856 : i32
    %sign3A_858 = arith.extui %sign3A_857 : i1 to i32
    %sign3A_859 = arith.subi %sign3A_855, %sign3A_858 : i32
    %sign3A_860 = arith.constant 0 : i32
    %sign3A_861 = arith.cmpi sgt, %jit3A_851, %sign3A_860 : i32
    %sign3A_862 = arith.extui %sign3A_861 : i1 to i32
    %sign3A_863 = arith.constant 0 : i32
    %sign3A_864 = arith.cmpi slt, %jit3A_851, %sign3A_863 : i32
    %sign3A_865 = arith.extui %sign3A_864 : i1 to i32
    %sign3A_866 = arith.subi %sign3A_862, %sign3A_865 : i32
    %ne3A_867 = arith.cmpi ne, %sign3A_859, %sign3A_866 : i32
    %rem3A_868 = arith.remsi %min3A_850, %jit3A_851 : i32
    %ne3A_869 = arith.constant 0 : i32
    %ne3A_870 = arith.cmpi ne, %rem3A_868, %ne3A_869 : i32
    %and3A_871 = arith.andi %ne3A_867, %ne3A_870 : i1
    %sub3A_872 = arith.constant 1 : i32
    %sub3A_873 = arith.subi %div3A_852, %sub3A_872 : i32
    %select_n3A_874 = arith.select %and3A_871, %sub3A_873, %div3A_852 : i32
    %mul3A_875 = arith.constant 16 : i32
    %mul3A_876 = arith.muli %select_n3A_874, %mul3A_875 : i32
    %get3A_877 = arith.index_cast %mul3A_876 : i32 to index
    %get3A_878 = tpu.vector_load %arg7[%get3A_877] {strides = array<i32>} : memref<512xi32, #tpu.memory_space<vmem>>, vector<16xi32>,
    %get3A_879 = arith.index_cast %mul3A_876 : i32 to index
    %get3A_880 = tpu.vector_load %arg8[%get3A_879] {strides = array<i32>} : memref<512xi32, #tpu.memory_space<vmem>>, vector<16xi32>,
    %jit3A_881 = arith.constant 16 : i32
    %eq3A_882 = arith.constant 0 : i32
    %eq3A_883 = arith.cmpi eq, %jit3A_881, %eq3A_882 : i32
    %jit3A_884 = arith.constant 1 : i32
    %select_n3A_885 = arith.select %eq3A_883, %jit3A_884, %jit3A_881 : i32
    %rem3A_886 = arith.remsi %min3A_850, %select_n3A_885 : i32
    %ne3A_887 = arith.constant 0 : i32
    %ne3A_888 = arith.cmpi ne, %rem3A_886, %ne3A_887 : i32
    %lt3A_889 = arith.constant 0 : i32
    %lt3A_890 = arith.cmpi slt, %rem3A_886, %lt3A_889 : i32
    %lt3A_891 = arith.constant 0 : i32
    %lt3A_892 = arith.cmpi slt, %select_n3A_885, %lt3A_891 : i32
    %ne3A_893 = arith.xori %lt3A_890, %lt3A_892 : i1
    %and3A_894 = arith.andi %ne3A_893, %ne3A_888 : i1
    %add3A_895 = arith.addi %rem3A_886, %select_n3A_885 : i32
    %select_n3A_896 = arith.select %and3A_894, %add3A_895, %rem3A_886 : i32
    %eq3A_897 = vector.broadcast %select_n3A_896 : i32 to vector<16xi32>
    %eq3A_898 = arith.cmpi eq, %iota3A, %eq3A_897 : vector<16xi32>
    %select_n3A_899 = arith.select %eq3A_898, %get3A_878, %broadcast_in_dim3A_6 : vector<16xi1>, vector<16xi32>
    %reduce_sum3A_900 = arith.constant true
    %reduce_sum3A_901 = vector.broadcast %reduce_sum3A_900 : i1 to vector<16xi1>
    %reduce_sum3A_902 = tpu.scan <sum>, %select_n3A_899 masked %reduce_sum3A_901 : vector<16xi32>, vector<16xi1> -> vector<16xi32>
    %reduce_sum3A_903 = vector.extract %reduce_sum3A_902[15] : i32 from vector<16xi32>
    %select_n3A_904 = arith.select %eq3A_898, %get3A_880, %broadcast_in_dim3A_6 : vector<16xi1>, vector<16xi32>
    %reduce_sum3A_905 = arith.constant true
    %reduce_sum3A_906 = vector.broadcast %reduce_sum3A_905 : i1 to vector<16xi1>
    %reduce_sum3A_907 = tpu.scan <sum>, %select_n3A_904 masked %reduce_sum3A_906 : vector<16xi32>, vector<16xi1> -> vector<16xi32>
    %reduce_sum3A_908 = vector.extract %reduce_sum3A_907[15] : i32 from vector<16xi32>
    %scan3A = arith.constant 0 : i32
    %scan3A_909 = arith.constant 34 : i32
    %scan3A_910 = arith.addi %scan3A, %scan3A_909 : i32
    %scan3A_911 = arith.constant 1 : i32
    %scan3A_912:30 = scf.for %scan3A_1227 = %scan3A to %scan3A_910 step %scan3A_911 iter_args(%scan3A_1228 = %reduce_sum3A_49, %scan3A_1229 = %reduce_sum3A_110, %scan3A_1230 = %reduce_sum3A_171, %scan3A_1231 = %reduce_sum3A_232, %scan3A_1232 = %reduce_sum3A_293, %scan3A_1233 = %reduce_sum3A_354, %scan3A_1234 = %reduce_sum3A_415, %scan3A_1235 = %reduce_sum3A_476, %scan3A_1236 = %reduce_sum3A_537, %scan3A_1237 = %reduce_sum3A_598, %scan3A_1238 = %reduce_sum3A_659, %scan3A_1239 = %reduce_sum3A_720, %scan3A_1240 = %reduce_sum3A_781, %scan3A_1241 = %reduce_sum3A_842, %scan3A_1242 = %reduce_sum3A_903, %scan3A_1243 = %reduce_sum3A_54, %scan3A_1244 = %reduce_sum3A_115, %scan3A_1245 = %reduce_sum3A_176, %scan3A_1246 = %reduce_sum3A_237, %scan3A_1247 = %reduce_sum3A_298, %scan3A_1248 = %reduce_sum3A_359, %scan3A_1249 = %reduce_sum3A_420, %scan3A_1250 = %reduce_sum3A_481, %scan3A_1251 = %reduce_sum3A_542, %scan3A_1252 = %reduce_sum3A_603, %scan3A_1253 = %reduce_sum3A_664, %scan3A_1254 = %reduce_sum3A_725, %scan3A_1255 = %reduce_sum3A_786, %scan3A_1256 = %reduce_sum3A_847, %scan3A_1257 = %reduce_sum3A_908) -> (i32, i32, i32, i32, i32, i32, i32, i32, i32, i32, i32, i32, i32, i32, i32, i32, i32, i32, i32, i32, i32, i32, i32, i32, i32, i32, i32, i32, i32, i32)  : i32 {
      %mul3A_1258 = arith.constant 15 : i32
      %mul3A_1259 = arith.muli %scan3A_1227, %mul3A_1258 : i32
      %shift_right_logical3A_1260 = arith.constant 7 : i32
      %shift_right_logical3A_1261 = arith.shrui %scan3A_1228, %shift_right_logical3A_1260 : i32
      %shift_left3A_1262 = arith.constant 7 : i32
      %shift_left3A_1263 = arith.shli %shift_right_logical3A_1261, %shift_left3A_1262 : i32
      %multiple_of3A_1264 = tpu.assume_multiple %shift_left3A_1263, 128 : i32
      %shift_right_logical3A_1265 = arith.constant 7 : i32
      %shift_right_logical3A_1266 = arith.shrui %scan3A_1243, %shift_right_logical3A_1265 : i32
      %shift_left3A_1267 = arith.constant 7 : i32
      %shift_left3A_1268 = arith.shli %shift_right_logical3A_1266, %shift_left3A_1267 : i32
      %multiple_of3A_1269 = tpu.assume_multiple %shift_left3A_1268, 128 : i32
      %and3A_1270 = arith.constant 127 : i32
      %and3A_1271 = arith.andi %scan3A_1228, %and3A_1270 : i32
      %broadcast_in_dim3A_1272 = vector.broadcast %and3A_1271 : i32 to vector<16xi32>
      %and3A_1273 = arith.constant 127 : i32
      %and3A_1274 = arith.andi %scan3A_1243, %and3A_1273 : i32
      %broadcast_in_dim3A_1275 = vector.broadcast %and3A_1274 : i32 to vector<16xi32>
      %dma_start3A_1276 = arith.constant 0 : i32
      %dma_start3A_1277 = arith.constant 0 : i32
      %dma_start3A_1278 = arith.constant 0 : i32
      %dma_start3A_1279 = arith.constant 0 : i32
      %dma_start3A_1280 = tpu.memref_slice %arg10[%dma_start3A_1276, %dma_start3A_1278, %dma_start3A_1279] : memref<15x32x128xf32, #tpu.memory_space<vmem>> -> memref<1x32x128xf32, #tpu.memory_space<vmem>>
      %dma_start3A_1281 = tpu.memref_squeeze %dma_start3A_1280 : memref<1x32x128xf32, #tpu.memory_space<vmem>> -> memref<32x128xf32, #tpu.memory_space<vmem>>
      %dma_start3A_1282 = arith.constant 0 : i32
      %dma_start3A_1283 = tpu.memref_slice %arg4[%dma_start3A_1282, %multiple_of3A_1264] : memref<32x1000000xf32, #tpu.memory_space<hbm>> -> memref<32x128xf32, #tpu.memory_space<hbm>>
      %dma_start3A_1284 = tpu.memref_slice %arg13[%dma_start3A_1277] : memref<15x!tpu.dma_semaphore, #tpu.memory_space<semaphore_mem>> -> memref<1x!tpu.dma_semaphore, #tpu.memory_space<semaphore_mem>>
      %dma_start3A_1285 = tpu.memref_squeeze %dma_start3A_1284 : memref<1x!tpu.dma_semaphore, #tpu.memory_space<semaphore_mem>> -> memref<!tpu.dma_semaphore, #tpu.memory_space<semaphore_mem>>
      %dma_start3A_1286 = arith.constant 0 : i32
      %dma_start3A_1287 = arith.constant 0 : i32
      %dma_start3A_1288 = tpu.memref_slice %arg10[%dma_start3A_1276, %dma_start3A_1286, %dma_start3A_1287] : memref<15x32x128xf32, #tpu.memory_space<vmem>> -> memref<1x32x128xf32, #tpu.memory_space<vmem>>
      %dma_start3A_1289 = tpu.memref_squeeze %dma_start3A_1288 : memref<1x32x128xf32, #tpu.memory_space<vmem>> -> memref<32x128xf32, #tpu.memory_space<vmem>>
      %dma_start3A_1290 = arith.constant 0 : i32
      %dma_start3A_1291 = tpu.memref_slice %arg4[%dma_start3A_1290, %multiple_of3A_1264] : memref<32x1000000xf32, #tpu.memory_space<hbm>> -> memref<32x128xf32, #tpu.memory_space<hbm>>
      tpu.enqueue_dma source(%dma_start3A_1291 : memref<32x128xf32, #tpu.memory_space<hbm>>) target(%dma_start3A_1289 : memref<32x128xf32, #tpu.memory_space<vmem>>) target_semaphore(%dma_start3A_1285 : memref<!tpu.dma_semaphore, #tpu.memory_space<semaphore_mem>>)
      %dma_start3A_1292 = arith.constant 0 : i32
      %dma_start3A_1293 = arith.constant 0 : i32
      %dma_start3A_1294 = arith.constant 0 : i32
      %dma_start3A_1295 = arith.constant 0 : i32
      %dma_start3A_1296 = tpu.memref_slice %arg11[%dma_start3A_1292, %dma_start3A_1294, %dma_start3A_1295] : memref<15x32x128xf32, #tpu.memory_space<vmem>> -> memref<1x32x128xf32, #tpu.memory_space<vmem>>
      %dma_start3A_1297 = tpu.memref_squeeze %dma_start3A_1296 : memref<1x32x128xf32, #tpu.memory_space<vmem>> -> memref<32x128xf32, #tpu.memory_space<vmem>>
      %dma_start3A_1298 = arith.constant 0 : i32
      %dma_start3A_1299 = tpu.memref_slice %arg5[%dma_start3A_1298, %multiple_of3A_1269] : memref<32x1000000xf32, #tpu.memory_space<hbm>> -> memref<32x128xf32, #tpu.memory_space<hbm>>
      %dma_start3A_1300 = tpu.memref_slice %arg14[%dma_start3A_1293] : memref<15x!tpu.dma_semaphore, #tpu.memory_space<semaphore_mem>> -> memref<1x!tpu.dma_semaphore, #tpu.memory_space<semaphore_mem>>
      %dma_start3A_1301 = tpu.memref_squeeze %dma_start3A_1300 : memref<1x!tpu.dma_semaphore, #tpu.memory_space<semaphore_mem>> -> memref<!tpu.dma_semaphore, #tpu.memory_space<semaphore_mem>>
      %dma_start3A_1302 = arith.constant 0 : i32
      %dma_start3A_1303 = arith.constant 0 : i32
      %dma_start3A_1304 = tpu.memref_slice %arg11[%dma_start3A_1292, %dma_start3A_1302, %dma_start3A_1303] : memref<15x32x128xf32, #tpu.memory_space<vmem>> -> memref<1x32x128xf32, #tpu.memory_space<vmem>>
      %dma_start3A_1305 = tpu.memref_squeeze %dma_start3A_1304 : memref<1x32x128xf32, #tpu.memory_space<vmem>> -> memref<32x128xf32, #tpu.memory_space<vmem>>
      %dma_start3A_1306 = arith.constant 0 : i32
      %dma_start3A_1307 = tpu.memref_slice %arg5[%dma_start3A_1306, %multiple_of3A_1269] : memref<32x1000000xf32, #tpu.memory_space<hbm>> -> memref<32x128xf32, #tpu.memory_space<hbm>>
      tpu.enqueue_dma source(%dma_start3A_1307 : memref<32x128xf32, #tpu.memory_space<hbm>>) target(%dma_start3A_1305 : memref<32x128xf32, #tpu.memory_space<vmem>>) target_semaphore(%dma_start3A_1301 : memref<!tpu.dma_semaphore, #tpu.memory_space<semaphore_mem>>)
      %shift_right_logical3A_1308 = arith.constant 7 : i32
      %shift_right_logical3A_1309 = arith.shrui %scan3A_1229, %shift_right_logical3A_1308 : i32
      %shift_left3A_1310 = arith.constant 7 : i32
      %shift_left3A_1311 = arith.shli %shift_right_logical3A_1309, %shift_left3A_1310 : i32
      %multiple_of3A_1312 = tpu.assume_multiple %shift_left3A_1311, 128 : i32
      %shift_right_logical3A_1313 = arith.constant 7 : i32
      %shift_right_logical3A_1314 = arith.shrui %scan3A_1244, %shift_right_logical3A_1313 : i32
      %shift_left3A_1315 = arith.constant 7 : i32
      %shift_left3A_1316 = arith.shli %shift_right_logical3A_1314, %shift_left3A_1315 : i32
      %multiple_of3A_1317 = tpu.assume_multiple %shift_left3A_1316, 128 : i32
      %and3A_1318 = arith.constant 127 : i32
      %and3A_1319 = arith.andi %scan3A_1229, %and3A_1318 : i32
      %broadcast_in_dim3A_1320 = vector.broadcast %and3A_1319 : i32 to vector<16xi32>
      %and3A_1321 = arith.constant 127 : i32
      %and3A_1322 = arith.andi %scan3A_1244, %and3A_1321 : i32
      %broadcast_in_dim3A_1323 = vector.broadcast %and3A_1322 : i32 to vector<16xi32>
      %dma_start3A_1324 = arith.constant 1 : i32
      %dma_start3A_1325 = arith.constant 1 : i32
      %dma_start3A_1326 = arith.constant 0 : i32
      %dma_start3A_1327 = arith.constant 0 : i32
      %dma_start3A_1328 = tpu.memref_slice %arg10[%dma_start3A_1324, %dma_start3A_1326, %dma_start3A_1327] : memref<15x32x128xf32, #tpu.memory_space<vmem>> -> memref<1x32x128xf32, #tpu.memory_space<vmem>>
      %dma_start3A_1329 = tpu.memref_squeeze %dma_start3A_1328 : memref<1x32x128xf32, #tpu.memory_space<vmem>> -> memref<32x128xf32, #tpu.memory_space<vmem>>
      %dma_start3A_1330 = arith.constant 0 : i32
      %dma_start3A_1331 = tpu.memref_slice %arg4[%dma_start3A_1330, %multiple_of3A_1312] : memref<32x1000000xf32, #tpu.memory_space<hbm>> -> memref<32x128xf32, #tpu.memory_space<hbm>>
      %dma_start3A_1332 = tpu.memref_slice %arg13[%dma_start3A_1325] : memref<15x!tpu.dma_semaphore, #tpu.memory_space<semaphore_mem>> -> memref<1x!tpu.dma_semaphore, #tpu.memory_space<semaphore_mem>>
      %dma_start3A_1333 = tpu.memref_squeeze %dma_start3A_1332 : memref<1x!tpu.dma_semaphore, #tpu.memory_space<semaphore_mem>> -> memref<!tpu.dma_semaphore, #tpu.memory_space<semaphore_mem>>
      %dma_start3A_1334 = arith.constant 0 : i32
      %dma_start3A_1335 = arith.constant 0 : i32
      %dma_start3A_1336 = tpu.memref_slice %arg10[%dma_start3A_1324, %dma_start3A_1334, %dma_start3A_1335] : memref<15x32x128xf32, #tpu.memory_space<vmem>> -> memref<1x32x128xf32, #tpu.memory_space<vmem>>
      %dma_start3A_1337 = tpu.memref_squeeze %dma_start3A_1336 : memref<1x32x128xf32, #tpu.memory_space<vmem>> -> memref<32x128xf32, #tpu.memory_space<vmem>>
      %dma_start3A_1338 = arith.constant 0 : i32
      %dma_start3A_1339 = tpu.memref_slice %arg4[%dma_start3A_1338, %multiple_of3A_1312] : memref<32x1000000xf32, #tpu.memory_space<hbm>> -> memref<32x128xf32, #tpu.memory_space<hbm>>
      tpu.enqueue_dma source(%dma_start3A_1339 : memref<32x128xf32, #tpu.memory_space<hbm>>) target(%dma_start3A_1337 : memref<32x128xf32, #tpu.memory_space<vmem>>) target_semaphore(%dma_start3A_1333 : memref<!tpu.dma_semaphore, #tpu.memory_space<semaphore_mem>>)
      %dma_start3A_1340 = arith.constant 1 : i32
      %dma_start3A_1341 = arith.constant 1 : i32
      %dma_start3A_1342 = arith.constant 0 : i32
      %dma_start3A_1343 = arith.constant 0 : i32
      %dma_start3A_1344 = tpu.memref_slice %arg11[%dma_start3A_1340, %dma_start3A_1342, %dma_start3A_1343] : memref<15x32x128xf32, #tpu.memory_space<vmem>> -> memref<1x32x128xf32, #tpu.memory_space<vmem>>
      %dma_start3A_1345 = tpu.memref_squeeze %dma_start3A_1344 : memref<1x32x128xf32, #tpu.memory_space<vmem>> -> memref<32x128xf32, #tpu.memory_space<vmem>>
      %dma_start3A_1346 = arith.constant 0 : i32
      %dma_start3A_1347 = tpu.memref_slice %arg5[%dma_start3A_1346, %multiple_of3A_1317] : memref<32x1000000xf32, #tpu.memory_space<hbm>> -> memref<32x128xf32, #tpu.memory_space<hbm>>
      %dma_start3A_1348 = tpu.memref_slice %arg14[%dma_start3A_1341] : memref<15x!tpu.dma_semaphore, #tpu.memory_space<semaphore_mem>> -> memref<1x!tpu.dma_semaphore, #tpu.memory_space<semaphore_mem>>
      %dma_start3A_1349 = tpu.memref_squeeze %dma_start3A_1348 : memref<1x!tpu.dma_semaphore, #tpu.memory_space<semaphore_mem>> -> memref<!tpu.dma_semaphore, #tpu.memory_space<semaphore_mem>>
      %dma_start3A_1350 = arith.constant 0 : i32
      %dma_start3A_1351 = arith.constant 0 : i32
      %dma_start3A_1352 = tpu.memref_slice %arg11[%dma_start3A_1340, %dma_start3A_1350, %dma_start3A_1351] : memref<15x32x128xf32, #tpu.memory_space<vmem>> -> memref<1x32x128xf32, #tpu.memory_space<vmem>>
      %dma_start3A_1353 = tpu.memref_squeeze %dma_start3A_1352 : memref<1x32x128xf32, #tpu.memory_space<vmem>> -> memref<32x128xf32, #tpu.memory_space<vmem>>
      %dma_start3A_1354 = arith.constant 0 : i32
      %dma_start3A_1355 = tpu.memref_slice %arg5[%dma_start3A_1354, %multiple_of3A_1317] : memref<32x1000000xf32, #tpu.memory_space<hbm>> -> memref<32x128xf32, #tpu.memory_space<hbm>>
      tpu.enqueue_dma source(%dma_start3A_1355 : memref<32x128xf32, #tpu.memory_space<hbm>>) target(%dma_start3A_1353 : memref<32x128xf32, #tpu.memory_space<vmem>>) target_semaphore(%dma_start3A_1349 : memref<!tpu.dma_semaphore, #tpu.memory_space<semaphore_mem>>)
      %shift_right_logical3A_1356 = arith.constant 7 : i32
      %shift_right_logical3A_1357 = arith.shrui %scan3A_1230, %shift_right_logical3A_1356 : i32
      %shift_left3A_1358 = arith.constant 7 : i32
      %shift_left3A_1359 = arith.shli %shift_right_logical3A_1357, %shift_left3A_1358 : i32
      %multiple_of3A_1360 = tpu.assume_multiple %shift_left3A_1359, 128 : i32
      %shift_right_logical3A_1361 = arith.constant 7 : i32
      %shift_right_logical3A_1362 = arith.shrui %scan3A_1245, %shift_right_logical3A_1361 : i32
      %shift_left3A_1363 = arith.constant 7 : i32
      %shift_left3A_1364 = arith.shli %shift_right_logical3A_1362, %shift_left3A_1363 : i32
      %multiple_of3A_1365 = tpu.assume_multiple %shift_left3A_1364, 128 : i32
      %and3A_1366 = arith.constant 127 : i32
      %and3A_1367 = arith.andi %scan3A_1230, %and3A_1366 : i32
      %broadcast_in_dim3A_1368 = vector.broadcast %and3A_1367 : i32 to vector<16xi32>
      %and3A_1369 = arith.constant 127 : i32
      %and3A_1370 = arith.andi %scan3A_1245, %and3A_1369 : i32
      %broadcast_in_dim3A_1371 = vector.broadcast %and3A_1370 : i32 to vector<16xi32>
      %dma_start3A_1372 = arith.constant 2 : i32
      %dma_start3A_1373 = arith.constant 2 : i32
      %dma_start3A_1374 = arith.constant 0 : i32
      %dma_start3A_1375 = arith.constant 0 : i32
      %dma_start3A_1376 = tpu.memref_slice %arg10[%dma_start3A_1372, %dma_start3A_1374, %dma_start3A_1375] : memref<15x32x128xf32, #tpu.memory_space<vmem>> -> memref<1x32x128xf32, #tpu.memory_space<vmem>>
      %dma_start3A_1377 = tpu.memref_squeeze %dma_start3A_1376 : memref<1x32x128xf32, #tpu.memory_space<vmem>> -> memref<32x128xf32, #tpu.memory_space<vmem>>
      %dma_start3A_1378 = arith.constant 0 : i32
      %dma_start3A_1379 = tpu.memref_slice %arg4[%dma_start3A_1378, %multiple_of3A_1360] : memref<32x1000000xf32, #tpu.memory_space<hbm>> -> memref<32x128xf32, #tpu.memory_space<hbm>>
      %dma_start3A_1380 = tpu.memref_slice %arg13[%dma_start3A_1373] : memref<15x!tpu.dma_semaphore, #tpu.memory_space<semaphore_mem>> -> memref<1x!tpu.dma_semaphore, #tpu.memory_space<semaphore_mem>>
      %dma_start3A_1381 = tpu.memref_squeeze %dma_start3A_1380 : memref<1x!tpu.dma_semaphore, #tpu.memory_space<semaphore_mem>> -> memref<!tpu.dma_semaphore, #tpu.memory_space<semaphore_mem>>
      %dma_start3A_1382 = arith.constant 0 : i32
      %dma_start3A_1383 = arith.constant 0 : i32
      %dma_start3A_1384 = tpu.memref_slice %arg10[%dma_start3A_1372, %dma_start3A_1382, %dma_start3A_1383] : memref<15x32x128xf32, #tpu.memory_space<vmem>> -> memref<1x32x128xf32, #tpu.memory_space<vmem>>
      %dma_start3A_1385 = tpu.memref_squeeze %dma_start3A_1384 : memref<1x32x128xf32, #tpu.memory_space<vmem>> -> memref<32x128xf32, #tpu.memory_space<vmem>>
      %dma_start3A_1386 = arith.constant 0 : i32
      %dma_start3A_1387 = tpu.memref_slice %arg4[%dma_start3A_1386, %multiple_of3A_1360] : memref<32x1000000xf32, #tpu.memory_space<hbm>> -> memref<32x128xf32, #tpu.memory_space<hbm>>
      tpu.enqueue_dma source(%dma_start3A_1387 : memref<32x128xf32, #tpu.memory_space<hbm>>) target(%dma_start3A_1385 : memref<32x128xf32, #tpu.memory_space<vmem>>) target_semaphore(%dma_start3A_1381 : memref<!tpu.dma_semaphore, #tpu.memory_space<semaphore_mem>>)
      %dma_start3A_1388 = arith.constant 2 : i32
      %dma_start3A_1389 = arith.constant 2 : i32
      %dma_start3A_1390 = arith.constant 0 : i32
      %dma_start3A_1391 = arith.constant 0 : i32
      %dma_start3A_1392 = tpu.memref_slice %arg11[%dma_start3A_1388, %dma_start3A_1390, %dma_start3A_1391] : memref<15x32x128xf32, #tpu.memory_space<vmem>> -> memref<1x32x128xf32, #tpu.memory_space<vmem>>
      %dma_start3A_1393 = tpu.memref_squeeze %dma_start3A_1392 : memref<1x32x128xf32, #tpu.memory_space<vmem>> -> memref<32x128xf32, #tpu.memory_space<vmem>>
      %dma_start3A_1394 = arith.constant 0 : i32
      %dma_start3A_1395 = tpu.memref_slice %arg5[%dma_start3A_1394, %multiple_of3A_1365] : memref<32x1000000xf32, #tpu.memory_space<hbm>> -> memref<32x128xf32, #tpu.memory_space<hbm>>
      %dma_start3A_1396 = tpu.memref_slice %arg14[%dma_start3A_1389] : memref<15x!tpu.dma_semaphore, #tpu.memory_space<semaphore_mem>> -> memref<1x!tpu.dma_semaphore, #tpu.memory_space<semaphore_mem>>
      %dma_start3A_1397 = tpu.memref_squeeze %dma_start3A_1396 : memref<1x!tpu.dma_semaphore, #tpu.memory_space<semaphore_mem>> -> memref<!tpu.dma_semaphore, #tpu.memory_space<semaphore_mem>>
      %dma_start3A_1398 = arith.constant 0 : i32
      %dma_start3A_1399 = arith.constant 0 : i32
      %dma_start3A_1400 = tpu.memref_slice %arg11[%dma_start3A_1388, %dma_start3A_1398, %dma_start3A_1399] : memref<15x32x128xf32, #tpu.memory_space<vmem>> -> memref<1x32x128xf32, #tpu.memory_space<vmem>>
      %dma_start3A_1401 = tpu.memref_squeeze %dma_start3A_1400 : memref<1x32x128xf32, #tpu.memory_space<vmem>> -> memref<32x128xf32, #tpu.memory_space<vmem>>
      %dma_start3A_1402 = arith.constant 0 : i32
      %dma_start3A_1403 = tpu.memref_slice %arg5[%dma_start3A_1402, %multiple_of3A_1365] : memref<32x1000000xf32, #tpu.memory_space<hbm>> -> memref<32x128xf32, #tpu.memory_space<hbm>>
      tpu.enqueue_dma source(%dma_start3A_1403 : memref<32x128xf32, #tpu.memory_space<hbm>>) target(%dma_start3A_1401 : memref<32x128xf32, #tpu.memory_space<vmem>>) target_semaphore(%dma_start3A_1397 : memref<!tpu.dma_semaphore, #tpu.memory_space<semaphore_mem>>)
      %shift_right_logical3A_1404 = arith.constant 7 : i32
      %shift_right_logical3A_1405 = arith.shrui %scan3A_1231, %shift_right_logical3A_1404 : i32
      %shift_left3A_1406 = arith.constant 7 : i32
      %shift_left3A_1407 = arith.shli %shift_right_logical3A_1405, %shift_left3A_1406 : i32
      %multiple_of3A_1408 = tpu.assume_multiple %shift_left3A_1407, 128 : i32
      %shift_right_logical3A_1409 = arith.constant 7 : i32
      %shift_right_logical3A_1410 = arith.shrui %scan3A_1246, %shift_right_logical3A_1409 : i32
      %shift_left3A_1411 = arith.constant 7 : i32
      %shift_left3A_1412 = arith.shli %shift_right_logical3A_1410, %shift_left3A_1411 : i32
      %multiple_of3A_1413 = tpu.assume_multiple %shift_left3A_1412, 128 : i32
      %and3A_1414 = arith.constant 127 : i32
      %and3A_1415 = arith.andi %scan3A_1231, %and3A_1414 : i32
      %broadcast_in_dim3A_1416 = vector.broadcast %and3A_1415 : i32 to vector<16xi32>
      %and3A_1417 = arith.constant 127 : i32
      %and3A_1418 = arith.andi %scan3A_1246, %and3A_1417 : i32
      %broadcast_in_dim3A_1419 = vector.broadcast %and3A_1418 : i32 to vector<16xi32>
      %dma_start3A_1420 = arith.constant 3 : i32
      %dma_start3A_1421 = arith.constant 3 : i32
      %dma_start3A_1422 = arith.constant 0 : i32
      %dma_start3A_1423 = arith.constant 0 : i32
      %dma_start3A_1424 = tpu.memref_slice %arg10[%dma_start3A_1420, %dma_start3A_1422, %dma_start3A_1423] : memref<15x32x128xf32, #tpu.memory_space<vmem>> -> memref<1x32x128xf32, #tpu.memory_space<vmem>>
      %dma_start3A_1425 = tpu.memref_squeeze %dma_start3A_1424 : memref<1x32x128xf32, #tpu.memory_space<vmem>> -> memref<32x128xf32, #tpu.memory_space<vmem>>
      %dma_start3A_1426 = arith.constant 0 : i32
      %dma_start3A_1427 = tpu.memref_slice %arg4[%dma_start3A_1426, %multiple_of3A_1408] : memref<32x1000000xf32, #tpu.memory_space<hbm>> -> memref<32x128xf32, #tpu.memory_space<hbm>>
      %dma_start3A_1428 = tpu.memref_slice %arg13[%dma_start3A_1421] : memref<15x!tpu.dma_semaphore, #tpu.memory_space<semaphore_mem>> -> memref<1x!tpu.dma_semaphore, #tpu.memory_space<semaphore_mem>>
      %dma_start3A_1429 = tpu.memref_squeeze %dma_start3A_1428 : memref<1x!tpu.dma_semaphore, #tpu.memory_space<semaphore_mem>> -> memref<!tpu.dma_semaphore, #tpu.memory_space<semaphore_mem>>
      %dma_start3A_1430 = arith.constant 0 : i32
      %dma_start3A_1431 = arith.constant 0 : i32
      %dma_start3A_1432 = tpu.memref_slice %arg10[%dma_start3A_1420, %dma_start3A_1430, %dma_start3A_1431] : memref<15x32x128xf32, #tpu.memory_space<vmem>> -> memref<1x32x128xf32, #tpu.memory_space<vmem>>
      %dma_start3A_1433 = tpu.memref_squeeze %dma_start3A_1432 : memref<1x32x128xf32, #tpu.memory_space<vmem>> -> memref<32x128xf32, #tpu.memory_space<vmem>>
      %dma_start3A_1434 = arith.constant 0 : i32
      %dma_start3A_1435 = tpu.memref_slice %arg4[%dma_start3A_1434, %multiple_of3A_1408] : memref<32x1000000xf32, #tpu.memory_space<hbm>> -> memref<32x128xf32, #tpu.memory_space<hbm>>
      tpu.enqueue_dma source(%dma_start3A_1435 : memref<32x128xf32, #tpu.memory_space<hbm>>) target(%dma_start3A_1433 : memref<32x128xf32, #tpu.memory_space<vmem>>) target_semaphore(%dma_start3A_1429 : memref<!tpu.dma_semaphore, #tpu.memory_space<semaphore_mem>>)
      %dma_start3A_1436 = arith.constant 3 : i32
      %dma_start3A_1437 = arith.constant 3 : i32
      %dma_start3A_1438 = arith.constant 0 : i32
      %dma_start3A_1439 = arith.constant 0 : i32
      %dma_start3A_1440 = tpu.memref_slice %arg11[%dma_start3A_1436, %dma_start3A_1438, %dma_start3A_1439] : memref<15x32x128xf32, #tpu.memory_space<vmem>> -> memref<1x32x128xf32, #tpu.memory_space<vmem>>
      %dma_start3A_1441 = tpu.memref_squeeze %dma_start3A_1440 : memref<1x32x128xf32, #tpu.memory_space<vmem>> -> memref<32x128xf32, #tpu.memory_space<vmem>>
      %dma_start3A_1442 = arith.constant 0 : i32
      %dma_start3A_1443 = tpu.memref_slice %arg5[%dma_start3A_1442, %multiple_of3A_1413] : memref<32x1000000xf32, #tpu.memory_space<hbm>> -> memref<32x128xf32, #tpu.memory_space<hbm>>
      %dma_start3A_1444 = tpu.memref_slice %arg14[%dma_start3A_1437] : memref<15x!tpu.dma_semaphore, #tpu.memory_space<semaphore_mem>> -> memref<1x!tpu.dma_semaphore, #tpu.memory_space<semaphore_mem>>
      %dma_start3A_1445 = tpu.memref_squeeze %dma_start3A_1444 : memref<1x!tpu.dma_semaphore, #tpu.memory_space<semaphore_mem>> -> memref<!tpu.dma_semaphore, #tpu.memory_space<semaphore_mem>>
      %dma_start3A_1446 = arith.constant 0 : i32
      %dma_start3A_1447 = arith.constant 0 : i32
      %dma_start3A_1448 = tpu.memref_slice %arg11[%dma_start3A_1436, %dma_start3A_1446, %dma_start3A_1447] : memref<15x32x128xf32, #tpu.memory_space<vmem>> -> memref<1x32x128xf32, #tpu.memory_space<vmem>>
      %dma_start3A_1449 = tpu.memref_squeeze %dma_start3A_1448 : memref<1x32x128xf32, #tpu.memory_space<vmem>> -> memref<32x128xf32, #tpu.memory_space<vmem>>
      %dma_start3A_1450 = arith.constant 0 : i32
      %dma_start3A_1451 = tpu.memref_slice %arg5[%dma_start3A_1450, %multiple_of3A_1413] : memref<32x1000000xf32, #tpu.memory_space<hbm>> -> memref<32x128xf32, #tpu.memory_space<hbm>>
      tpu.enqueue_dma source(%dma_start3A_1451 : memref<32x128xf32, #tpu.memory_space<hbm>>) target(%dma_start3A_1449 : memref<32x128xf32, #tpu.memory_space<vmem>>) target_semaphore(%dma_start3A_1445 : memref<!tpu.dma_semaphore, #tpu.memory_space<semaphore_mem>>)
      %shift_right_logical3A_1452 = arith.constant 7 : i32
      %shift_right_logical3A_1453 = arith.shrui %scan3A_1232, %shift_right_logical3A_1452 : i32
      %shift_left3A_1454 = arith.constant 7 : i32
      %shift_left3A_1455 = arith.shli %shift_right_logical3A_1453, %shift_left3A_1454 : i32
      %multiple_of3A_1456 = tpu.assume_multiple %shift_left3A_1455, 128 : i32
      %shift_right_logical3A_1457 = arith.constant 7 : i32
      %shift_right_logical3A_1458 = arith.shrui %scan3A_1247, %shift_right_logical3A_1457 : i32
      %shift_left3A_1459 = arith.constant 7 : i32
      %shift_left3A_1460 = arith.shli %shift_right_logical3A_1458, %shift_left3A_1459 : i32
      %multiple_of3A_1461 = tpu.assume_multiple %shift_left3A_1460, 128 : i32
      %and3A_1462 = arith.constant 127 : i32
      %and3A_1463 = arith.andi %scan3A_1232, %and3A_1462 : i32
      %broadcast_in_dim3A_1464 = vector.broadcast %and3A_1463 : i32 to vector<16xi32>
      %and3A_1465 = arith.constant 127 : i32
      %and3A_1466 = arith.andi %scan3A_1247, %and3A_1465 : i32
      %broadcast_in_dim3A_1467 = vector.broadcast %and3A_1466 : i32 to vector<16xi32>
      %dma_start3A_1468 = arith.constant 4 : i32
      %dma_start3A_1469 = arith.constant 4 : i32
      %dma_start3A_1470 = arith.constant 0 : i32
      %dma_start3A_1471 = arith.constant 0 : i32
      %dma_start3A_1472 = tpu.memref_slice %arg10[%dma_start3A_1468, %dma_start3A_1470, %dma_start3A_1471] : memref<15x32x128xf32, #tpu.memory_space<vmem>> -> memref<1x32x128xf32, #tpu.memory_space<vmem>>
      %dma_start3A_1473 = tpu.memref_squeeze %dma_start3A_1472 : memref<1x32x128xf32, #tpu.memory_space<vmem>> -> memref<32x128xf32, #tpu.memory_space<vmem>>
      %dma_start3A_1474 = arith.constant 0 : i32
      %dma_start3A_1475 = tpu.memref_slice %arg4[%dma_start3A_1474, %multiple_of3A_1456] : memref<32x1000000xf32, #tpu.memory_space<hbm>> -> memref<32x128xf32, #tpu.memory_space<hbm>>
      %dma_start3A_1476 = tpu.memref_slice %arg13[%dma_start3A_1469] : memref<15x!tpu.dma_semaphore, #tpu.memory_space<semaphore_mem>> -> memref<1x!tpu.dma_semaphore, #tpu.memory_space<semaphore_mem>>
      %dma_start3A_1477 = tpu.memref_squeeze %dma_start3A_1476 : memref<1x!tpu.dma_semaphore, #tpu.memory_space<semaphore_mem>> -> memref<!tpu.dma_semaphore, #tpu.memory_space<semaphore_mem>>
      %dma_start3A_1478 = arith.constant 0 : i32
      %dma_start3A_1479 = arith.constant 0 : i32
      %dma_start3A_1480 = tpu.memref_slice %arg10[%dma_start3A_1468, %dma_start3A_1478, %dma_start3A_1479] : memref<15x32x128xf32, #tpu.memory_space<vmem>> -> memref<1x32x128xf32, #tpu.memory_space<vmem>>
      %dma_start3A_1481 = tpu.memref_squeeze %dma_start3A_1480 : memref<1x32x128xf32, #tpu.memory_space<vmem>> -> memref<32x128xf32, #tpu.memory_space<vmem>>
      %dma_start3A_1482 = arith.constant 0 : i32
      %dma_start3A_1483 = tpu.memref_slice %arg4[%dma_start3A_1482, %multiple_of3A_1456] : memref<32x1000000xf32, #tpu.memory_space<hbm>> -> memref<32x128xf32, #tpu.memory_space<hbm>>
      tpu.enqueue_dma source(%dma_start3A_1483 : memref<32x128xf32, #tpu.memory_space<hbm>>) target(%dma_start3A_1481 : memref<32x128xf32, #tpu.memory_space<vmem>>) target_semaphore(%dma_start3A_1477 : memref<!tpu.dma_semaphore, #tpu.memory_space<semaphore_mem>>)
      %dma_start3A_1484 = arith.constant 4 : i32
      %dma_start3A_1485 = arith.constant 4 : i32
      %dma_start3A_1486 = arith.constant 0 : i32
      %dma_start3A_1487 = arith.constant 0 : i32
      %dma_start3A_1488 = tpu.memref_slice %arg11[%dma_start3A_1484, %dma_start3A_1486, %dma_start3A_1487] : memref<15x32x128xf32, #tpu.memory_space<vmem>> -> memref<1x32x128xf32, #tpu.memory_space<vmem>>
      %dma_start3A_1489 = tpu.memref_squeeze %dma_start3A_1488 : memref<1x32x128xf32, #tpu.memory_space<vmem>> -> memref<32x128xf32, #tpu.memory_space<vmem>>
      %dma_start3A_1490 = arith.constant 0 : i32
      %dma_start3A_1491 = tpu.memref_slice %arg5[%dma_start3A_1490, %multiple_of3A_1461] : memref<32x1000000xf32, #tpu.memory_space<hbm>> -> memref<32x128xf32, #tpu.memory_space<hbm>>
      %dma_start3A_1492 = tpu.memref_slice %arg14[%dma_start3A_1485] : memref<15x!tpu.dma_semaphore, #tpu.memory_space<semaphore_mem>> -> memref<1x!tpu.dma_semaphore, #tpu.memory_space<semaphore_mem>>
      %dma_start3A_1493 = tpu.memref_squeeze %dma_start3A_1492 : memref<1x!tpu.dma_semaphore, #tpu.memory_space<semaphore_mem>> -> memref<!tpu.dma_semaphore, #tpu.memory_space<semaphore_mem>>
      %dma_start3A_1494 = arith.constant 0 : i32
      %dma_start3A_1495 = arith.constant 0 : i32
      %dma_start3A_1496 = tpu.memref_slice %arg11[%dma_start3A_1484, %dma_start3A_1494, %dma_start3A_1495] : memref<15x32x128xf32, #tpu.memory_space<vmem>> -> memref<1x32x128xf32, #tpu.memory_space<vmem>>
      %dma_start3A_1497 = tpu.memref_squeeze %dma_start3A_1496 : memref<1x32x128xf32, #tpu.memory_space<vmem>> -> memref<32x128xf32, #tpu.memory_space<vmem>>
      %dma_start3A_1498 = arith.constant 0 : i32
      %dma_start3A_1499 = tpu.memref_slice %arg5[%dma_start3A_1498, %multiple_of3A_1461] : memref<32x1000000xf32, #tpu.memory_space<hbm>> -> memref<32x128xf32, #tpu.memory_space<hbm>>
      tpu.enqueue_dma source(%dma_start3A_1499 : memref<32x128xf32, #tpu.memory_space<hbm>>) target(%dma_start3A_1497 : memref<32x128xf32, #tpu.memory_space<vmem>>) target_semaphore(%dma_start3A_1493 : memref<!tpu.dma_semaphore, #tpu.memory_space<semaphore_mem>>)
      %shift_right_logical3A_1500 = arith.constant 7 : i32
      %shift_right_logical3A_1501 = arith.shrui %scan3A_1233, %shift_right_logical3A_1500 : i32
      %shift_left3A_1502 = arith.constant 7 : i32
      %shift_left3A_1503 = arith.shli %shift_right_logical3A_1501, %shift_left3A_1502 : i32
      %multiple_of3A_1504 = tpu.assume_multiple %shift_left3A_1503, 128 : i32
      %shift_right_logical3A_1505 = arith.constant 7 : i32
      %shift_right_logical3A_1506 = arith.shrui %scan3A_1248, %shift_right_logical3A_1505 : i32
      %shift_left3A_1507 = arith.constant 7 : i32
      %shift_left3A_1508 = arith.shli %shift_right_logical3A_1506, %shift_left3A_1507 : i32
      %multiple_of3A_1509 = tpu.assume_multiple %shift_left3A_1508, 128 : i32
      %and3A_1510 = arith.constant 127 : i32
      %and3A_1511 = arith.andi %scan3A_1233, %and3A_1510 : i32
      %broadcast_in_dim3A_1512 = vector.broadcast %and3A_1511 : i32 to vector<16xi32>
      %and3A_1513 = arith.constant 127 : i32
      %and3A_1514 = arith.andi %scan3A_1248, %and3A_1513 : i32
      %broadcast_in_dim3A_1515 = vector.broadcast %and3A_1514 : i32 to vector<16xi32>
      %dma_start3A_1516 = arith.constant 5 : i32
      %dma_start3A_1517 = arith.constant 5 : i32
      %dma_start3A_1518 = arith.constant 0 : i32
      %dma_start3A_1519 = arith.constant 0 : i32
      %dma_start3A_1520 = tpu.memref_slice %arg10[%dma_start3A_1516, %dma_start3A_1518, %dma_start3A_1519] : memref<15x32x128xf32, #tpu.memory_space<vmem>> -> memref<1x32x128xf32, #tpu.memory_space<vmem>>
      %dma_start3A_1521 = tpu.memref_squeeze %dma_start3A_1520 : memref<1x32x128xf32, #tpu.memory_space<vmem>> -> memref<32x128xf32, #tpu.memory_space<vmem>>
      %dma_start3A_1522 = arith.constant 0 : i32
      %dma_start3A_1523 = tpu.memref_slice %arg4[%dma_start3A_1522, %multiple_of3A_1504] : memref<32x1000000xf32, #tpu.memory_space<hbm>> -> memref<32x128xf32, #tpu.memory_space<hbm>>
      %dma_start3A_1524 = tpu.memref_slice %arg13[%dma_start3A_1517] : memref<15x!tpu.dma_semaphore, #tpu.memory_space<semaphore_mem>> -> memref<1x!tpu.dma_semaphore, #tpu.memory_space<semaphore_mem>>
      %dma_start3A_1525 = tpu.memref_squeeze %dma_start3A_1524 : memref<1x!tpu.dma_semaphore, #tpu.memory_space<semaphore_mem>> -> memref<!tpu.dma_semaphore, #tpu.memory_space<semaphore_mem>>
      %dma_start3A_1526 = arith.constant 0 : i32
      %dma_start3A_1527 = arith.constant 0 : i32
      %dma_start3A_1528 = tpu.memref_slice %arg10[%dma_start3A_1516, %dma_start3A_1526, %dma_start3A_1527] : memref<15x32x128xf32, #tpu.memory_space<vmem>> -> memref<1x32x128xf32, #tpu.memory_space<vmem>>
      %dma_start3A_1529 = tpu.memref_squeeze %dma_start3A_1528 : memref<1x32x128xf32, #tpu.memory_space<vmem>> -> memref<32x128xf32, #tpu.memory_space<vmem>>
      %dma_start3A_1530 = arith.constant 0 : i32
      %dma_start3A_1531 = tpu.memref_slice %arg4[%dma_start3A_1530, %multiple_of3A_1504] : memref<32x1000000xf32, #tpu.memory_space<hbm>> -> memref<32x128xf32, #tpu.memory_space<hbm>>
      tpu.enqueue_dma source(%dma_start3A_1531 : memref<32x128xf32, #tpu.memory_space<hbm>>) target(%dma_start3A_1529 : memref<32x128xf32, #tpu.memory_space<vmem>>) target_semaphore(%dma_start3A_1525 : memref<!tpu.dma_semaphore, #tpu.memory_space<semaphore_mem>>)
      %dma_start3A_1532 = arith.constant 5 : i32
      %dma_start3A_1533 = arith.constant 5 : i32
      %dma_start3A_1534 = arith.constant 0 : i32
      %dma_start3A_1535 = arith.constant 0 : i32
      %dma_start3A_1536 = tpu.memref_slice %arg11[%dma_start3A_1532, %dma_start3A_1534, %dma_start3A_1535] : memref<15x32x128xf32, #tpu.memory_space<vmem>> -> memref<1x32x128xf32, #tpu.memory_space<vmem>>
      %dma_start3A_1537 = tpu.memref_squeeze %dma_start3A_1536 : memref<1x32x128xf32, #tpu.memory_space<vmem>> -> memref<32x128xf32, #tpu.memory_space<vmem>>
      %dma_start3A_1538 = arith.constant 0 : i32
      %dma_start3A_1539 = tpu.memref_slice %arg5[%dma_start3A_1538, %multiple_of3A_1509] : memref<32x1000000xf32, #tpu.memory_space<hbm>> -> memref<32x128xf32, #tpu.memory_space<hbm>>
      %dma_start3A_1540 = tpu.memref_slice %arg14[%dma_start3A_1533] : memref<15x!tpu.dma_semaphore, #tpu.memory_space<semaphore_mem>> -> memref<1x!tpu.dma_semaphore, #tpu.memory_space<semaphore_mem>>
      %dma_start3A_1541 = tpu.memref_squeeze %dma_start3A_1540 : memref<1x!tpu.dma_semaphore, #tpu.memory_space<semaphore_mem>> -> memref<!tpu.dma_semaphore, #tpu.memory_space<semaphore_mem>>
      %dma_start3A_1542 = arith.constant 0 : i32
      %dma_start3A_1543 = arith.constant 0 : i32
      %dma_start3A_1544 = tpu.memref_slice %arg11[%dma_start3A_1532, %dma_start3A_1542, %dma_start3A_1543] : memref<15x32x128xf32, #tpu.memory_space<vmem>> -> memref<1x32x128xf32, #tpu.memory_space<vmem>>
      %dma_start3A_1545 = tpu.memref_squeeze %dma_start3A_1544 : memref<1x32x128xf32, #tpu.memory_space<vmem>> -> memref<32x128xf32, #tpu.memory_space<vmem>>
      %dma_start3A_1546 = arith.constant 0 : i32
      %dma_start3A_1547 = tpu.memref_slice %arg5[%dma_start3A_1546, %multiple_of3A_1509] : memref<32x1000000xf32, #tpu.memory_space<hbm>> -> memref<32x128xf32, #tpu.memory_space<hbm>>
      tpu.enqueue_dma source(%dma_start3A_1547 : memref<32x128xf32, #tpu.memory_space<hbm>>) target(%dma_start3A_1545 : memref<32x128xf32, #tpu.memory_space<vmem>>) target_semaphore(%dma_start3A_1541 : memref<!tpu.dma_semaphore, #tpu.memory_space<semaphore_mem>>)
      %shift_right_logical3A_1548 = arith.constant 7 : i32
      %shift_right_logical3A_1549 = arith.shrui %scan3A_1234, %shift_right_logical3A_1548 : i32
      %shift_left3A_1550 = arith.constant 7 : i32
      %shift_left3A_1551 = arith.shli %shift_right_logical3A_1549, %shift_left3A_1550 : i32
      %multiple_of3A_1552 = tpu.assume_multiple %shift_left3A_1551, 128 : i32
      %shift_right_logical3A_1553 = arith.constant 7 : i32
      %shift_right_logical3A_1554 = arith.shrui %scan3A_1249, %shift_right_logical3A_1553 : i32
      %shift_left3A_1555 = arith.constant 7 : i32
      %shift_left3A_1556 = arith.shli %shift_right_logical3A_1554, %shift_left3A_1555 : i32
      %multiple_of3A_1557 = tpu.assume_multiple %shift_left3A_1556, 128 : i32
      %and3A_1558 = arith.constant 127 : i32
      %and3A_1559 = arith.andi %scan3A_1234, %and3A_1558 : i32
      %broadcast_in_dim3A_1560 = vector.broadcast %and3A_1559 : i32 to vector<16xi32>
      %and3A_1561 = arith.constant 127 : i32
      %and3A_1562 = arith.andi %scan3A_1249, %and3A_1561 : i32
      %broadcast_in_dim3A_1563 = vector.broadcast %and3A_1562 : i32 to vector<16xi32>
      %dma_start3A_1564 = arith.constant 6 : i32
      %dma_start3A_1565 = arith.constant 6 : i32
      %dma_start3A_1566 = arith.constant 0 : i32
      %dma_start3A_1567 = arith.constant 0 : i32
      %dma_start3A_1568 = tpu.memref_slice %arg10[%dma_start3A_1564, %dma_start3A_1566, %dma_start3A_1567] : memref<15x32x128xf32, #tpu.memory_space<vmem>> -> memref<1x32x128xf32, #tpu.memory_space<vmem>>
      %dma_start3A_1569 = tpu.memref_squeeze %dma_start3A_1568 : memref<1x32x128xf32, #tpu.memory_space<vmem>> -> memref<32x128xf32, #tpu.memory_space<vmem>>
      %dma_start3A_1570 = arith.constant 0 : i32
      %dma_start3A_1571 = tpu.memref_slice %arg4[%dma_start3A_1570, %multiple_of3A_1552] : memref<32x1000000xf32, #tpu.memory_space<hbm>> -> memref<32x128xf32, #tpu.memory_space<hbm>>
      %dma_start3A_1572 = tpu.memref_slice %arg13[%dma_start3A_1565] : memref<15x!tpu.dma_semaphore, #tpu.memory_space<semaphore_mem>> -> memref<1x!tpu.dma_semaphore, #tpu.memory_space<semaphore_mem>>
      %dma_start3A_1573 = tpu.memref_squeeze %dma_start3A_1572 : memref<1x!tpu.dma_semaphore, #tpu.memory_space<semaphore_mem>> -> memref<!tpu.dma_semaphore, #tpu.memory_space<semaphore_mem>>
      %dma_start3A_1574 = arith.constant 0 : i32
      %dma_start3A_1575 = arith.constant 0 : i32
      %dma_start3A_1576 = tpu.memref_slice %arg10[%dma_start3A_1564, %dma_start3A_1574, %dma_start3A_1575] : memref<15x32x128xf32, #tpu.memory_space<vmem>> -> memref<1x32x128xf32, #tpu.memory_space<vmem>>
      %dma_start3A_1577 = tpu.memref_squeeze %dma_start3A_1576 : memref<1x32x128xf32, #tpu.memory_space<vmem>> -> memref<32x128xf32, #tpu.memory_space<vmem>>
      %dma_start3A_1578 = arith.constant 0 : i32
      %dma_start3A_1579 = tpu.memref_slice %arg4[%dma_start3A_1578, %multiple_of3A_1552] : memref<32x1000000xf32, #tpu.memory_space<hbm>> -> memref<32x128xf32, #tpu.memory_space<hbm>>
      tpu.enqueue_dma source(%dma_start3A_1579 : memref<32x128xf32, #tpu.memory_space<hbm>>) target(%dma_start3A_1577 : memref<32x128xf32, #tpu.memory_space<vmem>>) target_semaphore(%dma_start3A_1573 : memref<!tpu.dma_semaphore, #tpu.memory_space<semaphore_mem>>)
      %dma_start3A_1580 = arith.constant 6 : i32
      %dma_start3A_1581 = arith.constant 6 : i32
      %dma_start3A_1582 = arith.constant 0 : i32
      %dma_start3A_1583 = arith.constant 0 : i32
      %dma_start3A_1584 = tpu.memref_slice %arg11[%dma_start3A_1580, %dma_start3A_1582, %dma_start3A_1583] : memref<15x32x128xf32, #tpu.memory_space<vmem>> -> memref<1x32x128xf32, #tpu.memory_space<vmem>>
      %dma_start3A_1585 = tpu.memref_squeeze %dma_start3A_1584 : memref<1x32x128xf32, #tpu.memory_space<vmem>> -> memref<32x128xf32, #tpu.memory_space<vmem>>
      %dma_start3A_1586 = arith.constant 0 : i32
      %dma_start3A_1587 = tpu.memref_slice %arg5[%dma_start3A_1586, %multiple_of3A_1557] : memref<32x1000000xf32, #tpu.memory_space<hbm>> -> memref<32x128xf32, #tpu.memory_space<hbm>>
      %dma_start3A_1588 = tpu.memref_slice %arg14[%dma_start3A_1581] : memref<15x!tpu.dma_semaphore, #tpu.memory_space<semaphore_mem>> -> memref<1x!tpu.dma_semaphore, #tpu.memory_space<semaphore_mem>>
      %dma_start3A_1589 = tpu.memref_squeeze %dma_start3A_1588 : memref<1x!tpu.dma_semaphore, #tpu.memory_space<semaphore_mem>> -> memref<!tpu.dma_semaphore, #tpu.memory_space<semaphore_mem>>
      %dma_start3A_1590 = arith.constant 0 : i32
      %dma_start3A_1591 = arith.constant 0 : i32
      %dma_start3A_1592 = tpu.memref_slice %arg11[%dma_start3A_1580, %dma_start3A_1590, %dma_start3A_1591] : memref<15x32x128xf32, #tpu.memory_space<vmem>> -> memref<1x32x128xf32, #tpu.memory_space<vmem>>
      %dma_start3A_1593 = tpu.memref_squeeze %dma_start3A_1592 : memref<1x32x128xf32, #tpu.memory_space<vmem>> -> memref<32x128xf32, #tpu.memory_space<vmem>>
      %dma_start3A_1594 = arith.constant 0 : i32
      %dma_start3A_1595 = tpu.memref_slice %arg5[%dma_start3A_1594, %multiple_of3A_1557] : memref<32x1000000xf32, #tpu.memory_space<hbm>> -> memref<32x128xf32, #tpu.memory_space<hbm>>
      tpu.enqueue_dma source(%dma_start3A_1595 : memref<32x128xf32, #tpu.memory_space<hbm>>) target(%dma_start3A_1593 : memref<32x128xf32, #tpu.memory_space<vmem>>) target_semaphore(%dma_start3A_1589 : memref<!tpu.dma_semaphore, #tpu.memory_space<semaphore_mem>>)
      %shift_right_logical3A_1596 = arith.constant 7 : i32
      %shift_right_logical3A_1597 = arith.shrui %scan3A_1235, %shift_right_logical3A_1596 : i32
      %shift_left3A_1598 = arith.constant 7 : i32
      %shift_left3A_1599 = arith.shli %shift_right_logical3A_1597, %shift_left3A_1598 : i32
      %multiple_of3A_1600 = tpu.assume_multiple %shift_left3A_1599, 128 : i32
      %shift_right_logical3A_1601 = arith.constant 7 : i32
      %shift_right_logical3A_1602 = arith.shrui %scan3A_1250, %shift_right_logical3A_1601 : i32
      %shift_left3A_1603 = arith.constant 7 : i32
      %shift_left3A_1604 = arith.shli %shift_right_logical3A_1602, %shift_left3A_1603 : i32
      %multiple_of3A_1605 = tpu.assume_multiple %shift_left3A_1604, 128 : i32
      %and3A_1606 = arith.constant 127 : i32
      %and3A_1607 = arith.andi %scan3A_1235, %and3A_1606 : i32
      %broadcast_in_dim3A_1608 = vector.broadcast %and3A_1607 : i32 to vector<16xi32>
      %and3A_1609 = arith.constant 127 : i32
      %and3A_1610 = arith.andi %scan3A_1250, %and3A_1609 : i32
      %broadcast_in_dim3A_1611 = vector.broadcast %and3A_1610 : i32 to vector<16xi32>
      %dma_start3A_1612 = arith.constant 7 : i32
      %dma_start3A_1613 = arith.constant 7 : i32
      %dma_start3A_1614 = arith.constant 0 : i32
      %dma_start3A_1615 = arith.constant 0 : i32
      %dma_start3A_1616 = tpu.memref_slice %arg10[%dma_start3A_1612, %dma_start3A_1614, %dma_start3A_1615] : memref<15x32x128xf32, #tpu.memory_space<vmem>> -> memref<1x32x128xf32, #tpu.memory_space<vmem>>
      %dma_start3A_1617 = tpu.memref_squeeze %dma_start3A_1616 : memref<1x32x128xf32, #tpu.memory_space<vmem>> -> memref<32x128xf32, #tpu.memory_space<vmem>>
      %dma_start3A_1618 = arith.constant 0 : i32
      %dma_start3A_1619 = tpu.memref_slice %arg4[%dma_start3A_1618, %multiple_of3A_1600] : memref<32x1000000xf32, #tpu.memory_space<hbm>> -> memref<32x128xf32, #tpu.memory_space<hbm>>
      %dma_start3A_1620 = tpu.memref_slice %arg13[%dma_start3A_1613] : memref<15x!tpu.dma_semaphore, #tpu.memory_space<semaphore_mem>> -> memref<1x!tpu.dma_semaphore, #tpu.memory_space<semaphore_mem>>
      %dma_start3A_1621 = tpu.memref_squeeze %dma_start3A_1620 : memref<1x!tpu.dma_semaphore, #tpu.memory_space<semaphore_mem>> -> memref<!tpu.dma_semaphore, #tpu.memory_space<semaphore_mem>>
      %dma_start3A_1622 = arith.constant 0 : i32
      %dma_start3A_1623 = arith.constant 0 : i32
      %dma_start3A_1624 = tpu.memref_slice %arg10[%dma_start3A_1612, %dma_start3A_1622, %dma_start3A_1623] : memref<15x32x128xf32, #tpu.memory_space<vmem>> -> memref<1x32x128xf32, #tpu.memory_space<vmem>>
      %dma_start3A_1625 = tpu.memref_squeeze %dma_start3A_1624 : memref<1x32x128xf32, #tpu.memory_space<vmem>> -> memref<32x128xf32, #tpu.memory_space<vmem>>
      %dma_start3A_1626 = arith.constant 0 : i32
      %dma_start3A_1627 = tpu.memref_slice %arg4[%dma_start3A_1626, %multiple_of3A_1600] : memref<32x1000000xf32, #tpu.memory_space<hbm>> -> memref<32x128xf32, #tpu.memory_space<hbm>>
      tpu.enqueue_dma source(%dma_start3A_1627 : memref<32x128xf32, #tpu.memory_space<hbm>>) target(%dma_start3A_1625 : memref<32x128xf32, #tpu.memory_space<vmem>>) target_semaphore(%dma_start3A_1621 : memref<!tpu.dma_semaphore, #tpu.memory_space<semaphore_mem>>)
      %dma_start3A_1628 = arith.constant 7 : i32
      %dma_start3A_1629 = arith.constant 7 : i32
      %dma_start3A_1630 = arith.constant 0 : i32
      %dma_start3A_1631 = arith.constant 0 : i32
      %dma_start3A_1632 = tpu.memref_slice %arg11[%dma_start3A_1628, %dma_start3A_1630, %dma_start3A_1631] : memref<15x32x128xf32, #tpu.memory_space<vmem>> -> memref<1x32x128xf32, #tpu.memory_space<vmem>>
      %dma_start3A_1633 = tpu.memref_squeeze %dma_start3A_1632 : memref<1x32x128xf32, #tpu.memory_space<vmem>> -> memref<32x128xf32, #tpu.memory_space<vmem>>
      %dma_start3A_1634 = arith.constant 0 : i32
      %dma_start3A_1635 = tpu.memref_slice %arg5[%dma_start3A_1634, %multiple_of3A_1605] : memref<32x1000000xf32, #tpu.memory_space<hbm>> -> memref<32x128xf32, #tpu.memory_space<hbm>>
      %dma_start3A_1636 = tpu.memref_slice %arg14[%dma_start3A_1629] : memref<15x!tpu.dma_semaphore, #tpu.memory_space<semaphore_mem>> -> memref<1x!tpu.dma_semaphore, #tpu.memory_space<semaphore_mem>>
      %dma_start3A_1637 = tpu.memref_squeeze %dma_start3A_1636 : memref<1x!tpu.dma_semaphore, #tpu.memory_space<semaphore_mem>> -> memref<!tpu.dma_semaphore, #tpu.memory_space<semaphore_mem>>
      %dma_start3A_1638 = arith.constant 0 : i32
      %dma_start3A_1639 = arith.constant 0 : i32
      %dma_start3A_1640 = tpu.memref_slice %arg11[%dma_start3A_1628, %dma_start3A_1638, %dma_start3A_1639] : memref<15x32x128xf32, #tpu.memory_space<vmem>> -> memref<1x32x128xf32, #tpu.memory_space<vmem>>
      %dma_start3A_1641 = tpu.memref_squeeze %dma_start3A_1640 : memref<1x32x128xf32, #tpu.memory_space<vmem>> -> memref<32x128xf32, #tpu.memory_space<vmem>>
      %dma_start3A_1642 = arith.constant 0 : i32
      %dma_start3A_1643 = tpu.memref_slice %arg5[%dma_start3A_1642, %multiple_of3A_1605] : memref<32x1000000xf32, #tpu.memory_space<hbm>> -> memref<32x128xf32, #tpu.memory_space<hbm>>
      tpu.enqueue_dma source(%dma_start3A_1643 : memref<32x128xf32, #tpu.memory_space<hbm>>) target(%dma_start3A_1641 : memref<32x128xf32, #tpu.memory_space<vmem>>) target_semaphore(%dma_start3A_1637 : memref<!tpu.dma_semaphore, #tpu.memory_space<semaphore_mem>>)
      %shift_right_logical3A_1644 = arith.constant 7 : i32
      %shift_right_logical3A_1645 = arith.shrui %scan3A_1236, %shift_right_logical3A_1644 : i32
      %shift_left3A_1646 = arith.constant 7 : i32
      %shift_left3A_1647 = arith.shli %shift_right_logical3A_1645, %shift_left3A_1646 : i32
      %multiple_of3A_1648 = tpu.assume_multiple %shift_left3A_1647, 128 : i32
      %shift_right_logical3A_1649 = arith.constant 7 : i32
      %shift_right_logical3A_1650 = arith.shrui %scan3A_1251, %shift_right_logical3A_1649 : i32
      %shift_left3A_1651 = arith.constant 7 : i32
      %shift_left3A_1652 = arith.shli %shift_right_logical3A_1650, %shift_left3A_1651 : i32
      %multiple_of3A_1653 = tpu.assume_multiple %shift_left3A_1652, 128 : i32
      %and3A_1654 = arith.constant 127 : i32
      %and3A_1655 = arith.andi %scan3A_1236, %and3A_1654 : i32
      %broadcast_in_dim3A_1656 = vector.broadcast %and3A_1655 : i32 to vector<16xi32>
      %and3A_1657 = arith.constant 127 : i32
      %and3A_1658 = arith.andi %scan3A_1251, %and3A_1657 : i32
      %broadcast_in_dim3A_1659 = vector.broadcast %and3A_1658 : i32 to vector<16xi32>
      %dma_start3A_1660 = arith.constant 8 : i32
      %dma_start3A_1661 = arith.constant 8 : i32
      %dma_start3A_1662 = arith.constant 0 : i32
      %dma_start3A_1663 = arith.constant 0 : i32
      %dma_start3A_1664 = tpu.memref_slice %arg10[%dma_start3A_1660, %dma_start3A_1662, %dma_start3A_1663] : memref<15x32x128xf32, #tpu.memory_space<vmem>> -> memref<1x32x128xf32, #tpu.memory_space<vmem>>
      %dma_start3A_1665 = tpu.memref_squeeze %dma_start3A_1664 : memref<1x32x128xf32, #tpu.memory_space<vmem>> -> memref<32x128xf32, #tpu.memory_space<vmem>>
      %dma_start3A_1666 = arith.constant 0 : i32
      %dma_start3A_1667 = tpu.memref_slice %arg4[%dma_start3A_1666, %multiple_of3A_1648] : memref<32x1000000xf32, #tpu.memory_space<hbm>> -> memref<32x128xf32, #tpu.memory_space<hbm>>
      %dma_start3A_1668 = tpu.memref_slice %arg13[%dma_start3A_1661] : memref<15x!tpu.dma_semaphore, #tpu.memory_space<semaphore_mem>> -> memref<1x!tpu.dma_semaphore, #tpu.memory_space<semaphore_mem>>
      %dma_start3A_1669 = tpu.memref_squeeze %dma_start3A_1668 : memref<1x!tpu.dma_semaphore, #tpu.memory_space<semaphore_mem>> -> memref<!tpu.dma_semaphore, #tpu.memory_space<semaphore_mem>>
      %dma_start3A_1670 = arith.constant 0 : i32
      %dma_start3A_1671 = arith.constant 0 : i32
      %dma_start3A_1672 = tpu.memref_slice %arg10[%dma_start3A_1660, %dma_start3A_1670, %dma_start3A_1671] : memref<15x32x128xf32, #tpu.memory_space<vmem>> -> memref<1x32x128xf32, #tpu.memory_space<vmem>>
      %dma_start3A_1673 = tpu.memref_squeeze %dma_start3A_1672 : memref<1x32x128xf32, #tpu.memory_space<vmem>> -> memref<32x128xf32, #tpu.memory_space<vmem>>
      %dma_start3A_1674 = arith.constant 0 : i32
      %dma_start3A_1675 = tpu.memref_slice %arg4[%dma_start3A_1674, %multiple_of3A_1648] : memref<32x1000000xf32, #tpu.memory_space<hbm>> -> memref<32x128xf32, #tpu.memory_space<hbm>>
      tpu.enqueue_dma source(%dma_start3A_1675 : memref<32x128xf32, #tpu.memory_space<hbm>>) target(%dma_start3A_1673 : memref<32x128xf32, #tpu.memory_space<vmem>>) target_semaphore(%dma_start3A_1669 : memref<!tpu.dma_semaphore, #tpu.memory_space<semaphore_mem>>)
      %dma_start3A_1676 = arith.constant 8 : i32
      %dma_start3A_1677 = arith.constant 8 : i32
      %dma_start3A_1678 = arith.constant 0 : i32
      %dma_start3A_1679 = arith.constant 0 : i32
      %dma_start3A_1680 = tpu.memref_slice %arg11[%dma_start3A_1676, %dma_start3A_1678, %dma_start3A_1679] : memref<15x32x128xf32, #tpu.memory_space<vmem>> -> memref<1x32x128xf32, #tpu.memory_space<vmem>>
      %dma_start3A_1681 = tpu.memref_squeeze %dma_start3A_1680 : memref<1x32x128xf32, #tpu.memory_space<vmem>> -> memref<32x128xf32, #tpu.memory_space<vmem>>
      %dma_start3A_1682 = arith.constant 0 : i32
      %dma_start3A_1683 = tpu.memref_slice %arg5[%dma_start3A_1682, %multiple_of3A_1653] : memref<32x1000000xf32, #tpu.memory_space<hbm>> -> memref<32x128xf32, #tpu.memory_space<hbm>>
      %dma_start3A_1684 = tpu.memref_slice %arg14[%dma_start3A_1677] : memref<15x!tpu.dma_semaphore, #tpu.memory_space<semaphore_mem>> -> memref<1x!tpu.dma_semaphore, #tpu.memory_space<semaphore_mem>>
      %dma_start3A_1685 = tpu.memref_squeeze %dma_start3A_1684 : memref<1x!tpu.dma_semaphore, #tpu.memory_space<semaphore_mem>> -> memref<!tpu.dma_semaphore, #tpu.memory_space<semaphore_mem>>
      %dma_start3A_1686 = arith.constant 0 : i32
      %dma_start3A_1687 = arith.constant 0 : i32
      %dma_start3A_1688 = tpu.memref_slice %arg11[%dma_start3A_1676, %dma_start3A_1686, %dma_start3A_1687] : memref<15x32x128xf32, #tpu.memory_space<vmem>> -> memref<1x32x128xf32, #tpu.memory_space<vmem>>
      %dma_start3A_1689 = tpu.memref_squeeze %dma_start3A_1688 : memref<1x32x128xf32, #tpu.memory_space<vmem>> -> memref<32x128xf32, #tpu.memory_space<vmem>>
      %dma_start3A_1690 = arith.constant 0 : i32
      %dma_start3A_1691 = tpu.memref_slice %arg5[%dma_start3A_1690, %multiple_of3A_1653] : memref<32x1000000xf32, #tpu.memory_space<hbm>> -> memref<32x128xf32, #tpu.memory_space<hbm>>
      tpu.enqueue_dma source(%dma_start3A_1691 : memref<32x128xf32, #tpu.memory_space<hbm>>) target(%dma_start3A_1689 : memref<32x128xf32, #tpu.memory_space<vmem>>) target_semaphore(%dma_start3A_1685 : memref<!tpu.dma_semaphore, #tpu.memory_space<semaphore_mem>>)
      %shift_right_logical3A_1692 = arith.constant 7 : i32
      %shift_right_logical3A_1693 = arith.shrui %scan3A_1237, %shift_right_logical3A_1692 : i32
      %shift_left3A_1694 = arith.constant 7 : i32
      %shift_left3A_1695 = arith.shli %shift_right_logical3A_1693, %shift_left3A_1694 : i32
      %multiple_of3A_1696 = tpu.assume_multiple %shift_left3A_1695, 128 : i32
      %shift_right_logical3A_1697 = arith.constant 7 : i32
      %shift_right_logical3A_1698 = arith.shrui %scan3A_1252, %shift_right_logical3A_1697 : i32
      %shift_left3A_1699 = arith.constant 7 : i32
      %shift_left3A_1700 = arith.shli %shift_right_logical3A_1698, %shift_left3A_1699 : i32
      %multiple_of3A_1701 = tpu.assume_multiple %shift_left3A_1700, 128 : i32
      %and3A_1702 = arith.constant 127 : i32
      %and3A_1703 = arith.andi %scan3A_1237, %and3A_1702 : i32
      %broadcast_in_dim3A_1704 = vector.broadcast %and3A_1703 : i32 to vector<16xi32>
      %and3A_1705 = arith.constant 127 : i32
      %and3A_1706 = arith.andi %scan3A_1252, %and3A_1705 : i32
      %broadcast_in_dim3A_1707 = vector.broadcast %and3A_1706 : i32 to vector<16xi32>
      %dma_start3A_1708 = arith.constant 9 : i32
      %dma_start3A_1709 = arith.constant 9 : i32
      %dma_start3A_1710 = arith.constant 0 : i32
      %dma_start3A_1711 = arith.constant 0 : i32
      %dma_start3A_1712 = tpu.memref_slice %arg10[%dma_start3A_1708, %dma_start3A_1710, %dma_start3A_1711] : memref<15x32x128xf32, #tpu.memory_space<vmem>> -> memref<1x32x128xf32, #tpu.memory_space<vmem>>
      %dma_start3A_1713 = tpu.memref_squeeze %dma_start3A_1712 : memref<1x32x128xf32, #tpu.memory_space<vmem>> -> memref<32x128xf32, #tpu.memory_space<vmem>>
      %dma_start3A_1714 = arith.constant 0 : i32
      %dma_start3A_1715 = tpu.memref_slice %arg4[%dma_start3A_1714, %multiple_of3A_1696] : memref<32x1000000xf32, #tpu.memory_space<hbm>> -> memref<32x128xf32, #tpu.memory_space<hbm>>
      %dma_start3A_1716 = tpu.memref_slice %arg13[%dma_start3A_1709] : memref<15x!tpu.dma_semaphore, #tpu.memory_space<semaphore_mem>> -> memref<1x!tpu.dma_semaphore, #tpu.memory_space<semaphore_mem>>
      %dma_start3A_1717 = tpu.memref_squeeze %dma_start3A_1716 : memref<1x!tpu.dma_semaphore, #tpu.memory_space<semaphore_mem>> -> memref<!tpu.dma_semaphore, #tpu.memory_space<semaphore_mem>>
      %dma_start3A_1718 = arith.constant 0 : i32
      %dma_start3A_1719 = arith.constant 0 : i32
      %dma_start3A_1720 = tpu.memref_slice %arg10[%dma_start3A_1708, %dma_start3A_1718, %dma_start3A_1719] : memref<15x32x128xf32, #tpu.memory_space<vmem>> -> memref<1x32x128xf32, #tpu.memory_space<vmem>>
      %dma_start3A_1721 = tpu.memref_squeeze %dma_start3A_1720 : memref<1x32x128xf32, #tpu.memory_space<vmem>> -> memref<32x128xf32, #tpu.memory_space<vmem>>
      %dma_start3A_1722 = arith.constant 0 : i32
      %dma_start3A_1723 = tpu.memref_slice %arg4[%dma_start3A_1722, %multiple_of3A_1696] : memref<32x1000000xf32, #tpu.memory_space<hbm>> -> memref<32x128xf32, #tpu.memory_space<hbm>>
      tpu.enqueue_dma source(%dma_start3A_1723 : memref<32x128xf32, #tpu.memory_space<hbm>>) target(%dma_start3A_1721 : memref<32x128xf32, #tpu.memory_space<vmem>>) target_semaphore(%dma_start3A_1717 : memref<!tpu.dma_semaphore, #tpu.memory_space<semaphore_mem>>)
      %dma_start3A_1724 = arith.constant 9 : i32
      %dma_start3A_1725 = arith.constant 9 : i32
      %dma_start3A_1726 = arith.constant 0 : i32
      %dma_start3A_1727 = arith.constant 0 : i32
      %dma_start3A_1728 = tpu.memref_slice %arg11[%dma_start3A_1724, %dma_start3A_1726, %dma_start3A_1727] : memref<15x32x128xf32, #tpu.memory_space<vmem>> -> memref<1x32x128xf32, #tpu.memory_space<vmem>>
      %dma_start3A_1729 = tpu.memref_squeeze %dma_start3A_1728 : memref<1x32x128xf32, #tpu.memory_space<vmem>> -> memref<32x128xf32, #tpu.memory_space<vmem>>
      %dma_start3A_1730 = arith.constant 0 : i32
      %dma_start3A_1731 = tpu.memref_slice %arg5[%dma_start3A_1730, %multiple_of3A_1701] : memref<32x1000000xf32, #tpu.memory_space<hbm>> -> memref<32x128xf32, #tpu.memory_space<hbm>>
      %dma_start3A_1732 = tpu.memref_slice %arg14[%dma_start3A_1725] : memref<15x!tpu.dma_semaphore, #tpu.memory_space<semaphore_mem>> -> memref<1x!tpu.dma_semaphore, #tpu.memory_space<semaphore_mem>>
      %dma_start3A_1733 = tpu.memref_squeeze %dma_start3A_1732 : memref<1x!tpu.dma_semaphore, #tpu.memory_space<semaphore_mem>> -> memref<!tpu.dma_semaphore, #tpu.memory_space<semaphore_mem>>
      %dma_start3A_1734 = arith.constant 0 : i32
      %dma_start3A_1735 = arith.constant 0 : i32
      %dma_start3A_1736 = tpu.memref_slice %arg11[%dma_start3A_1724, %dma_start3A_1734, %dma_start3A_1735] : memref<15x32x128xf32, #tpu.memory_space<vmem>> -> memref<1x32x128xf32, #tpu.memory_space<vmem>>
      %dma_start3A_1737 = tpu.memref_squeeze %dma_start3A_1736 : memref<1x32x128xf32, #tpu.memory_space<vmem>> -> memref<32x128xf32, #tpu.memory_space<vmem>>
      %dma_start3A_1738 = arith.constant 0 : i32
      %dma_start3A_1739 = tpu.memref_slice %arg5[%dma_start3A_1738, %multiple_of3A_1701] : memref<32x1000000xf32, #tpu.memory_space<hbm>> -> memref<32x128xf32, #tpu.memory_space<hbm>>
      tpu.enqueue_dma source(%dma_start3A_1739 : memref<32x128xf32, #tpu.memory_space<hbm>>) target(%dma_start3A_1737 : memref<32x128xf32, #tpu.memory_space<vmem>>) target_semaphore(%dma_start3A_1733 : memref<!tpu.dma_semaphore, #tpu.memory_space<semaphore_mem>>)
      %shift_right_logical3A_1740 = arith.constant 7 : i32
      %shift_right_logical3A_1741 = arith.shrui %scan3A_1238, %shift_right_logical3A_1740 : i32
      %shift_left3A_1742 = arith.constant 7 : i32
      %shift_left3A_1743 = arith.shli %shift_right_logical3A_1741, %shift_left3A_1742 : i32
      %multiple_of3A_1744 = tpu.assume_multiple %shift_left3A_1743, 128 : i32
      %shift_right_logical3A_1745 = arith.constant 7 : i32
      %shift_right_logical3A_1746 = arith.shrui %scan3A_1253, %shift_right_logical3A_1745 : i32
      %shift_left3A_1747 = arith.constant 7 : i32
      %shift_left3A_1748 = arith.shli %shift_right_logical3A_1746, %shift_left3A_1747 : i32
      %multiple_of3A_1749 = tpu.assume_multiple %shift_left3A_1748, 128 : i32
      %and3A_1750 = arith.constant 127 : i32
      %and3A_1751 = arith.andi %scan3A_1238, %and3A_1750 : i32
      %broadcast_in_dim3A_1752 = vector.broadcast %and3A_1751 : i32 to vector<16xi32>
      %and3A_1753 = arith.constant 127 : i32
      %and3A_1754 = arith.andi %scan3A_1253, %and3A_1753 : i32
      %broadcast_in_dim3A_1755 = vector.broadcast %and3A_1754 : i32 to vector<16xi32>
      %dma_start3A_1756 = arith.constant 10 : i32
      %dma_start3A_1757 = arith.constant 10 : i32
      %dma_start3A_1758 = arith.constant 0 : i32
      %dma_start3A_1759 = arith.constant 0 : i32
      %dma_start3A_1760 = tpu.memref_slice %arg10[%dma_start3A_1756, %dma_start3A_1758, %dma_start3A_1759] : memref<15x32x128xf32, #tpu.memory_space<vmem>> -> memref<1x32x128xf32, #tpu.memory_space<vmem>>
      %dma_start3A_1761 = tpu.memref_squeeze %dma_start3A_1760 : memref<1x32x128xf32, #tpu.memory_space<vmem>> -> memref<32x128xf32, #tpu.memory_space<vmem>>
      %dma_start3A_1762 = arith.constant 0 : i32
      %dma_start3A_1763 = tpu.memref_slice %arg4[%dma_start3A_1762, %multiple_of3A_1744] : memref<32x1000000xf32, #tpu.memory_space<hbm>> -> memref<32x128xf32, #tpu.memory_space<hbm>>
      %dma_start3A_1764 = tpu.memref_slice %arg13[%dma_start3A_1757] : memref<15x!tpu.dma_semaphore, #tpu.memory_space<semaphore_mem>> -> memref<1x!tpu.dma_semaphore, #tpu.memory_space<semaphore_mem>>
      %dma_start3A_1765 = tpu.memref_squeeze %dma_start3A_1764 : memref<1x!tpu.dma_semaphore, #tpu.memory_space<semaphore_mem>> -> memref<!tpu.dma_semaphore, #tpu.memory_space<semaphore_mem>>
      %dma_start3A_1766 = arith.constant 0 : i32
      %dma_start3A_1767 = arith.constant 0 : i32
      %dma_start3A_1768 = tpu.memref_slice %arg10[%dma_start3A_1756, %dma_start3A_1766, %dma_start3A_1767] : memref<15x32x128xf32, #tpu.memory_space<vmem>> -> memref<1x32x128xf32, #tpu.memory_space<vmem>>
      %dma_start3A_1769 = tpu.memref_squeeze %dma_start3A_1768 : memref<1x32x128xf32, #tpu.memory_space<vmem>> -> memref<32x128xf32, #tpu.memory_space<vmem>>
      %dma_start3A_1770 = arith.constant 0 : i32
      %dma_start3A_1771 = tpu.memref_slice %arg4[%dma_start3A_1770, %multiple_of3A_1744] : memref<32x1000000xf32, #tpu.memory_space<hbm>> -> memref<32x128xf32, #tpu.memory_space<hbm>>
      tpu.enqueue_dma source(%dma_start3A_1771 : memref<32x128xf32, #tpu.memory_space<hbm>>) target(%dma_start3A_1769 : memref<32x128xf32, #tpu.memory_space<vmem>>) target_semaphore(%dma_start3A_1765 : memref<!tpu.dma_semaphore, #tpu.memory_space<semaphore_mem>>)
      %dma_start3A_1772 = arith.constant 10 : i32
      %dma_start3A_1773 = arith.constant 10 : i32
      %dma_start3A_1774 = arith.constant 0 : i32
      %dma_start3A_1775 = arith.constant 0 : i32
      %dma_start3A_1776 = tpu.memref_slice %arg11[%dma_start3A_1772, %dma_start3A_1774, %dma_start3A_1775] : memref<15x32x128xf32, #tpu.memory_space<vmem>> -> memref<1x32x128xf32, #tpu.memory_space<vmem>>
      %dma_start3A_1777 = tpu.memref_squeeze %dma_start3A_1776 : memref<1x32x128xf32, #tpu.memory_space<vmem>> -> memref<32x128xf32, #tpu.memory_space<vmem>>
      %dma_start3A_1778 = arith.constant 0 : i32
      %dma_start3A_1779 = tpu.memref_slice %arg5[%dma_start3A_1778, %multiple_of3A_1749] : memref<32x1000000xf32, #tpu.memory_space<hbm>> -> memref<32x128xf32, #tpu.memory_space<hbm>>
      %dma_start3A_1780 = tpu.memref_slice %arg14[%dma_start3A_1773] : memref<15x!tpu.dma_semaphore, #tpu.memory_space<semaphore_mem>> -> memref<1x!tpu.dma_semaphore, #tpu.memory_space<semaphore_mem>>
      %dma_start3A_1781 = tpu.memref_squeeze %dma_start3A_1780 : memref<1x!tpu.dma_semaphore, #tpu.memory_space<semaphore_mem>> -> memref<!tpu.dma_semaphore, #tpu.memory_space<semaphore_mem>>
      %dma_start3A_1782 = arith.constant 0 : i32
      %dma_start3A_1783 = arith.constant 0 : i32
      %dma_start3A_1784 = tpu.memref_slice %arg11[%dma_start3A_1772, %dma_start3A_1782, %dma_start3A_1783] : memref<15x32x128xf32, #tpu.memory_space<vmem>> -> memref<1x32x128xf32, #tpu.memory_space<vmem>>
      %dma_start3A_1785 = tpu.memref_squeeze %dma_start3A_1784 : memref<1x32x128xf32, #tpu.memory_space<vmem>> -> memref<32x128xf32, #tpu.memory_space<vmem>>
      %dma_start3A_1786 = arith.constant 0 : i32
      %dma_start3A_1787 = tpu.memref_slice %arg5[%dma_start3A_1786, %multiple_of3A_1749] : memref<32x1000000xf32, #tpu.memory_space<hbm>> -> memref<32x128xf32, #tpu.memory_space<hbm>>
      tpu.enqueue_dma source(%dma_start3A_1787 : memref<32x128xf32, #tpu.memory_space<hbm>>) target(%dma_start3A_1785 : memref<32x128xf32, #tpu.memory_space<vmem>>) target_semaphore(%dma_start3A_1781 : memref<!tpu.dma_semaphore, #tpu.memory_space<semaphore_mem>>)
      %shift_right_logical3A_1788 = arith.constant 7 : i32
      %shift_right_logical3A_1789 = arith.shrui %scan3A_1239, %shift_right_logical3A_1788 : i32
      %shift_left3A_1790 = arith.constant 7 : i32
      %shift_left3A_1791 = arith.shli %shift_right_logical3A_1789, %shift_left3A_1790 : i32
      %multiple_of3A_1792 = tpu.assume_multiple %shift_left3A_1791, 128 : i32
      %shift_right_logical3A_1793 = arith.constant 7 : i32
      %shift_right_logical3A_1794 = arith.shrui %scan3A_1254, %shift_right_logical3A_1793 : i32
      %shift_left3A_1795 = arith.constant 7 : i32
      %shift_left3A_1796 = arith.shli %shift_right_logical3A_1794, %shift_left3A_1795 : i32
      %multiple_of3A_1797 = tpu.assume_multiple %shift_left3A_1796, 128 : i32
      %and3A_1798 = arith.constant 127 : i32
      %and3A_1799 = arith.andi %scan3A_1239, %and3A_1798 : i32
      %broadcast_in_dim3A_1800 = vector.broadcast %and3A_1799 : i32 to vector<16xi32>
      %and3A_1801 = arith.constant 127 : i32
      %and3A_1802 = arith.andi %scan3A_1254, %and3A_1801 : i32
      %broadcast_in_dim3A_1803 = vector.broadcast %and3A_1802 : i32 to vector<16xi32>
      %dma_start3A_1804 = arith.constant 11 : i32
      %dma_start3A_1805 = arith.constant 11 : i32
      %dma_start3A_1806 = arith.constant 0 : i32
      %dma_start3A_1807 = arith.constant 0 : i32
      %dma_start3A_1808 = tpu.memref_slice %arg10[%dma_start3A_1804, %dma_start3A_1806, %dma_start3A_1807] : memref<15x32x128xf32, #tpu.memory_space<vmem>> -> memref<1x32x128xf32, #tpu.memory_space<vmem>>
      %dma_start3A_1809 = tpu.memref_squeeze %dma_start3A_1808 : memref<1x32x128xf32, #tpu.memory_space<vmem>> -> memref<32x128xf32, #tpu.memory_space<vmem>>
      %dma_start3A_1810 = arith.constant 0 : i32
      %dma_start3A_1811 = tpu.memref_slice %arg4[%dma_start3A_1810, %multiple_of3A_1792] : memref<32x1000000xf32, #tpu.memory_space<hbm>> -> memref<32x128xf32, #tpu.memory_space<hbm>>
      %dma_start3A_1812 = tpu.memref_slice %arg13[%dma_start3A_1805] : memref<15x!tpu.dma_semaphore, #tpu.memory_space<semaphore_mem>> -> memref<1x!tpu.dma_semaphore, #tpu.memory_space<semaphore_mem>>
      %dma_start3A_1813 = tpu.memref_squeeze %dma_start3A_1812 : memref<1x!tpu.dma_semaphore, #tpu.memory_space<semaphore_mem>> -> memref<!tpu.dma_semaphore, #tpu.memory_space<semaphore_mem>>
      %dma_start3A_1814 = arith.constant 0 : i32
      %dma_start3A_1815 = arith.constant 0 : i32
      %dma_start3A_1816 = tpu.memref_slice %arg10[%dma_start3A_1804, %dma_start3A_1814, %dma_start3A_1815] : memref<15x32x128xf32, #tpu.memory_space<vmem>> -> memref<1x32x128xf32, #tpu.memory_space<vmem>>
      %dma_start3A_1817 = tpu.memref_squeeze %dma_start3A_1816 : memref<1x32x128xf32, #tpu.memory_space<vmem>> -> memref<32x128xf32, #tpu.memory_space<vmem>>
      %dma_start3A_1818 = arith.constant 0 : i32
      %dma_start3A_1819 = tpu.memref_slice %arg4[%dma_start3A_1818, %multiple_of3A_1792] : memref<32x1000000xf32, #tpu.memory_space<hbm>> -> memref<32x128xf32, #tpu.memory_space<hbm>>
      tpu.enqueue_dma source(%dma_start3A_1819 : memref<32x128xf32, #tpu.memory_space<hbm>>) target(%dma_start3A_1817 : memref<32x128xf32, #tpu.memory_space<vmem>>) target_semaphore(%dma_start3A_1813 : memref<!tpu.dma_semaphore, #tpu.memory_space<semaphore_mem>>)
      %dma_start3A_1820 = arith.constant 11 : i32
      %dma_start3A_1821 = arith.constant 11 : i32
      %dma_start3A_1822 = arith.constant 0 : i32
      %dma_start3A_1823 = arith.constant 0 : i32
      %dma_start3A_1824 = tpu.memref_slice %arg11[%dma_start3A_1820, %dma_start3A_1822, %dma_start3A_1823] : memref<15x32x128xf32, #tpu.memory_space<vmem>> -> memref<1x32x128xf32, #tpu.memory_space<vmem>>
      %dma_start3A_1825 = tpu.memref_squeeze %dma_start3A_1824 : memref<1x32x128xf32, #tpu.memory_space<vmem>> -> memref<32x128xf32, #tpu.memory_space<vmem>>
      %dma_start3A_1826 = arith.constant 0 : i32
      %dma_start3A_1827 = tpu.memref_slice %arg5[%dma_start3A_1826, %multiple_of3A_1797] : memref<32x1000000xf32, #tpu.memory_space<hbm>> -> memref<32x128xf32, #tpu.memory_space<hbm>>
      %dma_start3A_1828 = tpu.memref_slice %arg14[%dma_start3A_1821] : memref<15x!tpu.dma_semaphore, #tpu.memory_space<semaphore_mem>> -> memref<1x!tpu.dma_semaphore, #tpu.memory_space<semaphore_mem>>
      %dma_start3A_1829 = tpu.memref_squeeze %dma_start3A_1828 : memref<1x!tpu.dma_semaphore, #tpu.memory_space<semaphore_mem>> -> memref<!tpu.dma_semaphore, #tpu.memory_space<semaphore_mem>>
      %dma_start3A_1830 = arith.constant 0 : i32
      %dma_start3A_1831 = arith.constant 0 : i32
      %dma_start3A_1832 = tpu.memref_slice %arg11[%dma_start3A_1820, %dma_start3A_1830, %dma_start3A_1831] : memref<15x32x128xf32, #tpu.memory_space<vmem>> -> memref<1x32x128xf32, #tpu.memory_space<vmem>>
      %dma_start3A_1833 = tpu.memref_squeeze %dma_start3A_1832 : memref<1x32x128xf32, #tpu.memory_space<vmem>> -> memref<32x128xf32, #tpu.memory_space<vmem>>
      %dma_start3A_1834 = arith.constant 0 : i32
      %dma_start3A_1835 = tpu.memref_slice %arg5[%dma_start3A_1834, %multiple_of3A_1797] : memref<32x1000000xf32, #tpu.memory_space<hbm>> -> memref<32x128xf32, #tpu.memory_space<hbm>>
      tpu.enqueue_dma source(%dma_start3A_1835 : memref<32x128xf32, #tpu.memory_space<hbm>>) target(%dma_start3A_1833 : memref<32x128xf32, #tpu.memory_space<vmem>>) target_semaphore(%dma_start3A_1829 : memref<!tpu.dma_semaphore, #tpu.memory_space<semaphore_mem>>)
      %shift_right_logical3A_1836 = arith.constant 7 : i32
      %shift_right_logical3A_1837 = arith.shrui %scan3A_1240, %shift_right_logical3A_1836 : i32
      %shift_left3A_1838 = arith.constant 7 : i32
      %shift_left3A_1839 = arith.shli %shift_right_logical3A_1837, %shift_left3A_1838 : i32
      %multiple_of3A_1840 = tpu.assume_multiple %shift_left3A_1839, 128 : i32
      %shift_right_logical3A_1841 = arith.constant 7 : i32
      %shift_right_logical3A_1842 = arith.shrui %scan3A_1255, %shift_right_logical3A_1841 : i32
      %shift_left3A_1843 = arith.constant 7 : i32
      %shift_left3A_1844 = arith.shli %shift_right_logical3A_1842, %shift_left3A_1843 : i32
      %multiple_of3A_1845 = tpu.assume_multiple %shift_left3A_1844, 128 : i32
      %and3A_1846 = arith.constant 127 : i32
      %and3A_1847 = arith.andi %scan3A_1240, %and3A_1846 : i32
      %broadcast_in_dim3A_1848 = vector.broadcast %and3A_1847 : i32 to vector<16xi32>
      %and3A_1849 = arith.constant 127 : i32
      %and3A_1850 = arith.andi %scan3A_1255, %and3A_1849 : i32
      %broadcast_in_dim3A_1851 = vector.broadcast %and3A_1850 : i32 to vector<16xi32>
      %dma_start3A_1852 = arith.constant 12 : i32
      %dma_start3A_1853 = arith.constant 12 : i32
      %dma_start3A_1854 = arith.constant 0 : i32
      %dma_start3A_1855 = arith.constant 0 : i32
      %dma_start3A_1856 = tpu.memref_slice %arg10[%dma_start3A_1852, %dma_start3A_1854, %dma_start3A_1855] : memref<15x32x128xf32, #tpu.memory_space<vmem>> -> memref<1x32x128xf32, #tpu.memory_space<vmem>>
      %dma_start3A_1857 = tpu.memref_squeeze %dma_start3A_1856 : memref<1x32x128xf32, #tpu.memory_space<vmem>> -> memref<32x128xf32, #tpu.memory_space<vmem>>
      %dma_start3A_1858 = arith.constant 0 : i32
      %dma_start3A_1859 = tpu.memref_slice %arg4[%dma_start3A_1858, %multiple_of3A_1840] : memref<32x1000000xf32, #tpu.memory_space<hbm>> -> memref<32x128xf32, #tpu.memory_space<hbm>>
      %dma_start3A_1860 = tpu.memref_slice %arg13[%dma_start3A_1853] : memref<15x!tpu.dma_semaphore, #tpu.memory_space<semaphore_mem>> -> memref<1x!tpu.dma_semaphore, #tpu.memory_space<semaphore_mem>>
      %dma_start3A_1861 = tpu.memref_squeeze %dma_start3A_1860 : memref<1x!tpu.dma_semaphore, #tpu.memory_space<semaphore_mem>> -> memref<!tpu.dma_semaphore, #tpu.memory_space<semaphore_mem>>
      %dma_start3A_1862 = arith.constant 0 : i32
      %dma_start3A_1863 = arith.constant 0 : i32
      %dma_start3A_1864 = tpu.memref_slice %arg10[%dma_start3A_1852, %dma_start3A_1862, %dma_start3A_1863] : memref<15x32x128xf32, #tpu.memory_space<vmem>> -> memref<1x32x128xf32, #tpu.memory_space<vmem>>
      %dma_start3A_1865 = tpu.memref_squeeze %dma_start3A_1864 : memref<1x32x128xf32, #tpu.memory_space<vmem>> -> memref<32x128xf32, #tpu.memory_space<vmem>>
      %dma_start3A_1866 = arith.constant 0 : i32
      %dma_start3A_1867 = tpu.memref_slice %arg4[%dma_start3A_1866, %multiple_of3A_1840] : memref<32x1000000xf32, #tpu.memory_space<hbm>> -> memref<32x128xf32, #tpu.memory_space<hbm>>
      tpu.enqueue_dma source(%dma_start3A_1867 : memref<32x128xf32, #tpu.memory_space<hbm>>) target(%dma_start3A_1865 : memref<32x128xf32, #tpu.memory_space<vmem>>) target_semaphore(%dma_start3A_1861 : memref<!tpu.dma_semaphore, #tpu.memory_space<semaphore_mem>>)
      %dma_start3A_1868 = arith.constant 12 : i32
      %dma_start3A_1869 = arith.constant 12 : i32
      %dma_start3A_1870 = arith.constant 0 : i32
      %dma_start3A_1871 = arith.constant 0 : i32
      %dma_start3A_1872 = tpu.memref_slice %arg11[%dma_start3A_1868, %dma_start3A_1870, %dma_start3A_1871] : memref<15x32x128xf32, #tpu.memory_space<vmem>> -> memref<1x32x128xf32, #tpu.memory_space<vmem>>
      %dma_start3A_1873 = tpu.memref_squeeze %dma_start3A_1872 : memref<1x32x128xf32, #tpu.memory_space<vmem>> -> memref<32x128xf32, #tpu.memory_space<vmem>>
      %dma_start3A_1874 = arith.constant 0 : i32
      %dma_start3A_1875 = tpu.memref_slice %arg5[%dma_start3A_1874, %multiple_of3A_1845] : memref<32x1000000xf32, #tpu.memory_space<hbm>> -> memref<32x128xf32, #tpu.memory_space<hbm>>
      %dma_start3A_1876 = tpu.memref_slice %arg14[%dma_start3A_1869] : memref<15x!tpu.dma_semaphore, #tpu.memory_space<semaphore_mem>> -> memref<1x!tpu.dma_semaphore, #tpu.memory_space<semaphore_mem>>
      %dma_start3A_1877 = tpu.memref_squeeze %dma_start3A_1876 : memref<1x!tpu.dma_semaphore, #tpu.memory_space<semaphore_mem>> -> memref<!tpu.dma_semaphore, #tpu.memory_space<semaphore_mem>>
      %dma_start3A_1878 = arith.constant 0 : i32
      %dma_start3A_1879 = arith.constant 0 : i32
      %dma_start3A_1880 = tpu.memref_slice %arg11[%dma_start3A_1868, %dma_start3A_1878, %dma_start3A_1879] : memref<15x32x128xf32, #tpu.memory_space<vmem>> -> memref<1x32x128xf32, #tpu.memory_space<vmem>>
      %dma_start3A_1881 = tpu.memref_squeeze %dma_start3A_1880 : memref<1x32x128xf32, #tpu.memory_space<vmem>> -> memref<32x128xf32, #tpu.memory_space<vmem>>
      %dma_start3A_1882 = arith.constant 0 : i32
      %dma_start3A_1883 = tpu.memref_slice %arg5[%dma_start3A_1882, %multiple_of3A_1845] : memref<32x1000000xf32, #tpu.memory_space<hbm>> -> memref<32x128xf32, #tpu.memory_space<hbm>>
      tpu.enqueue_dma source(%dma_start3A_1883 : memref<32x128xf32, #tpu.memory_space<hbm>>) target(%dma_start3A_1881 : memref<32x128xf32, #tpu.memory_space<vmem>>) target_semaphore(%dma_start3A_1877 : memref<!tpu.dma_semaphore, #tpu.memory_space<semaphore_mem>>)
      %shift_right_logical3A_1884 = arith.constant 7 : i32
      %shift_right_logical3A_1885 = arith.shrui %scan3A_1241, %shift_right_logical3A_1884 : i32
      %shift_left3A_1886 = arith.constant 7 : i32
      %shift_left3A_1887 = arith.shli %shift_right_logical3A_1885, %shift_left3A_1886 : i32
      %multiple_of3A_1888 = tpu.assume_multiple %shift_left3A_1887, 128 : i32
      %shift_right_logical3A_1889 = arith.constant 7 : i32
      %shift_right_logical3A_1890 = arith.shrui %scan3A_1256, %shift_right_logical3A_1889 : i32
      %shift_left3A_1891 = arith.constant 7 : i32
      %shift_left3A_1892 = arith.shli %shift_right_logical3A_1890, %shift_left3A_1891 : i32
      %multiple_of3A_1893 = tpu.assume_multiple %shift_left3A_1892, 128 : i32
      %and3A_1894 = arith.constant 127 : i32
      %and3A_1895 = arith.andi %scan3A_1241, %and3A_1894 : i32
      %broadcast_in_dim3A_1896 = vector.broadcast %and3A_1895 : i32 to vector<16xi32>
      %and3A_1897 = arith.constant 127 : i32
      %and3A_1898 = arith.andi %scan3A_1256, %and3A_1897 : i32
      %broadcast_in_dim3A_1899 = vector.broadcast %and3A_1898 : i32 to vector<16xi32>
      %dma_start3A_1900 = arith.constant 13 : i32
      %dma_start3A_1901 = arith.constant 13 : i32
      %dma_start3A_1902 = arith.constant 0 : i32
      %dma_start3A_1903 = arith.constant 0 : i32
      %dma_start3A_1904 = tpu.memref_slice %arg10[%dma_start3A_1900, %dma_start3A_1902, %dma_start3A_1903] : memref<15x32x128xf32, #tpu.memory_space<vmem>> -> memref<1x32x128xf32, #tpu.memory_space<vmem>>
      %dma_start3A_1905 = tpu.memref_squeeze %dma_start3A_1904 : memref<1x32x128xf32, #tpu.memory_space<vmem>> -> memref<32x128xf32, #tpu.memory_space<vmem>>
      %dma_start3A_1906 = arith.constant 0 : i32
      %dma_start3A_1907 = tpu.memref_slice %arg4[%dma_start3A_1906, %multiple_of3A_1888] : memref<32x1000000xf32, #tpu.memory_space<hbm>> -> memref<32x128xf32, #tpu.memory_space<hbm>>
      %dma_start3A_1908 = tpu.memref_slice %arg13[%dma_start3A_1901] : memref<15x!tpu.dma_semaphore, #tpu.memory_space<semaphore_mem>> -> memref<1x!tpu.dma_semaphore, #tpu.memory_space<semaphore_mem>>
      %dma_start3A_1909 = tpu.memref_squeeze %dma_start3A_1908 : memref<1x!tpu.dma_semaphore, #tpu.memory_space<semaphore_mem>> -> memref<!tpu.dma_semaphore, #tpu.memory_space<semaphore_mem>>
      %dma_start3A_1910 = arith.constant 0 : i32
      %dma_start3A_1911 = arith.constant 0 : i32
      %dma_start3A_1912 = tpu.memref_slice %arg10[%dma_start3A_1900, %dma_start3A_1910, %dma_start3A_1911] : memref<15x32x128xf32, #tpu.memory_space<vmem>> -> memref<1x32x128xf32, #tpu.memory_space<vmem>>
      %dma_start3A_1913 = tpu.memref_squeeze %dma_start3A_1912 : memref<1x32x128xf32, #tpu.memory_space<vmem>> -> memref<32x128xf32, #tpu.memory_space<vmem>>
      %dma_start3A_1914 = arith.constant 0 : i32
      %dma_start3A_1915 = tpu.memref_slice %arg4[%dma_start3A_1914, %multiple_of3A_1888] : memref<32x1000000xf32, #tpu.memory_space<hbm>> -> memref<32x128xf32, #tpu.memory_space<hbm>>
      tpu.enqueue_dma source(%dma_start3A_1915 : memref<32x128xf32, #tpu.memory_space<hbm>>) target(%dma_start3A_1913 : memref<32x128xf32, #tpu.memory_space<vmem>>) target_semaphore(%dma_start3A_1909 : memref<!tpu.dma_semaphore, #tpu.memory_space<semaphore_mem>>)
      %dma_start3A_1916 = arith.constant 13 : i32
      %dma_start3A_1917 = arith.constant 13 : i32
      %dma_start3A_1918 = arith.constant 0 : i32
      %dma_start3A_1919 = arith.constant 0 : i32
      %dma_start3A_1920 = tpu.memref_slice %arg11[%dma_start3A_1916, %dma_start3A_1918, %dma_start3A_1919] : memref<15x32x128xf32, #tpu.memory_space<vmem>> -> memref<1x32x128xf32, #tpu.memory_space<vmem>>
      %dma_start3A_1921 = tpu.memref_squeeze %dma_start3A_1920 : memref<1x32x128xf32, #tpu.memory_space<vmem>> -> memref<32x128xf32, #tpu.memory_space<vmem>>
      %dma_start3A_1922 = arith.constant 0 : i32
      %dma_start3A_1923 = tpu.memref_slice %arg5[%dma_start3A_1922, %multiple_of3A_1893] : memref<32x1000000xf32, #tpu.memory_space<hbm>> -> memref<32x128xf32, #tpu.memory_space<hbm>>
      %dma_start3A_1924 = tpu.memref_slice %arg14[%dma_start3A_1917] : memref<15x!tpu.dma_semaphore, #tpu.memory_space<semaphore_mem>> -> memref<1x!tpu.dma_semaphore, #tpu.memory_space<semaphore_mem>>
      %dma_start3A_1925 = tpu.memref_squeeze %dma_start3A_1924 : memref<1x!tpu.dma_semaphore, #tpu.memory_space<semaphore_mem>> -> memref<!tpu.dma_semaphore, #tpu.memory_space<semaphore_mem>>
      %dma_start3A_1926 = arith.constant 0 : i32
      %dma_start3A_1927 = arith.constant 0 : i32
      %dma_start3A_1928 = tpu.memref_slice %arg11[%dma_start3A_1916, %dma_start3A_1926, %dma_start3A_1927] : memref<15x32x128xf32, #tpu.memory_space<vmem>> -> memref<1x32x128xf32, #tpu.memory_space<vmem>>
      %dma_start3A_1929 = tpu.memref_squeeze %dma_start3A_1928 : memref<1x32x128xf32, #tpu.memory_space<vmem>> -> memref<32x128xf32, #tpu.memory_space<vmem>>
      %dma_start3A_1930 = arith.constant 0 : i32
      %dma_start3A_1931 = tpu.memref_slice %arg5[%dma_start3A_1930, %multiple_of3A_1893] : memref<32x1000000xf32, #tpu.memory_space<hbm>> -> memref<32x128xf32, #tpu.memory_space<hbm>>
      tpu.enqueue_dma source(%dma_start3A_1931 : memref<32x128xf32, #tpu.memory_space<hbm>>) target(%dma_start3A_1929 : memref<32x128xf32, #tpu.memory_space<vmem>>) target_semaphore(%dma_start3A_1925 : memref<!tpu.dma_semaphore, #tpu.memory_space<semaphore_mem>>)
      %shift_right_logical3A_1932 = arith.constant 7 : i32
      %shift_right_logical3A_1933 = arith.shrui %scan3A_1242, %shift_right_logical3A_1932 : i32
      %shift_left3A_1934 = arith.constant 7 : i32
      %shift_left3A_1935 = arith.shli %shift_right_logical3A_1933, %shift_left3A_1934 : i32
      %multiple_of3A_1936 = tpu.assume_multiple %shift_left3A_1935, 128 : i32
      %shift_right_logical3A_1937 = arith.constant 7 : i32
      %shift_right_logical3A_1938 = arith.shrui %scan3A_1257, %shift_right_logical3A_1937 : i32
      %shift_left3A_1939 = arith.constant 7 : i32
      %shift_left3A_1940 = arith.shli %shift_right_logical3A_1938, %shift_left3A_1939 : i32
      %multiple_of3A_1941 = tpu.assume_multiple %shift_left3A_1940, 128 : i32
      %and3A_1942 = arith.constant 127 : i32
      %and3A_1943 = arith.andi %scan3A_1242, %and3A_1942 : i32
      %broadcast_in_dim3A_1944 = vector.broadcast %and3A_1943 : i32 to vector<16xi32>
      %and3A_1945 = arith.constant 127 : i32
      %and3A_1946 = arith.andi %scan3A_1257, %and3A_1945 : i32
      %broadcast_in_dim3A_1947 = vector.broadcast %and3A_1946 : i32 to vector<16xi32>
      %dma_start3A_1948 = arith.constant 14 : i32
      %dma_start3A_1949 = arith.constant 14 : i32
      %dma_start3A_1950 = arith.constant 0 : i32
      %dma_start3A_1951 = arith.constant 0 : i32
      %dma_start3A_1952 = tpu.memref_slice %arg10[%dma_start3A_1948, %dma_start3A_1950, %dma_start3A_1951] : memref<15x32x128xf32, #tpu.memory_space<vmem>> -> memref<1x32x128xf32, #tpu.memory_space<vmem>>
      %dma_start3A_1953 = tpu.memref_squeeze %dma_start3A_1952 : memref<1x32x128xf32, #tpu.memory_space<vmem>> -> memref<32x128xf32, #tpu.memory_space<vmem>>
      %dma_start3A_1954 = arith.constant 0 : i32
      %dma_start3A_1955 = tpu.memref_slice %arg4[%dma_start3A_1954, %multiple_of3A_1936] : memref<32x1000000xf32, #tpu.memory_space<hbm>> -> memref<32x128xf32, #tpu.memory_space<hbm>>
      %dma_start3A_1956 = tpu.memref_slice %arg13[%dma_start3A_1949] : memref<15x!tpu.dma_semaphore, #tpu.memory_space<semaphore_mem>> -> memref<1x!tpu.dma_semaphore, #tpu.memory_space<semaphore_mem>>
      %dma_start3A_1957 = tpu.memref_squeeze %dma_start3A_1956 : memref<1x!tpu.dma_semaphore, #tpu.memory_space<semaphore_mem>> -> memref<!tpu.dma_semaphore, #tpu.memory_space<semaphore_mem>>
      %dma_start3A_1958 = arith.constant 0 : i32
      %dma_start3A_1959 = arith.constant 0 : i32
      %dma_start3A_1960 = tpu.memref_slice %arg10[%dma_start3A_1948, %dma_start3A_1958, %dma_start3A_1959] : memref<15x32x128xf32, #tpu.memory_space<vmem>> -> memref<1x32x128xf32, #tpu.memory_space<vmem>>
      %dma_start3A_1961 = tpu.memref_squeeze %dma_start3A_1960 : memref<1x32x128xf32, #tpu.memory_space<vmem>> -> memref<32x128xf32, #tpu.memory_space<vmem>>
      %dma_start3A_1962 = arith.constant 0 : i32
      %dma_start3A_1963 = tpu.memref_slice %arg4[%dma_start3A_1962, %multiple_of3A_1936] : memref<32x1000000xf32, #tpu.memory_space<hbm>> -> memref<32x128xf32, #tpu.memory_space<hbm>>
      tpu.enqueue_dma source(%dma_start3A_1963 : memref<32x128xf32, #tpu.memory_space<hbm>>) target(%dma_start3A_1961 : memref<32x128xf32, #tpu.memory_space<vmem>>) target_semaphore(%dma_start3A_1957 : memref<!tpu.dma_semaphore, #tpu.memory_space<semaphore_mem>>)
      %dma_start3A_1964 = arith.constant 14 : i32
      %dma_start3A_1965 = arith.constant 14 : i32
      %dma_start3A_1966 = arith.constant 0 : i32
      %dma_start3A_1967 = arith.constant 0 : i32
      %dma_start3A_1968 = tpu.memref_slice %arg11[%dma_start3A_1964, %dma_start3A_1966, %dma_start3A_1967] : memref<15x32x128xf32, #tpu.memory_space<vmem>> -> memref<1x32x128xf32, #tpu.memory_space<vmem>>
      %dma_start3A_1969 = tpu.memref_squeeze %dma_start3A_1968 : memref<1x32x128xf32, #tpu.memory_space<vmem>> -> memref<32x128xf32, #tpu.memory_space<vmem>>
      %dma_start3A_1970 = arith.constant 0 : i32
      %dma_start3A_1971 = tpu.memref_slice %arg5[%dma_start3A_1970, %multiple_of3A_1941] : memref<32x1000000xf32, #tpu.memory_space<hbm>> -> memref<32x128xf32, #tpu.memory_space<hbm>>
      %dma_start3A_1972 = tpu.memref_slice %arg14[%dma_start3A_1965] : memref<15x!tpu.dma_semaphore, #tpu.memory_space<semaphore_mem>> -> memref<1x!tpu.dma_semaphore, #tpu.memory_space<semaphore_mem>>
      %dma_start3A_1973 = tpu.memref_squeeze %dma_start3A_1972 : memref<1x!tpu.dma_semaphore, #tpu.memory_space<semaphore_mem>> -> memref<!tpu.dma_semaphore, #tpu.memory_space<semaphore_mem>>
      %dma_start3A_1974 = arith.constant 0 : i32
      %dma_start3A_1975 = arith.constant 0 : i32
      %dma_start3A_1976 = tpu.memref_slice %arg11[%dma_start3A_1964, %dma_start3A_1974, %dma_start3A_1975] : memref<15x32x128xf32, #tpu.memory_space<vmem>> -> memref<1x32x128xf32, #tpu.memory_space<vmem>>
      %dma_start3A_1977 = tpu.memref_squeeze %dma_start3A_1976 : memref<1x32x128xf32, #tpu.memory_space<vmem>> -> memref<32x128xf32, #tpu.memory_space<vmem>>
      %dma_start3A_1978 = arith.constant 0 : i32
      %dma_start3A_1979 = tpu.memref_slice %arg5[%dma_start3A_1978, %multiple_of3A_1941] : memref<32x1000000xf32, #tpu.memory_space<hbm>> -> memref<32x128xf32, #tpu.memory_space<hbm>>
      tpu.enqueue_dma source(%dma_start3A_1979 : memref<32x128xf32, #tpu.memory_space<hbm>>) target(%dma_start3A_1977 : memref<32x128xf32, #tpu.memory_space<vmem>>) target_semaphore(%dma_start3A_1973 : memref<!tpu.dma_semaphore, #tpu.memory_space<semaphore_mem>>)
      %add3A_1980 = arith.constant 15 : i32
      %add3A_1981 = arith.addi %mul3A_1259, %add3A_1980 : i32
      %add3A_1982 = arith.constant 0 : i32
      %add3A_1983 = arith.addi %add3A_1981, %add3A_1982 : i32
      %min3A_1984 = arith.constant 511 : i32
      %min3A_1985 = arith.minsi %add3A_1983, %min3A_1984 : i32
      %jit3A_1986 = arith.constant 16 : i32
      %div3A_1987 = arith.divsi %min3A_1985, %jit3A_1986 : i32
      %sign3A_1988 = arith.constant 0 : i32
      %sign3A_1989 = arith.cmpi sgt, %min3A_1985, %sign3A_1988 : i32
      %sign3A_1990 = arith.extui %sign3A_1989 : i1 to i32
      %sign3A_1991 = arith.constant 0 : i32
      %sign3A_1992 = arith.cmpi slt, %min3A_1985, %sign3A_1991 : i32
      %sign3A_1993 = arith.extui %sign3A_1992 : i1 to i32
      %sign3A_1994 = arith.subi %sign3A_1990, %sign3A_1993 : i32
      %sign3A_1995 = arith.constant 0 : i32
      %sign3A_1996 = arith.cmpi sgt, %jit3A_1986, %sign3A_1995 : i32
      %sign3A_1997 = arith.extui %sign3A_1996 : i1 to i32
      %sign3A_1998 = arith.constant 0 : i32
      %sign3A_1999 = arith.cmpi slt, %jit3A_1986, %sign3A_1998 : i32
      %sign3A_2000 = arith.extui %sign3A_1999 : i1 to i32
      %sign3A_2001 = arith.subi %sign3A_1997, %sign3A_2000 : i32
      %ne3A_2002 = arith.cmpi ne, %sign3A_1994, %sign3A_2001 : i32
      %rem3A_2003 = arith.remsi %min3A_1985, %jit3A_1986 : i32
      %ne3A_2004 = arith.constant 0 : i32
      %ne3A_2005 = arith.cmpi ne, %rem3A_2003, %ne3A_2004 : i32
      %and3A_2006 = arith.andi %ne3A_2002, %ne3A_2005 : i1
      %sub3A_2007 = arith.constant 1 : i32
      %sub3A_2008 = arith.subi %div3A_1987, %sub3A_2007 : i32
      %select_n3A_2009 = arith.select %and3A_2006, %sub3A_2008, %div3A_1987 : i32
      %mul3A_2010 = arith.constant 16 : i32
      %mul3A_2011 = arith.muli %select_n3A_2009, %mul3A_2010 : i32
      %get3A_2012 = arith.index_cast %mul3A_2011 : i32 to index
      %get3A_2013 = tpu.vector_load %arg7[%get3A_2012] {strides = array<i32>} : memref<512xi32, #tpu.memory_space<vmem>>, vector<16xi32>,
      %get3A_2014 = arith.index_cast %mul3A_2011 : i32 to index
      %get3A_2015 = tpu.vector_load %arg8[%get3A_2014] {strides = array<i32>} : memref<512xi32, #tpu.memory_space<vmem>>, vector<16xi32>,
      %jit3A_2016 = arith.constant 16 : i32
      %eq3A_2017 = arith.constant 0 : i32
      %eq3A_2018 = arith.cmpi eq, %jit3A_2016, %eq3A_2017 : i32
      %jit3A_2019 = arith.constant 1 : i32
      %select_n3A_2020 = arith.select %eq3A_2018, %jit3A_2019, %jit3A_2016 : i32
      %rem3A_2021 = arith.remsi %min3A_1985, %select_n3A_2020 : i32
      %ne3A_2022 = arith.constant 0 : i32
      %ne3A_2023 = arith.cmpi ne, %rem3A_2021, %ne3A_2022 : i32
      %lt3A_2024 = arith.constant 0 : i32
      %lt3A_2025 = arith.cmpi slt, %rem3A_2021, %lt3A_2024 : i32
      %lt3A_2026 = arith.constant 0 : i32
      %lt3A_2027 = arith.cmpi slt, %select_n3A_2020, %lt3A_2026 : i32
      %ne3A_2028 = arith.xori %lt3A_2025, %lt3A_2027 : i1
      %and3A_2029 = arith.andi %ne3A_2028, %ne3A_2023 : i1
      %add3A_2030 = arith.addi %rem3A_2021, %select_n3A_2020 : i32
      %select_n3A_2031 = arith.select %and3A_2029, %add3A_2030, %rem3A_2021 : i32
      %eq3A_2032 = vector.broadcast %select_n3A_2031 : i32 to vector<16xi32>
      %eq3A_2033 = arith.cmpi eq, %iota3A, %eq3A_2032 : vector<16xi32>
      %select_n3A_2034 = arith.select %eq3A_2033, %get3A_2013, %broadcast_in_dim3A_6 : vector<16xi1>, vector<16xi32>
      %reduce_sum3A_2035 = arith.constant true
      %reduce_sum3A_2036 = vector.broadcast %reduce_sum3A_2035 : i1 to vector<16xi1>
      %reduce_sum3A_2037 = tpu.scan <sum>, %select_n3A_2034 masked %reduce_sum3A_2036 : vector<16xi32>, vector<16xi1> -> vector<16xi32>
      %reduce_sum3A_2038 = vector.extract %reduce_sum3A_2037[15] : i32 from vector<16xi32>
      %select_n3A_2039 = arith.select %eq3A_2033, %get3A_2015, %broadcast_in_dim3A_6 : vector<16xi1>, vector<16xi32>
      %reduce_sum3A_2040 = arith.constant true
      %reduce_sum3A_2041 = vector.broadcast %reduce_sum3A_2040 : i1 to vector<16xi1>
      %reduce_sum3A_2042 = tpu.scan <sum>, %select_n3A_2039 masked %reduce_sum3A_2041 : vector<16xi32>, vector<16xi1> -> vector<16xi32>
      %reduce_sum3A_2043 = vector.extract %reduce_sum3A_2042[15] : i32 from vector<16xi32>
      %add3A_2044 = arith.constant 1 : i32
      %add3A_2045 = arith.addi %add3A_1981, %add3A_2044 : i32
      %min3A_2046 = arith.constant 511 : i32
      %min3A_2047 = arith.minsi %add3A_2045, %min3A_2046 : i32
      %jit3A_2048 = arith.constant 16 : i32
      %div3A_2049 = arith.divsi %min3A_2047, %jit3A_2048 : i32
      %sign3A_2050 = arith.constant 0 : i32
      %sign3A_2051 = arith.cmpi sgt, %min3A_2047, %sign3A_2050 : i32
      %sign3A_2052 = arith.extui %sign3A_2051 : i1 to i32
      %sign3A_2053 = arith.constant 0 : i32
      %sign3A_2054 = arith.cmpi slt, %min3A_2047, %sign3A_2053 : i32
      %sign3A_2055 = arith.extui %sign3A_2054 : i1 to i32
      %sign3A_2056 = arith.subi %sign3A_2052, %sign3A_2055 : i32
      %sign3A_2057 = arith.constant 0 : i32
      %sign3A_2058 = arith.cmpi sgt, %jit3A_2048, %sign3A_2057 : i32
      %sign3A_2059 = arith.extui %sign3A_2058 : i1 to i32
      %sign3A_2060 = arith.constant 0 : i32
      %sign3A_2061 = arith.cmpi slt, %jit3A_2048, %sign3A_2060 : i32
      %sign3A_2062 = arith.extui %sign3A_2061 : i1 to i32
      %sign3A_2063 = arith.subi %sign3A_2059, %sign3A_2062 : i32
      %ne3A_2064 = arith.cmpi ne, %sign3A_2056, %sign3A_2063 : i32
      %rem3A_2065 = arith.remsi %min3A_2047, %jit3A_2048 : i32
      %ne3A_2066 = arith.constant 0 : i32
      %ne3A_2067 = arith.cmpi ne, %rem3A_2065, %ne3A_2066 : i32
      %and3A_2068 = arith.andi %ne3A_2064, %ne3A_2067 : i1
      %sub3A_2069 = arith.constant 1 : i32
      %sub3A_2070 = arith.subi %div3A_2049, %sub3A_2069 : i32
      %select_n3A_2071 = arith.select %and3A_2068, %sub3A_2070, %div3A_2049 : i32
      %mul3A_2072 = arith.constant 16 : i32
      %mul3A_2073 = arith.muli %select_n3A_2071, %mul3A_2072 : i32
      %get3A_2074 = arith.index_cast %mul3A_2073 : i32 to index
      %get3A_2075 = tpu.vector_load %arg7[%get3A_2074] {strides = array<i32>} : memref<512xi32, #tpu.memory_space<vmem>>, vector<16xi32>,
      %get3A_2076 = arith.index_cast %mul3A_2073 : i32 to index
      %get3A_2077 = tpu.vector_load %arg8[%get3A_2076] {strides = array<i32>} : memref<512xi32, #tpu.memory_space<vmem>>, vector<16xi32>,
      %jit3A_2078 = arith.constant 16 : i32
      %eq3A_2079 = arith.constant 0 : i32
      %eq3A_2080 = arith.cmpi eq, %jit3A_2078, %eq3A_2079 : i32
      %jit3A_2081 = arith.constant 1 : i32
      %select_n3A_2082 = arith.select %eq3A_2080, %jit3A_2081, %jit3A_2078 : i32
      %rem3A_2083 = arith.remsi %min3A_2047, %select_n3A_2082 : i32
      %ne3A_2084 = arith.constant 0 : i32
      %ne3A_2085 = arith.cmpi ne, %rem3A_2083, %ne3A_2084 : i32
      %lt3A_2086 = arith.constant 0 : i32
      %lt3A_2087 = arith.cmpi slt, %rem3A_2083, %lt3A_2086 : i32
      %lt3A_2088 = arith.constant 0 : i32
      %lt3A_2089 = arith.cmpi slt, %select_n3A_2082, %lt3A_2088 : i32
      %ne3A_2090 = arith.xori %lt3A_2087, %lt3A_2089 : i1
      %and3A_2091 = arith.andi %ne3A_2090, %ne3A_2085 : i1
      %add3A_2092 = arith.addi %rem3A_2083, %select_n3A_2082 : i32
      %select_n3A_2093 = arith.select %and3A_2091, %add3A_2092, %rem3A_2083 : i32
      %eq3A_2094 = vector.broadcast %select_n3A_2093 : i32 to vector<16xi32>
      %eq3A_2095 = arith.cmpi eq, %iota3A, %eq3A_2094 : vector<16xi32>
      %select_n3A_2096 = arith.select %eq3A_2095, %get3A_2075, %broadcast_in_dim3A_6 : vector<16xi1>, vector<16xi32>
      %reduce_sum3A_2097 = arith.constant true
      %reduce_sum3A_2098 = vector.broadcast %reduce_sum3A_2097 : i1 to vector<16xi1>
      %reduce_sum3A_2099 = tpu.scan <sum>, %select_n3A_2096 masked %reduce_sum3A_2098 : vector<16xi32>, vector<16xi1> -> vector<16xi32>
      %reduce_sum3A_2100 = vector.extract %reduce_sum3A_2099[15] : i32 from vector<16xi32>
      %select_n3A_2101 = arith.select %eq3A_2095, %get3A_2077, %broadcast_in_dim3A_6 : vector<16xi1>, vector<16xi32>
      %reduce_sum3A_2102 = arith.constant true
      %reduce_sum3A_2103 = vector.broadcast %reduce_sum3A_2102 : i1 to vector<16xi1>
      %reduce_sum3A_2104 = tpu.scan <sum>, %select_n3A_2101 masked %reduce_sum3A_2103 : vector<16xi32>, vector<16xi1> -> vector<16xi32>
      %reduce_sum3A_2105 = vector.extract %reduce_sum3A_2104[15] : i32 from vector<16xi32>
      %add3A_2106 = arith.constant 2 : i32
      %add3A_2107 = arith.addi %add3A_1981, %add3A_2106 : i32
      %min3A_2108 = arith.constant 511 : i32
      %min3A_2109 = arith.minsi %add3A_2107, %min3A_2108 : i32
      %jit3A_2110 = arith.constant 16 : i32
      %div3A_2111 = arith.divsi %min3A_2109, %jit3A_2110 : i32
      %sign3A_2112 = arith.constant 0 : i32
      %sign3A_2113 = arith.cmpi sgt, %min3A_2109, %sign3A_2112 : i32
      %sign3A_2114 = arith.extui %sign3A_2113 : i1 to i32
      %sign3A_2115 = arith.constant 0 : i32
      %sign3A_2116 = arith.cmpi slt, %min3A_2109, %sign3A_2115 : i32
      %sign3A_2117 = arith.extui %sign3A_2116 : i1 to i32
      %sign3A_2118 = arith.subi %sign3A_2114, %sign3A_2117 : i32
      %sign3A_2119 = arith.constant 0 : i32
      %sign3A_2120 = arith.cmpi sgt, %jit3A_2110, %sign3A_2119 : i32
      %sign3A_2121 = arith.extui %sign3A_2120 : i1 to i32
      %sign3A_2122 = arith.constant 0 : i32
      %sign3A_2123 = arith.cmpi slt, %jit3A_2110, %sign3A_2122 : i32
      %sign3A_2124 = arith.extui %sign3A_2123 : i1 to i32
      %sign3A_2125 = arith.subi %sign3A_2121, %sign3A_2124 : i32
      %ne3A_2126 = arith.cmpi ne, %sign3A_2118, %sign3A_2125 : i32
      %rem3A_2127 = arith.remsi %min3A_2109, %jit3A_2110 : i32
      %ne3A_2128 = arith.constant 0 : i32
      %ne3A_2129 = arith.cmpi ne, %rem3A_2127, %ne3A_2128 : i32
      %and3A_2130 = arith.andi %ne3A_2126, %ne3A_2129 : i1
      %sub3A_2131 = arith.constant 1 : i32
      %sub3A_2132 = arith.subi %div3A_2111, %sub3A_2131 : i32
      %select_n3A_2133 = arith.select %and3A_2130, %sub3A_2132, %div3A_2111 : i32
      %mul3A_2134 = arith.constant 16 : i32
      %mul3A_2135 = arith.muli %select_n3A_2133, %mul3A_2134 : i32
      %get3A_2136 = arith.index_cast %mul3A_2135 : i32 to index
      %get3A_2137 = tpu.vector_load %arg7[%get3A_2136] {strides = array<i32>} : memref<512xi32, #tpu.memory_space<vmem>>, vector<16xi32>,
      %get3A_2138 = arith.index_cast %mul3A_2135 : i32 to index
      %get3A_2139 = tpu.vector_load %arg8[%get3A_2138] {strides = array<i32>} : memref<512xi32, #tpu.memory_space<vmem>>, vector<16xi32>,
      %jit3A_2140 = arith.constant 16 : i32
      %eq3A_2141 = arith.constant 0 : i32
      %eq3A_2142 = arith.cmpi eq, %jit3A_2140, %eq3A_2141 : i32
      %jit3A_2143 = arith.constant 1 : i32
      %select_n3A_2144 = arith.select %eq3A_2142, %jit3A_2143, %jit3A_2140 : i32
      %rem3A_2145 = arith.remsi %min3A_2109, %select_n3A_2144 : i32
      %ne3A_2146 = arith.constant 0 : i32
      %ne3A_2147 = arith.cmpi ne, %rem3A_2145, %ne3A_2146 : i32
      %lt3A_2148 = arith.constant 0 : i32
      %lt3A_2149 = arith.cmpi slt, %rem3A_2145, %lt3A_2148 : i32
      %lt3A_2150 = arith.constant 0 : i32
      %lt3A_2151 = arith.cmpi slt, %select_n3A_2144, %lt3A_2150 : i32
      %ne3A_2152 = arith.xori %lt3A_2149, %lt3A_2151 : i1
      %and3A_2153 = arith.andi %ne3A_2152, %ne3A_2147 : i1
      %add3A_2154 = arith.addi %rem3A_2145, %select_n3A_2144 : i32
      %select_n3A_2155 = arith.select %and3A_2153, %add3A_2154, %rem3A_2145 : i32
      %eq3A_2156 = vector.broadcast %select_n3A_2155 : i32 to vector<16xi32>
      %eq3A_2157 = arith.cmpi eq, %iota3A, %eq3A_2156 : vector<16xi32>
      %select_n3A_2158 = arith.select %eq3A_2157, %get3A_2137, %broadcast_in_dim3A_6 : vector<16xi1>, vector<16xi32>
      %reduce_sum3A_2159 = arith.constant true
      %reduce_sum3A_2160 = vector.broadcast %reduce_sum3A_2159 : i1 to vector<16xi1>
      %reduce_sum3A_2161 = tpu.scan <sum>, %select_n3A_2158 masked %reduce_sum3A_2160 : vector<16xi32>, vector<16xi1> -> vector<16xi32>
      %reduce_sum3A_2162 = vector.extract %reduce_sum3A_2161[15] : i32 from vector<16xi32>
      %select_n3A_2163 = arith.select %eq3A_2157, %get3A_2139, %broadcast_in_dim3A_6 : vector<16xi1>, vector<16xi32>
      %reduce_sum3A_2164 = arith.constant true
      %reduce_sum3A_2165 = vector.broadcast %reduce_sum3A_2164 : i1 to vector<16xi1>
      %reduce_sum3A_2166 = tpu.scan <sum>, %select_n3A_2163 masked %reduce_sum3A_2165 : vector<16xi32>, vector<16xi1> -> vector<16xi32>
      %reduce_sum3A_2167 = vector.extract %reduce_sum3A_2166[15] : i32 from vector<16xi32>
      %add3A_2168 = arith.constant 3 : i32
      %add3A_2169 = arith.addi %add3A_1981, %add3A_2168 : i32
      %min3A_2170 = arith.constant 511 : i32
      %min3A_2171 = arith.minsi %add3A_2169, %min3A_2170 : i32
      %jit3A_2172 = arith.constant 16 : i32
      %div3A_2173 = arith.divsi %min3A_2171, %jit3A_2172 : i32
      %sign3A_2174 = arith.constant 0 : i32
      %sign3A_2175 = arith.cmpi sgt, %min3A_2171, %sign3A_2174 : i32
      %sign3A_2176 = arith.extui %sign3A_2175 : i1 to i32
      %sign3A_2177 = arith.constant 0 : i32
      %sign3A_2178 = arith.cmpi slt, %min3A_2171, %sign3A_2177 : i32
      %sign3A_2179 = arith.extui %sign3A_2178 : i1 to i32
      %sign3A_2180 = arith.subi %sign3A_2176, %sign3A_2179 : i32
      %sign3A_2181 = arith.constant 0 : i32
      %sign3A_2182 = arith.cmpi sgt, %jit3A_2172, %sign3A_2181 : i32
      %sign3A_2183 = arith.extui %sign3A_2182 : i1 to i32
      %sign3A_2184 = arith.constant 0 : i32
      %sign3A_2185 = arith.cmpi slt, %jit3A_2172, %sign3A_2184 : i32
      %sign3A_2186 = arith.extui %sign3A_2185 : i1 to i32
      %sign3A_2187 = arith.subi %sign3A_2183, %sign3A_2186 : i32
      %ne3A_2188 = arith.cmpi ne, %sign3A_2180, %sign3A_2187 : i32
      %rem3A_2189 = arith.remsi %min3A_2171, %jit3A_2172 : i32
      %ne3A_2190 = arith.constant 0 : i32
      %ne3A_2191 = arith.cmpi ne, %rem3A_2189, %ne3A_2190 : i32
      %and3A_2192 = arith.andi %ne3A_2188, %ne3A_2191 : i1
      %sub3A_2193 = arith.constant 1 : i32
      %sub3A_2194 = arith.subi %div3A_2173, %sub3A_2193 : i32
      %select_n3A_2195 = arith.select %and3A_2192, %sub3A_2194, %div3A_2173 : i32
      %mul3A_2196 = arith.constant 16 : i32
      %mul3A_2197 = arith.muli %select_n3A_2195, %mul3A_2196 : i32
      %get3A_2198 = arith.index_cast %mul3A_2197 : i32 to index
      %get3A_2199 = tpu.vector_load %arg7[%get3A_2198] {strides = array<i32>} : memref<512xi32, #tpu.memory_space<vmem>>, vector<16xi32>,
      %get3A_2200 = arith.index_cast %mul3A_2197 : i32 to index
      %get3A_2201 = tpu.vector_load %arg8[%get3A_2200] {strides = array<i32>} : memref<512xi32, #tpu.memory_space<vmem>>, vector<16xi32>,
      %jit3A_2202 = arith.constant 16 : i32
      %eq3A_2203 = arith.constant 0 : i32
      %eq3A_2204 = arith.cmpi eq, %jit3A_2202, %eq3A_2203 : i32
      %jit3A_2205 = arith.constant 1 : i32
      %select_n3A_2206 = arith.select %eq3A_2204, %jit3A_2205, %jit3A_2202 : i32
      %rem3A_2207 = arith.remsi %min3A_2171, %select_n3A_2206 : i32
      %ne3A_2208 = arith.constant 0 : i32
      %ne3A_2209 = arith.cmpi ne, %rem3A_2207, %ne3A_2208 : i32
      %lt3A_2210 = arith.constant 0 : i32
      %lt3A_2211 = arith.cmpi slt, %rem3A_2207, %lt3A_2210 : i32
      %lt3A_2212 = arith.constant 0 : i32
      %lt3A_2213 = arith.cmpi slt, %select_n3A_2206, %lt3A_2212 : i32
      %ne3A_2214 = arith.xori %lt3A_2211, %lt3A_2213 : i1
      %and3A_2215 = arith.andi %ne3A_2214, %ne3A_2209 : i1
      %add3A_2216 = arith.addi %rem3A_2207, %select_n3A_2206 : i32
      %select_n3A_2217 = arith.select %and3A_2215, %add3A_2216, %rem3A_2207 : i32
      %eq3A_2218 = vector.broadcast %select_n3A_2217 : i32 to vector<16xi32>
      %eq3A_2219 = arith.cmpi eq, %iota3A, %eq3A_2218 : vector<16xi32>
      %select_n3A_2220 = arith.select %eq3A_2219, %get3A_2199, %broadcast_in_dim3A_6 : vector<16xi1>, vector<16xi32>
      %reduce_sum3A_2221 = arith.constant true
      %reduce_sum3A_2222 = vector.broadcast %reduce_sum3A_2221 : i1 to vector<16xi1>
      %reduce_sum3A_2223 = tpu.scan <sum>, %select_n3A_2220 masked %reduce_sum3A_2222 : vector<16xi32>, vector<16xi1> -> vector<16xi32>
      %reduce_sum3A_2224 = vector.extract %reduce_sum3A_2223[15] : i32 from vector<16xi32>
      %select_n3A_2225 = arith.select %eq3A_2219, %get3A_2201, %broadcast_in_dim3A_6 : vector<16xi1>, vector<16xi32>
      %reduce_sum3A_2226 = arith.constant true
      %reduce_sum3A_2227 = vector.broadcast %reduce_sum3A_2226 : i1 to vector<16xi1>
      %reduce_sum3A_2228 = tpu.scan <sum>, %select_n3A_2225 masked %reduce_sum3A_2227 : vector<16xi32>, vector<16xi1> -> vector<16xi32>
      %reduce_sum3A_2229 = vector.extract %reduce_sum3A_2228[15] : i32 from vector<16xi32>
      %add3A_2230 = arith.constant 4 : i32
      %add3A_2231 = arith.addi %add3A_1981, %add3A_2230 : i32
      %min3A_2232 = arith.constant 511 : i32
      %min3A_2233 = arith.minsi %add3A_2231, %min3A_2232 : i32
      %jit3A_2234 = arith.constant 16 : i32
      %div3A_2235 = arith.divsi %min3A_2233, %jit3A_2234 : i32
      %sign3A_2236 = arith.constant 0 : i32
      %sign3A_2237 = arith.cmpi sgt, %min3A_2233, %sign3A_2236 : i32
      %sign3A_2238 = arith.extui %sign3A_2237 : i1 to i32
      %sign3A_2239 = arith.constant 0 : i32
      %sign3A_2240 = arith.cmpi slt, %min3A_2233, %sign3A_2239 : i32
      %sign3A_2241 = arith.extui %sign3A_2240 : i1 to i32
      %sign3A_2242 = arith.subi %sign3A_2238, %sign3A_2241 : i32
      %sign3A_2243 = arith.constant 0 : i32
      %sign3A_2244 = arith.cmpi sgt, %jit3A_2234, %sign3A_2243 : i32
      %sign3A_2245 = arith.extui %sign3A_2244 : i1 to i32
      %sign3A_2246 = arith.constant 0 : i32
      %sign3A_2247 = arith.cmpi slt, %jit3A_2234, %sign3A_2246 : i32
      %sign3A_2248 = arith.extui %sign3A_2247 : i1 to i32
      %sign3A_2249 = arith.subi %sign3A_2245, %sign3A_2248 : i32
      %ne3A_2250 = arith.cmpi ne, %sign3A_2242, %sign3A_2249 : i32
      %rem3A_2251 = arith.remsi %min3A_2233, %jit3A_2234 : i32
      %ne3A_2252 = arith.constant 0 : i32
      %ne3A_2253 = arith.cmpi ne, %rem3A_2251, %ne3A_2252 : i32
      %and3A_2254 = arith.andi %ne3A_2250, %ne3A_2253 : i1
      %sub3A_2255 = arith.constant 1 : i32
      %sub3A_2256 = arith.subi %div3A_2235, %sub3A_2255 : i32
      %select_n3A_2257 = arith.select %and3A_2254, %sub3A_2256, %div3A_2235 : i32
      %mul3A_2258 = arith.constant 16 : i32
      %mul3A_2259 = arith.muli %select_n3A_2257, %mul3A_2258 : i32
      %get3A_2260 = arith.index_cast %mul3A_2259 : i32 to index
      %get3A_2261 = tpu.vector_load %arg7[%get3A_2260] {strides = array<i32>} : memref<512xi32, #tpu.memory_space<vmem>>, vector<16xi32>,
      %get3A_2262 = arith.index_cast %mul3A_2259 : i32 to index
      %get3A_2263 = tpu.vector_load %arg8[%get3A_2262] {strides = array<i32>} : memref<512xi32, #tpu.memory_space<vmem>>, vector<16xi32>,
      %jit3A_2264 = arith.constant 16 : i32
      %eq3A_2265 = arith.constant 0 : i32
      %eq3A_2266 = arith.cmpi eq, %jit3A_2264, %eq3A_2265 : i32
      %jit3A_2267 = arith.constant 1 : i32
      %select_n3A_2268 = arith.select %eq3A_2266, %jit3A_2267, %jit3A_2264 : i32
      %rem3A_2269 = arith.remsi %min3A_2233, %select_n3A_2268 : i32
      %ne3A_2270 = arith.constant 0 : i32
      %ne3A_2271 = arith.cmpi ne, %rem3A_2269, %ne3A_2270 : i32
      %lt3A_2272 = arith.constant 0 : i32
      %lt3A_2273 = arith.cmpi slt, %rem3A_2269, %lt3A_2272 : i32
      %lt3A_2274 = arith.constant 0 : i32
      %lt3A_2275 = arith.cmpi slt, %select_n3A_2268, %lt3A_2274 : i32
      %ne3A_2276 = arith.xori %lt3A_2273, %lt3A_2275 : i1
      %and3A_2277 = arith.andi %ne3A_2276, %ne3A_2271 : i1
      %add3A_2278 = arith.addi %rem3A_2269, %select_n3A_2268 : i32
      %select_n3A_2279 = arith.select %and3A_2277, %add3A_2278, %rem3A_2269 : i32
      %eq3A_2280 = vector.broadcast %select_n3A_2279 : i32 to vector<16xi32>
      %eq3A_2281 = arith.cmpi eq, %iota3A, %eq3A_2280 : vector<16xi32>
      %select_n3A_2282 = arith.select %eq3A_2281, %get3A_2261, %broadcast_in_dim3A_6 : vector<16xi1>, vector<16xi32>
      %reduce_sum3A_2283 = arith.constant true
      %reduce_sum3A_2284 = vector.broadcast %reduce_sum3A_2283 : i1 to vector<16xi1>
      %reduce_sum3A_2285 = tpu.scan <sum>, %select_n3A_2282 masked %reduce_sum3A_2284 : vector<16xi32>, vector<16xi1> -> vector<16xi32>
      %reduce_sum3A_2286 = vector.extract %reduce_sum3A_2285[15] : i32 from vector<16xi32>
      %select_n3A_2287 = arith.select %eq3A_2281, %get3A_2263, %broadcast_in_dim3A_6 : vector<16xi1>, vector<16xi32>
      %reduce_sum3A_2288 = arith.constant true
      %reduce_sum3A_2289 = vector.broadcast %reduce_sum3A_2288 : i1 to vector<16xi1>
      %reduce_sum3A_2290 = tpu.scan <sum>, %select_n3A_2287 masked %reduce_sum3A_2289 : vector<16xi32>, vector<16xi1> -> vector<16xi32>
      %reduce_sum3A_2291 = vector.extract %reduce_sum3A_2290[15] : i32 from vector<16xi32>
      %add3A_2292 = arith.constant 5 : i32
      %add3A_2293 = arith.addi %add3A_1981, %add3A_2292 : i32
      %min3A_2294 = arith.constant 511 : i32
      %min3A_2295 = arith.minsi %add3A_2293, %min3A_2294 : i32
      %jit3A_2296 = arith.constant 16 : i32
      %div3A_2297 = arith.divsi %min3A_2295, %jit3A_2296 : i32
      %sign3A_2298 = arith.constant 0 : i32
      %sign3A_2299 = arith.cmpi sgt, %min3A_2295, %sign3A_2298 : i32
      %sign3A_2300 = arith.extui %sign3A_2299 : i1 to i32
      %sign3A_2301 = arith.constant 0 : i32
      %sign3A_2302 = arith.cmpi slt, %min3A_2295, %sign3A_2301 : i32
      %sign3A_2303 = arith.extui %sign3A_2302 : i1 to i32
      %sign3A_2304 = arith.subi %sign3A_2300, %sign3A_2303 : i32
      %sign3A_2305 = arith.constant 0 : i32
      %sign3A_2306 = arith.cmpi sgt, %jit3A_2296, %sign3A_2305 : i32
      %sign3A_2307 = arith.extui %sign3A_2306 : i1 to i32
      %sign3A_2308 = arith.constant 0 : i32
      %sign3A_2309 = arith.cmpi slt, %jit3A_2296, %sign3A_2308 : i32
      %sign3A_2310 = arith.extui %sign3A_2309 : i1 to i32
      %sign3A_2311 = arith.subi %sign3A_2307, %sign3A_2310 : i32
      %ne3A_2312 = arith.cmpi ne, %sign3A_2304, %sign3A_2311 : i32
      %rem3A_2313 = arith.remsi %min3A_2295, %jit3A_2296 : i32
      %ne3A_2314 = arith.constant 0 : i32
      %ne3A_2315 = arith.cmpi ne, %rem3A_2313, %ne3A_2314 : i32
      %and3A_2316 = arith.andi %ne3A_2312, %ne3A_2315 : i1
      %sub3A_2317 = arith.constant 1 : i32
      %sub3A_2318 = arith.subi %div3A_2297, %sub3A_2317 : i32
      %select_n3A_2319 = arith.select %and3A_2316, %sub3A_2318, %div3A_2297 : i32
      %mul3A_2320 = arith.constant 16 : i32
      %mul3A_2321 = arith.muli %select_n3A_2319, %mul3A_2320 : i32
      %get3A_2322 = arith.index_cast %mul3A_2321 : i32 to index
      %get3A_2323 = tpu.vector_load %arg7[%get3A_2322] {strides = array<i32>} : memref<512xi32, #tpu.memory_space<vmem>>, vector<16xi32>,
      %get3A_2324 = arith.index_cast %mul3A_2321 : i32 to index
      %get3A_2325 = tpu.vector_load %arg8[%get3A_2324] {strides = array<i32>} : memref<512xi32, #tpu.memory_space<vmem>>, vector<16xi32>,
      %jit3A_2326 = arith.constant 16 : i32
      %eq3A_2327 = arith.constant 0 : i32
      %eq3A_2328 = arith.cmpi eq, %jit3A_2326, %eq3A_2327 : i32
      %jit3A_2329 = arith.constant 1 : i32
      %select_n3A_2330 = arith.select %eq3A_2328, %jit3A_2329, %jit3A_2326 : i32
      %rem3A_2331 = arith.remsi %min3A_2295, %select_n3A_2330 : i32
      %ne3A_2332 = arith.constant 0 : i32
      %ne3A_2333 = arith.cmpi ne, %rem3A_2331, %ne3A_2332 : i32
      %lt3A_2334 = arith.constant 0 : i32
      %lt3A_2335 = arith.cmpi slt, %rem3A_2331, %lt3A_2334 : i32
      %lt3A_2336 = arith.constant 0 : i32
      %lt3A_2337 = arith.cmpi slt, %select_n3A_2330, %lt3A_2336 : i32
      %ne3A_2338 = arith.xori %lt3A_2335, %lt3A_2337 : i1
      %and3A_2339 = arith.andi %ne3A_2338, %ne3A_2333 : i1
      %add3A_2340 = arith.addi %rem3A_2331, %select_n3A_2330 : i32
      %select_n3A_2341 = arith.select %and3A_2339, %add3A_2340, %rem3A_2331 : i32
      %eq3A_2342 = vector.broadcast %select_n3A_2341 : i32 to vector<16xi32>
      %eq3A_2343 = arith.cmpi eq, %iota3A, %eq3A_2342 : vector<16xi32>
      %select_n3A_2344 = arith.select %eq3A_2343, %get3A_2323, %broadcast_in_dim3A_6 : vector<16xi1>, vector<16xi32>
      %reduce_sum3A_2345 = arith.constant true
      %reduce_sum3A_2346 = vector.broadcast %reduce_sum3A_2345 : i1 to vector<16xi1>
      %reduce_sum3A_2347 = tpu.scan <sum>, %select_n3A_2344 masked %reduce_sum3A_2346 : vector<16xi32>, vector<16xi1> -> vector<16xi32>
      %reduce_sum3A_2348 = vector.extract %reduce_sum3A_2347[15] : i32 from vector<16xi32>
      %select_n3A_2349 = arith.select %eq3A_2343, %get3A_2325, %broadcast_in_dim3A_6 : vector<16xi1>, vector<16xi32>
      %reduce_sum3A_2350 = arith.constant true
      %reduce_sum3A_2351 = vector.broadcast %reduce_sum3A_2350 : i1 to vector<16xi1>
      %reduce_sum3A_2352 = tpu.scan <sum>, %select_n3A_2349 masked %reduce_sum3A_2351 : vector<16xi32>, vector<16xi1> -> vector<16xi32>
      %reduce_sum3A_2353 = vector.extract %reduce_sum3A_2352[15] : i32 from vector<16xi32>
      %add3A_2354 = arith.constant 6 : i32
      %add3A_2355 = arith.addi %add3A_1981, %add3A_2354 : i32
      %min3A_2356 = arith.constant 511 : i32
      %min3A_2357 = arith.minsi %add3A_2355, %min3A_2356 : i32
      %jit3A_2358 = arith.constant 16 : i32
      %div3A_2359 = arith.divsi %min3A_2357, %jit3A_2358 : i32
      %sign3A_2360 = arith.constant 0 : i32
      %sign3A_2361 = arith.cmpi sgt, %min3A_2357, %sign3A_2360 : i32
      %sign3A_2362 = arith.extui %sign3A_2361 : i1 to i32
      %sign3A_2363 = arith.constant 0 : i32
      %sign3A_2364 = arith.cmpi slt, %min3A_2357, %sign3A_2363 : i32
      %sign3A_2365 = arith.extui %sign3A_2364 : i1 to i32
      %sign3A_2366 = arith.subi %sign3A_2362, %sign3A_2365 : i32
      %sign3A_2367 = arith.constant 0 : i32
      %sign3A_2368 = arith.cmpi sgt, %jit3A_2358, %sign3A_2367 : i32
      %sign3A_2369 = arith.extui %sign3A_2368 : i1 to i32
      %sign3A_2370 = arith.constant 0 : i32
      %sign3A_2371 = arith.cmpi slt, %jit3A_2358, %sign3A_2370 : i32
      %sign3A_2372 = arith.extui %sign3A_2371 : i1 to i32
      %sign3A_2373 = arith.subi %sign3A_2369, %sign3A_2372 : i32
      %ne3A_2374 = arith.cmpi ne, %sign3A_2366, %sign3A_2373 : i32
      %rem3A_2375 = arith.remsi %min3A_2357, %jit3A_2358 : i32
      %ne3A_2376 = arith.constant 0 : i32
      %ne3A_2377 = arith.cmpi ne, %rem3A_2375, %ne3A_2376 : i32
      %and3A_2378 = arith.andi %ne3A_2374, %ne3A_2377 : i1
      %sub3A_2379 = arith.constant 1 : i32
      %sub3A_2380 = arith.subi %div3A_2359, %sub3A_2379 : i32
      %select_n3A_2381 = arith.select %and3A_2378, %sub3A_2380, %div3A_2359 : i32
      %mul3A_2382 = arith.constant 16 : i32
      %mul3A_2383 = arith.muli %select_n3A_2381, %mul3A_2382 : i32
      %get3A_2384 = arith.index_cast %mul3A_2383 : i32 to index
      %get3A_2385 = tpu.vector_load %arg7[%get3A_2384] {strides = array<i32>} : memref<512xi32, #tpu.memory_space<vmem>>, vector<16xi32>,
      %get3A_2386 = arith.index_cast %mul3A_2383 : i32 to index
      %get3A_2387 = tpu.vector_load %arg8[%get3A_2386] {strides = array<i32>} : memref<512xi32, #tpu.memory_space<vmem>>, vector<16xi32>,
      %jit3A_2388 = arith.constant 16 : i32
      %eq3A_2389 = arith.constant 0 : i32
      %eq3A_2390 = arith.cmpi eq, %jit3A_2388, %eq3A_2389 : i32
      %jit3A_2391 = arith.constant 1 : i32
      %select_n3A_2392 = arith.select %eq3A_2390, %jit3A_2391, %jit3A_2388 : i32
      %rem3A_2393 = arith.remsi %min3A_2357, %select_n3A_2392 : i32
      %ne3A_2394 = arith.constant 0 : i32
      %ne3A_2395 = arith.cmpi ne, %rem3A_2393, %ne3A_2394 : i32
      %lt3A_2396 = arith.constant 0 : i32
      %lt3A_2397 = arith.cmpi slt, %rem3A_2393, %lt3A_2396 : i32
      %lt3A_2398 = arith.constant 0 : i32
      %lt3A_2399 = arith.cmpi slt, %select_n3A_2392, %lt3A_2398 : i32
      %ne3A_2400 = arith.xori %lt3A_2397, %lt3A_2399 : i1
      %and3A_2401 = arith.andi %ne3A_2400, %ne3A_2395 : i1
      %add3A_2402 = arith.addi %rem3A_2393, %select_n3A_2392 : i32
      %select_n3A_2403 = arith.select %and3A_2401, %add3A_2402, %rem3A_2393 : i32
      %eq3A_2404 = vector.broadcast %select_n3A_2403 : i32 to vector<16xi32>
      %eq3A_2405 = arith.cmpi eq, %iota3A, %eq3A_2404 : vector<16xi32>
      %select_n3A_2406 = arith.select %eq3A_2405, %get3A_2385, %broadcast_in_dim3A_6 : vector<16xi1>, vector<16xi32>
      %reduce_sum3A_2407 = arith.constant true
      %reduce_sum3A_2408 = vector.broadcast %reduce_sum3A_2407 : i1 to vector<16xi1>
      %reduce_sum3A_2409 = tpu.scan <sum>, %select_n3A_2406 masked %reduce_sum3A_2408 : vector<16xi32>, vector<16xi1> -> vector<16xi32>
      %reduce_sum3A_2410 = vector.extract %reduce_sum3A_2409[15] : i32 from vector<16xi32>
      %select_n3A_2411 = arith.select %eq3A_2405, %get3A_2387, %broadcast_in_dim3A_6 : vector<16xi1>, vector<16xi32>
      %reduce_sum3A_2412 = arith.constant true
      %reduce_sum3A_2413 = vector.broadcast %reduce_sum3A_2412 : i1 to vector<16xi1>
      %reduce_sum3A_2414 = tpu.scan <sum>, %select_n3A_2411 masked %reduce_sum3A_2413 : vector<16xi32>, vector<16xi1> -> vector<16xi32>
      %reduce_sum3A_2415 = vector.extract %reduce_sum3A_2414[15] : i32 from vector<16xi32>
      %add3A_2416 = arith.constant 7 : i32
      %add3A_2417 = arith.addi %add3A_1981, %add3A_2416 : i32
      %min3A_2418 = arith.constant 511 : i32
      %min3A_2419 = arith.minsi %add3A_2417, %min3A_2418 : i32
      %jit3A_2420 = arith.constant 16 : i32
      %div3A_2421 = arith.divsi %min3A_2419, %jit3A_2420 : i32
      %sign3A_2422 = arith.constant 0 : i32
      %sign3A_2423 = arith.cmpi sgt, %min3A_2419, %sign3A_2422 : i32
      %sign3A_2424 = arith.extui %sign3A_2423 : i1 to i32
      %sign3A_2425 = arith.constant 0 : i32
      %sign3A_2426 = arith.cmpi slt, %min3A_2419, %sign3A_2425 : i32
      %sign3A_2427 = arith.extui %sign3A_2426 : i1 to i32
      %sign3A_2428 = arith.subi %sign3A_2424, %sign3A_2427 : i32
      %sign3A_2429 = arith.constant 0 : i32
      %sign3A_2430 = arith.cmpi sgt, %jit3A_2420, %sign3A_2429 : i32
      %sign3A_2431 = arith.extui %sign3A_2430 : i1 to i32
      %sign3A_2432 = arith.constant 0 : i32
      %sign3A_2433 = arith.cmpi slt, %jit3A_2420, %sign3A_2432 : i32
      %sign3A_2434 = arith.extui %sign3A_2433 : i1 to i32
      %sign3A_2435 = arith.subi %sign3A_2431, %sign3A_2434 : i32
      %ne3A_2436 = arith.cmpi ne, %sign3A_2428, %sign3A_2435 : i32
      %rem3A_2437 = arith.remsi %min3A_2419, %jit3A_2420 : i32
      %ne3A_2438 = arith.constant 0 : i32
      %ne3A_2439 = arith.cmpi ne, %rem3A_2437, %ne3A_2438 : i32
      %and3A_2440 = arith.andi %ne3A_2436, %ne3A_2439 : i1
      %sub3A_2441 = arith.constant 1 : i32
      %sub3A_2442 = arith.subi %div3A_2421, %sub3A_2441 : i32
      %select_n3A_2443 = arith.select %and3A_2440, %sub3A_2442, %div3A_2421 : i32
      %mul3A_2444 = arith.constant 16 : i32
      %mul3A_2445 = arith.muli %select_n3A_2443, %mul3A_2444 : i32
      %get3A_2446 = arith.index_cast %mul3A_2445 : i32 to index
      %get3A_2447 = tpu.vector_load %arg7[%get3A_2446] {strides = array<i32>} : memref<512xi32, #tpu.memory_space<vmem>>, vector<16xi32>,
      %get3A_2448 = arith.index_cast %mul3A_2445 : i32 to index
      %get3A_2449 = tpu.vector_load %arg8[%get3A_2448] {strides = array<i32>} : memref<512xi32, #tpu.memory_space<vmem>>, vector<16xi32>,
      %jit3A_2450 = arith.constant 16 : i32
      %eq3A_2451 = arith.constant 0 : i32
      %eq3A_2452 = arith.cmpi eq, %jit3A_2450, %eq3A_2451 : i32
      %jit3A_2453 = arith.constant 1 : i32
      %select_n3A_2454 = arith.select %eq3A_2452, %jit3A_2453, %jit3A_2450 : i32
      %rem3A_2455 = arith.remsi %min3A_2419, %select_n3A_2454 : i32
      %ne3A_2456 = arith.constant 0 : i32
      %ne3A_2457 = arith.cmpi ne, %rem3A_2455, %ne3A_2456 : i32
      %lt3A_2458 = arith.constant 0 : i32
      %lt3A_2459 = arith.cmpi slt, %rem3A_2455, %lt3A_2458 : i32
      %lt3A_2460 = arith.constant 0 : i32
      %lt3A_2461 = arith.cmpi slt, %select_n3A_2454, %lt3A_2460 : i32
      %ne3A_2462 = arith.xori %lt3A_2459, %lt3A_2461 : i1
      %and3A_2463 = arith.andi %ne3A_2462, %ne3A_2457 : i1
      %add3A_2464 = arith.addi %rem3A_2455, %select_n3A_2454 : i32
      %select_n3A_2465 = arith.select %and3A_2463, %add3A_2464, %rem3A_2455 : i32
      %eq3A_2466 = vector.broadcast %select_n3A_2465 : i32 to vector<16xi32>
      %eq3A_2467 = arith.cmpi eq, %iota3A, %eq3A_2466 : vector<16xi32>
      %select_n3A_2468 = arith.select %eq3A_2467, %get3A_2447, %broadcast_in_dim3A_6 : vector<16xi1>, vector<16xi32>
      %reduce_sum3A_2469 = arith.constant true
      %reduce_sum3A_2470 = vector.broadcast %reduce_sum3A_2469 : i1 to vector<16xi1>
      %reduce_sum3A_2471 = tpu.scan <sum>, %select_n3A_2468 masked %reduce_sum3A_2470 : vector<16xi32>, vector<16xi1> -> vector<16xi32>
      %reduce_sum3A_2472 = vector.extract %reduce_sum3A_2471[15] : i32 from vector<16xi32>
      %select_n3A_2473 = arith.select %eq3A_2467, %get3A_2449, %broadcast_in_dim3A_6 : vector<16xi1>, vector<16xi32>
      %reduce_sum3A_2474 = arith.constant true
      %reduce_sum3A_2475 = vector.broadcast %reduce_sum3A_2474 : i1 to vector<16xi1>
      %reduce_sum3A_2476 = tpu.scan <sum>, %select_n3A_2473 masked %reduce_sum3A_2475 : vector<16xi32>, vector<16xi1> -> vector<16xi32>
      %reduce_sum3A_2477 = vector.extract %reduce_sum3A_2476[15] : i32 from vector<16xi32>
      %add3A_2478 = arith.constant 8 : i32
      %add3A_2479 = arith.addi %add3A_1981, %add3A_2478 : i32
      %min3A_2480 = arith.constant 511 : i32
      %min3A_2481 = arith.minsi %add3A_2479, %min3A_2480 : i32
      %jit3A_2482 = arith.constant 16 : i32
      %div3A_2483 = arith.divsi %min3A_2481, %jit3A_2482 : i32
      %sign3A_2484 = arith.constant 0 : i32
      %sign3A_2485 = arith.cmpi sgt, %min3A_2481, %sign3A_2484 : i32
      %sign3A_2486 = arith.extui %sign3A_2485 : i1 to i32
      %sign3A_2487 = arith.constant 0 : i32
      %sign3A_2488 = arith.cmpi slt, %min3A_2481, %sign3A_2487 : i32
      %sign3A_2489 = arith.extui %sign3A_2488 : i1 to i32
      %sign3A_2490 = arith.subi %sign3A_2486, %sign3A_2489 : i32
      %sign3A_2491 = arith.constant 0 : i32
      %sign3A_2492 = arith.cmpi sgt, %jit3A_2482, %sign3A_2491 : i32
      %sign3A_2493 = arith.extui %sign3A_2492 : i1 to i32
      %sign3A_2494 = arith.constant 0 : i32
      %sign3A_2495 = arith.cmpi slt, %jit3A_2482, %sign3A_2494 : i32
      %sign3A_2496 = arith.extui %sign3A_2495 : i1 to i32
      %sign3A_2497 = arith.subi %sign3A_2493, %sign3A_2496 : i32
      %ne3A_2498 = arith.cmpi ne, %sign3A_2490, %sign3A_2497 : i32
      %rem3A_2499 = arith.remsi %min3A_2481, %jit3A_2482 : i32
      %ne3A_2500 = arith.constant 0 : i32
      %ne3A_2501 = arith.cmpi ne, %rem3A_2499, %ne3A_2500 : i32
      %and3A_2502 = arith.andi %ne3A_2498, %ne3A_2501 : i1
      %sub3A_2503 = arith.constant 1 : i32
      %sub3A_2504 = arith.subi %div3A_2483, %sub3A_2503 : i32
      %select_n3A_2505 = arith.select %and3A_2502, %sub3A_2504, %div3A_2483 : i32
      %mul3A_2506 = arith.constant 16 : i32
      %mul3A_2507 = arith.muli %select_n3A_2505, %mul3A_2506 : i32
      %get3A_2508 = arith.index_cast %mul3A_2507 : i32 to index
      %get3A_2509 = tpu.vector_load %arg7[%get3A_2508] {strides = array<i32>} : memref<512xi32, #tpu.memory_space<vmem>>, vector<16xi32>,
      %get3A_2510 = arith.index_cast %mul3A_2507 : i32 to index
      %get3A_2511 = tpu.vector_load %arg8[%get3A_2510] {strides = array<i32>} : memref<512xi32, #tpu.memory_space<vmem>>, vector<16xi32>,
      %jit3A_2512 = arith.constant 16 : i32
      %eq3A_2513 = arith.constant 0 : i32
      %eq3A_2514 = arith.cmpi eq, %jit3A_2512, %eq3A_2513 : i32
      %jit3A_2515 = arith.constant 1 : i32
      %select_n3A_2516 = arith.select %eq3A_2514, %jit3A_2515, %jit3A_2512 : i32
      %rem3A_2517 = arith.remsi %min3A_2481, %select_n3A_2516 : i32
      %ne3A_2518 = arith.constant 0 : i32
      %ne3A_2519 = arith.cmpi ne, %rem3A_2517, %ne3A_2518 : i32
      %lt3A_2520 = arith.constant 0 : i32
      %lt3A_2521 = arith.cmpi slt, %rem3A_2517, %lt3A_2520 : i32
      %lt3A_2522 = arith.constant 0 : i32
      %lt3A_2523 = arith.cmpi slt, %select_n3A_2516, %lt3A_2522 : i32
      %ne3A_2524 = arith.xori %lt3A_2521, %lt3A_2523 : i1
      %and3A_2525 = arith.andi %ne3A_2524, %ne3A_2519 : i1
      %add3A_2526 = arith.addi %rem3A_2517, %select_n3A_2516 : i32
      %select_n3A_2527 = arith.select %and3A_2525, %add3A_2526, %rem3A_2517 : i32
      %eq3A_2528 = vector.broadcast %select_n3A_2527 : i32 to vector<16xi32>
      %eq3A_2529 = arith.cmpi eq, %iota3A, %eq3A_2528 : vector<16xi32>
      %select_n3A_2530 = arith.select %eq3A_2529, %get3A_2509, %broadcast_in_dim3A_6 : vector<16xi1>, vector<16xi32>
      %reduce_sum3A_2531 = arith.constant true
      %reduce_sum3A_2532 = vector.broadcast %reduce_sum3A_2531 : i1 to vector<16xi1>
      %reduce_sum3A_2533 = tpu.scan <sum>, %select_n3A_2530 masked %reduce_sum3A_2532 : vector<16xi32>, vector<16xi1> -> vector<16xi32>
      %reduce_sum3A_2534 = vector.extract %reduce_sum3A_2533[15] : i32 from vector<16xi32>
      %select_n3A_2535 = arith.select %eq3A_2529, %get3A_2511, %broadcast_in_dim3A_6 : vector<16xi1>, vector<16xi32>
      %reduce_sum3A_2536 = arith.constant true
      %reduce_sum3A_2537 = vector.broadcast %reduce_sum3A_2536 : i1 to vector<16xi1>
      %reduce_sum3A_2538 = tpu.scan <sum>, %select_n3A_2535 masked %reduce_sum3A_2537 : vector<16xi32>, vector<16xi1> -> vector<16xi32>
      %reduce_sum3A_2539 = vector.extract %reduce_sum3A_2538[15] : i32 from vector<16xi32>
      %add3A_2540 = arith.constant 9 : i32
      %add3A_2541 = arith.addi %add3A_1981, %add3A_2540 : i32
      %min3A_2542 = arith.constant 511 : i32
      %min3A_2543 = arith.minsi %add3A_2541, %min3A_2542 : i32
      %jit3A_2544 = arith.constant 16 : i32
      %div3A_2545 = arith.divsi %min3A_2543, %jit3A_2544 : i32
      %sign3A_2546 = arith.constant 0 : i32
      %sign3A_2547 = arith.cmpi sgt, %min3A_2543, %sign3A_2546 : i32
      %sign3A_2548 = arith.extui %sign3A_2547 : i1 to i32
      %sign3A_2549 = arith.constant 0 : i32
      %sign3A_2550 = arith.cmpi slt, %min3A_2543, %sign3A_2549 : i32
      %sign3A_2551 = arith.extui %sign3A_2550 : i1 to i32
      %sign3A_2552 = arith.subi %sign3A_2548, %sign3A_2551 : i32
      %sign3A_2553 = arith.constant 0 : i32
      %sign3A_2554 = arith.cmpi sgt, %jit3A_2544, %sign3A_2553 : i32
      %sign3A_2555 = arith.extui %sign3A_2554 : i1 to i32
      %sign3A_2556 = arith.constant 0 : i32
      %sign3A_2557 = arith.cmpi slt, %jit3A_2544, %sign3A_2556 : i32
      %sign3A_2558 = arith.extui %sign3A_2557 : i1 to i32
      %sign3A_2559 = arith.subi %sign3A_2555, %sign3A_2558 : i32
      %ne3A_2560 = arith.cmpi ne, %sign3A_2552, %sign3A_2559 : i32
      %rem3A_2561 = arith.remsi %min3A_2543, %jit3A_2544 : i32
      %ne3A_2562 = arith.constant 0 : i32
      %ne3A_2563 = arith.cmpi ne, %rem3A_2561, %ne3A_2562 : i32
      %and3A_2564 = arith.andi %ne3A_2560, %ne3A_2563 : i1
      %sub3A_2565 = arith.constant 1 : i32
      %sub3A_2566 = arith.subi %div3A_2545, %sub3A_2565 : i32
      %select_n3A_2567 = arith.select %and3A_2564, %sub3A_2566, %div3A_2545 : i32
      %mul3A_2568 = arith.constant 16 : i32
      %mul3A_2569 = arith.muli %select_n3A_2567, %mul3A_2568 : i32
      %get3A_2570 = arith.index_cast %mul3A_2569 : i32 to index
      %get3A_2571 = tpu.vector_load %arg7[%get3A_2570] {strides = array<i32>} : memref<512xi32, #tpu.memory_space<vmem>>, vector<16xi32>,
      %get3A_2572 = arith.index_cast %mul3A_2569 : i32 to index
      %get3A_2573 = tpu.vector_load %arg8[%get3A_2572] {strides = array<i32>} : memref<512xi32, #tpu.memory_space<vmem>>, vector<16xi32>,
      %jit3A_2574 = arith.constant 16 : i32
      %eq3A_2575 = arith.constant 0 : i32
      %eq3A_2576 = arith.cmpi eq, %jit3A_2574, %eq3A_2575 : i32
      %jit3A_2577 = arith.constant 1 : i32
      %select_n3A_2578 = arith.select %eq3A_2576, %jit3A_2577, %jit3A_2574 : i32
      %rem3A_2579 = arith.remsi %min3A_2543, %select_n3A_2578 : i32
      %ne3A_2580 = arith.constant 0 : i32
      %ne3A_2581 = arith.cmpi ne, %rem3A_2579, %ne3A_2580 : i32
      %lt3A_2582 = arith.constant 0 : i32
      %lt3A_2583 = arith.cmpi slt, %rem3A_2579, %lt3A_2582 : i32
      %lt3A_2584 = arith.constant 0 : i32
      %lt3A_2585 = arith.cmpi slt, %select_n3A_2578, %lt3A_2584 : i32
      %ne3A_2586 = arith.xori %lt3A_2583, %lt3A_2585 : i1
      %and3A_2587 = arith.andi %ne3A_2586, %ne3A_2581 : i1
      %add3A_2588 = arith.addi %rem3A_2579, %select_n3A_2578 : i32
      %select_n3A_2589 = arith.select %and3A_2587, %add3A_2588, %rem3A_2579 : i32
      %eq3A_2590 = vector.broadcast %select_n3A_2589 : i32 to vector<16xi32>
      %eq3A_2591 = arith.cmpi eq, %iota3A, %eq3A_2590 : vector<16xi32>
      %select_n3A_2592 = arith.select %eq3A_2591, %get3A_2571, %broadcast_in_dim3A_6 : vector<16xi1>, vector<16xi32>
      %reduce_sum3A_2593 = arith.constant true
      %reduce_sum3A_2594 = vector.broadcast %reduce_sum3A_2593 : i1 to vector<16xi1>
      %reduce_sum3A_2595 = tpu.scan <sum>, %select_n3A_2592 masked %reduce_sum3A_2594 : vector<16xi32>, vector<16xi1> -> vector<16xi32>
      %reduce_sum3A_2596 = vector.extract %reduce_sum3A_2595[15] : i32 from vector<16xi32>
      %select_n3A_2597 = arith.select %eq3A_2591, %get3A_2573, %broadcast_in_dim3A_6 : vector<16xi1>, vector<16xi32>
      %reduce_sum3A_2598 = arith.constant true
      %reduce_sum3A_2599 = vector.broadcast %reduce_sum3A_2598 : i1 to vector<16xi1>
      %reduce_sum3A_2600 = tpu.scan <sum>, %select_n3A_2597 masked %reduce_sum3A_2599 : vector<16xi32>, vector<16xi1> -> vector<16xi32>
      %reduce_sum3A_2601 = vector.extract %reduce_sum3A_2600[15] : i32 from vector<16xi32>
      %add3A_2602 = arith.constant 10 : i32
      %add3A_2603 = arith.addi %add3A_1981, %add3A_2602 : i32
      %min3A_2604 = arith.constant 511 : i32
      %min3A_2605 = arith.minsi %add3A_2603, %min3A_2604 : i32
      %jit3A_2606 = arith.constant 16 : i32
      %div3A_2607 = arith.divsi %min3A_2605, %jit3A_2606 : i32
      %sign3A_2608 = arith.constant 0 : i32
      %sign3A_2609 = arith.cmpi sgt, %min3A_2605, %sign3A_2608 : i32
      %sign3A_2610 = arith.extui %sign3A_2609 : i1 to i32
      %sign3A_2611 = arith.constant 0 : i32
      %sign3A_2612 = arith.cmpi slt, %min3A_2605, %sign3A_2611 : i32
      %sign3A_2613 = arith.extui %sign3A_2612 : i1 to i32
      %sign3A_2614 = arith.subi %sign3A_2610, %sign3A_2613 : i32
      %sign3A_2615 = arith.constant 0 : i32
      %sign3A_2616 = arith.cmpi sgt, %jit3A_2606, %sign3A_2615 : i32
      %sign3A_2617 = arith.extui %sign3A_2616 : i1 to i32
      %sign3A_2618 = arith.constant 0 : i32
      %sign3A_2619 = arith.cmpi slt, %jit3A_2606, %sign3A_2618 : i32
      %sign3A_2620 = arith.extui %sign3A_2619 : i1 to i32
      %sign3A_2621 = arith.subi %sign3A_2617, %sign3A_2620 : i32
      %ne3A_2622 = arith.cmpi ne, %sign3A_2614, %sign3A_2621 : i32
      %rem3A_2623 = arith.remsi %min3A_2605, %jit3A_2606 : i32
      %ne3A_2624 = arith.constant 0 : i32
      %ne3A_2625 = arith.cmpi ne, %rem3A_2623, %ne3A_2624 : i32
      %and3A_2626 = arith.andi %ne3A_2622, %ne3A_2625 : i1
      %sub3A_2627 = arith.constant 1 : i32
      %sub3A_2628 = arith.subi %div3A_2607, %sub3A_2627 : i32
      %select_n3A_2629 = arith.select %and3A_2626, %sub3A_2628, %div3A_2607 : i32
      %mul3A_2630 = arith.constant 16 : i32
      %mul3A_2631 = arith.muli %select_n3A_2629, %mul3A_2630 : i32
      %get3A_2632 = arith.index_cast %mul3A_2631 : i32 to index
      %get3A_2633 = tpu.vector_load %arg7[%get3A_2632] {strides = array<i32>} : memref<512xi32, #tpu.memory_space<vmem>>, vector<16xi32>,
      %get3A_2634 = arith.index_cast %mul3A_2631 : i32 to index
      %get3A_2635 = tpu.vector_load %arg8[%get3A_2634] {strides = array<i32>} : memref<512xi32, #tpu.memory_space<vmem>>, vector<16xi32>,
      %jit3A_2636 = arith.constant 16 : i32
      %eq3A_2637 = arith.constant 0 : i32
      %eq3A_2638 = arith.cmpi eq, %jit3A_2636, %eq3A_2637 : i32
      %jit3A_2639 = arith.constant 1 : i32
      %select_n3A_2640 = arith.select %eq3A_2638, %jit3A_2639, %jit3A_2636 : i32
      %rem3A_2641 = arith.remsi %min3A_2605, %select_n3A_2640 : i32
      %ne3A_2642 = arith.constant 0 : i32
      %ne3A_2643 = arith.cmpi ne, %rem3A_2641, %ne3A_2642 : i32
      %lt3A_2644 = arith.constant 0 : i32
      %lt3A_2645 = arith.cmpi slt, %rem3A_2641, %lt3A_2644 : i32
      %lt3A_2646 = arith.constant 0 : i32
      %lt3A_2647 = arith.cmpi slt, %select_n3A_2640, %lt3A_2646 : i32
      %ne3A_2648 = arith.xori %lt3A_2645, %lt3A_2647 : i1
      %and3A_2649 = arith.andi %ne3A_2648, %ne3A_2643 : i1
      %add3A_2650 = arith.addi %rem3A_2641, %select_n3A_2640 : i32
      %select_n3A_2651 = arith.select %and3A_2649, %add3A_2650, %rem3A_2641 : i32
      %eq3A_2652 = vector.broadcast %select_n3A_2651 : i32 to vector<16xi32>
      %eq3A_2653 = arith.cmpi eq, %iota3A, %eq3A_2652 : vector<16xi32>
      %select_n3A_2654 = arith.select %eq3A_2653, %get3A_2633, %broadcast_in_dim3A_6 : vector<16xi1>, vector<16xi32>
      %reduce_sum3A_2655 = arith.constant true
      %reduce_sum3A_2656 = vector.broadcast %reduce_sum3A_2655 : i1 to vector<16xi1>
      %reduce_sum3A_2657 = tpu.scan <sum>, %select_n3A_2654 masked %reduce_sum3A_2656 : vector<16xi32>, vector<16xi1> -> vector<16xi32>
      %reduce_sum3A_2658 = vector.extract %reduce_sum3A_2657[15] : i32 from vector<16xi32>
      %select_n3A_2659 = arith.select %eq3A_2653, %get3A_2635, %broadcast_in_dim3A_6 : vector<16xi1>, vector<16xi32>
      %reduce_sum3A_2660 = arith.constant true
      %reduce_sum3A_2661 = vector.broadcast %reduce_sum3A_2660 : i1 to vector<16xi1>
      %reduce_sum3A_2662 = tpu.scan <sum>, %select_n3A_2659 masked %reduce_sum3A_2661 : vector<16xi32>, vector<16xi1> -> vector<16xi32>
      %reduce_sum3A_2663 = vector.extract %reduce_sum3A_2662[15] : i32 from vector<16xi32>
      %add3A_2664 = arith.constant 11 : i32
      %add3A_2665 = arith.addi %add3A_1981, %add3A_2664 : i32
      %min3A_2666 = arith.constant 511 : i32
      %min3A_2667 = arith.minsi %add3A_2665, %min3A_2666 : i32
      %jit3A_2668 = arith.constant 16 : i32
      %div3A_2669 = arith.divsi %min3A_2667, %jit3A_2668 : i32
      %sign3A_2670 = arith.constant 0 : i32
      %sign3A_2671 = arith.cmpi sgt, %min3A_2667, %sign3A_2670 : i32
      %sign3A_2672 = arith.extui %sign3A_2671 : i1 to i32
      %sign3A_2673 = arith.constant 0 : i32
      %sign3A_2674 = arith.cmpi slt, %min3A_2667, %sign3A_2673 : i32
      %sign3A_2675 = arith.extui %sign3A_2674 : i1 to i32
      %sign3A_2676 = arith.subi %sign3A_2672, %sign3A_2675 : i32
      %sign3A_2677 = arith.constant 0 : i32
      %sign3A_2678 = arith.cmpi sgt, %jit3A_2668, %sign3A_2677 : i32
      %sign3A_2679 = arith.extui %sign3A_2678 : i1 to i32
      %sign3A_2680 = arith.constant 0 : i32
      %sign3A_2681 = arith.cmpi slt, %jit3A_2668, %sign3A_2680 : i32
      %sign3A_2682 = arith.extui %sign3A_2681 : i1 to i32
      %sign3A_2683 = arith.subi %sign3A_2679, %sign3A_2682 : i32
      %ne3A_2684 = arith.cmpi ne, %sign3A_2676, %sign3A_2683 : i32
      %rem3A_2685 = arith.remsi %min3A_2667, %jit3A_2668 : i32
      %ne3A_2686 = arith.constant 0 : i32
      %ne3A_2687 = arith.cmpi ne, %rem3A_2685, %ne3A_2686 : i32
      %and3A_2688 = arith.andi %ne3A_2684, %ne3A_2687 : i1
      %sub3A_2689 = arith.constant 1 : i32
      %sub3A_2690 = arith.subi %div3A_2669, %sub3A_2689 : i32
      %select_n3A_2691 = arith.select %and3A_2688, %sub3A_2690, %div3A_2669 : i32
      %mul3A_2692 = arith.constant 16 : i32
      %mul3A_2693 = arith.muli %select_n3A_2691, %mul3A_2692 : i32
      %get3A_2694 = arith.index_cast %mul3A_2693 : i32 to index
      %get3A_2695 = tpu.vector_load %arg7[%get3A_2694] {strides = array<i32>} : memref<512xi32, #tpu.memory_space<vmem>>, vector<16xi32>,
      %get3A_2696 = arith.index_cast %mul3A_2693 : i32 to index
      %get3A_2697 = tpu.vector_load %arg8[%get3A_2696] {strides = array<i32>} : memref<512xi32, #tpu.memory_space<vmem>>, vector<16xi32>,
      %jit3A_2698 = arith.constant 16 : i32
      %eq3A_2699 = arith.constant 0 : i32
      %eq3A_2700 = arith.cmpi eq, %jit3A_2698, %eq3A_2699 : i32
      %jit3A_2701 = arith.constant 1 : i32
      %select_n3A_2702 = arith.select %eq3A_2700, %jit3A_2701, %jit3A_2698 : i32
      %rem3A_2703 = arith.remsi %min3A_2667, %select_n3A_2702 : i32
      %ne3A_2704 = arith.constant 0 : i32
      %ne3A_2705 = arith.cmpi ne, %rem3A_2703, %ne3A_2704 : i32
      %lt3A_2706 = arith.constant 0 : i32
      %lt3A_2707 = arith.cmpi slt, %rem3A_2703, %lt3A_2706 : i32
      %lt3A_2708 = arith.constant 0 : i32
      %lt3A_2709 = arith.cmpi slt, %select_n3A_2702, %lt3A_2708 : i32
      %ne3A_2710 = arith.xori %lt3A_2707, %lt3A_2709 : i1
      %and3A_2711 = arith.andi %ne3A_2710, %ne3A_2705 : i1
      %add3A_2712 = arith.addi %rem3A_2703, %select_n3A_2702 : i32
      %select_n3A_2713 = arith.select %and3A_2711, %add3A_2712, %rem3A_2703 : i32
      %eq3A_2714 = vector.broadcast %select_n3A_2713 : i32 to vector<16xi32>
      %eq3A_2715 = arith.cmpi eq, %iota3A, %eq3A_2714 : vector<16xi32>
      %select_n3A_2716 = arith.select %eq3A_2715, %get3A_2695, %broadcast_in_dim3A_6 : vector<16xi1>, vector<16xi32>
      %reduce_sum3A_2717 = arith.constant true
      %reduce_sum3A_2718 = vector.broadcast %reduce_sum3A_2717 : i1 to vector<16xi1>
      %reduce_sum3A_2719 = tpu.scan <sum>, %select_n3A_2716 masked %reduce_sum3A_2718 : vector<16xi32>, vector<16xi1> -> vector<16xi32>
      %reduce_sum3A_2720 = vector.extract %reduce_sum3A_2719[15] : i32 from vector<16xi32>
      %select_n3A_2721 = arith.select %eq3A_2715, %get3A_2697, %broadcast_in_dim3A_6 : vector<16xi1>, vector<16xi32>
      %reduce_sum3A_2722 = arith.constant true
      %reduce_sum3A_2723 = vector.broadcast %reduce_sum3A_2722 : i1 to vector<16xi1>
      %reduce_sum3A_2724 = tpu.scan <sum>, %select_n3A_2721 masked %reduce_sum3A_2723 : vector<16xi32>, vector<16xi1> -> vector<16xi32>
      %reduce_sum3A_2725 = vector.extract %reduce_sum3A_2724[15] : i32 from vector<16xi32>
      %add3A_2726 = arith.constant 12 : i32
      %add3A_2727 = arith.addi %add3A_1981, %add3A_2726 : i32
      %min3A_2728 = arith.constant 511 : i32
      %min3A_2729 = arith.minsi %add3A_2727, %min3A_2728 : i32
      %jit3A_2730 = arith.constant 16 : i32
      %div3A_2731 = arith.divsi %min3A_2729, %jit3A_2730 : i32
      %sign3A_2732 = arith.constant 0 : i32
      %sign3A_2733 = arith.cmpi sgt, %min3A_2729, %sign3A_2732 : i32
      %sign3A_2734 = arith.extui %sign3A_2733 : i1 to i32
      %sign3A_2735 = arith.constant 0 : i32
      %sign3A_2736 = arith.cmpi slt, %min3A_2729, %sign3A_2735 : i32
      %sign3A_2737 = arith.extui %sign3A_2736 : i1 to i32
      %sign3A_2738 = arith.subi %sign3A_2734, %sign3A_2737 : i32
      %sign3A_2739 = arith.constant 0 : i32
      %sign3A_2740 = arith.cmpi sgt, %jit3A_2730, %sign3A_2739 : i32
      %sign3A_2741 = arith.extui %sign3A_2740 : i1 to i32
      %sign3A_2742 = arith.constant 0 : i32
      %sign3A_2743 = arith.cmpi slt, %jit3A_2730, %sign3A_2742 : i32
      %sign3A_2744 = arith.extui %sign3A_2743 : i1 to i32
      %sign3A_2745 = arith.subi %sign3A_2741, %sign3A_2744 : i32
      %ne3A_2746 = arith.cmpi ne, %sign3A_2738, %sign3A_2745 : i32
      %rem3A_2747 = arith.remsi %min3A_2729, %jit3A_2730 : i32
      %ne3A_2748 = arith.constant 0 : i32
      %ne3A_2749 = arith.cmpi ne, %rem3A_2747, %ne3A_2748 : i32
      %and3A_2750 = arith.andi %ne3A_2746, %ne3A_2749 : i1
      %sub3A_2751 = arith.constant 1 : i32
      %sub3A_2752 = arith.subi %div3A_2731, %sub3A_2751 : i32
      %select_n3A_2753 = arith.select %and3A_2750, %sub3A_2752, %div3A_2731 : i32
      %mul3A_2754 = arith.constant 16 : i32
      %mul3A_2755 = arith.muli %select_n3A_2753, %mul3A_2754 : i32
      %get3A_2756 = arith.index_cast %mul3A_2755 : i32 to index
      %get3A_2757 = tpu.vector_load %arg7[%get3A_2756] {strides = array<i32>} : memref<512xi32, #tpu.memory_space<vmem>>, vector<16xi32>,
      %get3A_2758 = arith.index_cast %mul3A_2755 : i32 to index
      %get3A_2759 = tpu.vector_load %arg8[%get3A_2758] {strides = array<i32>} : memref<512xi32, #tpu.memory_space<vmem>>, vector<16xi32>,
      %jit3A_2760 = arith.constant 16 : i32
      %eq3A_2761 = arith.constant 0 : i32
      %eq3A_2762 = arith.cmpi eq, %jit3A_2760, %eq3A_2761 : i32
      %jit3A_2763 = arith.constant 1 : i32
      %select_n3A_2764 = arith.select %eq3A_2762, %jit3A_2763, %jit3A_2760 : i32
      %rem3A_2765 = arith.remsi %min3A_2729, %select_n3A_2764 : i32
      %ne3A_2766 = arith.constant 0 : i32
      %ne3A_2767 = arith.cmpi ne, %rem3A_2765, %ne3A_2766 : i32
      %lt3A_2768 = arith.constant 0 : i32
      %lt3A_2769 = arith.cmpi slt, %rem3A_2765, %lt3A_2768 : i32
      %lt3A_2770 = arith.constant 0 : i32
      %lt3A_2771 = arith.cmpi slt, %select_n3A_2764, %lt3A_2770 : i32
      %ne3A_2772 = arith.xori %lt3A_2769, %lt3A_2771 : i1
      %and3A_2773 = arith.andi %ne3A_2772, %ne3A_2767 : i1
      %add3A_2774 = arith.addi %rem3A_2765, %select_n3A_2764 : i32
      %select_n3A_2775 = arith.select %and3A_2773, %add3A_2774, %rem3A_2765 : i32
      %eq3A_2776 = vector.broadcast %select_n3A_2775 : i32 to vector<16xi32>
      %eq3A_2777 = arith.cmpi eq, %iota3A, %eq3A_2776 : vector<16xi32>
      %select_n3A_2778 = arith.select %eq3A_2777, %get3A_2757, %broadcast_in_dim3A_6 : vector<16xi1>, vector<16xi32>
      %reduce_sum3A_2779 = arith.constant true
      %reduce_sum3A_2780 = vector.broadcast %reduce_sum3A_2779 : i1 to vector<16xi1>
      %reduce_sum3A_2781 = tpu.scan <sum>, %select_n3A_2778 masked %reduce_sum3A_2780 : vector<16xi32>, vector<16xi1> -> vector<16xi32>
      %reduce_sum3A_2782 = vector.extract %reduce_sum3A_2781[15] : i32 from vector<16xi32>
      %select_n3A_2783 = arith.select %eq3A_2777, %get3A_2759, %broadcast_in_dim3A_6 : vector<16xi1>, vector<16xi32>
      %reduce_sum3A_2784 = arith.constant true
      %reduce_sum3A_2785 = vector.broadcast %reduce_sum3A_2784 : i1 to vector<16xi1>
      %reduce_sum3A_2786 = tpu.scan <sum>, %select_n3A_2783 masked %reduce_sum3A_2785 : vector<16xi32>, vector<16xi1> -> vector<16xi32>
      %reduce_sum3A_2787 = vector.extract %reduce_sum3A_2786[15] : i32 from vector<16xi32>
      %add3A_2788 = arith.constant 13 : i32
      %add3A_2789 = arith.addi %add3A_1981, %add3A_2788 : i32
      %min3A_2790 = arith.constant 511 : i32
      %min3A_2791 = arith.minsi %add3A_2789, %min3A_2790 : i32
      %jit3A_2792 = arith.constant 16 : i32
      %div3A_2793 = arith.divsi %min3A_2791, %jit3A_2792 : i32
      %sign3A_2794 = arith.constant 0 : i32
      %sign3A_2795 = arith.cmpi sgt, %min3A_2791, %sign3A_2794 : i32
      %sign3A_2796 = arith.extui %sign3A_2795 : i1 to i32
      %sign3A_2797 = arith.constant 0 : i32
      %sign3A_2798 = arith.cmpi slt, %min3A_2791, %sign3A_2797 : i32
      %sign3A_2799 = arith.extui %sign3A_2798 : i1 to i32
      %sign3A_2800 = arith.subi %sign3A_2796, %sign3A_2799 : i32
      %sign3A_2801 = arith.constant 0 : i32
      %sign3A_2802 = arith.cmpi sgt, %jit3A_2792, %sign3A_2801 : i32
      %sign3A_2803 = arith.extui %sign3A_2802 : i1 to i32
      %sign3A_2804 = arith.constant 0 : i32
      %sign3A_2805 = arith.cmpi slt, %jit3A_2792, %sign3A_2804 : i32
      %sign3A_2806 = arith.extui %sign3A_2805 : i1 to i32
      %sign3A_2807 = arith.subi %sign3A_2803, %sign3A_2806 : i32
      %ne3A_2808 = arith.cmpi ne, %sign3A_2800, %sign3A_2807 : i32
      %rem3A_2809 = arith.remsi %min3A_2791, %jit3A_2792 : i32
      %ne3A_2810 = arith.constant 0 : i32
      %ne3A_2811 = arith.cmpi ne, %rem3A_2809, %ne3A_2810 : i32
      %and3A_2812 = arith.andi %ne3A_2808, %ne3A_2811 : i1
      %sub3A_2813 = arith.constant 1 : i32
      %sub3A_2814 = arith.subi %div3A_2793, %sub3A_2813 : i32
      %select_n3A_2815 = arith.select %and3A_2812, %sub3A_2814, %div3A_2793 : i32
      %mul3A_2816 = arith.constant 16 : i32
      %mul3A_2817 = arith.muli %select_n3A_2815, %mul3A_2816 : i32
      %get3A_2818 = arith.index_cast %mul3A_2817 : i32 to index
      %get3A_2819 = tpu.vector_load %arg7[%get3A_2818] {strides = array<i32>} : memref<512xi32, #tpu.memory_space<vmem>>, vector<16xi32>,
      %get3A_2820 = arith.index_cast %mul3A_2817 : i32 to index
      %get3A_2821 = tpu.vector_load %arg8[%get3A_2820] {strides = array<i32>} : memref<512xi32, #tpu.memory_space<vmem>>, vector<16xi32>,
      %jit3A_2822 = arith.constant 16 : i32
      %eq3A_2823 = arith.constant 0 : i32
      %eq3A_2824 = arith.cmpi eq, %jit3A_2822, %eq3A_2823 : i32
      %jit3A_2825 = arith.constant 1 : i32
      %select_n3A_2826 = arith.select %eq3A_2824, %jit3A_2825, %jit3A_2822 : i32
      %rem3A_2827 = arith.remsi %min3A_2791, %select_n3A_2826 : i32
      %ne3A_2828 = arith.constant 0 : i32
      %ne3A_2829 = arith.cmpi ne, %rem3A_2827, %ne3A_2828 : i32
      %lt3A_2830 = arith.constant 0 : i32
      %lt3A_2831 = arith.cmpi slt, %rem3A_2827, %lt3A_2830 : i32
      %lt3A_2832 = arith.constant 0 : i32
      %lt3A_2833 = arith.cmpi slt, %select_n3A_2826, %lt3A_2832 : i32
      %ne3A_2834 = arith.xori %lt3A_2831, %lt3A_2833 : i1
      %and3A_2835 = arith.andi %ne3A_2834, %ne3A_2829 : i1
      %add3A_2836 = arith.addi %rem3A_2827, %select_n3A_2826 : i32
      %select_n3A_2837 = arith.select %and3A_2835, %add3A_2836, %rem3A_2827 : i32
      %eq3A_2838 = vector.broadcast %select_n3A_2837 : i32 to vector<16xi32>
      %eq3A_2839 = arith.cmpi eq, %iota3A, %eq3A_2838 : vector<16xi32>
      %select_n3A_2840 = arith.select %eq3A_2839, %get3A_2819, %broadcast_in_dim3A_6 : vector<16xi1>, vector<16xi32>
      %reduce_sum3A_2841 = arith.constant true
      %reduce_sum3A_2842 = vector.broadcast %reduce_sum3A_2841 : i1 to vector<16xi1>
      %reduce_sum3A_2843 = tpu.scan <sum>, %select_n3A_2840 masked %reduce_sum3A_2842 : vector<16xi32>, vector<16xi1> -> vector<16xi32>
      %reduce_sum3A_2844 = vector.extract %reduce_sum3A_2843[15] : i32 from vector<16xi32>
      %select_n3A_2845 = arith.select %eq3A_2839, %get3A_2821, %broadcast_in_dim3A_6 : vector<16xi1>, vector<16xi32>
      %reduce_sum3A_2846 = arith.constant true
      %reduce_sum3A_2847 = vector.broadcast %reduce_sum3A_2846 : i1 to vector<16xi1>
      %reduce_sum3A_2848 = tpu.scan <sum>, %select_n3A_2845 masked %reduce_sum3A_2847 : vector<16xi32>, vector<16xi1> -> vector<16xi32>
      %reduce_sum3A_2849 = vector.extract %reduce_sum3A_2848[15] : i32 from vector<16xi32>
      %add3A_2850 = arith.constant 14 : i32
      %add3A_2851 = arith.addi %add3A_1981, %add3A_2850 : i32
      %min3A_2852 = arith.constant 511 : i32
      %min3A_2853 = arith.minsi %add3A_2851, %min3A_2852 : i32
      %jit3A_2854 = arith.constant 16 : i32
      %div3A_2855 = arith.divsi %min3A_2853, %jit3A_2854 : i32
      %sign3A_2856 = arith.constant 0 : i32
      %sign3A_2857 = arith.cmpi sgt, %min3A_2853, %sign3A_2856 : i32
      %sign3A_2858 = arith.extui %sign3A_2857 : i1 to i32
      %sign3A_2859 = arith.constant 0 : i32
      %sign3A_2860 = arith.cmpi slt, %min3A_2853, %sign3A_2859 : i32
      %sign3A_2861 = arith.extui %sign3A_2860 : i1 to i32
      %sign3A_2862 = arith.subi %sign3A_2858, %sign3A_2861 : i32
      %sign3A_2863 = arith.constant 0 : i32
      %sign3A_2864 = arith.cmpi sgt, %jit3A_2854, %sign3A_2863 : i32
      %sign3A_2865 = arith.extui %sign3A_2864 : i1 to i32
      %sign3A_2866 = arith.constant 0 : i32
      %sign3A_2867 = arith.cmpi slt, %jit3A_2854, %sign3A_2866 : i32
      %sign3A_2868 = arith.extui %sign3A_2867 : i1 to i32
      %sign3A_2869 = arith.subi %sign3A_2865, %sign3A_2868 : i32
      %ne3A_2870 = arith.cmpi ne, %sign3A_2862, %sign3A_2869 : i32
      %rem3A_2871 = arith.remsi %min3A_2853, %jit3A_2854 : i32
      %ne3A_2872 = arith.constant 0 : i32
      %ne3A_2873 = arith.cmpi ne, %rem3A_2871, %ne3A_2872 : i32
      %and3A_2874 = arith.andi %ne3A_2870, %ne3A_2873 : i1
      %sub3A_2875 = arith.constant 1 : i32
      %sub3A_2876 = arith.subi %div3A_2855, %sub3A_2875 : i32
      %select_n3A_2877 = arith.select %and3A_2874, %sub3A_2876, %div3A_2855 : i32
      %mul3A_2878 = arith.constant 16 : i32
      %mul3A_2879 = arith.muli %select_n3A_2877, %mul3A_2878 : i32
      %get3A_2880 = arith.index_cast %mul3A_2879 : i32 to index
      %get3A_2881 = tpu.vector_load %arg7[%get3A_2880] {strides = array<i32>} : memref<512xi32, #tpu.memory_space<vmem>>, vector<16xi32>,
      %get3A_2882 = arith.index_cast %mul3A_2879 : i32 to index
      %get3A_2883 = tpu.vector_load %arg8[%get3A_2882] {strides = array<i32>} : memref<512xi32, #tpu.memory_space<vmem>>, vector<16xi32>,
      %jit3A_2884 = arith.constant 16 : i32
      %eq3A_2885 = arith.constant 0 : i32
      %eq3A_2886 = arith.cmpi eq, %jit3A_2884, %eq3A_2885 : i32
      %jit3A_2887 = arith.constant 1 : i32
      %select_n3A_2888 = arith.select %eq3A_2886, %jit3A_2887, %jit3A_2884 : i32
      %rem3A_2889 = arith.remsi %min3A_2853, %select_n3A_2888 : i32
      %ne3A_2890 = arith.constant 0 : i32
      %ne3A_2891 = arith.cmpi ne, %rem3A_2889, %ne3A_2890 : i32
      %lt3A_2892 = arith.constant 0 : i32
      %lt3A_2893 = arith.cmpi slt, %rem3A_2889, %lt3A_2892 : i32
      %lt3A_2894 = arith.constant 0 : i32
      %lt3A_2895 = arith.cmpi slt, %select_n3A_2888, %lt3A_2894 : i32
      %ne3A_2896 = arith.xori %lt3A_2893, %lt3A_2895 : i1
      %and3A_2897 = arith.andi %ne3A_2896, %ne3A_2891 : i1
      %add3A_2898 = arith.addi %rem3A_2889, %select_n3A_2888 : i32
      %select_n3A_2899 = arith.select %and3A_2897, %add3A_2898, %rem3A_2889 : i32
      %eq3A_2900 = vector.broadcast %select_n3A_2899 : i32 to vector<16xi32>
      %eq3A_2901 = arith.cmpi eq, %iota3A, %eq3A_2900 : vector<16xi32>
      %select_n3A_2902 = arith.select %eq3A_2901, %get3A_2881, %broadcast_in_dim3A_6 : vector<16xi1>, vector<16xi32>
      %reduce_sum3A_2903 = arith.constant true
      %reduce_sum3A_2904 = vector.broadcast %reduce_sum3A_2903 : i1 to vector<16xi1>
      %reduce_sum3A_2905 = tpu.scan <sum>, %select_n3A_2902 masked %reduce_sum3A_2904 : vector<16xi32>, vector<16xi1> -> vector<16xi32>
      %reduce_sum3A_2906 = vector.extract %reduce_sum3A_2905[15] : i32 from vector<16xi32>
      %select_n3A_2907 = arith.select %eq3A_2901, %get3A_2883, %broadcast_in_dim3A_6 : vector<16xi1>, vector<16xi32>
      %reduce_sum3A_2908 = arith.constant true
      %reduce_sum3A_2909 = vector.broadcast %reduce_sum3A_2908 : i1 to vector<16xi1>
      %reduce_sum3A_2910 = tpu.scan <sum>, %select_n3A_2907 masked %reduce_sum3A_2909 : vector<16xi32>, vector<16xi1> -> vector<16xi32>
      %reduce_sum3A_2911 = vector.extract %reduce_sum3A_2910[15] : i32 from vector<16xi32>
      %dma_wait3A_2912 = arith.constant 0 : i32
      %dma_wait3A_2913 = arith.constant 0 : i32
      %dma_wait3A_2914 = arith.constant 0 : i32
      %dma_wait3A_2915 = arith.constant 0 : i32
      %dma_wait3A_2916 = tpu.memref_slice %arg10[%dma_wait3A_2912, %dma_wait3A_2914, %dma_wait3A_2915] : memref<15x32x128xf32, #tpu.memory_space<vmem>> -> memref<1x32x128xf32, #tpu.memory_space<vmem>>
      %dma_wait3A_2917 = tpu.memref_squeeze %dma_wait3A_2916 : memref<1x32x128xf32, #tpu.memory_space<vmem>> -> memref<32x128xf32, #tpu.memory_space<vmem>>
      %dma_wait3A_2918 = arith.constant 0 : i32
      %dma_wait3A_2919 = tpu.memref_slice %arg4[%dma_wait3A_2918, %multiple_of3A_1264] : memref<32x1000000xf32, #tpu.memory_space<hbm>> -> memref<32x128xf32, #tpu.memory_space<hbm>>
      %dma_wait3A_2920 = tpu.memref_slice %arg13[%dma_wait3A_2913] : memref<15x!tpu.dma_semaphore, #tpu.memory_space<semaphore_mem>> -> memref<1x!tpu.dma_semaphore, #tpu.memory_space<semaphore_mem>>
      %dma_wait3A_2921 = tpu.memref_squeeze %dma_wait3A_2920 : memref<1x!tpu.dma_semaphore, #tpu.memory_space<semaphore_mem>> -> memref<!tpu.dma_semaphore, #tpu.memory_space<semaphore_mem>>
      %dma_wait3A_2922 = arith.constant 0 : i32
      %dma_wait3A_2923 = arith.constant 0 : i32
      %dma_wait3A_2924 = tpu.memref_slice %arg10[%dma_wait3A_2912, %dma_wait3A_2922, %dma_wait3A_2923] : memref<15x32x128xf32, #tpu.memory_space<vmem>> -> memref<1x32x128xf32, #tpu.memory_space<vmem>>
      %dma_wait3A_2925 = tpu.memref_squeeze %dma_wait3A_2924 : memref<1x32x128xf32, #tpu.memory_space<vmem>> -> memref<32x128xf32, #tpu.memory_space<vmem>>
      %dma_wait3A_2926 = arith.constant 0 : i32
      %dma_wait3A_2927 = tpu.memref_slice %arg4[%dma_wait3A_2926, %multiple_of3A_1264] : memref<32x1000000xf32, #tpu.memory_space<hbm>> -> memref<32x128xf32, #tpu.memory_space<hbm>>
      tpu.wait_dma2 semaphore(%dma_wait3A_2921 : memref<!tpu.dma_semaphore, #tpu.memory_space<semaphore_mem>>) src(%dma_wait3A_2927 : memref<32x128xf32, #tpu.memory_space<hbm>>) dst(%dma_wait3A_2925 : memref<32x128xf32, #tpu.memory_space<vmem>>)
      %dma_wait3A_2928 = arith.constant 0 : i32
      %dma_wait3A_2929 = arith.constant 0 : i32
      %dma_wait3A_2930 = arith.constant 0 : i32
      %dma_wait3A_2931 = arith.constant 0 : i32
      %dma_wait3A_2932 = tpu.memref_slice %arg11[%dma_wait3A_2928, %dma_wait3A_2930, %dma_wait3A_2931] : memref<15x32x128xf32, #tpu.memory_space<vmem>> -> memref<1x32x128xf32, #tpu.memory_space<vmem>>
      %dma_wait3A_2933 = tpu.memref_squeeze %dma_wait3A_2932 : memref<1x32x128xf32, #tpu.memory_space<vmem>> -> memref<32x128xf32, #tpu.memory_space<vmem>>
      %dma_wait3A_2934 = arith.constant 0 : i32
      %dma_wait3A_2935 = tpu.memref_slice %arg5[%dma_wait3A_2934, %multiple_of3A_1269] : memref<32x1000000xf32, #tpu.memory_space<hbm>> -> memref<32x128xf32, #tpu.memory_space<hbm>>
      %dma_wait3A_2936 = tpu.memref_slice %arg14[%dma_wait3A_2929] : memref<15x!tpu.dma_semaphore, #tpu.memory_space<semaphore_mem>> -> memref<1x!tpu.dma_semaphore, #tpu.memory_space<semaphore_mem>>
      %dma_wait3A_2937 = tpu.memref_squeeze %dma_wait3A_2936 : memref<1x!tpu.dma_semaphore, #tpu.memory_space<semaphore_mem>> -> memref<!tpu.dma_semaphore, #tpu.memory_space<semaphore_mem>>
      %dma_wait3A_2938 = arith.constant 0 : i32
      %dma_wait3A_2939 = arith.constant 0 : i32
      %dma_wait3A_2940 = tpu.memref_slice %arg11[%dma_wait3A_2928, %dma_wait3A_2938, %dma_wait3A_2939] : memref<15x32x128xf32, #tpu.memory_space<vmem>> -> memref<1x32x128xf32, #tpu.memory_space<vmem>>
      %dma_wait3A_2941 = tpu.memref_squeeze %dma_wait3A_2940 : memref<1x32x128xf32, #tpu.memory_space<vmem>> -> memref<32x128xf32, #tpu.memory_space<vmem>>
      %dma_wait3A_2942 = arith.constant 0 : i32
      %dma_wait3A_2943 = tpu.memref_slice %arg5[%dma_wait3A_2942, %multiple_of3A_1269] : memref<32x1000000xf32, #tpu.memory_space<hbm>> -> memref<32x128xf32, #tpu.memory_space<hbm>>
      tpu.wait_dma2 semaphore(%dma_wait3A_2937 : memref<!tpu.dma_semaphore, #tpu.memory_space<semaphore_mem>>) src(%dma_wait3A_2943 : memref<32x128xf32, #tpu.memory_space<hbm>>) dst(%dma_wait3A_2941 : memref<32x128xf32, #tpu.memory_space<vmem>>)
      %broadcast_in_dim3A_2944 = arith.constant 0 : i32
      %broadcast_in_dim3A_2945 = vector.broadcast %broadcast_in_dim3A_2944 : i32 to vector<16xi32>
      %gather3A_2946 = tpu.vector_load_idx %arg10[%broadcast_in_dim3A_2945, %iota3A, %broadcast_in_dim3A_1272] : memref<15x32x128xf32, #tpu.memory_space<vmem>>[vector<16xi32>, vector<16xi32>, vector<16xi32>], vector<16xf32>,
      %gather3A_2947 = tpu.vector_load_idx %arg10[%broadcast_in_dim3A_2945, %add3A_5, %broadcast_in_dim3A_1272] : memref<15x32x128xf32, #tpu.memory_space<vmem>>[vector<16xi32>, vector<16xi32>, vector<16xi32>], vector<16xf32>,
      %gather3A_2948 = tpu.vector_load_idx %arg11[%broadcast_in_dim3A_2945, %iota3A, %broadcast_in_dim3A_1275] : memref<15x32x128xf32, #tpu.memory_space<vmem>>[vector<16xi32>, vector<16xi32>, vector<16xi32>], vector<16xf32>,
      %gather3A_2949 = tpu.vector_load_idx %arg11[%broadcast_in_dim3A_2945, %add3A_5, %broadcast_in_dim3A_1275] : memref<15x32x128xf32, #tpu.memory_space<vmem>>[vector<16xi32>, vector<16xi32>, vector<16xi32>], vector<16xf32>,
      %mul3A_2950 = arith.mulf %gather3A_2946, %gather3A_2948 : vector<16xf32>
      %mul3A_2951 = arith.mulf %gather3A_2947, %gather3A_2949 : vector<16xf32>
      %add3A_2952 = arith.addf %mul3A_2950, %mul3A_2951 : vector<16xf32>
      %reduce_sum3A_2953 = arith.constant true
      %reduce_sum3A_2954 = vector.broadcast %reduce_sum3A_2953 : i1 to vector<16xi1>
      %reduce_sum3A_2955 = tpu.scan <sum>, %add3A_2952 masked %reduce_sum3A_2954 : vector<16xf32>, vector<16xi1> -> vector<16xf32>
      %reduce_sum3A_2956 = vector.extract %reduce_sum3A_2955[15] : f32 from vector<16xf32>
      %add3A_2957 = arith.constant 0 : i32
      %add3A_2958 = arith.addi %mul3A_1259, %add3A_2957 : i32
      %swap3A_2959 = arith.index_cast %add3A_2958 : i32 to index
      %swap3A_2960 = memref.load %arg9[%swap3A_2959] : memref<512xf32, #tpu.memory_space<smem>>
      memref.store %reduce_sum3A_2956, %arg9[%swap3A_2959] : memref<512xf32, #tpu.memory_space<smem>>
      %dma_wait3A_2961 = arith.constant 1 : i32
      %dma_wait3A_2962 = arith.constant 1 : i32
      %dma_wait3A_2963 = arith.constant 0 : i32
      %dma_wait3A_2964 = arith.constant 0 : i32
      %dma_wait3A_2965 = tpu.memref_slice %arg10[%dma_wait3A_2961, %dma_wait3A_2963, %dma_wait3A_2964] : memref<15x32x128xf32, #tpu.memory_space<vmem>> -> memref<1x32x128xf32, #tpu.memory_space<vmem>>
      %dma_wait3A_2966 = tpu.memref_squeeze %dma_wait3A_2965 : memref<1x32x128xf32, #tpu.memory_space<vmem>> -> memref<32x128xf32, #tpu.memory_space<vmem>>
      %dma_wait3A_2967 = arith.constant 0 : i32
      %dma_wait3A_2968 = tpu.memref_slice %arg4[%dma_wait3A_2967, %multiple_of3A_1312] : memref<32x1000000xf32, #tpu.memory_space<hbm>> -> memref<32x128xf32, #tpu.memory_space<hbm>>
      %dma_wait3A_2969 = tpu.memref_slice %arg13[%dma_wait3A_2962] : memref<15x!tpu.dma_semaphore, #tpu.memory_space<semaphore_mem>> -> memref<1x!tpu.dma_semaphore, #tpu.memory_space<semaphore_mem>>
      %dma_wait3A_2970 = tpu.memref_squeeze %dma_wait3A_2969 : memref<1x!tpu.dma_semaphore, #tpu.memory_space<semaphore_mem>> -> memref<!tpu.dma_semaphore, #tpu.memory_space<semaphore_mem>>
      %dma_wait3A_2971 = arith.constant 0 : i32
      %dma_wait3A_2972 = arith.constant 0 : i32
      %dma_wait3A_2973 = tpu.memref_slice %arg10[%dma_wait3A_2961, %dma_wait3A_2971, %dma_wait3A_2972] : memref<15x32x128xf32, #tpu.memory_space<vmem>> -> memref<1x32x128xf32, #tpu.memory_space<vmem>>
      %dma_wait3A_2974 = tpu.memref_squeeze %dma_wait3A_2973 : memref<1x32x128xf32, #tpu.memory_space<vmem>> -> memref<32x128xf32, #tpu.memory_space<vmem>>
      %dma_wait3A_2975 = arith.constant 0 : i32
      %dma_wait3A_2976 = tpu.memref_slice %arg4[%dma_wait3A_2975, %multiple_of3A_1312] : memref<32x1000000xf32, #tpu.memory_space<hbm>> -> memref<32x128xf32, #tpu.memory_space<hbm>>
      tpu.wait_dma2 semaphore(%dma_wait3A_2970 : memref<!tpu.dma_semaphore, #tpu.memory_space<semaphore_mem>>) src(%dma_wait3A_2976 : memref<32x128xf32, #tpu.memory_space<hbm>>) dst(%dma_wait3A_2974 : memref<32x128xf32, #tpu.memory_space<vmem>>)
      %dma_wait3A_2977 = arith.constant 1 : i32
      %dma_wait3A_2978 = arith.constant 1 : i32
      %dma_wait3A_2979 = arith.constant 0 : i32
      %dma_wait3A_2980 = arith.constant 0 : i32
      %dma_wait3A_2981 = tpu.memref_slice %arg11[%dma_wait3A_2977, %dma_wait3A_2979, %dma_wait3A_2980] : memref<15x32x128xf32, #tpu.memory_space<vmem>> -> memref<1x32x128xf32, #tpu.memory_space<vmem>>
      %dma_wait3A_2982 = tpu.memref_squeeze %dma_wait3A_2981 : memref<1x32x128xf32, #tpu.memory_space<vmem>> -> memref<32x128xf32, #tpu.memory_space<vmem>>
      %dma_wait3A_2983 = arith.constant 0 : i32
      %dma_wait3A_2984 = tpu.memref_slice %arg5[%dma_wait3A_2983, %multiple_of3A_1317] : memref<32x1000000xf32, #tpu.memory_space<hbm>> -> memref<32x128xf32, #tpu.memory_space<hbm>>
      %dma_wait3A_2985 = tpu.memref_slice %arg14[%dma_wait3A_2978] : memref<15x!tpu.dma_semaphore, #tpu.memory_space<semaphore_mem>> -> memref<1x!tpu.dma_semaphore, #tpu.memory_space<semaphore_mem>>
      %dma_wait3A_2986 = tpu.memref_squeeze %dma_wait3A_2985 : memref<1x!tpu.dma_semaphore, #tpu.memory_space<semaphore_mem>> -> memref<!tpu.dma_semaphore, #tpu.memory_space<semaphore_mem>>
      %dma_wait3A_2987 = arith.constant 0 : i32
      %dma_wait3A_2988 = arith.constant 0 : i32
      %dma_wait3A_2989 = tpu.memref_slice %arg11[%dma_wait3A_2977, %dma_wait3A_2987, %dma_wait3A_2988] : memref<15x32x128xf32, #tpu.memory_space<vmem>> -> memref<1x32x128xf32, #tpu.memory_space<vmem>>
      %dma_wait3A_2990 = tpu.memref_squeeze %dma_wait3A_2989 : memref<1x32x128xf32, #tpu.memory_space<vmem>> -> memref<32x128xf32, #tpu.memory_space<vmem>>
      %dma_wait3A_2991 = arith.constant 0 : i32
      %dma_wait3A_2992 = tpu.memref_slice %arg5[%dma_wait3A_2991, %multiple_of3A_1317] : memref<32x1000000xf32, #tpu.memory_space<hbm>> -> memref<32x128xf32, #tpu.memory_space<hbm>>
      tpu.wait_dma2 semaphore(%dma_wait3A_2986 : memref<!tpu.dma_semaphore, #tpu.memory_space<semaphore_mem>>) src(%dma_wait3A_2992 : memref<32x128xf32, #tpu.memory_space<hbm>>) dst(%dma_wait3A_2990 : memref<32x128xf32, #tpu.memory_space<vmem>>)
      %broadcast_in_dim3A_2993 = arith.constant 1 : i32
      %broadcast_in_dim3A_2994 = vector.broadcast %broadcast_in_dim3A_2993 : i32 to vector<16xi32>
      %gather3A_2995 = tpu.vector_load_idx %arg10[%broadcast_in_dim3A_2994, %iota3A, %broadcast_in_dim3A_1320] : memref<15x32x128xf32, #tpu.memory_space<vmem>>[vector<16xi32>, vector<16xi32>, vector<16xi32>], vector<16xf32>,
      %gather3A_2996 = tpu.vector_load_idx %arg10[%broadcast_in_dim3A_2994, %add3A_5, %broadcast_in_dim3A_1320] : memref<15x32x128xf32, #tpu.memory_space<vmem>>[vector<16xi32>, vector<16xi32>, vector<16xi32>], vector<16xf32>,
      %gather3A_2997 = tpu.vector_load_idx %arg11[%broadcast_in_dim3A_2994, %iota3A, %broadcast_in_dim3A_1323] : memref<15x32x128xf32, #tpu.memory_space<vmem>>[vector<16xi32>, vector<16xi32>, vector<16xi32>], vector<16xf32>,
      %gather3A_2998 = tpu.vector_load_idx %arg11[%broadcast_in_dim3A_2994, %add3A_5, %broadcast_in_dim3A_1323] : memref<15x32x128xf32, #tpu.memory_space<vmem>>[vector<16xi32>, vector<16xi32>, vector<16xi32>], vector<16xf32>,
      %mul3A_2999 = arith.mulf %gather3A_2995, %gather3A_2997 : vector<16xf32>
      %mul3A_3000 = arith.mulf %gather3A_2996, %gather3A_2998 : vector<16xf32>
      %add3A_3001 = arith.addf %mul3A_2999, %mul3A_3000 : vector<16xf32>
      %reduce_sum3A_3002 = arith.constant true
      %reduce_sum3A_3003 = vector.broadcast %reduce_sum3A_3002 : i1 to vector<16xi1>
      %reduce_sum3A_3004 = tpu.scan <sum>, %add3A_3001 masked %reduce_sum3A_3003 : vector<16xf32>, vector<16xi1> -> vector<16xf32>
      %reduce_sum3A_3005 = vector.extract %reduce_sum3A_3004[15] : f32 from vector<16xf32>
      %add3A_3006 = arith.constant 1 : i32
      %add3A_3007 = arith.addi %mul3A_1259, %add3A_3006 : i32
      %swap3A_3008 = arith.index_cast %add3A_3007 : i32 to index
      %swap3A_3009 = memref.load %arg9[%swap3A_3008] : memref<512xf32, #tpu.memory_space<smem>>
      memref.store %reduce_sum3A_3005, %arg9[%swap3A_3008] : memref<512xf32, #tpu.memory_space<smem>>
      %dma_wait3A_3010 = arith.constant 2 : i32
      %dma_wait3A_3011 = arith.constant 2 : i32
      %dma_wait3A_3012 = arith.constant 0 : i32
      %dma_wait3A_3013 = arith.constant 0 : i32
      %dma_wait3A_3014 = tpu.memref_slice %arg10[%dma_wait3A_3010, %dma_wait3A_3012, %dma_wait3A_3013] : memref<15x32x128xf32, #tpu.memory_space<vmem>> -> memref<1x32x128xf32, #tpu.memory_space<vmem>>
      %dma_wait3A_3015 = tpu.memref_squeeze %dma_wait3A_3014 : memref<1x32x128xf32, #tpu.memory_space<vmem>> -> memref<32x128xf32, #tpu.memory_space<vmem>>
      %dma_wait3A_3016 = arith.constant 0 : i32
      %dma_wait3A_3017 = tpu.memref_slice %arg4[%dma_wait3A_3016, %multiple_of3A_1360] : memref<32x1000000xf32, #tpu.memory_space<hbm>> -> memref<32x128xf32, #tpu.memory_space<hbm>>
      %dma_wait3A_3018 = tpu.memref_slice %arg13[%dma_wait3A_3011] : memref<15x!tpu.dma_semaphore, #tpu.memory_space<semaphore_mem>> -> memref<1x!tpu.dma_semaphore, #tpu.memory_space<semaphore_mem>>
      %dma_wait3A_3019 = tpu.memref_squeeze %dma_wait3A_3018 : memref<1x!tpu.dma_semaphore, #tpu.memory_space<semaphore_mem>> -> memref<!tpu.dma_semaphore, #tpu.memory_space<semaphore_mem>>
      %dma_wait3A_3020 = arith.constant 0 : i32
      %dma_wait3A_3021 = arith.constant 0 : i32
      %dma_wait3A_3022 = tpu.memref_slice %arg10[%dma_wait3A_3010, %dma_wait3A_3020, %dma_wait3A_3021] : memref<15x32x128xf32, #tpu.memory_space<vmem>> -> memref<1x32x128xf32, #tpu.memory_space<vmem>>
      %dma_wait3A_3023 = tpu.memref_squeeze %dma_wait3A_3022 : memref<1x32x128xf32, #tpu.memory_space<vmem>> -> memref<32x128xf32, #tpu.memory_space<vmem>>
      %dma_wait3A_3024 = arith.constant 0 : i32
      %dma_wait3A_3025 = tpu.memref_slice %arg4[%dma_wait3A_3024, %multiple_of3A_1360] : memref<32x1000000xf32, #tpu.memory_space<hbm>> -> memref<32x128xf32, #tpu.memory_space<hbm>>
      tpu.wait_dma2 semaphore(%dma_wait3A_3019 : memref<!tpu.dma_semaphore, #tpu.memory_space<semaphore_mem>>) src(%dma_wait3A_3025 : memref<32x128xf32, #tpu.memory_space<hbm>>) dst(%dma_wait3A_3023 : memref<32x128xf32, #tpu.memory_space<vmem>>)
      %dma_wait3A_3026 = arith.constant 2 : i32
      %dma_wait3A_3027 = arith.constant 2 : i32
      %dma_wait3A_3028 = arith.constant 0 : i32
      %dma_wait3A_3029 = arith.constant 0 : i32
      %dma_wait3A_3030 = tpu.memref_slice %arg11[%dma_wait3A_3026, %dma_wait3A_3028, %dma_wait3A_3029] : memref<15x32x128xf32, #tpu.memory_space<vmem>> -> memref<1x32x128xf32, #tpu.memory_space<vmem>>
      %dma_wait3A_3031 = tpu.memref_squeeze %dma_wait3A_3030 : memref<1x32x128xf32, #tpu.memory_space<vmem>> -> memref<32x128xf32, #tpu.memory_space<vmem>>
      %dma_wait3A_3032 = arith.constant 0 : i32
      %dma_wait3A_3033 = tpu.memref_slice %arg5[%dma_wait3A_3032, %multiple_of3A_1365] : memref<32x1000000xf32, #tpu.memory_space<hbm>> -> memref<32x128xf32, #tpu.memory_space<hbm>>
      %dma_wait3A_3034 = tpu.memref_slice %arg14[%dma_wait3A_3027] : memref<15x!tpu.dma_semaphore, #tpu.memory_space<semaphore_mem>> -> memref<1x!tpu.dma_semaphore, #tpu.memory_space<semaphore_mem>>
      %dma_wait3A_3035 = tpu.memref_squeeze %dma_wait3A_3034 : memref<1x!tpu.dma_semaphore, #tpu.memory_space<semaphore_mem>> -> memref<!tpu.dma_semaphore, #tpu.memory_space<semaphore_mem>>
      %dma_wait3A_3036 = arith.constant 0 : i32
      %dma_wait3A_3037 = arith.constant 0 : i32
      %dma_wait3A_3038 = tpu.memref_slice %arg11[%dma_wait3A_3026, %dma_wait3A_3036, %dma_wait3A_3037] : memref<15x32x128xf32, #tpu.memory_space<vmem>> -> memref<1x32x128xf32, #tpu.memory_space<vmem>>
      %dma_wait3A_3039 = tpu.memref_squeeze %dma_wait3A_3038 : memref<1x32x128xf32, #tpu.memory_space<vmem>> -> memref<32x128xf32, #tpu.memory_space<vmem>>
      %dma_wait3A_3040 = arith.constant 0 : i32
      %dma_wait3A_3041 = tpu.memref_slice %arg5[%dma_wait3A_3040, %multiple_of3A_1365] : memref<32x1000000xf32, #tpu.memory_space<hbm>> -> memref<32x128xf32, #tpu.memory_space<hbm>>
      tpu.wait_dma2 semaphore(%dma_wait3A_3035 : memref<!tpu.dma_semaphore, #tpu.memory_space<semaphore_mem>>) src(%dma_wait3A_3041 : memref<32x128xf32, #tpu.memory_space<hbm>>) dst(%dma_wait3A_3039 : memref<32x128xf32, #tpu.memory_space<vmem>>)
      %broadcast_in_dim3A_3042 = arith.constant 2 : i32
      %broadcast_in_dim3A_3043 = vector.broadcast %broadcast_in_dim3A_3042 : i32 to vector<16xi32>
      %gather3A_3044 = tpu.vector_load_idx %arg10[%broadcast_in_dim3A_3043, %iota3A, %broadcast_in_dim3A_1368] : memref<15x32x128xf32, #tpu.memory_space<vmem>>[vector<16xi32>, vector<16xi32>, vector<16xi32>], vector<16xf32>,
      %gather3A_3045 = tpu.vector_load_idx %arg10[%broadcast_in_dim3A_3043, %add3A_5, %broadcast_in_dim3A_1368] : memref<15x32x128xf32, #tpu.memory_space<vmem>>[vector<16xi32>, vector<16xi32>, vector<16xi32>], vector<16xf32>,
      %gather3A_3046 = tpu.vector_load_idx %arg11[%broadcast_in_dim3A_3043, %iota3A, %broadcast_in_dim3A_1371] : memref<15x32x128xf32, #tpu.memory_space<vmem>>[vector<16xi32>, vector<16xi32>, vector<16xi32>], vector<16xf32>,
      %gather3A_3047 = tpu.vector_load_idx %arg11[%broadcast_in_dim3A_3043, %add3A_5, %broadcast_in_dim3A_1371] : memref<15x32x128xf32, #tpu.memory_space<vmem>>[vector<16xi32>, vector<16xi32>, vector<16xi32>], vector<16xf32>,
      %mul3A_3048 = arith.mulf %gather3A_3044, %gather3A_3046 : vector<16xf32>
      %mul3A_3049 = arith.mulf %gather3A_3045, %gather3A_3047 : vector<16xf32>
      %add3A_3050 = arith.addf %mul3A_3048, %mul3A_3049 : vector<16xf32>
      %reduce_sum3A_3051 = arith.constant true
      %reduce_sum3A_3052 = vector.broadcast %reduce_sum3A_3051 : i1 to vector<16xi1>
      %reduce_sum3A_3053 = tpu.scan <sum>, %add3A_3050 masked %reduce_sum3A_3052 : vector<16xf32>, vector<16xi1> -> vector<16xf32>
      %reduce_sum3A_3054 = vector.extract %reduce_sum3A_3053[15] : f32 from vector<16xf32>
      %add3A_3055 = arith.constant 2 : i32
      %add3A_3056 = arith.addi %mul3A_1259, %add3A_3055 : i32
      %swap3A_3057 = arith.index_cast %add3A_3056 : i32 to index
      %swap3A_3058 = memref.load %arg9[%swap3A_3057] : memref<512xf32, #tpu.memory_space<smem>>
      memref.store %reduce_sum3A_3054, %arg9[%swap3A_3057] : memref<512xf32, #tpu.memory_space<smem>>
      %dma_wait3A_3059 = arith.constant 3 : i32
      %dma_wait3A_3060 = arith.constant 3 : i32
      %dma_wait3A_3061 = arith.constant 0 : i32
      %dma_wait3A_3062 = arith.constant 0 : i32
      %dma_wait3A_3063 = tpu.memref_slice %arg10[%dma_wait3A_3059, %dma_wait3A_3061, %dma_wait3A_3062] : memref<15x32x128xf32, #tpu.memory_space<vmem>> -> memref<1x32x128xf32, #tpu.memory_space<vmem>>
      %dma_wait3A_3064 = tpu.memref_squeeze %dma_wait3A_3063 : memref<1x32x128xf32, #tpu.memory_space<vmem>> -> memref<32x128xf32, #tpu.memory_space<vmem>>
      %dma_wait3A_3065 = arith.constant 0 : i32
      %dma_wait3A_3066 = tpu.memref_slice %arg4[%dma_wait3A_3065, %multiple_of3A_1408] : memref<32x1000000xf32, #tpu.memory_space<hbm>> -> memref<32x128xf32, #tpu.memory_space<hbm>>
      %dma_wait3A_3067 = tpu.memref_slice %arg13[%dma_wait3A_3060] : memref<15x!tpu.dma_semaphore, #tpu.memory_space<semaphore_mem>> -> memref<1x!tpu.dma_semaphore, #tpu.memory_space<semaphore_mem>>
      %dma_wait3A_3068 = tpu.memref_squeeze %dma_wait3A_3067 : memref<1x!tpu.dma_semaphore, #tpu.memory_space<semaphore_mem>> -> memref<!tpu.dma_semaphore, #tpu.memory_space<semaphore_mem>>
      %dma_wait3A_3069 = arith.constant 0 : i32
      %dma_wait3A_3070 = arith.constant 0 : i32
      %dma_wait3A_3071 = tpu.memref_slice %arg10[%dma_wait3A_3059, %dma_wait3A_3069, %dma_wait3A_3070] : memref<15x32x128xf32, #tpu.memory_space<vmem>> -> memref<1x32x128xf32, #tpu.memory_space<vmem>>
      %dma_wait3A_3072 = tpu.memref_squeeze %dma_wait3A_3071 : memref<1x32x128xf32, #tpu.memory_space<vmem>> -> memref<32x128xf32, #tpu.memory_space<vmem>>
      %dma_wait3A_3073 = arith.constant 0 : i32
      %dma_wait3A_3074 = tpu.memref_slice %arg4[%dma_wait3A_3073, %multiple_of3A_1408] : memref<32x1000000xf32, #tpu.memory_space<hbm>> -> memref<32x128xf32, #tpu.memory_space<hbm>>
      tpu.wait_dma2 semaphore(%dma_wait3A_3068 : memref<!tpu.dma_semaphore, #tpu.memory_space<semaphore_mem>>) src(%dma_wait3A_3074 : memref<32x128xf32, #tpu.memory_space<hbm>>) dst(%dma_wait3A_3072 : memref<32x128xf32, #tpu.memory_space<vmem>>)
      %dma_wait3A_3075 = arith.constant 3 : i32
      %dma_wait3A_3076 = arith.constant 3 : i32
      %dma_wait3A_3077 = arith.constant 0 : i32
      %dma_wait3A_3078 = arith.constant 0 : i32
      %dma_wait3A_3079 = tpu.memref_slice %arg11[%dma_wait3A_3075, %dma_wait3A_3077, %dma_wait3A_3078] : memref<15x32x128xf32, #tpu.memory_space<vmem>> -> memref<1x32x128xf32, #tpu.memory_space<vmem>>
      %dma_wait3A_3080 = tpu.memref_squeeze %dma_wait3A_3079 : memref<1x32x128xf32, #tpu.memory_space<vmem>> -> memref<32x128xf32, #tpu.memory_space<vmem>>
      %dma_wait3A_3081 = arith.constant 0 : i32
      %dma_wait3A_3082 = tpu.memref_slice %arg5[%dma_wait3A_3081, %multiple_of3A_1413] : memref<32x1000000xf32, #tpu.memory_space<hbm>> -> memref<32x128xf32, #tpu.memory_space<hbm>>
      %dma_wait3A_3083 = tpu.memref_slice %arg14[%dma_wait3A_3076] : memref<15x!tpu.dma_semaphore, #tpu.memory_space<semaphore_mem>> -> memref<1x!tpu.dma_semaphore, #tpu.memory_space<semaphore_mem>>
      %dma_wait3A_3084 = tpu.memref_squeeze %dma_wait3A_3083 : memref<1x!tpu.dma_semaphore, #tpu.memory_space<semaphore_mem>> -> memref<!tpu.dma_semaphore, #tpu.memory_space<semaphore_mem>>
      %dma_wait3A_3085 = arith.constant 0 : i32
      %dma_wait3A_3086 = arith.constant 0 : i32
      %dma_wait3A_3087 = tpu.memref_slice %arg11[%dma_wait3A_3075, %dma_wait3A_3085, %dma_wait3A_3086] : memref<15x32x128xf32, #tpu.memory_space<vmem>> -> memref<1x32x128xf32, #tpu.memory_space<vmem>>
      %dma_wait3A_3088 = tpu.memref_squeeze %dma_wait3A_3087 : memref<1x32x128xf32, #tpu.memory_space<vmem>> -> memref<32x128xf32, #tpu.memory_space<vmem>>
      %dma_wait3A_3089 = arith.constant 0 : i32
      %dma_wait3A_3090 = tpu.memref_slice %arg5[%dma_wait3A_3089, %multiple_of3A_1413] : memref<32x1000000xf32, #tpu.memory_space<hbm>> -> memref<32x128xf32, #tpu.memory_space<hbm>>
      tpu.wait_dma2 semaphore(%dma_wait3A_3084 : memref<!tpu.dma_semaphore, #tpu.memory_space<semaphore_mem>>) src(%dma_wait3A_3090 : memref<32x128xf32, #tpu.memory_space<hbm>>) dst(%dma_wait3A_3088 : memref<32x128xf32, #tpu.memory_space<vmem>>)
      %broadcast_in_dim3A_3091 = arith.constant 3 : i32
      %broadcast_in_dim3A_3092 = vector.broadcast %broadcast_in_dim3A_3091 : i32 to vector<16xi32>
      %gather3A_3093 = tpu.vector_load_idx %arg10[%broadcast_in_dim3A_3092, %iota3A, %broadcast_in_dim3A_1416] : memref<15x32x128xf32, #tpu.memory_space<vmem>>[vector<16xi32>, vector<16xi32>, vector<16xi32>], vector<16xf32>,
      %gather3A_3094 = tpu.vector_load_idx %arg10[%broadcast_in_dim3A_3092, %add3A_5, %broadcast_in_dim3A_1416] : memref<15x32x128xf32, #tpu.memory_space<vmem>>[vector<16xi32>, vector<16xi32>, vector<16xi32>], vector<16xf32>,
      %gather3A_3095 = tpu.vector_load_idx %arg11[%broadcast_in_dim3A_3092, %iota3A, %broadcast_in_dim3A_1419] : memref<15x32x128xf32, #tpu.memory_space<vmem>>[vector<16xi32>, vector<16xi32>, vector<16xi32>], vector<16xf32>,
      %gather3A_3096 = tpu.vector_load_idx %arg11[%broadcast_in_dim3A_3092, %add3A_5, %broadcast_in_dim3A_1419] : memref<15x32x128xf32, #tpu.memory_space<vmem>>[vector<16xi32>, vector<16xi32>, vector<16xi32>], vector<16xf32>,
      %mul3A_3097 = arith.mulf %gather3A_3093, %gather3A_3095 : vector<16xf32>
      %mul3A_3098 = arith.mulf %gather3A_3094, %gather3A_3096 : vector<16xf32>
      %add3A_3099 = arith.addf %mul3A_3097, %mul3A_3098 : vector<16xf32>
      %reduce_sum3A_3100 = arith.constant true
      %reduce_sum3A_3101 = vector.broadcast %reduce_sum3A_3100 : i1 to vector<16xi1>
      %reduce_sum3A_3102 = tpu.scan <sum>, %add3A_3099 masked %reduce_sum3A_3101 : vector<16xf32>, vector<16xi1> -> vector<16xf32>
      %reduce_sum3A_3103 = vector.extract %reduce_sum3A_3102[15] : f32 from vector<16xf32>
      %add3A_3104 = arith.constant 3 : i32
      %add3A_3105 = arith.addi %mul3A_1259, %add3A_3104 : i32
      %swap3A_3106 = arith.index_cast %add3A_3105 : i32 to index
      %swap3A_3107 = memref.load %arg9[%swap3A_3106] : memref<512xf32, #tpu.memory_space<smem>>
      memref.store %reduce_sum3A_3103, %arg9[%swap3A_3106] : memref<512xf32, #tpu.memory_space<smem>>
      %dma_wait3A_3108 = arith.constant 4 : i32
      %dma_wait3A_3109 = arith.constant 4 : i32
      %dma_wait3A_3110 = arith.constant 0 : i32
      %dma_wait3A_3111 = arith.constant 0 : i32
      %dma_wait3A_3112 = tpu.memref_slice %arg10[%dma_wait3A_3108, %dma_wait3A_3110, %dma_wait3A_3111] : memref<15x32x128xf32, #tpu.memory_space<vmem>> -> memref<1x32x128xf32, #tpu.memory_space<vmem>>
      %dma_wait3A_3113 = tpu.memref_squeeze %dma_wait3A_3112 : memref<1x32x128xf32, #tpu.memory_space<vmem>> -> memref<32x128xf32, #tpu.memory_space<vmem>>
      %dma_wait3A_3114 = arith.constant 0 : i32
      %dma_wait3A_3115 = tpu.memref_slice %arg4[%dma_wait3A_3114, %multiple_of3A_1456] : memref<32x1000000xf32, #tpu.memory_space<hbm>> -> memref<32x128xf32, #tpu.memory_space<hbm>>
      %dma_wait3A_3116 = tpu.memref_slice %arg13[%dma_wait3A_3109] : memref<15x!tpu.dma_semaphore, #tpu.memory_space<semaphore_mem>> -> memref<1x!tpu.dma_semaphore, #tpu.memory_space<semaphore_mem>>
      %dma_wait3A_3117 = tpu.memref_squeeze %dma_wait3A_3116 : memref<1x!tpu.dma_semaphore, #tpu.memory_space<semaphore_mem>> -> memref<!tpu.dma_semaphore, #tpu.memory_space<semaphore_mem>>
      %dma_wait3A_3118 = arith.constant 0 : i32
      %dma_wait3A_3119 = arith.constant 0 : i32
      %dma_wait3A_3120 = tpu.memref_slice %arg10[%dma_wait3A_3108, %dma_wait3A_3118, %dma_wait3A_3119] : memref<15x32x128xf32, #tpu.memory_space<vmem>> -> memref<1x32x128xf32, #tpu.memory_space<vmem>>
      %dma_wait3A_3121 = tpu.memref_squeeze %dma_wait3A_3120 : memref<1x32x128xf32, #tpu.memory_space<vmem>> -> memref<32x128xf32, #tpu.memory_space<vmem>>
      %dma_wait3A_3122 = arith.constant 0 : i32
      %dma_wait3A_3123 = tpu.memref_slice %arg4[%dma_wait3A_3122, %multiple_of3A_1456] : memref<32x1000000xf32, #tpu.memory_space<hbm>> -> memref<32x128xf32, #tpu.memory_space<hbm>>
      tpu.wait_dma2 semaphore(%dma_wait3A_3117 : memref<!tpu.dma_semaphore, #tpu.memory_space<semaphore_mem>>) src(%dma_wait3A_3123 : memref<32x128xf32, #tpu.memory_space<hbm>>) dst(%dma_wait3A_3121 : memref<32x128xf32, #tpu.memory_space<vmem>>)
      %dma_wait3A_3124 = arith.constant 4 : i32
      %dma_wait3A_3125 = arith.constant 4 : i32
      %dma_wait3A_3126 = arith.constant 0 : i32
      %dma_wait3A_3127 = arith.constant 0 : i32
      %dma_wait3A_3128 = tpu.memref_slice %arg11[%dma_wait3A_3124, %dma_wait3A_3126, %dma_wait3A_3127] : memref<15x32x128xf32, #tpu.memory_space<vmem>> -> memref<1x32x128xf32, #tpu.memory_space<vmem>>
      %dma_wait3A_3129 = tpu.memref_squeeze %dma_wait3A_3128 : memref<1x32x128xf32, #tpu.memory_space<vmem>> -> memref<32x128xf32, #tpu.memory_space<vmem>>
      %dma_wait3A_3130 = arith.constant 0 : i32
      %dma_wait3A_3131 = tpu.memref_slice %arg5[%dma_wait3A_3130, %multiple_of3A_1461] : memref<32x1000000xf32, #tpu.memory_space<hbm>> -> memref<32x128xf32, #tpu.memory_space<hbm>>
      %dma_wait3A_3132 = tpu.memref_slice %arg14[%dma_wait3A_3125] : memref<15x!tpu.dma_semaphore, #tpu.memory_space<semaphore_mem>> -> memref<1x!tpu.dma_semaphore, #tpu.memory_space<semaphore_mem>>
      %dma_wait3A_3133 = tpu.memref_squeeze %dma_wait3A_3132 : memref<1x!tpu.dma_semaphore, #tpu.memory_space<semaphore_mem>> -> memref<!tpu.dma_semaphore, #tpu.memory_space<semaphore_mem>>
      %dma_wait3A_3134 = arith.constant 0 : i32
      %dma_wait3A_3135 = arith.constant 0 : i32
      %dma_wait3A_3136 = tpu.memref_slice %arg11[%dma_wait3A_3124, %dma_wait3A_3134, %dma_wait3A_3135] : memref<15x32x128xf32, #tpu.memory_space<vmem>> -> memref<1x32x128xf32, #tpu.memory_space<vmem>>
      %dma_wait3A_3137 = tpu.memref_squeeze %dma_wait3A_3136 : memref<1x32x128xf32, #tpu.memory_space<vmem>> -> memref<32x128xf32, #tpu.memory_space<vmem>>
      %dma_wait3A_3138 = arith.constant 0 : i32
      %dma_wait3A_3139 = tpu.memref_slice %arg5[%dma_wait3A_3138, %multiple_of3A_1461] : memref<32x1000000xf32, #tpu.memory_space<hbm>> -> memref<32x128xf32, #tpu.memory_space<hbm>>
      tpu.wait_dma2 semaphore(%dma_wait3A_3133 : memref<!tpu.dma_semaphore, #tpu.memory_space<semaphore_mem>>) src(%dma_wait3A_3139 : memref<32x128xf32, #tpu.memory_space<hbm>>) dst(%dma_wait3A_3137 : memref<32x128xf32, #tpu.memory_space<vmem>>)
      %broadcast_in_dim3A_3140 = arith.constant 4 : i32
      %broadcast_in_dim3A_3141 = vector.broadcast %broadcast_in_dim3A_3140 : i32 to vector<16xi32>
      %gather3A_3142 = tpu.vector_load_idx %arg10[%broadcast_in_dim3A_3141, %iota3A, %broadcast_in_dim3A_1464] : memref<15x32x128xf32, #tpu.memory_space<vmem>>[vector<16xi32>, vector<16xi32>, vector<16xi32>], vector<16xf32>,
      %gather3A_3143 = tpu.vector_load_idx %arg10[%broadcast_in_dim3A_3141, %add3A_5, %broadcast_in_dim3A_1464] : memref<15x32x128xf32, #tpu.memory_space<vmem>>[vector<16xi32>, vector<16xi32>, vector<16xi32>], vector<16xf32>,
      %gather3A_3144 = tpu.vector_load_idx %arg11[%broadcast_in_dim3A_3141, %iota3A, %broadcast_in_dim3A_1467] : memref<15x32x128xf32, #tpu.memory_space<vmem>>[vector<16xi32>, vector<16xi32>, vector<16xi32>], vector<16xf32>,
      %gather3A_3145 = tpu.vector_load_idx %arg11[%broadcast_in_dim3A_3141, %add3A_5, %broadcast_in_dim3A_1467] : memref<15x32x128xf32, #tpu.memory_space<vmem>>[vector<16xi32>, vector<16xi32>, vector<16xi32>], vector<16xf32>,
      %mul3A_3146 = arith.mulf %gather3A_3142, %gather3A_3144 : vector<16xf32>
      %mul3A_3147 = arith.mulf %gather3A_3143, %gather3A_3145 : vector<16xf32>
      %add3A_3148 = arith.addf %mul3A_3146, %mul3A_3147 : vector<16xf32>
      %reduce_sum3A_3149 = arith.constant true
      %reduce_sum3A_3150 = vector.broadcast %reduce_sum3A_3149 : i1 to vector<16xi1>
      %reduce_sum3A_3151 = tpu.scan <sum>, %add3A_3148 masked %reduce_sum3A_3150 : vector<16xf32>, vector<16xi1> -> vector<16xf32>
      %reduce_sum3A_3152 = vector.extract %reduce_sum3A_3151[15] : f32 from vector<16xf32>
      %add3A_3153 = arith.constant 4 : i32
      %add3A_3154 = arith.addi %mul3A_1259, %add3A_3153 : i32
      %swap3A_3155 = arith.index_cast %add3A_3154 : i32 to index
      %swap3A_3156 = memref.load %arg9[%swap3A_3155] : memref<512xf32, #tpu.memory_space<smem>>
      memref.store %reduce_sum3A_3152, %arg9[%swap3A_3155] : memref<512xf32, #tpu.memory_space<smem>>
      %dma_wait3A_3157 = arith.constant 5 : i32
      %dma_wait3A_3158 = arith.constant 5 : i32
      %dma_wait3A_3159 = arith.constant 0 : i32
      %dma_wait3A_3160 = arith.constant 0 : i32
      %dma_wait3A_3161 = tpu.memref_slice %arg10[%dma_wait3A_3157, %dma_wait3A_3159, %dma_wait3A_3160] : memref<15x32x128xf32, #tpu.memory_space<vmem>> -> memref<1x32x128xf32, #tpu.memory_space<vmem>>
      %dma_wait3A_3162 = tpu.memref_squeeze %dma_wait3A_3161 : memref<1x32x128xf32, #tpu.memory_space<vmem>> -> memref<32x128xf32, #tpu.memory_space<vmem>>
      %dma_wait3A_3163 = arith.constant 0 : i32
      %dma_wait3A_3164 = tpu.memref_slice %arg4[%dma_wait3A_3163, %multiple_of3A_1504] : memref<32x1000000xf32, #tpu.memory_space<hbm>> -> memref<32x128xf32, #tpu.memory_space<hbm>>
      %dma_wait3A_3165 = tpu.memref_slice %arg13[%dma_wait3A_3158] : memref<15x!tpu.dma_semaphore, #tpu.memory_space<semaphore_mem>> -> memref<1x!tpu.dma_semaphore, #tpu.memory_space<semaphore_mem>>
      %dma_wait3A_3166 = tpu.memref_squeeze %dma_wait3A_3165 : memref<1x!tpu.dma_semaphore, #tpu.memory_space<semaphore_mem>> -> memref<!tpu.dma_semaphore, #tpu.memory_space<semaphore_mem>>
      %dma_wait3A_3167 = arith.constant 0 : i32
      %dma_wait3A_3168 = arith.constant 0 : i32
      %dma_wait3A_3169 = tpu.memref_slice %arg10[%dma_wait3A_3157, %dma_wait3A_3167, %dma_wait3A_3168] : memref<15x32x128xf32, #tpu.memory_space<vmem>> -> memref<1x32x128xf32, #tpu.memory_space<vmem>>
      %dma_wait3A_3170 = tpu.memref_squeeze %dma_wait3A_3169 : memref<1x32x128xf32, #tpu.memory_space<vmem>> -> memref<32x128xf32, #tpu.memory_space<vmem>>
      %dma_wait3A_3171 = arith.constant 0 : i32
      %dma_wait3A_3172 = tpu.memref_slice %arg4[%dma_wait3A_3171, %multiple_of3A_1504] : memref<32x1000000xf32, #tpu.memory_space<hbm>> -> memref<32x128xf32, #tpu.memory_space<hbm>>
      tpu.wait_dma2 semaphore(%dma_wait3A_3166 : memref<!tpu.dma_semaphore, #tpu.memory_space<semaphore_mem>>) src(%dma_wait3A_3172 : memref<32x128xf32, #tpu.memory_space<hbm>>) dst(%dma_wait3A_3170 : memref<32x128xf32, #tpu.memory_space<vmem>>)
      %dma_wait3A_3173 = arith.constant 5 : i32
      %dma_wait3A_3174 = arith.constant 5 : i32
      %dma_wait3A_3175 = arith.constant 0 : i32
      %dma_wait3A_3176 = arith.constant 0 : i32
      %dma_wait3A_3177 = tpu.memref_slice %arg11[%dma_wait3A_3173, %dma_wait3A_3175, %dma_wait3A_3176] : memref<15x32x128xf32, #tpu.memory_space<vmem>> -> memref<1x32x128xf32, #tpu.memory_space<vmem>>
      %dma_wait3A_3178 = tpu.memref_squeeze %dma_wait3A_3177 : memref<1x32x128xf32, #tpu.memory_space<vmem>> -> memref<32x128xf32, #tpu.memory_space<vmem>>
      %dma_wait3A_3179 = arith.constant 0 : i32
      %dma_wait3A_3180 = tpu.memref_slice %arg5[%dma_wait3A_3179, %multiple_of3A_1509] : memref<32x1000000xf32, #tpu.memory_space<hbm>> -> memref<32x128xf32, #tpu.memory_space<hbm>>
      %dma_wait3A_3181 = tpu.memref_slice %arg14[%dma_wait3A_3174] : memref<15x!tpu.dma_semaphore, #tpu.memory_space<semaphore_mem>> -> memref<1x!tpu.dma_semaphore, #tpu.memory_space<semaphore_mem>>
      %dma_wait3A_3182 = tpu.memref_squeeze %dma_wait3A_3181 : memref<1x!tpu.dma_semaphore, #tpu.memory_space<semaphore_mem>> -> memref<!tpu.dma_semaphore, #tpu.memory_space<semaphore_mem>>
      %dma_wait3A_3183 = arith.constant 0 : i32
      %dma_wait3A_3184 = arith.constant 0 : i32
      %dma_wait3A_3185 = tpu.memref_slice %arg11[%dma_wait3A_3173, %dma_wait3A_3183, %dma_wait3A_3184] : memref<15x32x128xf32, #tpu.memory_space<vmem>> -> memref<1x32x128xf32, #tpu.memory_space<vmem>>
      %dma_wait3A_3186 = tpu.memref_squeeze %dma_wait3A_3185 : memref<1x32x128xf32, #tpu.memory_space<vmem>> -> memref<32x128xf32, #tpu.memory_space<vmem>>
      %dma_wait3A_3187 = arith.constant 0 : i32
      %dma_wait3A_3188 = tpu.memref_slice %arg5[%dma_wait3A_3187, %multiple_of3A_1509] : memref<32x1000000xf32, #tpu.memory_space<hbm>> -> memref<32x128xf32, #tpu.memory_space<hbm>>
      tpu.wait_dma2 semaphore(%dma_wait3A_3182 : memref<!tpu.dma_semaphore, #tpu.memory_space<semaphore_mem>>) src(%dma_wait3A_3188 : memref<32x128xf32, #tpu.memory_space<hbm>>) dst(%dma_wait3A_3186 : memref<32x128xf32, #tpu.memory_space<vmem>>)
      %broadcast_in_dim3A_3189 = arith.constant 5 : i32
      %broadcast_in_dim3A_3190 = vector.broadcast %broadcast_in_dim3A_3189 : i32 to vector<16xi32>
      %gather3A_3191 = tpu.vector_load_idx %arg10[%broadcast_in_dim3A_3190, %iota3A, %broadcast_in_dim3A_1512] : memref<15x32x128xf32, #tpu.memory_space<vmem>>[vector<16xi32>, vector<16xi32>, vector<16xi32>], vector<16xf32>,
      %gather3A_3192 = tpu.vector_load_idx %arg10[%broadcast_in_dim3A_3190, %add3A_5, %broadcast_in_dim3A_1512] : memref<15x32x128xf32, #tpu.memory_space<vmem>>[vector<16xi32>, vector<16xi32>, vector<16xi32>], vector<16xf32>,
      %gather3A_3193 = tpu.vector_load_idx %arg11[%broadcast_in_dim3A_3190, %iota3A, %broadcast_in_dim3A_1515] : memref<15x32x128xf32, #tpu.memory_space<vmem>>[vector<16xi32>, vector<16xi32>, vector<16xi32>], vector<16xf32>,
      %gather3A_3194 = tpu.vector_load_idx %arg11[%broadcast_in_dim3A_3190, %add3A_5, %broadcast_in_dim3A_1515] : memref<15x32x128xf32, #tpu.memory_space<vmem>>[vector<16xi32>, vector<16xi32>, vector<16xi32>], vector<16xf32>,
      %mul3A_3195 = arith.mulf %gather3A_3191, %gather3A_3193 : vector<16xf32>
      %mul3A_3196 = arith.mulf %gather3A_3192, %gather3A_3194 : vector<16xf32>
      %add3A_3197 = arith.addf %mul3A_3195, %mul3A_3196 : vector<16xf32>
      %reduce_sum3A_3198 = arith.constant true
      %reduce_sum3A_3199 = vector.broadcast %reduce_sum3A_3198 : i1 to vector<16xi1>
      %reduce_sum3A_3200 = tpu.scan <sum>, %add3A_3197 masked %reduce_sum3A_3199 : vector<16xf32>, vector<16xi1> -> vector<16xf32>
      %reduce_sum3A_3201 = vector.extract %reduce_sum3A_3200[15] : f32 from vector<16xf32>
      %add3A_3202 = arith.constant 5 : i32
      %add3A_3203 = arith.addi %mul3A_1259, %add3A_3202 : i32
      %swap3A_3204 = arith.index_cast %add3A_3203 : i32 to index
      %swap3A_3205 = memref.load %arg9[%swap3A_3204] : memref<512xf32, #tpu.memory_space<smem>>
      memref.store %reduce_sum3A_3201, %arg9[%swap3A_3204] : memref<512xf32, #tpu.memory_space<smem>>
      %dma_wait3A_3206 = arith.constant 6 : i32
      %dma_wait3A_3207 = arith.constant 6 : i32
      %dma_wait3A_3208 = arith.constant 0 : i32
      %dma_wait3A_3209 = arith.constant 0 : i32
      %dma_wait3A_3210 = tpu.memref_slice %arg10[%dma_wait3A_3206, %dma_wait3A_3208, %dma_wait3A_3209] : memref<15x32x128xf32, #tpu.memory_space<vmem>> -> memref<1x32x128xf32, #tpu.memory_space<vmem>>
      %dma_wait3A_3211 = tpu.memref_squeeze %dma_wait3A_3210 : memref<1x32x128xf32, #tpu.memory_space<vmem>> -> memref<32x128xf32, #tpu.memory_space<vmem>>
      %dma_wait3A_3212 = arith.constant 0 : i32
      %dma_wait3A_3213 = tpu.memref_slice %arg4[%dma_wait3A_3212, %multiple_of3A_1552] : memref<32x1000000xf32, #tpu.memory_space<hbm>> -> memref<32x128xf32, #tpu.memory_space<hbm>>
      %dma_wait3A_3214 = tpu.memref_slice %arg13[%dma_wait3A_3207] : memref<15x!tpu.dma_semaphore, #tpu.memory_space<semaphore_mem>> -> memref<1x!tpu.dma_semaphore, #tpu.memory_space<semaphore_mem>>
      %dma_wait3A_3215 = tpu.memref_squeeze %dma_wait3A_3214 : memref<1x!tpu.dma_semaphore, #tpu.memory_space<semaphore_mem>> -> memref<!tpu.dma_semaphore, #tpu.memory_space<semaphore_mem>>
      %dma_wait3A_3216 = arith.constant 0 : i32
      %dma_wait3A_3217 = arith.constant 0 : i32
      %dma_wait3A_3218 = tpu.memref_slice %arg10[%dma_wait3A_3206, %dma_wait3A_3216, %dma_wait3A_3217] : memref<15x32x128xf32, #tpu.memory_space<vmem>> -> memref<1x32x128xf32, #tpu.memory_space<vmem>>
      %dma_wait3A_3219 = tpu.memref_squeeze %dma_wait3A_3218 : memref<1x32x128xf32, #tpu.memory_space<vmem>> -> memref<32x128xf32, #tpu.memory_space<vmem>>
      %dma_wait3A_3220 = arith.constant 0 : i32
      %dma_wait3A_3221 = tpu.memref_slice %arg4[%dma_wait3A_3220, %multiple_of3A_1552] : memref<32x1000000xf32, #tpu.memory_space<hbm>> -> memref<32x128xf32, #tpu.memory_space<hbm>>
      tpu.wait_dma2 semaphore(%dma_wait3A_3215 : memref<!tpu.dma_semaphore, #tpu.memory_space<semaphore_mem>>) src(%dma_wait3A_3221 : memref<32x128xf32, #tpu.memory_space<hbm>>) dst(%dma_wait3A_3219 : memref<32x128xf32, #tpu.memory_space<vmem>>)
      %dma_wait3A_3222 = arith.constant 6 : i32
      %dma_wait3A_3223 = arith.constant 6 : i32
      %dma_wait3A_3224 = arith.constant 0 : i32
      %dma_wait3A_3225 = arith.constant 0 : i32
      %dma_wait3A_3226 = tpu.memref_slice %arg11[%dma_wait3A_3222, %dma_wait3A_3224, %dma_wait3A_3225] : memref<15x32x128xf32, #tpu.memory_space<vmem>> -> memref<1x32x128xf32, #tpu.memory_space<vmem>>
      %dma_wait3A_3227 = tpu.memref_squeeze %dma_wait3A_3226 : memref<1x32x128xf32, #tpu.memory_space<vmem>> -> memref<32x128xf32, #tpu.memory_space<vmem>>
      %dma_wait3A_3228 = arith.constant 0 : i32
      %dma_wait3A_3229 = tpu.memref_slice %arg5[%dma_wait3A_3228, %multiple_of3A_1557] : memref<32x1000000xf32, #tpu.memory_space<hbm>> -> memref<32x128xf32, #tpu.memory_space<hbm>>
      %dma_wait3A_3230 = tpu.memref_slice %arg14[%dma_wait3A_3223] : memref<15x!tpu.dma_semaphore, #tpu.memory_space<semaphore_mem>> -> memref<1x!tpu.dma_semaphore, #tpu.memory_space<semaphore_mem>>
      %dma_wait3A_3231 = tpu.memref_squeeze %dma_wait3A_3230 : memref<1x!tpu.dma_semaphore, #tpu.memory_space<semaphore_mem>> -> memref<!tpu.dma_semaphore, #tpu.memory_space<semaphore_mem>>
      %dma_wait3A_3232 = arith.constant 0 : i32
      %dma_wait3A_3233 = arith.constant 0 : i32
      %dma_wait3A_3234 = tpu.memref_slice %arg11[%dma_wait3A_3222, %dma_wait3A_3232, %dma_wait3A_3233] : memref<15x32x128xf32, #tpu.memory_space<vmem>> -> memref<1x32x128xf32, #tpu.memory_space<vmem>>
      %dma_wait3A_3235 = tpu.memref_squeeze %dma_wait3A_3234 : memref<1x32x128xf32, #tpu.memory_space<vmem>> -> memref<32x128xf32, #tpu.memory_space<vmem>>
      %dma_wait3A_3236 = arith.constant 0 : i32
      %dma_wait3A_3237 = tpu.memref_slice %arg5[%dma_wait3A_3236, %multiple_of3A_1557] : memref<32x1000000xf32, #tpu.memory_space<hbm>> -> memref<32x128xf32, #tpu.memory_space<hbm>>
      tpu.wait_dma2 semaphore(%dma_wait3A_3231 : memref<!tpu.dma_semaphore, #tpu.memory_space<semaphore_mem>>) src(%dma_wait3A_3237 : memref<32x128xf32, #tpu.memory_space<hbm>>) dst(%dma_wait3A_3235 : memref<32x128xf32, #tpu.memory_space<vmem>>)
      %broadcast_in_dim3A_3238 = arith.constant 6 : i32
      %broadcast_in_dim3A_3239 = vector.broadcast %broadcast_in_dim3A_3238 : i32 to vector<16xi32>
      %gather3A_3240 = tpu.vector_load_idx %arg10[%broadcast_in_dim3A_3239, %iota3A, %broadcast_in_dim3A_1560] : memref<15x32x128xf32, #tpu.memory_space<vmem>>[vector<16xi32>, vector<16xi32>, vector<16xi32>], vector<16xf32>,
      %gather3A_3241 = tpu.vector_load_idx %arg10[%broadcast_in_dim3A_3239, %add3A_5, %broadcast_in_dim3A_1560] : memref<15x32x128xf32, #tpu.memory_space<vmem>>[vector<16xi32>, vector<16xi32>, vector<16xi32>], vector<16xf32>,
      %gather3A_3242 = tpu.vector_load_idx %arg11[%broadcast_in_dim3A_3239, %iota3A, %broadcast_in_dim3A_1563] : memref<15x32x128xf32, #tpu.memory_space<vmem>>[vector<16xi32>, vector<16xi32>, vector<16xi32>], vector<16xf32>,
      %gather3A_3243 = tpu.vector_load_idx %arg11[%broadcast_in_dim3A_3239, %add3A_5, %broadcast_in_dim3A_1563] : memref<15x32x128xf32, #tpu.memory_space<vmem>>[vector<16xi32>, vector<16xi32>, vector<16xi32>], vector<16xf32>,
      %mul3A_3244 = arith.mulf %gather3A_3240, %gather3A_3242 : vector<16xf32>
      %mul3A_3245 = arith.mulf %gather3A_3241, %gather3A_3243 : vector<16xf32>
      %add3A_3246 = arith.addf %mul3A_3244, %mul3A_3245 : vector<16xf32>
      %reduce_sum3A_3247 = arith.constant true
      %reduce_sum3A_3248 = vector.broadcast %reduce_sum3A_3247 : i1 to vector<16xi1>
      %reduce_sum3A_3249 = tpu.scan <sum>, %add3A_3246 masked %reduce_sum3A_3248 : vector<16xf32>, vector<16xi1> -> vector<16xf32>
      %reduce_sum3A_3250 = vector.extract %reduce_sum3A_3249[15] : f32 from vector<16xf32>
      %add3A_3251 = arith.constant 6 : i32
      %add3A_3252 = arith.addi %mul3A_1259, %add3A_3251 : i32
      %swap3A_3253 = arith.index_cast %add3A_3252 : i32 to index
      %swap3A_3254 = memref.load %arg9[%swap3A_3253] : memref<512xf32, #tpu.memory_space<smem>>
      memref.store %reduce_sum3A_3250, %arg9[%swap3A_3253] : memref<512xf32, #tpu.memory_space<smem>>
      %dma_wait3A_3255 = arith.constant 7 : i32
      %dma_wait3A_3256 = arith.constant 7 : i32
      %dma_wait3A_3257 = arith.constant 0 : i32
      %dma_wait3A_3258 = arith.constant 0 : i32
      %dma_wait3A_3259 = tpu.memref_slice %arg10[%dma_wait3A_3255, %dma_wait3A_3257, %dma_wait3A_3258] : memref<15x32x128xf32, #tpu.memory_space<vmem>> -> memref<1x32x128xf32, #tpu.memory_space<vmem>>
      %dma_wait3A_3260 = tpu.memref_squeeze %dma_wait3A_3259 : memref<1x32x128xf32, #tpu.memory_space<vmem>> -> memref<32x128xf32, #tpu.memory_space<vmem>>
      %dma_wait3A_3261 = arith.constant 0 : i32
      %dma_wait3A_3262 = tpu.memref_slice %arg4[%dma_wait3A_3261, %multiple_of3A_1600] : memref<32x1000000xf32, #tpu.memory_space<hbm>> -> memref<32x128xf32, #tpu.memory_space<hbm>>
      %dma_wait3A_3263 = tpu.memref_slice %arg13[%dma_wait3A_3256] : memref<15x!tpu.dma_semaphore, #tpu.memory_space<semaphore_mem>> -> memref<1x!tpu.dma_semaphore, #tpu.memory_space<semaphore_mem>>
      %dma_wait3A_3264 = tpu.memref_squeeze %dma_wait3A_3263 : memref<1x!tpu.dma_semaphore, #tpu.memory_space<semaphore_mem>> -> memref<!tpu.dma_semaphore, #tpu.memory_space<semaphore_mem>>
      %dma_wait3A_3265 = arith.constant 0 : i32
      %dma_wait3A_3266 = arith.constant 0 : i32
      %dma_wait3A_3267 = tpu.memref_slice %arg10[%dma_wait3A_3255, %dma_wait3A_3265, %dma_wait3A_3266] : memref<15x32x128xf32, #tpu.memory_space<vmem>> -> memref<1x32x128xf32, #tpu.memory_space<vmem>>
      %dma_wait3A_3268 = tpu.memref_squeeze %dma_wait3A_3267 : memref<1x32x128xf32, #tpu.memory_space<vmem>> -> memref<32x128xf32, #tpu.memory_space<vmem>>
      %dma_wait3A_3269 = arith.constant 0 : i32
      %dma_wait3A_3270 = tpu.memref_slice %arg4[%dma_wait3A_3269, %multiple_of3A_1600] : memref<32x1000000xf32, #tpu.memory_space<hbm>> -> memref<32x128xf32, #tpu.memory_space<hbm>>
      tpu.wait_dma2 semaphore(%dma_wait3A_3264 : memref<!tpu.dma_semaphore, #tpu.memory_space<semaphore_mem>>) src(%dma_wait3A_3270 : memref<32x128xf32, #tpu.memory_space<hbm>>) dst(%dma_wait3A_3268 : memref<32x128xf32, #tpu.memory_space<vmem>>)
      %dma_wait3A_3271 = arith.constant 7 : i32
      %dma_wait3A_3272 = arith.constant 7 : i32
      %dma_wait3A_3273 = arith.constant 0 : i32
      %dma_wait3A_3274 = arith.constant 0 : i32
      %dma_wait3A_3275 = tpu.memref_slice %arg11[%dma_wait3A_3271, %dma_wait3A_3273, %dma_wait3A_3274] : memref<15x32x128xf32, #tpu.memory_space<vmem>> -> memref<1x32x128xf32, #tpu.memory_space<vmem>>
      %dma_wait3A_3276 = tpu.memref_squeeze %dma_wait3A_3275 : memref<1x32x128xf32, #tpu.memory_space<vmem>> -> memref<32x128xf32, #tpu.memory_space<vmem>>
      %dma_wait3A_3277 = arith.constant 0 : i32
      %dma_wait3A_3278 = tpu.memref_slice %arg5[%dma_wait3A_3277, %multiple_of3A_1605] : memref<32x1000000xf32, #tpu.memory_space<hbm>> -> memref<32x128xf32, #tpu.memory_space<hbm>>
      %dma_wait3A_3279 = tpu.memref_slice %arg14[%dma_wait3A_3272] : memref<15x!tpu.dma_semaphore, #tpu.memory_space<semaphore_mem>> -> memref<1x!tpu.dma_semaphore, #tpu.memory_space<semaphore_mem>>
      %dma_wait3A_3280 = tpu.memref_squeeze %dma_wait3A_3279 : memref<1x!tpu.dma_semaphore, #tpu.memory_space<semaphore_mem>> -> memref<!tpu.dma_semaphore, #tpu.memory_space<semaphore_mem>>
      %dma_wait3A_3281 = arith.constant 0 : i32
      %dma_wait3A_3282 = arith.constant 0 : i32
      %dma_wait3A_3283 = tpu.memref_slice %arg11[%dma_wait3A_3271, %dma_wait3A_3281, %dma_wait3A_3282] : memref<15x32x128xf32, #tpu.memory_space<vmem>> -> memref<1x32x128xf32, #tpu.memory_space<vmem>>
      %dma_wait3A_3284 = tpu.memref_squeeze %dma_wait3A_3283 : memref<1x32x128xf32, #tpu.memory_space<vmem>> -> memref<32x128xf32, #tpu.memory_space<vmem>>
      %dma_wait3A_3285 = arith.constant 0 : i32
      %dma_wait3A_3286 = tpu.memref_slice %arg5[%dma_wait3A_3285, %multiple_of3A_1605] : memref<32x1000000xf32, #tpu.memory_space<hbm>> -> memref<32x128xf32, #tpu.memory_space<hbm>>
      tpu.wait_dma2 semaphore(%dma_wait3A_3280 : memref<!tpu.dma_semaphore, #tpu.memory_space<semaphore_mem>>) src(%dma_wait3A_3286 : memref<32x128xf32, #tpu.memory_space<hbm>>) dst(%dma_wait3A_3284 : memref<32x128xf32, #tpu.memory_space<vmem>>)
      %broadcast_in_dim3A_3287 = arith.constant 7 : i32
      %broadcast_in_dim3A_3288 = vector.broadcast %broadcast_in_dim3A_3287 : i32 to vector<16xi32>
      %gather3A_3289 = tpu.vector_load_idx %arg10[%broadcast_in_dim3A_3288, %iota3A, %broadcast_in_dim3A_1608] : memref<15x32x128xf32, #tpu.memory_space<vmem>>[vector<16xi32>, vector<16xi32>, vector<16xi32>], vector<16xf32>,
      %gather3A_3290 = tpu.vector_load_idx %arg10[%broadcast_in_dim3A_3288, %add3A_5, %broadcast_in_dim3A_1608] : memref<15x32x128xf32, #tpu.memory_space<vmem>>[vector<16xi32>, vector<16xi32>, vector<16xi32>], vector<16xf32>,
      %gather3A_3291 = tpu.vector_load_idx %arg11[%broadcast_in_dim3A_3288, %iota3A, %broadcast_in_dim3A_1611] : memref<15x32x128xf32, #tpu.memory_space<vmem>>[vector<16xi32>, vector<16xi32>, vector<16xi32>], vector<16xf32>,
      %gather3A_3292 = tpu.vector_load_idx %arg11[%broadcast_in_dim3A_3288, %add3A_5, %broadcast_in_dim3A_1611] : memref<15x32x128xf32, #tpu.memory_space<vmem>>[vector<16xi32>, vector<16xi32>, vector<16xi32>], vector<16xf32>,
      %mul3A_3293 = arith.mulf %gather3A_3289, %gather3A_3291 : vector<16xf32>
      %mul3A_3294 = arith.mulf %gather3A_3290, %gather3A_3292 : vector<16xf32>
      %add3A_3295 = arith.addf %mul3A_3293, %mul3A_3294 : vector<16xf32>
      %reduce_sum3A_3296 = arith.constant true
      %reduce_sum3A_3297 = vector.broadcast %reduce_sum3A_3296 : i1 to vector<16xi1>
      %reduce_sum3A_3298 = tpu.scan <sum>, %add3A_3295 masked %reduce_sum3A_3297 : vector<16xf32>, vector<16xi1> -> vector<16xf32>
      %reduce_sum3A_3299 = vector.extract %reduce_sum3A_3298[15] : f32 from vector<16xf32>
      %add3A_3300 = arith.constant 7 : i32
      %add3A_3301 = arith.addi %mul3A_1259, %add3A_3300 : i32
      %swap3A_3302 = arith.index_cast %add3A_3301 : i32 to index
      %swap3A_3303 = memref.load %arg9[%swap3A_3302] : memref<512xf32, #tpu.memory_space<smem>>
      memref.store %reduce_sum3A_3299, %arg9[%swap3A_3302] : memref<512xf32, #tpu.memory_space<smem>>
      %dma_wait3A_3304 = arith.constant 8 : i32
      %dma_wait3A_3305 = arith.constant 8 : i32
      %dma_wait3A_3306 = arith.constant 0 : i32
      %dma_wait3A_3307 = arith.constant 0 : i32
      %dma_wait3A_3308 = tpu.memref_slice %arg10[%dma_wait3A_3304, %dma_wait3A_3306, %dma_wait3A_3307] : memref<15x32x128xf32, #tpu.memory_space<vmem>> -> memref<1x32x128xf32, #tpu.memory_space<vmem>>
      %dma_wait3A_3309 = tpu.memref_squeeze %dma_wait3A_3308 : memref<1x32x128xf32, #tpu.memory_space<vmem>> -> memref<32x128xf32, #tpu.memory_space<vmem>>
      %dma_wait3A_3310 = arith.constant 0 : i32
      %dma_wait3A_3311 = tpu.memref_slice %arg4[%dma_wait3A_3310, %multiple_of3A_1648] : memref<32x1000000xf32, #tpu.memory_space<hbm>> -> memref<32x128xf32, #tpu.memory_space<hbm>>
      %dma_wait3A_3312 = tpu.memref_slice %arg13[%dma_wait3A_3305] : memref<15x!tpu.dma_semaphore, #tpu.memory_space<semaphore_mem>> -> memref<1x!tpu.dma_semaphore, #tpu.memory_space<semaphore_mem>>
      %dma_wait3A_3313 = tpu.memref_squeeze %dma_wait3A_3312 : memref<1x!tpu.dma_semaphore, #tpu.memory_space<semaphore_mem>> -> memref<!tpu.dma_semaphore, #tpu.memory_space<semaphore_mem>>
      %dma_wait3A_3314 = arith.constant 0 : i32
      %dma_wait3A_3315 = arith.constant 0 : i32
      %dma_wait3A_3316 = tpu.memref_slice %arg10[%dma_wait3A_3304, %dma_wait3A_3314, %dma_wait3A_3315] : memref<15x32x128xf32, #tpu.memory_space<vmem>> -> memref<1x32x128xf32, #tpu.memory_space<vmem>>
      %dma_wait3A_3317 = tpu.memref_squeeze %dma_wait3A_3316 : memref<1x32x128xf32, #tpu.memory_space<vmem>> -> memref<32x128xf32, #tpu.memory_space<vmem>>
      %dma_wait3A_3318 = arith.constant 0 : i32
      %dma_wait3A_3319 = tpu.memref_slice %arg4[%dma_wait3A_3318, %multiple_of3A_1648] : memref<32x1000000xf32, #tpu.memory_space<hbm>> -> memref<32x128xf32, #tpu.memory_space<hbm>>
      tpu.wait_dma2 semaphore(%dma_wait3A_3313 : memref<!tpu.dma_semaphore, #tpu.memory_space<semaphore_mem>>) src(%dma_wait3A_3319 : memref<32x128xf32, #tpu.memory_space<hbm>>) dst(%dma_wait3A_3317 : memref<32x128xf32, #tpu.memory_space<vmem>>)
      %dma_wait3A_3320 = arith.constant 8 : i32
      %dma_wait3A_3321 = arith.constant 8 : i32
      %dma_wait3A_3322 = arith.constant 0 : i32
      %dma_wait3A_3323 = arith.constant 0 : i32
      %dma_wait3A_3324 = tpu.memref_slice %arg11[%dma_wait3A_3320, %dma_wait3A_3322, %dma_wait3A_3323] : memref<15x32x128xf32, #tpu.memory_space<vmem>> -> memref<1x32x128xf32, #tpu.memory_space<vmem>>
      %dma_wait3A_3325 = tpu.memref_squeeze %dma_wait3A_3324 : memref<1x32x128xf32, #tpu.memory_space<vmem>> -> memref<32x128xf32, #tpu.memory_space<vmem>>
      %dma_wait3A_3326 = arith.constant 0 : i32
      %dma_wait3A_3327 = tpu.memref_slice %arg5[%dma_wait3A_3326, %multiple_of3A_1653] : memref<32x1000000xf32, #tpu.memory_space<hbm>> -> memref<32x128xf32, #tpu.memory_space<hbm>>
      %dma_wait3A_3328 = tpu.memref_slice %arg14[%dma_wait3A_3321] : memref<15x!tpu.dma_semaphore, #tpu.memory_space<semaphore_mem>> -> memref<1x!tpu.dma_semaphore, #tpu.memory_space<semaphore_mem>>
      %dma_wait3A_3329 = tpu.memref_squeeze %dma_wait3A_3328 : memref<1x!tpu.dma_semaphore, #tpu.memory_space<semaphore_mem>> -> memref<!tpu.dma_semaphore, #tpu.memory_space<semaphore_mem>>
      %dma_wait3A_3330 = arith.constant 0 : i32
      %dma_wait3A_3331 = arith.constant 0 : i32
      %dma_wait3A_3332 = tpu.memref_slice %arg11[%dma_wait3A_3320, %dma_wait3A_3330, %dma_wait3A_3331] : memref<15x32x128xf32, #tpu.memory_space<vmem>> -> memref<1x32x128xf32, #tpu.memory_space<vmem>>
      %dma_wait3A_3333 = tpu.memref_squeeze %dma_wait3A_3332 : memref<1x32x128xf32, #tpu.memory_space<vmem>> -> memref<32x128xf32, #tpu.memory_space<vmem>>
      %dma_wait3A_3334 = arith.constant 0 : i32
      %dma_wait3A_3335 = tpu.memref_slice %arg5[%dma_wait3A_3334, %multiple_of3A_1653] : memref<32x1000000xf32, #tpu.memory_space<hbm>> -> memref<32x128xf32, #tpu.memory_space<hbm>>
      tpu.wait_dma2 semaphore(%dma_wait3A_3329 : memref<!tpu.dma_semaphore, #tpu.memory_space<semaphore_mem>>) src(%dma_wait3A_3335 : memref<32x128xf32, #tpu.memory_space<hbm>>) dst(%dma_wait3A_3333 : memref<32x128xf32, #tpu.memory_space<vmem>>)
      %broadcast_in_dim3A_3336 = arith.constant 8 : i32
      %broadcast_in_dim3A_3337 = vector.broadcast %broadcast_in_dim3A_3336 : i32 to vector<16xi32>
      %gather3A_3338 = tpu.vector_load_idx %arg10[%broadcast_in_dim3A_3337, %iota3A, %broadcast_in_dim3A_1656] : memref<15x32x128xf32, #tpu.memory_space<vmem>>[vector<16xi32>, vector<16xi32>, vector<16xi32>], vector<16xf32>,
      %gather3A_3339 = tpu.vector_load_idx %arg10[%broadcast_in_dim3A_3337, %add3A_5, %broadcast_in_dim3A_1656] : memref<15x32x128xf32, #tpu.memory_space<vmem>>[vector<16xi32>, vector<16xi32>, vector<16xi32>], vector<16xf32>,
      %gather3A_3340 = tpu.vector_load_idx %arg11[%broadcast_in_dim3A_3337, %iota3A, %broadcast_in_dim3A_1659] : memref<15x32x128xf32, #tpu.memory_space<vmem>>[vector<16xi32>, vector<16xi32>, vector<16xi32>], vector<16xf32>,
      %gather3A_3341 = tpu.vector_load_idx %arg11[%broadcast_in_dim3A_3337, %add3A_5, %broadcast_in_dim3A_1659] : memref<15x32x128xf32, #tpu.memory_space<vmem>>[vector<16xi32>, vector<16xi32>, vector<16xi32>], vector<16xf32>,
      %mul3A_3342 = arith.mulf %gather3A_3338, %gather3A_3340 : vector<16xf32>
      %mul3A_3343 = arith.mulf %gather3A_3339, %gather3A_3341 : vector<16xf32>
      %add3A_3344 = arith.addf %mul3A_3342, %mul3A_3343 : vector<16xf32>
      %reduce_sum3A_3345 = arith.constant true
      %reduce_sum3A_3346 = vector.broadcast %reduce_sum3A_3345 : i1 to vector<16xi1>
      %reduce_sum3A_3347 = tpu.scan <sum>, %add3A_3344 masked %reduce_sum3A_3346 : vector<16xf32>, vector<16xi1> -> vector<16xf32>
      %reduce_sum3A_3348 = vector.extract %reduce_sum3A_3347[15] : f32 from vector<16xf32>
      %add3A_3349 = arith.constant 8 : i32
      %add3A_3350 = arith.addi %mul3A_1259, %add3A_3349 : i32
      %swap3A_3351 = arith.index_cast %add3A_3350 : i32 to index
      %swap3A_3352 = memref.load %arg9[%swap3A_3351] : memref<512xf32, #tpu.memory_space<smem>>
      memref.store %reduce_sum3A_3348, %arg9[%swap3A_3351] : memref<512xf32, #tpu.memory_space<smem>>
      %dma_wait3A_3353 = arith.constant 9 : i32
      %dma_wait3A_3354 = arith.constant 9 : i32
      %dma_wait3A_3355 = arith.constant 0 : i32
      %dma_wait3A_3356 = arith.constant 0 : i32
      %dma_wait3A_3357 = tpu.memref_slice %arg10[%dma_wait3A_3353, %dma_wait3A_3355, %dma_wait3A_3356] : memref<15x32x128xf32, #tpu.memory_space<vmem>> -> memref<1x32x128xf32, #tpu.memory_space<vmem>>
      %dma_wait3A_3358 = tpu.memref_squeeze %dma_wait3A_3357 : memref<1x32x128xf32, #tpu.memory_space<vmem>> -> memref<32x128xf32, #tpu.memory_space<vmem>>
      %dma_wait3A_3359 = arith.constant 0 : i32
      %dma_wait3A_3360 = tpu.memref_slice %arg4[%dma_wait3A_3359, %multiple_of3A_1696] : memref<32x1000000xf32, #tpu.memory_space<hbm>> -> memref<32x128xf32, #tpu.memory_space<hbm>>
      %dma_wait3A_3361 = tpu.memref_slice %arg13[%dma_wait3A_3354] : memref<15x!tpu.dma_semaphore, #tpu.memory_space<semaphore_mem>> -> memref<1x!tpu.dma_semaphore, #tpu.memory_space<semaphore_mem>>
      %dma_wait3A_3362 = tpu.memref_squeeze %dma_wait3A_3361 : memref<1x!tpu.dma_semaphore, #tpu.memory_space<semaphore_mem>> -> memref<!tpu.dma_semaphore, #tpu.memory_space<semaphore_mem>>
      %dma_wait3A_3363 = arith.constant 0 : i32
      %dma_wait3A_3364 = arith.constant 0 : i32
      %dma_wait3A_3365 = tpu.memref_slice %arg10[%dma_wait3A_3353, %dma_wait3A_3363, %dma_wait3A_3364] : memref<15x32x128xf32, #tpu.memory_space<vmem>> -> memref<1x32x128xf32, #tpu.memory_space<vmem>>
      %dma_wait3A_3366 = tpu.memref_squeeze %dma_wait3A_3365 : memref<1x32x128xf32, #tpu.memory_space<vmem>> -> memref<32x128xf32, #tpu.memory_space<vmem>>
      %dma_wait3A_3367 = arith.constant 0 : i32
      %dma_wait3A_3368 = tpu.memref_slice %arg4[%dma_wait3A_3367, %multiple_of3A_1696] : memref<32x1000000xf32, #tpu.memory_space<hbm>> -> memref<32x128xf32, #tpu.memory_space<hbm>>
      tpu.wait_dma2 semaphore(%dma_wait3A_3362 : memref<!tpu.dma_semaphore, #tpu.memory_space<semaphore_mem>>) src(%dma_wait3A_3368 : memref<32x128xf32, #tpu.memory_space<hbm>>) dst(%dma_wait3A_3366 : memref<32x128xf32, #tpu.memory_space<vmem>>)
      %dma_wait3A_3369 = arith.constant 9 : i32
      %dma_wait3A_3370 = arith.constant 9 : i32
      %dma_wait3A_3371 = arith.constant 0 : i32
      %dma_wait3A_3372 = arith.constant 0 : i32
      %dma_wait3A_3373 = tpu.memref_slice %arg11[%dma_wait3A_3369, %dma_wait3A_3371, %dma_wait3A_3372] : memref<15x32x128xf32, #tpu.memory_space<vmem>> -> memref<1x32x128xf32, #tpu.memory_space<vmem>>
      %dma_wait3A_3374 = tpu.memref_squeeze %dma_wait3A_3373 : memref<1x32x128xf32, #tpu.memory_space<vmem>> -> memref<32x128xf32, #tpu.memory_space<vmem>>
      %dma_wait3A_3375 = arith.constant 0 : i32
      %dma_wait3A_3376 = tpu.memref_slice %arg5[%dma_wait3A_3375, %multiple_of3A_1701] : memref<32x1000000xf32, #tpu.memory_space<hbm>> -> memref<32x128xf32, #tpu.memory_space<hbm>>
      %dma_wait3A_3377 = tpu.memref_slice %arg14[%dma_wait3A_3370] : memref<15x!tpu.dma_semaphore, #tpu.memory_space<semaphore_mem>> -> memref<1x!tpu.dma_semaphore, #tpu.memory_space<semaphore_mem>>
      %dma_wait3A_3378 = tpu.memref_squeeze %dma_wait3A_3377 : memref<1x!tpu.dma_semaphore, #tpu.memory_space<semaphore_mem>> -> memref<!tpu.dma_semaphore, #tpu.memory_space<semaphore_mem>>
      %dma_wait3A_3379 = arith.constant 0 : i32
      %dma_wait3A_3380 = arith.constant 0 : i32
      %dma_wait3A_3381 = tpu.memref_slice %arg11[%dma_wait3A_3369, %dma_wait3A_3379, %dma_wait3A_3380] : memref<15x32x128xf32, #tpu.memory_space<vmem>> -> memref<1x32x128xf32, #tpu.memory_space<vmem>>
      %dma_wait3A_3382 = tpu.memref_squeeze %dma_wait3A_3381 : memref<1x32x128xf32, #tpu.memory_space<vmem>> -> memref<32x128xf32, #tpu.memory_space<vmem>>
      %dma_wait3A_3383 = arith.constant 0 : i32
      %dma_wait3A_3384 = tpu.memref_slice %arg5[%dma_wait3A_3383, %multiple_of3A_1701] : memref<32x1000000xf32, #tpu.memory_space<hbm>> -> memref<32x128xf32, #tpu.memory_space<hbm>>
      tpu.wait_dma2 semaphore(%dma_wait3A_3378 : memref<!tpu.dma_semaphore, #tpu.memory_space<semaphore_mem>>) src(%dma_wait3A_3384 : memref<32x128xf32, #tpu.memory_space<hbm>>) dst(%dma_wait3A_3382 : memref<32x128xf32, #tpu.memory_space<vmem>>)
      %broadcast_in_dim3A_3385 = arith.constant 9 : i32
      %broadcast_in_dim3A_3386 = vector.broadcast %broadcast_in_dim3A_3385 : i32 to vector<16xi32>
      %gather3A_3387 = tpu.vector_load_idx %arg10[%broadcast_in_dim3A_3386, %iota3A, %broadcast_in_dim3A_1704] : memref<15x32x128xf32, #tpu.memory_space<vmem>>[vector<16xi32>, vector<16xi32>, vector<16xi32>], vector<16xf32>,
      %gather3A_3388 = tpu.vector_load_idx %arg10[%broadcast_in_dim3A_3386, %add3A_5, %broadcast_in_dim3A_1704] : memref<15x32x128xf32, #tpu.memory_space<vmem>>[vector<16xi32>, vector<16xi32>, vector<16xi32>], vector<16xf32>,
      %gather3A_3389 = tpu.vector_load_idx %arg11[%broadcast_in_dim3A_3386, %iota3A, %broadcast_in_dim3A_1707] : memref<15x32x128xf32, #tpu.memory_space<vmem>>[vector<16xi32>, vector<16xi32>, vector<16xi32>], vector<16xf32>,
      %gather3A_3390 = tpu.vector_load_idx %arg11[%broadcast_in_dim3A_3386, %add3A_5, %broadcast_in_dim3A_1707] : memref<15x32x128xf32, #tpu.memory_space<vmem>>[vector<16xi32>, vector<16xi32>, vector<16xi32>], vector<16xf32>,
      %mul3A_3391 = arith.mulf %gather3A_3387, %gather3A_3389 : vector<16xf32>
      %mul3A_3392 = arith.mulf %gather3A_3388, %gather3A_3390 : vector<16xf32>
      %add3A_3393 = arith.addf %mul3A_3391, %mul3A_3392 : vector<16xf32>
      %reduce_sum3A_3394 = arith.constant true
      %reduce_sum3A_3395 = vector.broadcast %reduce_sum3A_3394 : i1 to vector<16xi1>
      %reduce_sum3A_3396 = tpu.scan <sum>, %add3A_3393 masked %reduce_sum3A_3395 : vector<16xf32>, vector<16xi1> -> vector<16xf32>
      %reduce_sum3A_3397 = vector.extract %reduce_sum3A_3396[15] : f32 from vector<16xf32>
      %add3A_3398 = arith.constant 9 : i32
      %add3A_3399 = arith.addi %mul3A_1259, %add3A_3398 : i32
      %swap3A_3400 = arith.index_cast %add3A_3399 : i32 to index
      %swap3A_3401 = memref.load %arg9[%swap3A_3400] : memref<512xf32, #tpu.memory_space<smem>>
      memref.store %reduce_sum3A_3397, %arg9[%swap3A_3400] : memref<512xf32, #tpu.memory_space<smem>>
      %dma_wait3A_3402 = arith.constant 10 : i32
      %dma_wait3A_3403 = arith.constant 10 : i32
      %dma_wait3A_3404 = arith.constant 0 : i32
      %dma_wait3A_3405 = arith.constant 0 : i32
      %dma_wait3A_3406 = tpu.memref_slice %arg10[%dma_wait3A_3402, %dma_wait3A_3404, %dma_wait3A_3405] : memref<15x32x128xf32, #tpu.memory_space<vmem>> -> memref<1x32x128xf32, #tpu.memory_space<vmem>>
      %dma_wait3A_3407 = tpu.memref_squeeze %dma_wait3A_3406 : memref<1x32x128xf32, #tpu.memory_space<vmem>> -> memref<32x128xf32, #tpu.memory_space<vmem>>
      %dma_wait3A_3408 = arith.constant 0 : i32
      %dma_wait3A_3409 = tpu.memref_slice %arg4[%dma_wait3A_3408, %multiple_of3A_1744] : memref<32x1000000xf32, #tpu.memory_space<hbm>> -> memref<32x128xf32, #tpu.memory_space<hbm>>
      %dma_wait3A_3410 = tpu.memref_slice %arg13[%dma_wait3A_3403] : memref<15x!tpu.dma_semaphore, #tpu.memory_space<semaphore_mem>> -> memref<1x!tpu.dma_semaphore, #tpu.memory_space<semaphore_mem>>
      %dma_wait3A_3411 = tpu.memref_squeeze %dma_wait3A_3410 : memref<1x!tpu.dma_semaphore, #tpu.memory_space<semaphore_mem>> -> memref<!tpu.dma_semaphore, #tpu.memory_space<semaphore_mem>>
      %dma_wait3A_3412 = arith.constant 0 : i32
      %dma_wait3A_3413 = arith.constant 0 : i32
      %dma_wait3A_3414 = tpu.memref_slice %arg10[%dma_wait3A_3402, %dma_wait3A_3412, %dma_wait3A_3413] : memref<15x32x128xf32, #tpu.memory_space<vmem>> -> memref<1x32x128xf32, #tpu.memory_space<vmem>>
      %dma_wait3A_3415 = tpu.memref_squeeze %dma_wait3A_3414 : memref<1x32x128xf32, #tpu.memory_space<vmem>> -> memref<32x128xf32, #tpu.memory_space<vmem>>
      %dma_wait3A_3416 = arith.constant 0 : i32
      %dma_wait3A_3417 = tpu.memref_slice %arg4[%dma_wait3A_3416, %multiple_of3A_1744] : memref<32x1000000xf32, #tpu.memory_space<hbm>> -> memref<32x128xf32, #tpu.memory_space<hbm>>
      tpu.wait_dma2 semaphore(%dma_wait3A_3411 : memref<!tpu.dma_semaphore, #tpu.memory_space<semaphore_mem>>) src(%dma_wait3A_3417 : memref<32x128xf32, #tpu.memory_space<hbm>>) dst(%dma_wait3A_3415 : memref<32x128xf32, #tpu.memory_space<vmem>>)
      %dma_wait3A_3418 = arith.constant 10 : i32
      %dma_wait3A_3419 = arith.constant 10 : i32
      %dma_wait3A_3420 = arith.constant 0 : i32
      %dma_wait3A_3421 = arith.constant 0 : i32
      %dma_wait3A_3422 = tpu.memref_slice %arg11[%dma_wait3A_3418, %dma_wait3A_3420, %dma_wait3A_3421] : memref<15x32x128xf32, #tpu.memory_space<vmem>> -> memref<1x32x128xf32, #tpu.memory_space<vmem>>
      %dma_wait3A_3423 = tpu.memref_squeeze %dma_wait3A_3422 : memref<1x32x128xf32, #tpu.memory_space<vmem>> -> memref<32x128xf32, #tpu.memory_space<vmem>>
      %dma_wait3A_3424 = arith.constant 0 : i32
      %dma_wait3A_3425 = tpu.memref_slice %arg5[%dma_wait3A_3424, %multiple_of3A_1749] : memref<32x1000000xf32, #tpu.memory_space<hbm>> -> memref<32x128xf32, #tpu.memory_space<hbm>>
      %dma_wait3A_3426 = tpu.memref_slice %arg14[%dma_wait3A_3419] : memref<15x!tpu.dma_semaphore, #tpu.memory_space<semaphore_mem>> -> memref<1x!tpu.dma_semaphore, #tpu.memory_space<semaphore_mem>>
      %dma_wait3A_3427 = tpu.memref_squeeze %dma_wait3A_3426 : memref<1x!tpu.dma_semaphore, #tpu.memory_space<semaphore_mem>> -> memref<!tpu.dma_semaphore, #tpu.memory_space<semaphore_mem>>
      %dma_wait3A_3428 = arith.constant 0 : i32
      %dma_wait3A_3429 = arith.constant 0 : i32
      %dma_wait3A_3430 = tpu.memref_slice %arg11[%dma_wait3A_3418, %dma_wait3A_3428, %dma_wait3A_3429] : memref<15x32x128xf32, #tpu.memory_space<vmem>> -> memref<1x32x128xf32, #tpu.memory_space<vmem>>
      %dma_wait3A_3431 = tpu.memref_squeeze %dma_wait3A_3430 : memref<1x32x128xf32, #tpu.memory_space<vmem>> -> memref<32x128xf32, #tpu.memory_space<vmem>>
      %dma_wait3A_3432 = arith.constant 0 : i32
      %dma_wait3A_3433 = tpu.memref_slice %arg5[%dma_wait3A_3432, %multiple_of3A_1749] : memref<32x1000000xf32, #tpu.memory_space<hbm>> -> memref<32x128xf32, #tpu.memory_space<hbm>>
      tpu.wait_dma2 semaphore(%dma_wait3A_3427 : memref<!tpu.dma_semaphore, #tpu.memory_space<semaphore_mem>>) src(%dma_wait3A_3433 : memref<32x128xf32, #tpu.memory_space<hbm>>) dst(%dma_wait3A_3431 : memref<32x128xf32, #tpu.memory_space<vmem>>)
      %broadcast_in_dim3A_3434 = arith.constant 10 : i32
      %broadcast_in_dim3A_3435 = vector.broadcast %broadcast_in_dim3A_3434 : i32 to vector<16xi32>
      %gather3A_3436 = tpu.vector_load_idx %arg10[%broadcast_in_dim3A_3435, %iota3A, %broadcast_in_dim3A_1752] : memref<15x32x128xf32, #tpu.memory_space<vmem>>[vector<16xi32>, vector<16xi32>, vector<16xi32>], vector<16xf32>,
      %gather3A_3437 = tpu.vector_load_idx %arg10[%broadcast_in_dim3A_3435, %add3A_5, %broadcast_in_dim3A_1752] : memref<15x32x128xf32, #tpu.memory_space<vmem>>[vector<16xi32>, vector<16xi32>, vector<16xi32>], vector<16xf32>,
      %gather3A_3438 = tpu.vector_load_idx %arg11[%broadcast_in_dim3A_3435, %iota3A, %broadcast_in_dim3A_1755] : memref<15x32x128xf32, #tpu.memory_space<vmem>>[vector<16xi32>, vector<16xi32>, vector<16xi32>], vector<16xf32>,
      %gather3A_3439 = tpu.vector_load_idx %arg11[%broadcast_in_dim3A_3435, %add3A_5, %broadcast_in_dim3A_1755] : memref<15x32x128xf32, #tpu.memory_space<vmem>>[vector<16xi32>, vector<16xi32>, vector<16xi32>], vector<16xf32>,
      %mul3A_3440 = arith.mulf %gather3A_3436, %gather3A_3438 : vector<16xf32>
      %mul3A_3441 = arith.mulf %gather3A_3437, %gather3A_3439 : vector<16xf32>
      %add3A_3442 = arith.addf %mul3A_3440, %mul3A_3441 : vector<16xf32>
      %reduce_sum3A_3443 = arith.constant true
      %reduce_sum3A_3444 = vector.broadcast %reduce_sum3A_3443 : i1 to vector<16xi1>
      %reduce_sum3A_3445 = tpu.scan <sum>, %add3A_3442 masked %reduce_sum3A_3444 : vector<16xf32>, vector<16xi1> -> vector<16xf32>
      %reduce_sum3A_3446 = vector.extract %reduce_sum3A_3445[15] : f32 from vector<16xf32>
      %add3A_3447 = arith.constant 10 : i32
      %add3A_3448 = arith.addi %mul3A_1259, %add3A_3447 : i32
      %swap3A_3449 = arith.index_cast %add3A_3448 : i32 to index
      %swap3A_3450 = memref.load %arg9[%swap3A_3449] : memref<512xf32, #tpu.memory_space<smem>>
      memref.store %reduce_sum3A_3446, %arg9[%swap3A_3449] : memref<512xf32, #tpu.memory_space<smem>>
      %dma_wait3A_3451 = arith.constant 11 : i32
      %dma_wait3A_3452 = arith.constant 11 : i32
      %dma_wait3A_3453 = arith.constant 0 : i32
      %dma_wait3A_3454 = arith.constant 0 : i32
      %dma_wait3A_3455 = tpu.memref_slice %arg10[%dma_wait3A_3451, %dma_wait3A_3453, %dma_wait3A_3454] : memref<15x32x128xf32, #tpu.memory_space<vmem>> -> memref<1x32x128xf32, #tpu.memory_space<vmem>>
      %dma_wait3A_3456 = tpu.memref_squeeze %dma_wait3A_3455 : memref<1x32x128xf32, #tpu.memory_space<vmem>> -> memref<32x128xf32, #tpu.memory_space<vmem>>
      %dma_wait3A_3457 = arith.constant 0 : i32
      %dma_wait3A_3458 = tpu.memref_slice %arg4[%dma_wait3A_3457, %multiple_of3A_1792] : memref<32x1000000xf32, #tpu.memory_space<hbm>> -> memref<32x128xf32, #tpu.memory_space<hbm>>
      %dma_wait3A_3459 = tpu.memref_slice %arg13[%dma_wait3A_3452] : memref<15x!tpu.dma_semaphore, #tpu.memory_space<semaphore_mem>> -> memref<1x!tpu.dma_semaphore, #tpu.memory_space<semaphore_mem>>
      %dma_wait3A_3460 = tpu.memref_squeeze %dma_wait3A_3459 : memref<1x!tpu.dma_semaphore, #tpu.memory_space<semaphore_mem>> -> memref<!tpu.dma_semaphore, #tpu.memory_space<semaphore_mem>>
      %dma_wait3A_3461 = arith.constant 0 : i32
      %dma_wait3A_3462 = arith.constant 0 : i32
      %dma_wait3A_3463 = tpu.memref_slice %arg10[%dma_wait3A_3451, %dma_wait3A_3461, %dma_wait3A_3462] : memref<15x32x128xf32, #tpu.memory_space<vmem>> -> memref<1x32x128xf32, #tpu.memory_space<vmem>>
      %dma_wait3A_3464 = tpu.memref_squeeze %dma_wait3A_3463 : memref<1x32x128xf32, #tpu.memory_space<vmem>> -> memref<32x128xf32, #tpu.memory_space<vmem>>
      %dma_wait3A_3465 = arith.constant 0 : i32
      %dma_wait3A_3466 = tpu.memref_slice %arg4[%dma_wait3A_3465, %multiple_of3A_1792] : memref<32x1000000xf32, #tpu.memory_space<hbm>> -> memref<32x128xf32, #tpu.memory_space<hbm>>
      tpu.wait_dma2 semaphore(%dma_wait3A_3460 : memref<!tpu.dma_semaphore, #tpu.memory_space<semaphore_mem>>) src(%dma_wait3A_3466 : memref<32x128xf32, #tpu.memory_space<hbm>>) dst(%dma_wait3A_3464 : memref<32x128xf32, #tpu.memory_space<vmem>>)
      %dma_wait3A_3467 = arith.constant 11 : i32
      %dma_wait3A_3468 = arith.constant 11 : i32
      %dma_wait3A_3469 = arith.constant 0 : i32
      %dma_wait3A_3470 = arith.constant 0 : i32
      %dma_wait3A_3471 = tpu.memref_slice %arg11[%dma_wait3A_3467, %dma_wait3A_3469, %dma_wait3A_3470] : memref<15x32x128xf32, #tpu.memory_space<vmem>> -> memref<1x32x128xf32, #tpu.memory_space<vmem>>
      %dma_wait3A_3472 = tpu.memref_squeeze %dma_wait3A_3471 : memref<1x32x128xf32, #tpu.memory_space<vmem>> -> memref<32x128xf32, #tpu.memory_space<vmem>>
      %dma_wait3A_3473 = arith.constant 0 : i32
      %dma_wait3A_3474 = tpu.memref_slice %arg5[%dma_wait3A_3473, %multiple_of3A_1797] : memref<32x1000000xf32, #tpu.memory_space<hbm>> -> memref<32x128xf32, #tpu.memory_space<hbm>>
      %dma_wait3A_3475 = tpu.memref_slice %arg14[%dma_wait3A_3468] : memref<15x!tpu.dma_semaphore, #tpu.memory_space<semaphore_mem>> -> memref<1x!tpu.dma_semaphore, #tpu.memory_space<semaphore_mem>>
      %dma_wait3A_3476 = tpu.memref_squeeze %dma_wait3A_3475 : memref<1x!tpu.dma_semaphore, #tpu.memory_space<semaphore_mem>> -> memref<!tpu.dma_semaphore, #tpu.memory_space<semaphore_mem>>
      %dma_wait3A_3477 = arith.constant 0 : i32
      %dma_wait3A_3478 = arith.constant 0 : i32
      %dma_wait3A_3479 = tpu.memref_slice %arg11[%dma_wait3A_3467, %dma_wait3A_3477, %dma_wait3A_3478] : memref<15x32x128xf32, #tpu.memory_space<vmem>> -> memref<1x32x128xf32, #tpu.memory_space<vmem>>
      %dma_wait3A_3480 = tpu.memref_squeeze %dma_wait3A_3479 : memref<1x32x128xf32, #tpu.memory_space<vmem>> -> memref<32x128xf32, #tpu.memory_space<vmem>>
      %dma_wait3A_3481 = arith.constant 0 : i32
      %dma_wait3A_3482 = tpu.memref_slice %arg5[%dma_wait3A_3481, %multiple_of3A_1797] : memref<32x1000000xf32, #tpu.memory_space<hbm>> -> memref<32x128xf32, #tpu.memory_space<hbm>>
      tpu.wait_dma2 semaphore(%dma_wait3A_3476 : memref<!tpu.dma_semaphore, #tpu.memory_space<semaphore_mem>>) src(%dma_wait3A_3482 : memref<32x128xf32, #tpu.memory_space<hbm>>) dst(%dma_wait3A_3480 : memref<32x128xf32, #tpu.memory_space<vmem>>)
      %broadcast_in_dim3A_3483 = arith.constant 11 : i32
      %broadcast_in_dim3A_3484 = vector.broadcast %broadcast_in_dim3A_3483 : i32 to vector<16xi32>
      %gather3A_3485 = tpu.vector_load_idx %arg10[%broadcast_in_dim3A_3484, %iota3A, %broadcast_in_dim3A_1800] : memref<15x32x128xf32, #tpu.memory_space<vmem>>[vector<16xi32>, vector<16xi32>, vector<16xi32>], vector<16xf32>,
      %gather3A_3486 = tpu.vector_load_idx %arg10[%broadcast_in_dim3A_3484, %add3A_5, %broadcast_in_dim3A_1800] : memref<15x32x128xf32, #tpu.memory_space<vmem>>[vector<16xi32>, vector<16xi32>, vector<16xi32>], vector<16xf32>,
      %gather3A_3487 = tpu.vector_load_idx %arg11[%broadcast_in_dim3A_3484, %iota3A, %broadcast_in_dim3A_1803] : memref<15x32x128xf32, #tpu.memory_space<vmem>>[vector<16xi32>, vector<16xi32>, vector<16xi32>], vector<16xf32>,
      %gather3A_3488 = tpu.vector_load_idx %arg11[%broadcast_in_dim3A_3484, %add3A_5, %broadcast_in_dim3A_1803] : memref<15x32x128xf32, #tpu.memory_space<vmem>>[vector<16xi32>, vector<16xi32>, vector<16xi32>], vector<16xf32>,
      %mul3A_3489 = arith.mulf %gather3A_3485, %gather3A_3487 : vector<16xf32>
      %mul3A_3490 = arith.mulf %gather3A_3486, %gather3A_3488 : vector<16xf32>
      %add3A_3491 = arith.addf %mul3A_3489, %mul3A_3490 : vector<16xf32>
      %reduce_sum3A_3492 = arith.constant true
      %reduce_sum3A_3493 = vector.broadcast %reduce_sum3A_3492 : i1 to vector<16xi1>
      %reduce_sum3A_3494 = tpu.scan <sum>, %add3A_3491 masked %reduce_sum3A_3493 : vector<16xf32>, vector<16xi1> -> vector<16xf32>
      %reduce_sum3A_3495 = vector.extract %reduce_sum3A_3494[15] : f32 from vector<16xf32>
      %add3A_3496 = arith.constant 11 : i32
      %add3A_3497 = arith.addi %mul3A_1259, %add3A_3496 : i32
      %swap3A_3498 = arith.index_cast %add3A_3497 : i32 to index
      %swap3A_3499 = memref.load %arg9[%swap3A_3498] : memref<512xf32, #tpu.memory_space<smem>>
      memref.store %reduce_sum3A_3495, %arg9[%swap3A_3498] : memref<512xf32, #tpu.memory_space<smem>>
      %dma_wait3A_3500 = arith.constant 12 : i32
      %dma_wait3A_3501 = arith.constant 12 : i32
      %dma_wait3A_3502 = arith.constant 0 : i32
      %dma_wait3A_3503 = arith.constant 0 : i32
      %dma_wait3A_3504 = tpu.memref_slice %arg10[%dma_wait3A_3500, %dma_wait3A_3502, %dma_wait3A_3503] : memref<15x32x128xf32, #tpu.memory_space<vmem>> -> memref<1x32x128xf32, #tpu.memory_space<vmem>>
      %dma_wait3A_3505 = tpu.memref_squeeze %dma_wait3A_3504 : memref<1x32x128xf32, #tpu.memory_space<vmem>> -> memref<32x128xf32, #tpu.memory_space<vmem>>
      %dma_wait3A_3506 = arith.constant 0 : i32
      %dma_wait3A_3507 = tpu.memref_slice %arg4[%dma_wait3A_3506, %multiple_of3A_1840] : memref<32x1000000xf32, #tpu.memory_space<hbm>> -> memref<32x128xf32, #tpu.memory_space<hbm>>
      %dma_wait3A_3508 = tpu.memref_slice %arg13[%dma_wait3A_3501] : memref<15x!tpu.dma_semaphore, #tpu.memory_space<semaphore_mem>> -> memref<1x!tpu.dma_semaphore, #tpu.memory_space<semaphore_mem>>
      %dma_wait3A_3509 = tpu.memref_squeeze %dma_wait3A_3508 : memref<1x!tpu.dma_semaphore, #tpu.memory_space<semaphore_mem>> -> memref<!tpu.dma_semaphore, #tpu.memory_space<semaphore_mem>>
      %dma_wait3A_3510 = arith.constant 0 : i32
      %dma_wait3A_3511 = arith.constant 0 : i32
      %dma_wait3A_3512 = tpu.memref_slice %arg10[%dma_wait3A_3500, %dma_wait3A_3510, %dma_wait3A_3511] : memref<15x32x128xf32, #tpu.memory_space<vmem>> -> memref<1x32x128xf32, #tpu.memory_space<vmem>>
      %dma_wait3A_3513 = tpu.memref_squeeze %dma_wait3A_3512 : memref<1x32x128xf32, #tpu.memory_space<vmem>> -> memref<32x128xf32, #tpu.memory_space<vmem>>
      %dma_wait3A_3514 = arith.constant 0 : i32
      %dma_wait3A_3515 = tpu.memref_slice %arg4[%dma_wait3A_3514, %multiple_of3A_1840] : memref<32x1000000xf32, #tpu.memory_space<hbm>> -> memref<32x128xf32, #tpu.memory_space<hbm>>
      tpu.wait_dma2 semaphore(%dma_wait3A_3509 : memref<!tpu.dma_semaphore, #tpu.memory_space<semaphore_mem>>) src(%dma_wait3A_3515 : memref<32x128xf32, #tpu.memory_space<hbm>>) dst(%dma_wait3A_3513 : memref<32x128xf32, #tpu.memory_space<vmem>>)
      %dma_wait3A_3516 = arith.constant 12 : i32
      %dma_wait3A_3517 = arith.constant 12 : i32
      %dma_wait3A_3518 = arith.constant 0 : i32
      %dma_wait3A_3519 = arith.constant 0 : i32
      %dma_wait3A_3520 = tpu.memref_slice %arg11[%dma_wait3A_3516, %dma_wait3A_3518, %dma_wait3A_3519] : memref<15x32x128xf32, #tpu.memory_space<vmem>> -> memref<1x32x128xf32, #tpu.memory_space<vmem>>
      %dma_wait3A_3521 = tpu.memref_squeeze %dma_wait3A_3520 : memref<1x32x128xf32, #tpu.memory_space<vmem>> -> memref<32x128xf32, #tpu.memory_space<vmem>>
      %dma_wait3A_3522 = arith.constant 0 : i32
      %dma_wait3A_3523 = tpu.memref_slice %arg5[%dma_wait3A_3522, %multiple_of3A_1845] : memref<32x1000000xf32, #tpu.memory_space<hbm>> -> memref<32x128xf32, #tpu.memory_space<hbm>>
      %dma_wait3A_3524 = tpu.memref_slice %arg14[%dma_wait3A_3517] : memref<15x!tpu.dma_semaphore, #tpu.memory_space<semaphore_mem>> -> memref<1x!tpu.dma_semaphore, #tpu.memory_space<semaphore_mem>>
      %dma_wait3A_3525 = tpu.memref_squeeze %dma_wait3A_3524 : memref<1x!tpu.dma_semaphore, #tpu.memory_space<semaphore_mem>> -> memref<!tpu.dma_semaphore, #tpu.memory_space<semaphore_mem>>
      %dma_wait3A_3526 = arith.constant 0 : i32
      %dma_wait3A_3527 = arith.constant 0 : i32
      %dma_wait3A_3528 = tpu.memref_slice %arg11[%dma_wait3A_3516, %dma_wait3A_3526, %dma_wait3A_3527] : memref<15x32x128xf32, #tpu.memory_space<vmem>> -> memref<1x32x128xf32, #tpu.memory_space<vmem>>
      %dma_wait3A_3529 = tpu.memref_squeeze %dma_wait3A_3528 : memref<1x32x128xf32, #tpu.memory_space<vmem>> -> memref<32x128xf32, #tpu.memory_space<vmem>>
      %dma_wait3A_3530 = arith.constant 0 : i32
      %dma_wait3A_3531 = tpu.memref_slice %arg5[%dma_wait3A_3530, %multiple_of3A_1845] : memref<32x1000000xf32, #tpu.memory_space<hbm>> -> memref<32x128xf32, #tpu.memory_space<hbm>>
      tpu.wait_dma2 semaphore(%dma_wait3A_3525 : memref<!tpu.dma_semaphore, #tpu.memory_space<semaphore_mem>>) src(%dma_wait3A_3531 : memref<32x128xf32, #tpu.memory_space<hbm>>) dst(%dma_wait3A_3529 : memref<32x128xf32, #tpu.memory_space<vmem>>)
      %broadcast_in_dim3A_3532 = arith.constant 12 : i32
      %broadcast_in_dim3A_3533 = vector.broadcast %broadcast_in_dim3A_3532 : i32 to vector<16xi32>
      %gather3A_3534 = tpu.vector_load_idx %arg10[%broadcast_in_dim3A_3533, %iota3A, %broadcast_in_dim3A_1848] : memref<15x32x128xf32, #tpu.memory_space<vmem>>[vector<16xi32>, vector<16xi32>, vector<16xi32>], vector<16xf32>,
      %gather3A_3535 = tpu.vector_load_idx %arg10[%broadcast_in_dim3A_3533, %add3A_5, %broadcast_in_dim3A_1848] : memref<15x32x128xf32, #tpu.memory_space<vmem>>[vector<16xi32>, vector<16xi32>, vector<16xi32>], vector<16xf32>,
      %gather3A_3536 = tpu.vector_load_idx %arg11[%broadcast_in_dim3A_3533, %iota3A, %broadcast_in_dim3A_1851] : memref<15x32x128xf32, #tpu.memory_space<vmem>>[vector<16xi32>, vector<16xi32>, vector<16xi32>], vector<16xf32>,
      %gather3A_3537 = tpu.vector_load_idx %arg11[%broadcast_in_dim3A_3533, %add3A_5, %broadcast_in_dim3A_1851] : memref<15x32x128xf32, #tpu.memory_space<vmem>>[vector<16xi32>, vector<16xi32>, vector<16xi32>], vector<16xf32>,
      %mul3A_3538 = arith.mulf %gather3A_3534, %gather3A_3536 : vector<16xf32>
      %mul3A_3539 = arith.mulf %gather3A_3535, %gather3A_3537 : vector<16xf32>
      %add3A_3540 = arith.addf %mul3A_3538, %mul3A_3539 : vector<16xf32>
      %reduce_sum3A_3541 = arith.constant true
      %reduce_sum3A_3542 = vector.broadcast %reduce_sum3A_3541 : i1 to vector<16xi1>
      %reduce_sum3A_3543 = tpu.scan <sum>, %add3A_3540 masked %reduce_sum3A_3542 : vector<16xf32>, vector<16xi1> -> vector<16xf32>
      %reduce_sum3A_3544 = vector.extract %reduce_sum3A_3543[15] : f32 from vector<16xf32>
      %add3A_3545 = arith.constant 12 : i32
      %add3A_3546 = arith.addi %mul3A_1259, %add3A_3545 : i32
      %swap3A_3547 = arith.index_cast %add3A_3546 : i32 to index
      %swap3A_3548 = memref.load %arg9[%swap3A_3547] : memref<512xf32, #tpu.memory_space<smem>>
      memref.store %reduce_sum3A_3544, %arg9[%swap3A_3547] : memref<512xf32, #tpu.memory_space<smem>>
      %dma_wait3A_3549 = arith.constant 13 : i32
      %dma_wait3A_3550 = arith.constant 13 : i32
      %dma_wait3A_3551 = arith.constant 0 : i32
      %dma_wait3A_3552 = arith.constant 0 : i32
      %dma_wait3A_3553 = tpu.memref_slice %arg10[%dma_wait3A_3549, %dma_wait3A_3551, %dma_wait3A_3552] : memref<15x32x128xf32, #tpu.memory_space<vmem>> -> memref<1x32x128xf32, #tpu.memory_space<vmem>>
      %dma_wait3A_3554 = tpu.memref_squeeze %dma_wait3A_3553 : memref<1x32x128xf32, #tpu.memory_space<vmem>> -> memref<32x128xf32, #tpu.memory_space<vmem>>
      %dma_wait3A_3555 = arith.constant 0 : i32
      %dma_wait3A_3556 = tpu.memref_slice %arg4[%dma_wait3A_3555, %multiple_of3A_1888] : memref<32x1000000xf32, #tpu.memory_space<hbm>> -> memref<32x128xf32, #tpu.memory_space<hbm>>
      %dma_wait3A_3557 = tpu.memref_slice %arg13[%dma_wait3A_3550] : memref<15x!tpu.dma_semaphore, #tpu.memory_space<semaphore_mem>> -> memref<1x!tpu.dma_semaphore, #tpu.memory_space<semaphore_mem>>
      %dma_wait3A_3558 = tpu.memref_squeeze %dma_wait3A_3557 : memref<1x!tpu.dma_semaphore, #tpu.memory_space<semaphore_mem>> -> memref<!tpu.dma_semaphore, #tpu.memory_space<semaphore_mem>>
      %dma_wait3A_3559 = arith.constant 0 : i32
      %dma_wait3A_3560 = arith.constant 0 : i32
      %dma_wait3A_3561 = tpu.memref_slice %arg10[%dma_wait3A_3549, %dma_wait3A_3559, %dma_wait3A_3560] : memref<15x32x128xf32, #tpu.memory_space<vmem>> -> memref<1x32x128xf32, #tpu.memory_space<vmem>>
      %dma_wait3A_3562 = tpu.memref_squeeze %dma_wait3A_3561 : memref<1x32x128xf32, #tpu.memory_space<vmem>> -> memref<32x128xf32, #tpu.memory_space<vmem>>
      %dma_wait3A_3563 = arith.constant 0 : i32
      %dma_wait3A_3564 = tpu.memref_slice %arg4[%dma_wait3A_3563, %multiple_of3A_1888] : memref<32x1000000xf32, #tpu.memory_space<hbm>> -> memref<32x128xf32, #tpu.memory_space<hbm>>
      tpu.wait_dma2 semaphore(%dma_wait3A_3558 : memref<!tpu.dma_semaphore, #tpu.memory_space<semaphore_mem>>) src(%dma_wait3A_3564 : memref<32x128xf32, #tpu.memory_space<hbm>>) dst(%dma_wait3A_3562 : memref<32x128xf32, #tpu.memory_space<vmem>>)
      %dma_wait3A_3565 = arith.constant 13 : i32
      %dma_wait3A_3566 = arith.constant 13 : i32
      %dma_wait3A_3567 = arith.constant 0 : i32
      %dma_wait3A_3568 = arith.constant 0 : i32
      %dma_wait3A_3569 = tpu.memref_slice %arg11[%dma_wait3A_3565, %dma_wait3A_3567, %dma_wait3A_3568] : memref<15x32x128xf32, #tpu.memory_space<vmem>> -> memref<1x32x128xf32, #tpu.memory_space<vmem>>
      %dma_wait3A_3570 = tpu.memref_squeeze %dma_wait3A_3569 : memref<1x32x128xf32, #tpu.memory_space<vmem>> -> memref<32x128xf32, #tpu.memory_space<vmem>>
      %dma_wait3A_3571 = arith.constant 0 : i32
      %dma_wait3A_3572 = tpu.memref_slice %arg5[%dma_wait3A_3571, %multiple_of3A_1893] : memref<32x1000000xf32, #tpu.memory_space<hbm>> -> memref<32x128xf32, #tpu.memory_space<hbm>>
      %dma_wait3A_3573 = tpu.memref_slice %arg14[%dma_wait3A_3566] : memref<15x!tpu.dma_semaphore, #tpu.memory_space<semaphore_mem>> -> memref<1x!tpu.dma_semaphore, #tpu.memory_space<semaphore_mem>>
      %dma_wait3A_3574 = tpu.memref_squeeze %dma_wait3A_3573 : memref<1x!tpu.dma_semaphore, #tpu.memory_space<semaphore_mem>> -> memref<!tpu.dma_semaphore, #tpu.memory_space<semaphore_mem>>
      %dma_wait3A_3575 = arith.constant 0 : i32
      %dma_wait3A_3576 = arith.constant 0 : i32
      %dma_wait3A_3577 = tpu.memref_slice %arg11[%dma_wait3A_3565, %dma_wait3A_3575, %dma_wait3A_3576] : memref<15x32x128xf32, #tpu.memory_space<vmem>> -> memref<1x32x128xf32, #tpu.memory_space<vmem>>
      %dma_wait3A_3578 = tpu.memref_squeeze %dma_wait3A_3577 : memref<1x32x128xf32, #tpu.memory_space<vmem>> -> memref<32x128xf32, #tpu.memory_space<vmem>>
      %dma_wait3A_3579 = arith.constant 0 : i32
      %dma_wait3A_3580 = tpu.memref_slice %arg5[%dma_wait3A_3579, %multiple_of3A_1893] : memref<32x1000000xf32, #tpu.memory_space<hbm>> -> memref<32x128xf32, #tpu.memory_space<hbm>>
      tpu.wait_dma2 semaphore(%dma_wait3A_3574 : memref<!tpu.dma_semaphore, #tpu.memory_space<semaphore_mem>>) src(%dma_wait3A_3580 : memref<32x128xf32, #tpu.memory_space<hbm>>) dst(%dma_wait3A_3578 : memref<32x128xf32, #tpu.memory_space<vmem>>)
      %broadcast_in_dim3A_3581 = arith.constant 13 : i32
      %broadcast_in_dim3A_3582 = vector.broadcast %broadcast_in_dim3A_3581 : i32 to vector<16xi32>
      %gather3A_3583 = tpu.vector_load_idx %arg10[%broadcast_in_dim3A_3582, %iota3A, %broadcast_in_dim3A_1896] : memref<15x32x128xf32, #tpu.memory_space<vmem>>[vector<16xi32>, vector<16xi32>, vector<16xi32>], vector<16xf32>,
      %gather3A_3584 = tpu.vector_load_idx %arg10[%broadcast_in_dim3A_3582, %add3A_5, %broadcast_in_dim3A_1896] : memref<15x32x128xf32, #tpu.memory_space<vmem>>[vector<16xi32>, vector<16xi32>, vector<16xi32>], vector<16xf32>,
      %gather3A_3585 = tpu.vector_load_idx %arg11[%broadcast_in_dim3A_3582, %iota3A, %broadcast_in_dim3A_1899] : memref<15x32x128xf32, #tpu.memory_space<vmem>>[vector<16xi32>, vector<16xi32>, vector<16xi32>], vector<16xf32>,
      %gather3A_3586 = tpu.vector_load_idx %arg11[%broadcast_in_dim3A_3582, %add3A_5, %broadcast_in_dim3A_1899] : memref<15x32x128xf32, #tpu.memory_space<vmem>>[vector<16xi32>, vector<16xi32>, vector<16xi32>], vector<16xf32>,
      %mul3A_3587 = arith.mulf %gather3A_3583, %gather3A_3585 : vector<16xf32>
      %mul3A_3588 = arith.mulf %gather3A_3584, %gather3A_3586 : vector<16xf32>
      %add3A_3589 = arith.addf %mul3A_3587, %mul3A_3588 : vector<16xf32>
      %reduce_sum3A_3590 = arith.constant true
      %reduce_sum3A_3591 = vector.broadcast %reduce_sum3A_3590 : i1 to vector<16xi1>
      %reduce_sum3A_3592 = tpu.scan <sum>, %add3A_3589 masked %reduce_sum3A_3591 : vector<16xf32>, vector<16xi1> -> vector<16xf32>
      %reduce_sum3A_3593 = vector.extract %reduce_sum3A_3592[15] : f32 from vector<16xf32>
      %add3A_3594 = arith.constant 13 : i32
      %add3A_3595 = arith.addi %mul3A_1259, %add3A_3594 : i32
      %swap3A_3596 = arith.index_cast %add3A_3595 : i32 to index
      %swap3A_3597 = memref.load %arg9[%swap3A_3596] : memref<512xf32, #tpu.memory_space<smem>>
      memref.store %reduce_sum3A_3593, %arg9[%swap3A_3596] : memref<512xf32, #tpu.memory_space<smem>>
      %dma_wait3A_3598 = arith.constant 14 : i32
      %dma_wait3A_3599 = arith.constant 14 : i32
      %dma_wait3A_3600 = arith.constant 0 : i32
      %dma_wait3A_3601 = arith.constant 0 : i32
      %dma_wait3A_3602 = tpu.memref_slice %arg10[%dma_wait3A_3598, %dma_wait3A_3600, %dma_wait3A_3601] : memref<15x32x128xf32, #tpu.memory_space<vmem>> -> memref<1x32x128xf32, #tpu.memory_space<vmem>>
      %dma_wait3A_3603 = tpu.memref_squeeze %dma_wait3A_3602 : memref<1x32x128xf32, #tpu.memory_space<vmem>> -> memref<32x128xf32, #tpu.memory_space<vmem>>
      %dma_wait3A_3604 = arith.constant 0 : i32
      %dma_wait3A_3605 = tpu.memref_slice %arg4[%dma_wait3A_3604, %multiple_of3A_1936] : memref<32x1000000xf32, #tpu.memory_space<hbm>> -> memref<32x128xf32, #tpu.memory_space<hbm>>
      %dma_wait3A_3606 = tpu.memref_slice %arg13[%dma_wait3A_3599] : memref<15x!tpu.dma_semaphore, #tpu.memory_space<semaphore_mem>> -> memref<1x!tpu.dma_semaphore, #tpu.memory_space<semaphore_mem>>
      %dma_wait3A_3607 = tpu.memref_squeeze %dma_wait3A_3606 : memref<1x!tpu.dma_semaphore, #tpu.memory_space<semaphore_mem>> -> memref<!tpu.dma_semaphore, #tpu.memory_space<semaphore_mem>>
      %dma_wait3A_3608 = arith.constant 0 : i32
      %dma_wait3A_3609 = arith.constant 0 : i32
      %dma_wait3A_3610 = tpu.memref_slice %arg10[%dma_wait3A_3598, %dma_wait3A_3608, %dma_wait3A_3609] : memref<15x32x128xf32, #tpu.memory_space<vmem>> -> memref<1x32x128xf32, #tpu.memory_space<vmem>>
      %dma_wait3A_3611 = tpu.memref_squeeze %dma_wait3A_3610 : memref<1x32x128xf32, #tpu.memory_space<vmem>> -> memref<32x128xf32, #tpu.memory_space<vmem>>
      %dma_wait3A_3612 = arith.constant 0 : i32
      %dma_wait3A_3613 = tpu.memref_slice %arg4[%dma_wait3A_3612, %multiple_of3A_1936] : memref<32x1000000xf32, #tpu.memory_space<hbm>> -> memref<32x128xf32, #tpu.memory_space<hbm>>
      tpu.wait_dma2 semaphore(%dma_wait3A_3607 : memref<!tpu.dma_semaphore, #tpu.memory_space<semaphore_mem>>) src(%dma_wait3A_3613 : memref<32x128xf32, #tpu.memory_space<hbm>>) dst(%dma_wait3A_3611 : memref<32x128xf32, #tpu.memory_space<vmem>>)
      %dma_wait3A_3614 = arith.constant 14 : i32
      %dma_wait3A_3615 = arith.constant 14 : i32
      %dma_wait3A_3616 = arith.constant 0 : i32
      %dma_wait3A_3617 = arith.constant 0 : i32
      %dma_wait3A_3618 = tpu.memref_slice %arg11[%dma_wait3A_3614, %dma_wait3A_3616, %dma_wait3A_3617] : memref<15x32x128xf32, #tpu.memory_space<vmem>> -> memref<1x32x128xf32, #tpu.memory_space<vmem>>
      %dma_wait3A_3619 = tpu.memref_squeeze %dma_wait3A_3618 : memref<1x32x128xf32, #tpu.memory_space<vmem>> -> memref<32x128xf32, #tpu.memory_space<vmem>>
      %dma_wait3A_3620 = arith.constant 0 : i32
      %dma_wait3A_3621 = tpu.memref_slice %arg5[%dma_wait3A_3620, %multiple_of3A_1941] : memref<32x1000000xf32, #tpu.memory_space<hbm>> -> memref<32x128xf32, #tpu.memory_space<hbm>>
      %dma_wait3A_3622 = tpu.memref_slice %arg14[%dma_wait3A_3615] : memref<15x!tpu.dma_semaphore, #tpu.memory_space<semaphore_mem>> -> memref<1x!tpu.dma_semaphore, #tpu.memory_space<semaphore_mem>>
      %dma_wait3A_3623 = tpu.memref_squeeze %dma_wait3A_3622 : memref<1x!tpu.dma_semaphore, #tpu.memory_space<semaphore_mem>> -> memref<!tpu.dma_semaphore, #tpu.memory_space<semaphore_mem>>
      %dma_wait3A_3624 = arith.constant 0 : i32
      %dma_wait3A_3625 = arith.constant 0 : i32
      %dma_wait3A_3626 = tpu.memref_slice %arg11[%dma_wait3A_3614, %dma_wait3A_3624, %dma_wait3A_3625] : memref<15x32x128xf32, #tpu.memory_space<vmem>> -> memref<1x32x128xf32, #tpu.memory_space<vmem>>
      %dma_wait3A_3627 = tpu.memref_squeeze %dma_wait3A_3626 : memref<1x32x128xf32, #tpu.memory_space<vmem>> -> memref<32x128xf32, #tpu.memory_space<vmem>>
      %dma_wait3A_3628 = arith.constant 0 : i32
      %dma_wait3A_3629 = tpu.memref_slice %arg5[%dma_wait3A_3628, %multiple_of3A_1941] : memref<32x1000000xf32, #tpu.memory_space<hbm>> -> memref<32x128xf32, #tpu.memory_space<hbm>>
      tpu.wait_dma2 semaphore(%dma_wait3A_3623 : memref<!tpu.dma_semaphore, #tpu.memory_space<semaphore_mem>>) src(%dma_wait3A_3629 : memref<32x128xf32, #tpu.memory_space<hbm>>) dst(%dma_wait3A_3627 : memref<32x128xf32, #tpu.memory_space<vmem>>)
      %broadcast_in_dim3A_3630 = arith.constant 14 : i32
      %broadcast_in_dim3A_3631 = vector.broadcast %broadcast_in_dim3A_3630 : i32 to vector<16xi32>
      %gather3A_3632 = tpu.vector_load_idx %arg10[%broadcast_in_dim3A_3631, %iota3A, %broadcast_in_dim3A_1944] : memref<15x32x128xf32, #tpu.memory_space<vmem>>[vector<16xi32>, vector<16xi32>, vector<16xi32>], vector<16xf32>,
      %gather3A_3633 = tpu.vector_load_idx %arg10[%broadcast_in_dim3A_3631, %add3A_5, %broadcast_in_dim3A_1944] : memref<15x32x128xf32, #tpu.memory_space<vmem>>[vector<16xi32>, vector<16xi32>, vector<16xi32>], vector<16xf32>,
      %gather3A_3634 = tpu.vector_load_idx %arg11[%broadcast_in_dim3A_3631, %iota3A, %broadcast_in_dim3A_1947] : memref<15x32x128xf32, #tpu.memory_space<vmem>>[vector<16xi32>, vector<16xi32>, vector<16xi32>], vector<16xf32>,
      %gather3A_3635 = tpu.vector_load_idx %arg11[%broadcast_in_dim3A_3631, %add3A_5, %broadcast_in_dim3A_1947] : memref<15x32x128xf32, #tpu.memory_space<vmem>>[vector<16xi32>, vector<16xi32>, vector<16xi32>], vector<16xf32>,
      %mul3A_3636 = arith.mulf %gather3A_3632, %gather3A_3634 : vector<16xf32>
      %mul3A_3637 = arith.mulf %gather3A_3633, %gather3A_3635 : vector<16xf32>
      %add3A_3638 = arith.addf %mul3A_3636, %mul3A_3637 : vector<16xf32>
      %reduce_sum3A_3639 = arith.constant true
      %reduce_sum3A_3640 = vector.broadcast %reduce_sum3A_3639 : i1 to vector<16xi1>
      %reduce_sum3A_3641 = tpu.scan <sum>, %add3A_3638 masked %reduce_sum3A_3640 : vector<16xf32>, vector<16xi1> -> vector<16xf32>
      %reduce_sum3A_3642 = vector.extract %reduce_sum3A_3641[15] : f32 from vector<16xf32>
      %add3A_3643 = arith.constant 14 : i32
      %add3A_3644 = arith.addi %mul3A_1259, %add3A_3643 : i32
      %swap3A_3645 = arith.index_cast %add3A_3644 : i32 to index
      %swap3A_3646 = memref.load %arg9[%swap3A_3645] : memref<512xf32, #tpu.memory_space<smem>>
      memref.store %reduce_sum3A_3642, %arg9[%swap3A_3645] : memref<512xf32, #tpu.memory_space<smem>>
      scf.yield %reduce_sum3A_2038, %reduce_sum3A_2100, %reduce_sum3A_2162, %reduce_sum3A_2224, %reduce_sum3A_2286, %reduce_sum3A_2348, %reduce_sum3A_2410, %reduce_sum3A_2472, %reduce_sum3A_2534, %reduce_sum3A_2596, %reduce_sum3A_2658, %reduce_sum3A_2720, %reduce_sum3A_2782, %reduce_sum3A_2844, %reduce_sum3A_2906, %reduce_sum3A_2043, %reduce_sum3A_2105, %reduce_sum3A_2167, %reduce_sum3A_2229, %reduce_sum3A_2291, %reduce_sum3A_2353, %reduce_sum3A_2415, %reduce_sum3A_2477, %reduce_sum3A_2539, %reduce_sum3A_2601, %reduce_sum3A_2663, %reduce_sum3A_2725, %reduce_sum3A_2787, %reduce_sum3A_2849, %reduce_sum3A_2911 : i32, i32, i32, i32, i32, i32, i32, i32, i32, i32, i32, i32, i32, i32, i32, i32, i32, i32, i32, i32, i32, i32, i32, i32, i32, i32, i32, i32, i32, i32
    }
    %scan3A_913 = arith.constant 34 : i32
    %min3A_914 = arith.constant 510 : i32
    %min3A_915 = arith.constant 511 : i32
    %min3A_916 = arith.minsi %min3A_914, %min3A_915 : i32
    %jit3A_917 = arith.constant 16 : i32
    %div3A_918 = arith.divsi %min3A_916, %jit3A_917 : i32
    %sign3A_919 = arith.constant 0 : i32
    %sign3A_920 = arith.cmpi sgt, %min3A_916, %sign3A_919 : i32
    %sign3A_921 = arith.extui %sign3A_920 : i1 to i32
    %sign3A_922 = arith.constant 0 : i32
    %sign3A_923 = arith.cmpi slt, %min3A_916, %sign3A_922 : i32
    %sign3A_924 = arith.extui %sign3A_923 : i1 to i32
    %sign3A_925 = arith.subi %sign3A_921, %sign3A_924 : i32
    %sign3A_926 = arith.constant 0 : i32
    %sign3A_927 = arith.cmpi sgt, %jit3A_917, %sign3A_926 : i32
    %sign3A_928 = arith.extui %sign3A_927 : i1 to i32
    %sign3A_929 = arith.constant 0 : i32
    %sign3A_930 = arith.cmpi slt, %jit3A_917, %sign3A_929 : i32
    %sign3A_931 = arith.extui %sign3A_930 : i1 to i32
    %sign3A_932 = arith.subi %sign3A_928, %sign3A_931 : i32
    %ne3A_933 = arith.cmpi ne, %sign3A_925, %sign3A_932 : i32
    %rem3A_934 = arith.remsi %min3A_916, %jit3A_917 : i32
    %ne3A_935 = arith.constant 0 : i32
    %ne3A_936 = arith.cmpi ne, %rem3A_934, %ne3A_935 : i32
    %and3A_937 = arith.andi %ne3A_933, %ne3A_936 : i1
    %sub3A_938 = arith.constant 1 : i32
    %sub3A_939 = arith.subi %div3A_918, %sub3A_938 : i32
    %select_n3A_940 = arith.select %and3A_937, %sub3A_939, %div3A_918 : i32
    %mul3A_941 = arith.constant 16 : i32
    %mul3A_942 = arith.muli %select_n3A_940, %mul3A_941 : i32
    %get3A_943 = arith.index_cast %mul3A_942 : i32 to index
    %get3A_944 = tpu.vector_load %arg7[%get3A_943] {strides = array<i32>} : memref<512xi32, #tpu.memory_space<vmem>>, vector<16xi32>,
    %get3A_945 = arith.index_cast %mul3A_942 : i32 to index
    %get3A_946 = tpu.vector_load %arg8[%get3A_945] {strides = array<i32>} : memref<512xi32, #tpu.memory_space<vmem>>, vector<16xi32>,
    %jit3A_947 = arith.constant 16 : i32
    %eq3A_948 = arith.constant 0 : i32
    %eq3A_949 = arith.cmpi eq, %jit3A_947, %eq3A_948 : i32
    %jit3A_950 = arith.constant 1 : i32
    %select_n3A_951 = arith.select %eq3A_949, %jit3A_950, %jit3A_947 : i32
    %rem3A_952 = arith.remsi %min3A_916, %select_n3A_951 : i32
    %ne3A_953 = arith.constant 0 : i32
    %ne3A_954 = arith.cmpi ne, %rem3A_952, %ne3A_953 : i32
    %lt3A_955 = arith.constant 0 : i32
    %lt3A_956 = arith.cmpi slt, %rem3A_952, %lt3A_955 : i32
    %lt3A_957 = arith.constant 0 : i32
    %lt3A_958 = arith.cmpi slt, %select_n3A_951, %lt3A_957 : i32
    %ne3A_959 = arith.xori %lt3A_956, %lt3A_958 : i1
    %and3A_960 = arith.andi %ne3A_959, %ne3A_954 : i1
    %add3A_961 = arith.addi %rem3A_952, %select_n3A_951 : i32
    %select_n3A_962 = arith.select %and3A_960, %add3A_961, %rem3A_952 : i32
    %eq3A_963 = vector.broadcast %select_n3A_962 : i32 to vector<16xi32>
    %eq3A_964 = arith.cmpi eq, %iota3A, %eq3A_963 : vector<16xi32>
    %select_n3A_965 = arith.select %eq3A_964, %get3A_944, %broadcast_in_dim3A_6 : vector<16xi1>, vector<16xi32>
    %reduce_sum3A_966 = arith.constant true
    %reduce_sum3A_967 = vector.broadcast %reduce_sum3A_966 : i1 to vector<16xi1>
    %reduce_sum3A_968 = tpu.scan <sum>, %select_n3A_965 masked %reduce_sum3A_967 : vector<16xi32>, vector<16xi1> -> vector<16xi32>
    %reduce_sum3A_969 = vector.extract %reduce_sum3A_968[15] : i32 from vector<16xi32>
    %select_n3A_970 = arith.select %eq3A_964, %get3A_946, %broadcast_in_dim3A_6 : vector<16xi1>, vector<16xi32>
    %reduce_sum3A_971 = arith.constant true
    %reduce_sum3A_972 = vector.broadcast %reduce_sum3A_971 : i1 to vector<16xi1>
    %reduce_sum3A_973 = tpu.scan <sum>, %select_n3A_970 masked %reduce_sum3A_972 : vector<16xi32>, vector<16xi1> -> vector<16xi32>
    %reduce_sum3A_974 = vector.extract %reduce_sum3A_973[15] : i32 from vector<16xi32>
    %min3A_975 = arith.constant 511 : i32
    %min3A_976 = arith.constant 511 : i32
    %min3A_977 = arith.minsi %min3A_975, %min3A_976 : i32
    %jit3A_978 = arith.constant 16 : i32
    %div3A_979 = arith.divsi %min3A_977, %jit3A_978 : i32
    %sign3A_980 = arith.constant 0 : i32
    %sign3A_981 = arith.cmpi sgt, %min3A_977, %sign3A_980 : i32
    %sign3A_982 = arith.extui %sign3A_981 : i1 to i32
    %sign3A_983 = arith.constant 0 : i32
    %sign3A_984 = arith.cmpi slt, %min3A_977, %sign3A_983 : i32
    %sign3A_985 = arith.extui %sign3A_984 : i1 to i32
    %sign3A_986 = arith.subi %sign3A_982, %sign3A_985 : i32
    %sign3A_987 = arith.constant 0 : i32
    %sign3A_988 = arith.cmpi sgt, %jit3A_978, %sign3A_987 : i32
    %sign3A_989 = arith.extui %sign3A_988 : i1 to i32
    %sign3A_990 = arith.constant 0 : i32
    %sign3A_991 = arith.cmpi slt, %jit3A_978, %sign3A_990 : i32
    %sign3A_992 = arith.extui %sign3A_991 : i1 to i32
    %sign3A_993 = arith.subi %sign3A_989, %sign3A_992 : i32
    %ne3A_994 = arith.cmpi ne, %sign3A_986, %sign3A_993 : i32
    %rem3A_995 = arith.remsi %min3A_977, %jit3A_978 : i32
    %ne3A_996 = arith.constant 0 : i32
    %ne3A_997 = arith.cmpi ne, %rem3A_995, %ne3A_996 : i32
    %and3A_998 = arith.andi %ne3A_994, %ne3A_997 : i1
    %sub3A_999 = arith.constant 1 : i32
    %sub3A_1000 = arith.subi %div3A_979, %sub3A_999 : i32
    %select_n3A_1001 = arith.select %and3A_998, %sub3A_1000, %div3A_979 : i32
    %mul3A_1002 = arith.constant 16 : i32
    %mul3A_1003 = arith.muli %select_n3A_1001, %mul3A_1002 : i32
    %get3A_1004 = arith.index_cast %mul3A_1003 : i32 to index
    %get3A_1005 = tpu.vector_load %arg7[%get3A_1004] {strides = array<i32>} : memref<512xi32, #tpu.memory_space<vmem>>, vector<16xi32>,
    %get3A_1006 = arith.index_cast %mul3A_1003 : i32 to index
    %get3A_1007 = tpu.vector_load %arg8[%get3A_1006] {strides = array<i32>} : memref<512xi32, #tpu.memory_space<vmem>>, vector<16xi32>,
    %jit3A_1008 = arith.constant 16 : i32
    %eq3A_1009 = arith.constant 0 : i32
    %eq3A_1010 = arith.cmpi eq, %jit3A_1008, %eq3A_1009 : i32
    %jit3A_1011 = arith.constant 1 : i32
    %select_n3A_1012 = arith.select %eq3A_1010, %jit3A_1011, %jit3A_1008 : i32
    %rem3A_1013 = arith.remsi %min3A_977, %select_n3A_1012 : i32
    %ne3A_1014 = arith.constant 0 : i32
    %ne3A_1015 = arith.cmpi ne, %rem3A_1013, %ne3A_1014 : i32
    %lt3A_1016 = arith.constant 0 : i32
    %lt3A_1017 = arith.cmpi slt, %rem3A_1013, %lt3A_1016 : i32
    %lt3A_1018 = arith.constant 0 : i32
    %lt3A_1019 = arith.cmpi slt, %select_n3A_1012, %lt3A_1018 : i32
    %ne3A_1020 = arith.xori %lt3A_1017, %lt3A_1019 : i1
    %and3A_1021 = arith.andi %ne3A_1020, %ne3A_1015 : i1
    %add3A_1022 = arith.addi %rem3A_1013, %select_n3A_1012 : i32
    %select_n3A_1023 = arith.select %and3A_1021, %add3A_1022, %rem3A_1013 : i32
    %eq3A_1024 = vector.broadcast %select_n3A_1023 : i32 to vector<16xi32>
    %eq3A_1025 = arith.cmpi eq, %iota3A, %eq3A_1024 : vector<16xi32>
    %select_n3A_1026 = arith.select %eq3A_1025, %get3A_1005, %broadcast_in_dim3A_6 : vector<16xi1>, vector<16xi32>
    %reduce_sum3A_1027 = arith.constant true
    %reduce_sum3A_1028 = vector.broadcast %reduce_sum3A_1027 : i1 to vector<16xi1>
    %reduce_sum3A_1029 = tpu.scan <sum>, %select_n3A_1026 masked %reduce_sum3A_1028 : vector<16xi32>, vector<16xi1> -> vector<16xi32>
    %reduce_sum3A_1030 = vector.extract %reduce_sum3A_1029[15] : i32 from vector<16xi32>
    %select_n3A_1031 = arith.select %eq3A_1025, %get3A_1007, %broadcast_in_dim3A_6 : vector<16xi1>, vector<16xi32>
    %reduce_sum3A_1032 = arith.constant true
    %reduce_sum3A_1033 = vector.broadcast %reduce_sum3A_1032 : i1 to vector<16xi1>
    %reduce_sum3A_1034 = tpu.scan <sum>, %select_n3A_1031 masked %reduce_sum3A_1033 : vector<16xi32>, vector<16xi1> -> vector<16xi32>
    %reduce_sum3A_1035 = vector.extract %reduce_sum3A_1034[15] : i32 from vector<16xi32>
    %shift_right_logical3A = arith.constant 7 : i32
    %shift_right_logical3A_1036 = arith.shrui %reduce_sum3A_969, %shift_right_logical3A : i32
    %shift_left3A = arith.constant 7 : i32
    %shift_left3A_1037 = arith.shli %shift_right_logical3A_1036, %shift_left3A : i32
    %multiple_of3A = tpu.assume_multiple %shift_left3A_1037, 128 : i32
    %shift_right_logical3A_1038 = arith.constant 7 : i32
    %shift_right_logical3A_1039 = arith.shrui %reduce_sum3A_974, %shift_right_logical3A_1038 : i32
    %shift_left3A_1040 = arith.constant 7 : i32
    %shift_left3A_1041 = arith.shli %shift_right_logical3A_1039, %shift_left3A_1040 : i32
    %multiple_of3A_1042 = tpu.assume_multiple %shift_left3A_1041, 128 : i32
    %and3A_1043 = arith.constant 127 : i32
    %and3A_1044 = arith.andi %reduce_sum3A_969, %and3A_1043 : i32
    %broadcast_in_dim3A_1045 = vector.broadcast %and3A_1044 : i32 to vector<16xi32>
    %and3A_1046 = arith.constant 127 : i32
    %and3A_1047 = arith.andi %reduce_sum3A_974, %and3A_1046 : i32
    %broadcast_in_dim3A_1048 = vector.broadcast %and3A_1047 : i32 to vector<16xi32>
    %dma_start3A = arith.constant 0 : i32
    %dma_start3A_1049 = arith.constant 0 : i32
    %dma_start3A_1050 = arith.constant 0 : i32
    %dma_start3A_1051 = arith.constant 0 : i32
    %dma_start3A_1052 = tpu.memref_slice %arg10[%dma_start3A, %dma_start3A_1050, %dma_start3A_1051] : memref<15x32x128xf32, #tpu.memory_space<vmem>> -> memref<1x32x128xf32, #tpu.memory_space<vmem>>
    %dma_start3A_1053 = tpu.memref_squeeze %dma_start3A_1052 : memref<1x32x128xf32, #tpu.memory_space<vmem>> -> memref<32x128xf32, #tpu.memory_space<vmem>>
    %dma_start3A_1054 = arith.constant 0 : i32
    %dma_start3A_1055 = tpu.memref_slice %arg4[%dma_start3A_1054, %multiple_of3A] : memref<32x1000000xf32, #tpu.memory_space<hbm>> -> memref<32x128xf32, #tpu.memory_space<hbm>>
    %dma_start3A_1056 = tpu.memref_slice %arg13[%dma_start3A_1049] : memref<15x!tpu.dma_semaphore, #tpu.memory_space<semaphore_mem>> -> memref<1x!tpu.dma_semaphore, #tpu.memory_space<semaphore_mem>>
    %dma_start3A_1057 = tpu.memref_squeeze %dma_start3A_1056 : memref<1x!tpu.dma_semaphore, #tpu.memory_space<semaphore_mem>> -> memref<!tpu.dma_semaphore, #tpu.memory_space<semaphore_mem>>
    %dma_start3A_1058 = arith.constant 0 : i32
    %dma_start3A_1059 = arith.constant 0 : i32
    %dma_start3A_1060 = tpu.memref_slice %arg10[%dma_start3A, %dma_start3A_1058, %dma_start3A_1059] : memref<15x32x128xf32, #tpu.memory_space<vmem>> -> memref<1x32x128xf32, #tpu.memory_space<vmem>>
    %dma_start3A_1061 = tpu.memref_squeeze %dma_start3A_1060 : memref<1x32x128xf32, #tpu.memory_space<vmem>> -> memref<32x128xf32, #tpu.memory_space<vmem>>
    %dma_start3A_1062 = arith.constant 0 : i32
    %dma_start3A_1063 = tpu.memref_slice %arg4[%dma_start3A_1062, %multiple_of3A] : memref<32x1000000xf32, #tpu.memory_space<hbm>> -> memref<32x128xf32, #tpu.memory_space<hbm>>
    tpu.enqueue_dma source(%dma_start3A_1063 : memref<32x128xf32, #tpu.memory_space<hbm>>) target(%dma_start3A_1061 : memref<32x128xf32, #tpu.memory_space<vmem>>) target_semaphore(%dma_start3A_1057 : memref<!tpu.dma_semaphore, #tpu.memory_space<semaphore_mem>>)
    %dma_start3A_1064 = arith.constant 0 : i32
    %dma_start3A_1065 = arith.constant 0 : i32
    %dma_start3A_1066 = arith.constant 0 : i32
    %dma_start3A_1067 = arith.constant 0 : i32
    %dma_start3A_1068 = tpu.memref_slice %arg11[%dma_start3A_1064, %dma_start3A_1066, %dma_start3A_1067] : memref<15x32x128xf32, #tpu.memory_space<vmem>> -> memref<1x32x128xf32, #tpu.memory_space<vmem>>
    %dma_start3A_1069 = tpu.memref_squeeze %dma_start3A_1068 : memref<1x32x128xf32, #tpu.memory_space<vmem>> -> memref<32x128xf32, #tpu.memory_space<vmem>>
    %dma_start3A_1070 = arith.constant 0 : i32
    %dma_start3A_1071 = tpu.memref_slice %arg5[%dma_start3A_1070, %multiple_of3A_1042] : memref<32x1000000xf32, #tpu.memory_space<hbm>> -> memref<32x128xf32, #tpu.memory_space<hbm>>
    %dma_start3A_1072 = tpu.memref_slice %arg14[%dma_start3A_1065] : memref<15x!tpu.dma_semaphore, #tpu.memory_space<semaphore_mem>> -> memref<1x!tpu.dma_semaphore, #tpu.memory_space<semaphore_mem>>
    %dma_start3A_1073 = tpu.memref_squeeze %dma_start3A_1072 : memref<1x!tpu.dma_semaphore, #tpu.memory_space<semaphore_mem>> -> memref<!tpu.dma_semaphore, #tpu.memory_space<semaphore_mem>>
    %dma_start3A_1074 = arith.constant 0 : i32
    %dma_start3A_1075 = arith.constant 0 : i32
    %dma_start3A_1076 = tpu.memref_slice %arg11[%dma_start3A_1064, %dma_start3A_1074, %dma_start3A_1075] : memref<15x32x128xf32, #tpu.memory_space<vmem>> -> memref<1x32x128xf32, #tpu.memory_space<vmem>>
    %dma_start3A_1077 = tpu.memref_squeeze %dma_start3A_1076 : memref<1x32x128xf32, #tpu.memory_space<vmem>> -> memref<32x128xf32, #tpu.memory_space<vmem>>
    %dma_start3A_1078 = arith.constant 0 : i32
    %dma_start3A_1079 = tpu.memref_slice %arg5[%dma_start3A_1078, %multiple_of3A_1042] : memref<32x1000000xf32, #tpu.memory_space<hbm>> -> memref<32x128xf32, #tpu.memory_space<hbm>>
    tpu.enqueue_dma source(%dma_start3A_1079 : memref<32x128xf32, #tpu.memory_space<hbm>>) target(%dma_start3A_1077 : memref<32x128xf32, #tpu.memory_space<vmem>>) target_semaphore(%dma_start3A_1073 : memref<!tpu.dma_semaphore, #tpu.memory_space<semaphore_mem>>)
    %shift_right_logical3A_1080 = arith.constant 7 : i32
    %shift_right_logical3A_1081 = arith.shrui %reduce_sum3A_1030, %shift_right_logical3A_1080 : i32
    %shift_left3A_1082 = arith.constant 7 : i32
    %shift_left3A_1083 = arith.shli %shift_right_logical3A_1081, %shift_left3A_1082 : i32
    %multiple_of3A_1084 = tpu.assume_multiple %shift_left3A_1083, 128 : i32
    %shift_right_logical3A_1085 = arith.constant 7 : i32
    %shift_right_logical3A_1086 = arith.shrui %reduce_sum3A_1035, %shift_right_logical3A_1085 : i32
    %shift_left3A_1087 = arith.constant 7 : i32
    %shift_left3A_1088 = arith.shli %shift_right_logical3A_1086, %shift_left3A_1087 : i32
    %multiple_of3A_1089 = tpu.assume_multiple %shift_left3A_1088, 128 : i32
    %and3A_1090 = arith.constant 127 : i32
    %and3A_1091 = arith.andi %reduce_sum3A_1030, %and3A_1090 : i32
    %broadcast_in_dim3A_1092 = vector.broadcast %and3A_1091 : i32 to vector<16xi32>
    %and3A_1093 = arith.constant 127 : i32
    %and3A_1094 = arith.andi %reduce_sum3A_1035, %and3A_1093 : i32
    %broadcast_in_dim3A_1095 = vector.broadcast %and3A_1094 : i32 to vector<16xi32>
    %dma_start3A_1096 = arith.constant 1 : i32
    %dma_start3A_1097 = arith.constant 1 : i32
    %dma_start3A_1098 = arith.constant 0 : i32
    %dma_start3A_1099 = arith.constant 0 : i32
    %dma_start3A_1100 = tpu.memref_slice %arg10[%dma_start3A_1096, %dma_start3A_1098, %dma_start3A_1099] : memref<15x32x128xf32, #tpu.memory_space<vmem>> -> memref<1x32x128xf32, #tpu.memory_space<vmem>>
    %dma_start3A_1101 = tpu.memref_squeeze %dma_start3A_1100 : memref<1x32x128xf32, #tpu.memory_space<vmem>> -> memref<32x128xf32, #tpu.memory_space<vmem>>
    %dma_start3A_1102 = arith.constant 0 : i32
    %dma_start3A_1103 = tpu.memref_slice %arg4[%dma_start3A_1102, %multiple_of3A_1084] : memref<32x1000000xf32, #tpu.memory_space<hbm>> -> memref<32x128xf32, #tpu.memory_space<hbm>>
    %dma_start3A_1104 = tpu.memref_slice %arg13[%dma_start3A_1097] : memref<15x!tpu.dma_semaphore, #tpu.memory_space<semaphore_mem>> -> memref<1x!tpu.dma_semaphore, #tpu.memory_space<semaphore_mem>>
    %dma_start3A_1105 = tpu.memref_squeeze %dma_start3A_1104 : memref<1x!tpu.dma_semaphore, #tpu.memory_space<semaphore_mem>> -> memref<!tpu.dma_semaphore, #tpu.memory_space<semaphore_mem>>
    %dma_start3A_1106 = arith.constant 0 : i32
    %dma_start3A_1107 = arith.constant 0 : i32
    %dma_start3A_1108 = tpu.memref_slice %arg10[%dma_start3A_1096, %dma_start3A_1106, %dma_start3A_1107] : memref<15x32x128xf32, #tpu.memory_space<vmem>> -> memref<1x32x128xf32, #tpu.memory_space<vmem>>
    %dma_start3A_1109 = tpu.memref_squeeze %dma_start3A_1108 : memref<1x32x128xf32, #tpu.memory_space<vmem>> -> memref<32x128xf32, #tpu.memory_space<vmem>>
    %dma_start3A_1110 = arith.constant 0 : i32
    %dma_start3A_1111 = tpu.memref_slice %arg4[%dma_start3A_1110, %multiple_of3A_1084] : memref<32x1000000xf32, #tpu.memory_space<hbm>> -> memref<32x128xf32, #tpu.memory_space<hbm>>
    tpu.enqueue_dma source(%dma_start3A_1111 : memref<32x128xf32, #tpu.memory_space<hbm>>) target(%dma_start3A_1109 : memref<32x128xf32, #tpu.memory_space<vmem>>) target_semaphore(%dma_start3A_1105 : memref<!tpu.dma_semaphore, #tpu.memory_space<semaphore_mem>>)
    %dma_start3A_1112 = arith.constant 1 : i32
    %dma_start3A_1113 = arith.constant 1 : i32
    %dma_start3A_1114 = arith.constant 0 : i32
    %dma_start3A_1115 = arith.constant 0 : i32
    %dma_start3A_1116 = tpu.memref_slice %arg11[%dma_start3A_1112, %dma_start3A_1114, %dma_start3A_1115] : memref<15x32x128xf32, #tpu.memory_space<vmem>> -> memref<1x32x128xf32, #tpu.memory_space<vmem>>
    %dma_start3A_1117 = tpu.memref_squeeze %dma_start3A_1116 : memref<1x32x128xf32, #tpu.memory_space<vmem>> -> memref<32x128xf32, #tpu.memory_space<vmem>>
    %dma_start3A_1118 = arith.constant 0 : i32
    %dma_start3A_1119 = tpu.memref_slice %arg5[%dma_start3A_1118, %multiple_of3A_1089] : memref<32x1000000xf32, #tpu.memory_space<hbm>> -> memref<32x128xf32, #tpu.memory_space<hbm>>
    %dma_start3A_1120 = tpu.memref_slice %arg14[%dma_start3A_1113] : memref<15x!tpu.dma_semaphore, #tpu.memory_space<semaphore_mem>> -> memref<1x!tpu.dma_semaphore, #tpu.memory_space<semaphore_mem>>
    %dma_start3A_1121 = tpu.memref_squeeze %dma_start3A_1120 : memref<1x!tpu.dma_semaphore, #tpu.memory_space<semaphore_mem>> -> memref<!tpu.dma_semaphore, #tpu.memory_space<semaphore_mem>>
    %dma_start3A_1122 = arith.constant 0 : i32
    %dma_start3A_1123 = arith.constant 0 : i32
    %dma_start3A_1124 = tpu.memref_slice %arg11[%dma_start3A_1112, %dma_start3A_1122, %dma_start3A_1123] : memref<15x32x128xf32, #tpu.memory_space<vmem>> -> memref<1x32x128xf32, #tpu.memory_space<vmem>>
    %dma_start3A_1125 = tpu.memref_squeeze %dma_start3A_1124 : memref<1x32x128xf32, #tpu.memory_space<vmem>> -> memref<32x128xf32, #tpu.memory_space<vmem>>
    %dma_start3A_1126 = arith.constant 0 : i32
    %dma_start3A_1127 = tpu.memref_slice %arg5[%dma_start3A_1126, %multiple_of3A_1089] : memref<32x1000000xf32, #tpu.memory_space<hbm>> -> memref<32x128xf32, #tpu.memory_space<hbm>>
    tpu.enqueue_dma source(%dma_start3A_1127 : memref<32x128xf32, #tpu.memory_space<hbm>>) target(%dma_start3A_1125 : memref<32x128xf32, #tpu.memory_space<vmem>>) target_semaphore(%dma_start3A_1121 : memref<!tpu.dma_semaphore, #tpu.memory_space<semaphore_mem>>)
    %dma_wait3A = arith.constant 0 : i32
    %dma_wait3A_1128 = arith.constant 0 : i32
    %dma_wait3A_1129 = arith.constant 0 : i32
    %dma_wait3A_1130 = arith.constant 0 : i32
    %dma_wait3A_1131 = tpu.memref_slice %arg10[%dma_wait3A, %dma_wait3A_1129, %dma_wait3A_1130] : memref<15x32x128xf32, #tpu.memory_space<vmem>> -> memref<1x32x128xf32, #tpu.memory_space<vmem>>
    %dma_wait3A_1132 = tpu.memref_squeeze %dma_wait3A_1131 : memref<1x32x128xf32, #tpu.memory_space<vmem>> -> memref<32x128xf32, #tpu.memory_space<vmem>>
    %dma_wait3A_1133 = arith.constant 0 : i32
    %dma_wait3A_1134 = tpu.memref_slice %arg4[%dma_wait3A_1133, %multiple_of3A] : memref<32x1000000xf32, #tpu.memory_space<hbm>> -> memref<32x128xf32, #tpu.memory_space<hbm>>
    %dma_wait3A_1135 = tpu.memref_slice %arg13[%dma_wait3A_1128] : memref<15x!tpu.dma_semaphore, #tpu.memory_space<semaphore_mem>> -> memref<1x!tpu.dma_semaphore, #tpu.memory_space<semaphore_mem>>
    %dma_wait3A_1136 = tpu.memref_squeeze %dma_wait3A_1135 : memref<1x!tpu.dma_semaphore, #tpu.memory_space<semaphore_mem>> -> memref<!tpu.dma_semaphore, #tpu.memory_space<semaphore_mem>>
    %dma_wait3A_1137 = arith.constant 0 : i32
    %dma_wait3A_1138 = arith.constant 0 : i32
    %dma_wait3A_1139 = tpu.memref_slice %arg10[%dma_wait3A, %dma_wait3A_1137, %dma_wait3A_1138] : memref<15x32x128xf32, #tpu.memory_space<vmem>> -> memref<1x32x128xf32, #tpu.memory_space<vmem>>
    %dma_wait3A_1140 = tpu.memref_squeeze %dma_wait3A_1139 : memref<1x32x128xf32, #tpu.memory_space<vmem>> -> memref<32x128xf32, #tpu.memory_space<vmem>>
    %dma_wait3A_1141 = arith.constant 0 : i32
    %dma_wait3A_1142 = tpu.memref_slice %arg4[%dma_wait3A_1141, %multiple_of3A] : memref<32x1000000xf32, #tpu.memory_space<hbm>> -> memref<32x128xf32, #tpu.memory_space<hbm>>
    tpu.wait_dma2 semaphore(%dma_wait3A_1136 : memref<!tpu.dma_semaphore, #tpu.memory_space<semaphore_mem>>) src(%dma_wait3A_1142 : memref<32x128xf32, #tpu.memory_space<hbm>>) dst(%dma_wait3A_1140 : memref<32x128xf32, #tpu.memory_space<vmem>>)
    %dma_wait3A_1143 = arith.constant 0 : i32
    %dma_wait3A_1144 = arith.constant 0 : i32
    %dma_wait3A_1145 = arith.constant 0 : i32
    %dma_wait3A_1146 = arith.constant 0 : i32
    %dma_wait3A_1147 = tpu.memref_slice %arg11[%dma_wait3A_1143, %dma_wait3A_1145, %dma_wait3A_1146] : memref<15x32x128xf32, #tpu.memory_space<vmem>> -> memref<1x32x128xf32, #tpu.memory_space<vmem>>
    %dma_wait3A_1148 = tpu.memref_squeeze %dma_wait3A_1147 : memref<1x32x128xf32, #tpu.memory_space<vmem>> -> memref<32x128xf32, #tpu.memory_space<vmem>>
    %dma_wait3A_1149 = arith.constant 0 : i32
    %dma_wait3A_1150 = tpu.memref_slice %arg5[%dma_wait3A_1149, %multiple_of3A_1042] : memref<32x1000000xf32, #tpu.memory_space<hbm>> -> memref<32x128xf32, #tpu.memory_space<hbm>>
    %dma_wait3A_1151 = tpu.memref_slice %arg14[%dma_wait3A_1144] : memref<15x!tpu.dma_semaphore, #tpu.memory_space<semaphore_mem>> -> memref<1x!tpu.dma_semaphore, #tpu.memory_space<semaphore_mem>>
    %dma_wait3A_1152 = tpu.memref_squeeze %dma_wait3A_1151 : memref<1x!tpu.dma_semaphore, #tpu.memory_space<semaphore_mem>> -> memref<!tpu.dma_semaphore, #tpu.memory_space<semaphore_mem>>
    %dma_wait3A_1153 = arith.constant 0 : i32
    %dma_wait3A_1154 = arith.constant 0 : i32
    %dma_wait3A_1155 = tpu.memref_slice %arg11[%dma_wait3A_1143, %dma_wait3A_1153, %dma_wait3A_1154] : memref<15x32x128xf32, #tpu.memory_space<vmem>> -> memref<1x32x128xf32, #tpu.memory_space<vmem>>
    %dma_wait3A_1156 = tpu.memref_squeeze %dma_wait3A_1155 : memref<1x32x128xf32, #tpu.memory_space<vmem>> -> memref<32x128xf32, #tpu.memory_space<vmem>>
    %dma_wait3A_1157 = arith.constant 0 : i32
    %dma_wait3A_1158 = tpu.memref_slice %arg5[%dma_wait3A_1157, %multiple_of3A_1042] : memref<32x1000000xf32, #tpu.memory_space<hbm>> -> memref<32x128xf32, #tpu.memory_space<hbm>>
    tpu.wait_dma2 semaphore(%dma_wait3A_1152 : memref<!tpu.dma_semaphore, #tpu.memory_space<semaphore_mem>>) src(%dma_wait3A_1158 : memref<32x128xf32, #tpu.memory_space<hbm>>) dst(%dma_wait3A_1156 : memref<32x128xf32, #tpu.memory_space<vmem>>)
    %broadcast_in_dim3A_1159 = arith.constant 0 : i32
    %broadcast_in_dim3A_1160 = vector.broadcast %broadcast_in_dim3A_1159 : i32 to vector<16xi32>
    %gather3A = tpu.vector_load_idx %arg10[%broadcast_in_dim3A_1160, %iota3A, %broadcast_in_dim3A_1045] : memref<15x32x128xf32, #tpu.memory_space<vmem>>[vector<16xi32>, vector<16xi32>, vector<16xi32>], vector<16xf32>,
    %gather3A_1161 = tpu.vector_load_idx %arg10[%broadcast_in_dim3A_1160, %add3A_5, %broadcast_in_dim3A_1045] : memref<15x32x128xf32, #tpu.memory_space<vmem>>[vector<16xi32>, vector<16xi32>, vector<16xi32>], vector<16xf32>,
    %gather3A_1162 = tpu.vector_load_idx %arg11[%broadcast_in_dim3A_1160, %iota3A, %broadcast_in_dim3A_1048] : memref<15x32x128xf32, #tpu.memory_space<vmem>>[vector<16xi32>, vector<16xi32>, vector<16xi32>], vector<16xf32>,
    %gather3A_1163 = tpu.vector_load_idx %arg11[%broadcast_in_dim3A_1160, %add3A_5, %broadcast_in_dim3A_1048] : memref<15x32x128xf32, #tpu.memory_space<vmem>>[vector<16xi32>, vector<16xi32>, vector<16xi32>], vector<16xf32>,
    %mul3A_1164 = arith.mulf %gather3A, %gather3A_1162 : vector<16xf32>
    %mul3A_1165 = arith.mulf %gather3A_1161, %gather3A_1163 : vector<16xf32>
    %add3A_1166 = arith.addf %mul3A_1164, %mul3A_1165 : vector<16xf32>
    %reduce_sum3A_1167 = arith.constant true
    %reduce_sum3A_1168 = vector.broadcast %reduce_sum3A_1167 : i1 to vector<16xi1>
    %reduce_sum3A_1169 = tpu.scan <sum>, %add3A_1166 masked %reduce_sum3A_1168 : vector<16xf32>, vector<16xi1> -> vector<16xf32>
    %reduce_sum3A_1170 = vector.extract %reduce_sum3A_1169[15] : f32 from vector<16xf32>
    %swap3A = arith.constant 510 : i32
    %swap3A_1171 = arith.index_cast %swap3A : i32 to index
    %swap3A_1172 = memref.load %arg9[%swap3A_1171] : memref<512xf32, #tpu.memory_space<smem>>
    memref.store %reduce_sum3A_1170, %arg9[%swap3A_1171] : memref<512xf32, #tpu.memory_space<smem>>
    %dma_wait3A_1173 = arith.constant 1 : i32
    %dma_wait3A_1174 = arith.constant 1 : i32
    %dma_wait3A_1175 = arith.constant 0 : i32
    %dma_wait3A_1176 = arith.constant 0 : i32
    %dma_wait3A_1177 = tpu.memref_slice %arg10[%dma_wait3A_1173, %dma_wait3A_1175, %dma_wait3A_1176] : memref<15x32x128xf32, #tpu.memory_space<vmem>> -> memref<1x32x128xf32, #tpu.memory_space<vmem>>
    %dma_wait3A_1178 = tpu.memref_squeeze %dma_wait3A_1177 : memref<1x32x128xf32, #tpu.memory_space<vmem>> -> memref<32x128xf32, #tpu.memory_space<vmem>>
    %dma_wait3A_1179 = arith.constant 0 : i32
    %dma_wait3A_1180 = tpu.memref_slice %arg4[%dma_wait3A_1179, %multiple_of3A_1084] : memref<32x1000000xf32, #tpu.memory_space<hbm>> -> memref<32x128xf32, #tpu.memory_space<hbm>>
    %dma_wait3A_1181 = tpu.memref_slice %arg13[%dma_wait3A_1174] : memref<15x!tpu.dma_semaphore, #tpu.memory_space<semaphore_mem>> -> memref<1x!tpu.dma_semaphore, #tpu.memory_space<semaphore_mem>>
    %dma_wait3A_1182 = tpu.memref_squeeze %dma_wait3A_1181 : memref<1x!tpu.dma_semaphore, #tpu.memory_space<semaphore_mem>> -> memref<!tpu.dma_semaphore, #tpu.memory_space<semaphore_mem>>
    %dma_wait3A_1183 = arith.constant 0 : i32
    %dma_wait3A_1184 = arith.constant 0 : i32
    %dma_wait3A_1185 = tpu.memref_slice %arg10[%dma_wait3A_1173, %dma_wait3A_1183, %dma_wait3A_1184] : memref<15x32x128xf32, #tpu.memory_space<vmem>> -> memref<1x32x128xf32, #tpu.memory_space<vmem>>
    %dma_wait3A_1186 = tpu.memref_squeeze %dma_wait3A_1185 : memref<1x32x128xf32, #tpu.memory_space<vmem>> -> memref<32x128xf32, #tpu.memory_space<vmem>>
    %dma_wait3A_1187 = arith.constant 0 : i32
    %dma_wait3A_1188 = tpu.memref_slice %arg4[%dma_wait3A_1187, %multiple_of3A_1084] : memref<32x1000000xf32, #tpu.memory_space<hbm>> -> memref<32x128xf32, #tpu.memory_space<hbm>>
    tpu.wait_dma2 semaphore(%dma_wait3A_1182 : memref<!tpu.dma_semaphore, #tpu.memory_space<semaphore_mem>>) src(%dma_wait3A_1188 : memref<32x128xf32, #tpu.memory_space<hbm>>) dst(%dma_wait3A_1186 : memref<32x128xf32, #tpu.memory_space<vmem>>)
    %dma_wait3A_1189 = arith.constant 1 : i32
    %dma_wait3A_1190 = arith.constant 1 : i32
    %dma_wait3A_1191 = arith.constant 0 : i32
    %dma_wait3A_1192 = arith.constant 0 : i32
    %dma_wait3A_1193 = tpu.memref_slice %arg11[%dma_wait3A_1189, %dma_wait3A_1191, %dma_wait3A_1192] : memref<15x32x128xf32, #tpu.memory_space<vmem>> -> memref<1x32x128xf32, #tpu.memory_space<vmem>>
    %dma_wait3A_1194 = tpu.memref_squeeze %dma_wait3A_1193 : memref<1x32x128xf32, #tpu.memory_space<vmem>> -> memref<32x128xf32, #tpu.memory_space<vmem>>
    %dma_wait3A_1195 = arith.constant 0 : i32
    %dma_wait3A_1196 = tpu.memref_slice %arg5[%dma_wait3A_1195, %multiple_of3A_1089] : memref<32x1000000xf32, #tpu.memory_space<hbm>> -> memref<32x128xf32, #tpu.memory_space<hbm>>
    %dma_wait3A_1197 = tpu.memref_slice %arg14[%dma_wait3A_1190] : memref<15x!tpu.dma_semaphore, #tpu.memory_space<semaphore_mem>> -> memref<1x!tpu.dma_semaphore, #tpu.memory_space<semaphore_mem>>
    %dma_wait3A_1198 = tpu.memref_squeeze %dma_wait3A_1197 : memref<1x!tpu.dma_semaphore, #tpu.memory_space<semaphore_mem>> -> memref<!tpu.dma_semaphore, #tpu.memory_space<semaphore_mem>>
    %dma_wait3A_1199 = arith.constant 0 : i32
    %dma_wait3A_1200 = arith.constant 0 : i32
    %dma_wait3A_1201 = tpu.memref_slice %arg11[%dma_wait3A_1189, %dma_wait3A_1199, %dma_wait3A_1200] : memref<15x32x128xf32, #tpu.memory_space<vmem>> -> memref<1x32x128xf32, #tpu.memory_space<vmem>>
    %dma_wait3A_1202 = tpu.memref_squeeze %dma_wait3A_1201 : memref<1x32x128xf32, #tpu.memory_space<vmem>> -> memref<32x128xf32, #tpu.memory_space<vmem>>
    %dma_wait3A_1203 = arith.constant 0 : i32
    %dma_wait3A_1204 = tpu.memref_slice %arg5[%dma_wait3A_1203, %multiple_of3A_1089] : memref<32x1000000xf32, #tpu.memory_space<hbm>> -> memref<32x128xf32, #tpu.memory_space<hbm>>
    tpu.wait_dma2 semaphore(%dma_wait3A_1198 : memref<!tpu.dma_semaphore, #tpu.memory_space<semaphore_mem>>) src(%dma_wait3A_1204 : memref<32x128xf32, #tpu.memory_space<hbm>>) dst(%dma_wait3A_1202 : memref<32x128xf32, #tpu.memory_space<vmem>>)
    %broadcast_in_dim3A_1205 = arith.constant 1 : i32
    %broadcast_in_dim3A_1206 = vector.broadcast %broadcast_in_dim3A_1205 : i32 to vector<16xi32>
    %gather3A_1207 = tpu.vector_load_idx %arg10[%broadcast_in_dim3A_1206, %iota3A, %broadcast_in_dim3A_1092] : memref<15x32x128xf32, #tpu.memory_space<vmem>>[vector<16xi32>, vector<16xi32>, vector<16xi32>], vector<16xf32>,
    %gather3A_1208 = tpu.vector_load_idx %arg10[%broadcast_in_dim3A_1206, %add3A_5, %broadcast_in_dim3A_1092] : memref<15x32x128xf32, #tpu.memory_space<vmem>>[vector<16xi32>, vector<16xi32>, vector<16xi32>], vector<16xf32>,
    %gather3A_1209 = tpu.vector_load_idx %arg11[%broadcast_in_dim3A_1206, %iota3A, %broadcast_in_dim3A_1095] : memref<15x32x128xf32, #tpu.memory_space<vmem>>[vector<16xi32>, vector<16xi32>, vector<16xi32>], vector<16xf32>,
    %gather3A_1210 = tpu.vector_load_idx %arg11[%broadcast_in_dim3A_1206, %add3A_5, %broadcast_in_dim3A_1095] : memref<15x32x128xf32, #tpu.memory_space<vmem>>[vector<16xi32>, vector<16xi32>, vector<16xi32>], vector<16xf32>,
    %mul3A_1211 = arith.mulf %gather3A_1207, %gather3A_1209 : vector<16xf32>
    %mul3A_1212 = arith.mulf %gather3A_1208, %gather3A_1210 : vector<16xf32>
    %add3A_1213 = arith.addf %mul3A_1211, %mul3A_1212 : vector<16xf32>
    %reduce_sum3A_1214 = arith.constant true
    %reduce_sum3A_1215 = vector.broadcast %reduce_sum3A_1214 : i1 to vector<16xi1>
    %reduce_sum3A_1216 = tpu.scan <sum>, %add3A_1213 masked %reduce_sum3A_1215 : vector<16xf32>, vector<16xi1> -> vector<16xf32>
    %reduce_sum3A_1217 = vector.extract %reduce_sum3A_1216[15] : f32 from vector<16xf32>
    %swap3A_1218 = arith.constant 511 : i32
    %swap3A_1219 = arith.index_cast %swap3A_1218 : i32 to index
    %swap3A_1220 = memref.load %arg9[%swap3A_1219] : memref<512xf32, #tpu.memory_space<smem>>
    memref.store %reduce_sum3A_1217, %arg9[%swap3A_1219] : memref<512xf32, #tpu.memory_space<smem>>
    %scan3A_1221 = arith.constant 0 : i32
    %scan3A_1222 = arith.constant 0 : i32
    %scan3A_1223 = arith.constant 32 : i32
    %scan3A_1224 = arith.addi %scan3A_1222, %scan3A_1223 : i32
    %scan3A_1225 = arith.constant 1 : i32
    scf.for %scan3A_1227 = %scan3A_1222 to %scan3A_1224 step %scan3A_1225  : i32 {
      %broadcast_in_dim3A_1228 = arith.constant 0.000000e+00 : f32
      %broadcast_in_dim3A_1229 = vector.broadcast %broadcast_in_dim3A_1228 : f32 to vector<16xf32>
      %mul3A_1230 = arith.constant 16 : i32
      %mul3A_1231 = arith.muli %scan3A_1227, %mul3A_1230 : i32
      %add3A_1232 = arith.constant 0 : i32
      %add3A_1233 = arith.addi %mul3A_1231, %add3A_1232 : i32
      %get3A_1234 = arith.index_cast %add3A_1233 : i32 to index
      %get3A_1235 = memref.load %arg9[%get3A_1234] : memref<512xf32, #tpu.memory_space<smem>>
      %eq3A_1236 = arith.constant 0 : i32
      %eq3A_1237 = vector.broadcast %eq3A_1236 : i32 to vector<16xi32>
      %eq3A_1238 = arith.cmpi eq, %iota3A, %eq3A_1237 : vector<16xi32>
      %broadcast_in_dim3A_1239 = vector.broadcast %get3A_1235 : f32 to vector<16xf32>
      %select_n3A_1240 = arith.select %eq3A_1238, %broadcast_in_dim3A_1239, %broadcast_in_dim3A_1229 : vector<16xi1>, vector<16xf32>
      %mul3A_1241 = arith.constant 16 : i32
      %mul3A_1242 = arith.muli %scan3A_1227, %mul3A_1241 : i32
      %add3A_1243 = arith.constant 1 : i32
      %add3A_1244 = arith.addi %mul3A_1242, %add3A_1243 : i32
      %get3A_1245 = arith.index_cast %add3A_1244 : i32 to index
      %get3A_1246 = memref.load %arg9[%get3A_1245] : memref<512xf32, #tpu.memory_space<smem>>
      %eq3A_1247 = arith.constant 1 : i32
      %eq3A_1248 = vector.broadcast %eq3A_1247 : i32 to vector<16xi32>
      %eq3A_1249 = arith.cmpi eq, %iota3A, %eq3A_1248 : vector<16xi32>
      %broadcast_in_dim3A_1250 = vector.broadcast %get3A_1246 : f32 to vector<16xf32>
      %select_n3A_1251 = arith.select %eq3A_1249, %broadcast_in_dim3A_1250, %select_n3A_1240 : vector<16xi1>, vector<16xf32>
      %mul3A_1252 = arith.constant 16 : i32
      %mul3A_1253 = arith.muli %scan3A_1227, %mul3A_1252 : i32
      %add3A_1254 = arith.constant 2 : i32
      %add3A_1255 = arith.addi %mul3A_1253, %add3A_1254 : i32
      %get3A_1256 = arith.index_cast %add3A_1255 : i32 to index
      %get3A_1257 = memref.load %arg9[%get3A_1256] : memref<512xf32, #tpu.memory_space<smem>>
      %eq3A_1258 = arith.constant 2 : i32
      %eq3A_1259 = vector.broadcast %eq3A_1258 : i32 to vector<16xi32>
      %eq3A_1260 = arith.cmpi eq, %iota3A, %eq3A_1259 : vector<16xi32>
      %broadcast_in_dim3A_1261 = vector.broadcast %get3A_1257 : f32 to vector<16xf32>
      %select_n3A_1262 = arith.select %eq3A_1260, %broadcast_in_dim3A_1261, %select_n3A_1251 : vector<16xi1>, vector<16xf32>
      %mul3A_1263 = arith.constant 16 : i32
      %mul3A_1264 = arith.muli %scan3A_1227, %mul3A_1263 : i32
      %add3A_1265 = arith.constant 3 : i32
      %add3A_1266 = arith.addi %mul3A_1264, %add3A_1265 : i32
      %get3A_1267 = arith.index_cast %add3A_1266 : i32 to index
      %get3A_1268 = memref.load %arg9[%get3A_1267] : memref<512xf32, #tpu.memory_space<smem>>
      %eq3A_1269 = arith.constant 3 : i32
      %eq3A_1270 = vector.broadcast %eq3A_1269 : i32 to vector<16xi32>
      %eq3A_1271 = arith.cmpi eq, %iota3A, %eq3A_1270 : vector<16xi32>
      %broadcast_in_dim3A_1272 = vector.broadcast %get3A_1268 : f32 to vector<16xf32>
      %select_n3A_1273 = arith.select %eq3A_1271, %broadcast_in_dim3A_1272, %select_n3A_1262 : vector<16xi1>, vector<16xf32>
      %mul3A_1274 = arith.constant 16 : i32
      %mul3A_1275 = arith.muli %scan3A_1227, %mul3A_1274 : i32
      %add3A_1276 = arith.constant 4 : i32
      %add3A_1277 = arith.addi %mul3A_1275, %add3A_1276 : i32
      %get3A_1278 = arith.index_cast %add3A_1277 : i32 to index
      %get3A_1279 = memref.load %arg9[%get3A_1278] : memref<512xf32, #tpu.memory_space<smem>>
      %eq3A_1280 = arith.constant 4 : i32
      %eq3A_1281 = vector.broadcast %eq3A_1280 : i32 to vector<16xi32>
      %eq3A_1282 = arith.cmpi eq, %iota3A, %eq3A_1281 : vector<16xi32>
      %broadcast_in_dim3A_1283 = vector.broadcast %get3A_1279 : f32 to vector<16xf32>
      %select_n3A_1284 = arith.select %eq3A_1282, %broadcast_in_dim3A_1283, %select_n3A_1273 : vector<16xi1>, vector<16xf32>
      %mul3A_1285 = arith.constant 16 : i32
      %mul3A_1286 = arith.muli %scan3A_1227, %mul3A_1285 : i32
      %add3A_1287 = arith.constant 5 : i32
      %add3A_1288 = arith.addi %mul3A_1286, %add3A_1287 : i32
      %get3A_1289 = arith.index_cast %add3A_1288 : i32 to index
      %get3A_1290 = memref.load %arg9[%get3A_1289] : memref<512xf32, #tpu.memory_space<smem>>
      %eq3A_1291 = arith.constant 5 : i32
      %eq3A_1292 = vector.broadcast %eq3A_1291 : i32 to vector<16xi32>
      %eq3A_1293 = arith.cmpi eq, %iota3A, %eq3A_1292 : vector<16xi32>
      %broadcast_in_dim3A_1294 = vector.broadcast %get3A_1290 : f32 to vector<16xf32>
      %select_n3A_1295 = arith.select %eq3A_1293, %broadcast_in_dim3A_1294, %select_n3A_1284 : vector<16xi1>, vector<16xf32>
      %mul3A_1296 = arith.constant 16 : i32
      %mul3A_1297 = arith.muli %scan3A_1227, %mul3A_1296 : i32
      %add3A_1298 = arith.constant 6 : i32
      %add3A_1299 = arith.addi %mul3A_1297, %add3A_1298 : i32
      %get3A_1300 = arith.index_cast %add3A_1299 : i32 to index
      %get3A_1301 = memref.load %arg9[%get3A_1300] : memref<512xf32, #tpu.memory_space<smem>>
      %eq3A_1302 = arith.constant 6 : i32
      %eq3A_1303 = vector.broadcast %eq3A_1302 : i32 to vector<16xi32>
      %eq3A_1304 = arith.cmpi eq, %iota3A, %eq3A_1303 : vector<16xi32>
      %broadcast_in_dim3A_1305 = vector.broadcast %get3A_1301 : f32 to vector<16xf32>
      %select_n3A_1306 = arith.select %eq3A_1304, %broadcast_in_dim3A_1305, %select_n3A_1295 : vector<16xi1>, vector<16xf32>
      %mul3A_1307 = arith.constant 16 : i32
      %mul3A_1308 = arith.muli %scan3A_1227, %mul3A_1307 : i32
      %add3A_1309 = arith.constant 7 : i32
      %add3A_1310 = arith.addi %mul3A_1308, %add3A_1309 : i32
      %get3A_1311 = arith.index_cast %add3A_1310 : i32 to index
      %get3A_1312 = memref.load %arg9[%get3A_1311] : memref<512xf32, #tpu.memory_space<smem>>
      %eq3A_1313 = arith.constant 7 : i32
      %eq3A_1314 = vector.broadcast %eq3A_1313 : i32 to vector<16xi32>
      %eq3A_1315 = arith.cmpi eq, %iota3A, %eq3A_1314 : vector<16xi32>
      %broadcast_in_dim3A_1316 = vector.broadcast %get3A_1312 : f32 to vector<16xf32>
      %select_n3A_1317 = arith.select %eq3A_1315, %broadcast_in_dim3A_1316, %select_n3A_1306 : vector<16xi1>, vector<16xf32>
      %mul3A_1318 = arith.constant 16 : i32
      %mul3A_1319 = arith.muli %scan3A_1227, %mul3A_1318 : i32
      %add3A_1320 = arith.constant 8 : i32
      %add3A_1321 = arith.addi %mul3A_1319, %add3A_1320 : i32
      %get3A_1322 = arith.index_cast %add3A_1321 : i32 to index
      %get3A_1323 = memref.load %arg9[%get3A_1322] : memref<512xf32, #tpu.memory_space<smem>>
      %eq3A_1324 = arith.constant 8 : i32
      %eq3A_1325 = vector.broadcast %eq3A_1324 : i32 to vector<16xi32>
      %eq3A_1326 = arith.cmpi eq, %iota3A, %eq3A_1325 : vector<16xi32>
      %broadcast_in_dim3A_1327 = vector.broadcast %get3A_1323 : f32 to vector<16xf32>
      %select_n3A_1328 = arith.select %eq3A_1326, %broadcast_in_dim3A_1327, %select_n3A_1317 : vector<16xi1>, vector<16xf32>
      %mul3A_1329 = arith.constant 16 : i32
      %mul3A_1330 = arith.muli %scan3A_1227, %mul3A_1329 : i32
      %add3A_1331 = arith.constant 9 : i32
      %add3A_1332 = arith.addi %mul3A_1330, %add3A_1331 : i32
      %get3A_1333 = arith.index_cast %add3A_1332 : i32 to index
      %get3A_1334 = memref.load %arg9[%get3A_1333] : memref<512xf32, #tpu.memory_space<smem>>
      %eq3A_1335 = arith.constant 9 : i32
      %eq3A_1336 = vector.broadcast %eq3A_1335 : i32 to vector<16xi32>
      %eq3A_1337 = arith.cmpi eq, %iota3A, %eq3A_1336 : vector<16xi32>
      %broadcast_in_dim3A_1338 = vector.broadcast %get3A_1334 : f32 to vector<16xf32>
      %select_n3A_1339 = arith.select %eq3A_1337, %broadcast_in_dim3A_1338, %select_n3A_1328 : vector<16xi1>, vector<16xf32>
      %mul3A_1340 = arith.constant 16 : i32
      %mul3A_1341 = arith.muli %scan3A_1227, %mul3A_1340 : i32
      %add3A_1342 = arith.constant 10 : i32
      %add3A_1343 = arith.addi %mul3A_1341, %add3A_1342 : i32
      %get3A_1344 = arith.index_cast %add3A_1343 : i32 to index
      %get3A_1345 = memref.load %arg9[%get3A_1344] : memref<512xf32, #tpu.memory_space<smem>>
      %eq3A_1346 = arith.constant 10 : i32
      %eq3A_1347 = vector.broadcast %eq3A_1346 : i32 to vector<16xi32>
      %eq3A_1348 = arith.cmpi eq, %iota3A, %eq3A_1347 : vector<16xi32>
      %broadcast_in_dim3A_1349 = vector.broadcast %get3A_1345 : f32 to vector<16xf32>
      %select_n3A_1350 = arith.select %eq3A_1348, %broadcast_in_dim3A_1349, %select_n3A_1339 : vector<16xi1>, vector<16xf32>
      %mul3A_1351 = arith.constant 16 : i32
      %mul3A_1352 = arith.muli %scan3A_1227, %mul3A_1351 : i32
      %add3A_1353 = arith.constant 11 : i32
      %add3A_1354 = arith.addi %mul3A_1352, %add3A_1353 : i32
      %get3A_1355 = arith.index_cast %add3A_1354 : i32 to index
      %get3A_1356 = memref.load %arg9[%get3A_1355] : memref<512xf32, #tpu.memory_space<smem>>
      %eq3A_1357 = arith.constant 11 : i32
      %eq3A_1358 = vector.broadcast %eq3A_1357 : i32 to vector<16xi32>
      %eq3A_1359 = arith.cmpi eq, %iota3A, %eq3A_1358 : vector<16xi32>
      %broadcast_in_dim3A_1360 = vector.broadcast %get3A_1356 : f32 to vector<16xf32>
      %select_n3A_1361 = arith.select %eq3A_1359, %broadcast_in_dim3A_1360, %select_n3A_1350 : vector<16xi1>, vector<16xf32>
      %mul3A_1362 = arith.constant 16 : i32
      %mul3A_1363 = arith.muli %scan3A_1227, %mul3A_1362 : i32
      %add3A_1364 = arith.constant 12 : i32
      %add3A_1365 = arith.addi %mul3A_1363, %add3A_1364 : i32
      %get3A_1366 = arith.index_cast %add3A_1365 : i32 to index
      %get3A_1367 = memref.load %arg9[%get3A_1366] : memref<512xf32, #tpu.memory_space<smem>>
      %eq3A_1368 = arith.constant 12 : i32
      %eq3A_1369 = vector.broadcast %eq3A_1368 : i32 to vector<16xi32>
      %eq3A_1370 = arith.cmpi eq, %iota3A, %eq3A_1369 : vector<16xi32>
      %broadcast_in_dim3A_1371 = vector.broadcast %get3A_1367 : f32 to vector<16xf32>
      %select_n3A_1372 = arith.select %eq3A_1370, %broadcast_in_dim3A_1371, %select_n3A_1361 : vector<16xi1>, vector<16xf32>
      %mul3A_1373 = arith.constant 16 : i32
      %mul3A_1374 = arith.muli %scan3A_1227, %mul3A_1373 : i32
      %add3A_1375 = arith.constant 13 : i32
      %add3A_1376 = arith.addi %mul3A_1374, %add3A_1375 : i32
      %get3A_1377 = arith.index_cast %add3A_1376 : i32 to index
      %get3A_1378 = memref.load %arg9[%get3A_1377] : memref<512xf32, #tpu.memory_space<smem>>
      %eq3A_1379 = arith.constant 13 : i32
      %eq3A_1380 = vector.broadcast %eq3A_1379 : i32 to vector<16xi32>
      %eq3A_1381 = arith.cmpi eq, %iota3A, %eq3A_1380 : vector<16xi32>
      %broadcast_in_dim3A_1382 = vector.broadcast %get3A_1378 : f32 to vector<16xf32>
      %select_n3A_1383 = arith.select %eq3A_1381, %broadcast_in_dim3A_1382, %select_n3A_1372 : vector<16xi1>, vector<16xf32>
      %mul3A_1384 = arith.constant 16 : i32
      %mul3A_1385 = arith.muli %scan3A_1227, %mul3A_1384 : i32
      %add3A_1386 = arith.constant 14 : i32
      %add3A_1387 = arith.addi %mul3A_1385, %add3A_1386 : i32
      %get3A_1388 = arith.index_cast %add3A_1387 : i32 to index
      %get3A_1389 = memref.load %arg9[%get3A_1388] : memref<512xf32, #tpu.memory_space<smem>>
      %eq3A_1390 = arith.constant 14 : i32
      %eq3A_1391 = vector.broadcast %eq3A_1390 : i32 to vector<16xi32>
      %eq3A_1392 = arith.cmpi eq, %iota3A, %eq3A_1391 : vector<16xi32>
      %broadcast_in_dim3A_1393 = vector.broadcast %get3A_1389 : f32 to vector<16xf32>
      %select_n3A_1394 = arith.select %eq3A_1392, %broadcast_in_dim3A_1393, %select_n3A_1383 : vector<16xi1>, vector<16xf32>
      %mul3A_1395 = arith.constant 16 : i32
      %mul3A_1396 = arith.muli %scan3A_1227, %mul3A_1395 : i32
      %add3A_1397 = arith.constant 15 : i32
      %add3A_1398 = arith.addi %mul3A_1396, %add3A_1397 : i32
      %get3A_1399 = arith.index_cast %add3A_1398 : i32 to index
      %get3A_1400 = memref.load %arg9[%get3A_1399] : memref<512xf32, #tpu.memory_space<smem>>
      %eq3A_1401 = arith.constant 15 : i32
      %eq3A_1402 = vector.broadcast %eq3A_1401 : i32 to vector<16xi32>
      %eq3A_1403 = arith.cmpi eq, %iota3A, %eq3A_1402 : vector<16xi32>
      %broadcast_in_dim3A_1404 = vector.broadcast %get3A_1400 : f32 to vector<16xf32>
      %select_n3A_1405 = arith.select %eq3A_1403, %broadcast_in_dim3A_1404, %select_n3A_1394 : vector<16xi1>, vector<16xf32>
      %mul3A_1406 = arith.constant 16 : i32
      %mul3A_1407 = arith.muli %scan3A_1227, %mul3A_1406 : i32
      %swap3A_1408 = arith.index_cast %mul3A_1407 : i32 to index
      %swap3A_1409 = tpu.vector_load %arg12[%swap3A_1408] {strides = array<i32>} : memref<512xf32, #tpu.memory_space<vmem>>, vector<16xf32>,
      tpu.vector_store %arg12[%swap3A_1408], %select_n3A_1405 {strides = array<i32>} : memref<512xf32, #tpu.memory_space<vmem>>, vector<16xf32>,
    }
    %scan3A_1226 = arith.constant 32 : i32
    "tpu.region"() ({
      %run_scoped3A = tpu.sem_alloc : memref<!tpu.dma_semaphore, #tpu.memory_space<semaphore_mem>>
      %dma_start3A_1227 = tpu.memref_slice %arg6[%mul3A_2] : memref<16384xf32, #tpu.memory_space<hbm>> -> memref<512xf32, #tpu.memory_space<hbm>>
      %dma_start3A_1228 = tpu.memref_slice %arg6[%mul3A_2] : memref<16384xf32, #tpu.memory_space<hbm>> -> memref<512xf32, #tpu.memory_space<hbm>>
      tpu.enqueue_dma source(%arg12 : memref<512xf32, #tpu.memory_space<vmem>>) target(%dma_start3A_1228 : memref<512xf32, #tpu.memory_space<hbm>>) target_semaphore(%run_scoped3A : memref<!tpu.dma_semaphore, #tpu.memory_space<semaphore_mem>>)
      %dma_wait3A_1229 = tpu.memref_slice %arg6[%mul3A_2] : memref<16384xf32, #tpu.memory_space<hbm>> -> memref<512xf32, #tpu.memory_space<hbm>>
      %dma_wait3A_1230 = tpu.memref_slice %arg6[%mul3A_2] : memref<16384xf32, #tpu.memory_space<hbm>> -> memref<512xf32, #tpu.memory_space<hbm>>
      tpu.wait_dma2 semaphore(%run_scoped3A : memref<!tpu.dma_semaphore, #tpu.memory_space<semaphore_mem>>) src(%arg12 : memref<512xf32, #tpu.memory_space<vmem>>) dst(%dma_wait3A_1230 : memref<512xf32, #tpu.memory_space<hbm>>)
      tpu.yield
    }) : () -> ()
    return
  }
}

</mosaic_0001>

<sc_bundles>
// kernel: kernel.3.cloned.1.call-start
scs
__scs_entry_jumppad:
0x0: {  	(pc) =	sbr.rel $0x88, $3  }
0x1: {  	(tag) =	ssettag $0x0;
	lr =	simm.s32 $0x1  }
0x2: {  	[smem:$0x3F9D] =	sst lr;
	_ =	strace $0xD0000000  }
0x3: {  	_ = 	snop  }
0x4: {  	_ = 	snop  }
0x5: {  	_ = 	snop  }
0x6: {  	_ = 	snop  }
0x7: {  	_ = 	snop  }
__scs_overlays_trampoline_lowered:
0x8: {  	[smem:$0x3FAC] =	sst s0  }
0x9: {  	[smem:$0x3FAD] =	sst s1  }
0xa: {  	[smem:$0x3FAE] =	sst s2  }
0xb: {  	[smem:$0x3FAF] =	sst s3  }
0xc: {  	[smem:$0x3FB0] =	sst s4  }
0xd: {  	[smem:$0x3FB1] =	sst s5  }
0xe: {  	[smem:$0x3FB2] =	sst s6  }
0xf: {  	[smem:$0x3FB3] =	sst s7  }
0x10: {  	[smem:$0x3FB4] =	sst s8  }
0x11: {  	[smem:$0x3FB5] =	sst s9;
	s0 =	simm.s32 @!p0 $0x0  }
0x12: {  	s1 =	sld [smem:$0x3F9B];
	s0 =	simm.s32 @p0 $0x1  }
0x13: {  	[smem:$0x3FB6] =	sst s0;
	s0 =	simm.s32 @!p1 $0x0  }
0x14: {  	s2 =	sld [smem:$0x3F9A];
	s0 =	simm.s32 @p1 $0x1  }
0x15: {  	[smem:$0x3FB7] =	sst s0;
	s0 =	simm.s32 @!p2 $0x0  }
0x16: {  	s3 =	sld [smem:$0x3FDB];
	s0 =	simm.s32 @p2 $0x1  }
0x17: {  	s4 =	simm.s32 $0x1BF5;
	[smem:$0x3FB9] =	sst s0  }
0x18: {  	s0 =	sld [smem:$0x3F9C];
	_ =	swait.ge [sflag:s4], $0x0  }
0x19: {  	s7 =	sld [smem:$0x3F9D]  }
0x1a: {  	s8 =	sadd.s32 $0xFFFFE003, lr  }
0x1b: {  	s9 =	sadd.s32 $0xFFFFFEF7, lr;
	s5 =	simm.s32 $0xFFFFFFFF;
	p2 =	slt.u32 s8, $0xFFFFF086  }
0x1c: {  	p1 =	slt.u32 s9, $0xF7A;
	s5 =	simm.s32 @!p2 $0x0  }
0x1d: {  	s5 =	simm.s32 @p1 $0x1;
	p0 =	seq.s32 s7, s2  }
0x1e: {  	s7 =	smul.u32 @!p0 $0xF7A, s2;
	p2 =	seq.s32 @!p0 s5, $0x0  }
0x1f: {  	s9 =	smul.u32 $0xF7A, s1;
	s8 =	simm.s32 @!p0 $0x1BF5;
	p2 =	por !p2, p0  }
0x20: {  	[sflag:s8] =	ssyncset.s32 @!p0 $0xFFFFF086;
	s6 =	sadd.s32 @!p0 s3, s7;
	s7 =	simm.s32 @!p0 $0x108  }
0x21: {  	s3 =	sadd.s32 s3, s9;
	s6 =	sadd.s32 @!p0 $0x88, s6;
	s7 =	simm.s32 @p2 $0x1082  }
0x22: {  	[simem:s7], [sflag:s8] =	dma.local @!p0 [hbm:s6], $0xF7A  }
0x23: {  	s9 =	sor.u32 $0xD0000000, s2;
	s6 =	simm.s32 $0x108;
	_ =	swait.ge @!p0 [sflag:s8], $0x0  }
0x24: {  	s3 =	sadd.s32 $0x88, s3;
	s6 =	simm.s32 @!p1 $0x1082;
	[sflag:s4] =	ssyncset.s32 $0xFFFFF086  }
0x25: {  	[simem:s6], [sflag:s4] =	dma.local [hbm:s3], $0xF7A  }
0x26: {  	[smem:$0x3F9D] =	sst s1;
	(tag) =	ssettag s2;
	_ =	strace s9  }
0x27: {  	s1 =	sld [smem:$0x3FAD]  }
0x28: {  	s2 =	sld [smem:$0x3FAE]  }
0x29: {  	s4 =	sld [smem:$0x3FB0]  }
0x2a: {  	p0 =	seq.s32 s5, $0x0;
	s5 =	sld [smem:$0x3FB1]  }
0x2b: {  	s6 =	sld [smem:$0x3FB2]  }
0x2c: {  	s7 =	sld [smem:$0x3FB3]  }
0x2d: {  	s3 =	simm.s32 $0x108;
	s8 =	sld [smem:$0x3FB4]  }
0x2e: {  	s3 =	simm.s32 @!p0 $0x1082;
	s9 =	sld [smem:$0x3FB5]  }
0x2f: {  	lr =	sadd.s32 s0, s3;
	s0 =	sld [smem:$0x3FAC]  }
0x30: {  	s3 =	sld [smem:$0x3FAF]  }
0x31: {  	[smem:$0x3FB8] =	sst s10  }
0x32: {  	s10 =	sld [smem:$0x3FB6];
	_ =	sdelay $0x3  }
0x33: {  	p0 =	seq.s32 s10, $0x1;
	s10 =	sld [smem:$0x3FB8];
	_ =	sdelay $0x3  }
0x34: {  	[smem:$0x3FB8] =	sst s10  }
0x35: {  	s10 =	sld [smem:$0x3FB7];
	_ =	sdelay $0x3  }
0x36: {  	p1 =	seq.s32 s10, $0x1;
	s10 =	sld [smem:$0x3FB8];
	_ =	sdelay $0x3  }
0x37: {  	[smem:$0x3FB8] =	sst s10  }
0x38: {  	s10 =	sld [smem:$0x3FB9]  }
0x39: {  	_ = 	snop;
	(pc) =	sbr.ind lr, $3  }
0x3a: {  	_ = 	snop  }
0x3b: {  	_ = 	snop  }
0x3c: {  	p2 =	seq.s32 s10, $0x1;
	s10 =	sld [smem:$0x3FB8]  }
0x3d: {  	_ =	shalt  }
0x3e: {  	_ =	shalt  }
0x3f: {  	_ =	shalt  }
0x40: {  	_ =	shalt  }
0x41: {  	_ =	shalt  }
0x42: {  	_ =	shalt  }
0x43: {  	_ =	shalt  }
0x44: {  	_ =	shalt  }
0x45: {  	_ =	shalt  }
0x46: {  	_ =	shalt  }
0x47: {  	_ =	shalt  }
0x48: {  	_ =	shalt  }
0x49: {  	_ =	shalt  }
0x4a: {  	_ =	shalt  }
0x4b: {  	_ =	shalt  }
0x4c: {  	_ =	shalt  }
0x4d: {  	_ =	shalt  }
0x4e: {  	_ =	shalt  }
0x4f: {  	_ =	shalt  }
0x50: {  	_ =	shalt  }
0x51: {  	_ =	shalt  }
0x52: {  	_ =	shalt  }
0x53: {  	_ =	shalt  }
0x54: {  	_ =	shalt  }
0x55: {  	_ =	shalt  }
0x56: {  	_ =	shalt  }
0x57: {  	_ =	shalt  }
0x58: {  	_ =	shalt  }
0x59: {  	_ =	shalt  }
0x5a: {  	_ =	shalt  }
0x5b: {  	_ =	shalt  }
0x5c: {  	_ =	shalt  }
0x5d: {  	_ =	shalt  }
0x5e: {  	_ =	shalt  }
0x5f: {  	_ =	shalt  }
0x60: {  	_ =	shalt  }
0x61: {  	_ =	shalt  }
0x62: {  	_ =	shalt  }
0x63: {  	_ =	shalt  }
0x64: {  	_ =	shalt  }
0x65: {  	_ =	shalt  }
0x66: {  	_ =	shalt  }
0x67: {  	_ =	shalt  }
0x68: {  	_ =	shalt  }
0x69: {  	_ =	shalt  }
0x6a: {  	_ =	shalt  }
0x6b: {  	_ =	shalt  }
0x6c: {  	_ =	shalt  }
0x6d: {  	_ =	shalt  }
0x6e: {  	_ =	shalt  }
0x6f: {  	_ =	shalt  }
0x70: {  	_ =	shalt  }
0x71: {  	_ =	shalt  }
0x72: {  	_ =	shalt  }
0x73: {  	_ =	shalt  }
0x74: {  	_ =	shalt  }
0x75: {  	_ =	shalt  }
0x76: {  	_ =	shalt  }
0x77: {  	_ =	shalt  }
0x78: {  	_ =	shalt  }
0x79: {  	_ =	shalt  }
0x7a: {  	_ =	shalt  }
0x7b: {  	_ =	shalt  }
0x7c: {  	_ =	shalt  }
0x7d: {  	_ =	shalt  }
0x7e: {  	_ =	shalt  }
0x7f: {  	_ =	shalt  }
0x80: {  	_ =	shalt  }
0x81: {  	_ =	shalt  }
0x82: {  	_ =	shalt  }
0x83: {  	_ =	shalt  }
0x84: {  	_ =	shalt  }
0x85: {  	_ =	shalt  }
0x86: {  	_ =	shalt  }
0x87: {  	_ =	shalt  }
.Lfunc_end0:
.L_simem_size_0:
called_computation_lowered:
.L_overlay_start_0:
0x88: {  	s2 =	sld [smem:$0x3FD9]  }
0x89: {  	s3 =	sld [smem:$0x3FFE];
	_ =	sdelay $0x1  }
0x8a: {  	s1 =	srdreg.scid  }
0x8b: {  	s0 =	sand.u32 $0x1, s1  }
0x8c: {  	s18 =	sshll.u32 s0, $0xA;
	s2 =	sadd.s32 s3, s2  }
0x8d: {  	s2 =	sadd.s32 s2, s18  }
0x8e: {  	[smem:$0x3FC4] =	sst s2  }
0x8f: {  	_ = 	snop  }
0x90: {  	s2 =	sld [smem:$0x3FC9]  }
0x91: {  	s19 =	sld [smem:$0x3FC8]  }
0x92: {  	s4 =	sld [smem:$0x3FC7]  }
0x93: {  	s5 =	sld [smem:$0x3FC6]  }
0x94: {  	s6 =	sld [smem:$0x3FD0];
	(tm) =	ssettm $0x1  }
0x95: {  	s7 =	sld [smem:$0x3FFB];
	_ =	sdelay $0x3  }
0x96: {  	_ =	strace s7  }
0x97: {  	s7 =	sld [smem:$0x3FFC];
	_ =	sdelay $0x3  }
0x98: {  	_ =	strace s7  }
0x99: {  	s7 =	sld [smem:$0x3FFD];
	_ =	sdelay $0x3  }
0x9a: {  	_ =	strace s7  }
0x9b: {  	_ =	strace $0x8FFFFFFF  }
0x9c: {  	s20 =	sld [smem:$0x3FDB];
	_ =	sdelay $0x1  }
0x9d: {  	s8 =	simm.s32 $_scs_section_size  }
0x9e: {  	s9 =	simm.s32 $_size__tile_overlayer_lowered;
	s10 =	simm.s32 $_tile_overlayer_lowered  }
0x9f: {  	s23 =	simm.s32 $0x1BFF;
	s22 =	sshll.u32 s10, $0x1;
	s7 =	sadd.s32 s8, s20  }
0xa0: {  	s11 =	simm.s32 $0x0;
	s21 =	sshll.u32 s9, $0x1;
	s9 =	sadd.s32 s22, s7  }
0xa1: {  	[timem:s11], [sflag:s23] =	dma.local [hbm:s9], s21  }
0xa2: {  	_ =	swait.ge [sflag:s23], s21  }
0xa3: {  	s8 =	ssub.s32 $0x0, s21;
	[sflag:s23] =	ssyncset.done $0x0  }
0xa4: {  	[sflag:s23] =	ssyncadd.s32 s8;
	_ =	sdelay $0x1  }
0xa5: {  	s24 =	simm.s32 $0x1B8B  }
0xa6: {  	_ =	swait.ge [sflag:s24], $0x1  }
0xa7: {  	[sflag:s24] =	ssyncset.done $0x0  }
0xa8: {  	s25 =	simm.s32 $0x1B8E;
	[sflag:s24] =	ssyncadd.s32 $0xFFFFFFFF  }
0xa9: {  	s26 =	simm.s32 $execute0_lowered;
	[smem:$0x3FD2] =	sst s25  }
0xaa: {  	s8 =	sshll.u32 s26, $0x1;
	_ =	strace $0x80000046;
	[dreg:$0x1] =	wrdreg $0xFFFFFFFF  }
0xab: {  	s28 =	simm.s32 $_size_execute0_lowered;
	s7 =	sadd.s32 s7, s8;
	[dreg:$0x0] =	wrdreg $0x0  }
0xac: {  	s8 =	sshll.u32 s28, $0x1;
	[dreg:$0x2] =	wrdreg s7  }
0xad: {  	[dreg:$0x3] =	wrdreg s8  }
0xae: {  	[dreg:$0x4] =	wrdreg $0xC0  }
0xaf: {  	_ =	task [dreg:s11], $0x5FFFF  }
0xb0: {  	[dreg:$0x1] =	wrdreg $0xFFFFFFFF  }
0xb1: {  	[dreg:$0x0] =	wrdreg $0x60  }
0xb2: {  	[dreg:$0x2] =	wrdreg s2  }
0xb3: {  	[dreg:$0x3] =	wrdreg s19  }
0xb4: {  	[dreg:$0x4] =	wrdreg s4  }
0xb5: {  	[dreg:$0x5] =	wrdreg s5  }
0xb6: {  	[dreg:$0x6] =	wrdreg s6  }
0xb7: {  	[dreg:$0x7] =	wrdreg $0x9  }
0xb8: {  	_ =	task.clear_ibuf [dreg:s11], $0x8FFFF;
	_ =	strace $0x90000046  }
0xb9: {  	s29 =	simm.s32 $0x9;
	_ =	strace $0x80000048  }
0xba: {  	_ =	swait.ge [sflag:s29], $0x1  }
0xbb: {  	[sflag:s29] =	ssyncadd.s32 $0xFFFFFFFF  }
0xbc: {  	_ =	strace $0x90000048  }
0xbd: {  	_ =	sfence  }
0xbe: {  	s30 =	sld [smem:$0x0];
	_ =	sdelay $0x2  }
0xbf: {  	s31 =	sshll.u32 s1, $0xD;
	s1 =	sshrl.u32 s1, $0x2  }
0xc0: {  	s3 =	sand.u32 $0x4000, s31;
	s1 =	sadd.s32 s1, s30  }
0xc1: {  	s0 =	sor.u32 s3, s0;
	s1 =	sshll.u32 s1, $0x11  }
0xc2: {  	s0 =	sor.u32 s1, s0  }
0xc3: {  	s0 =	sadd.s32 $0x8F2B, s0  }
0xc4: {  	[sflag:s0] =	ssyncadd.remote.s32 $0x1  }
0xc5: {  	_ =	sfence.sel $0xFFFF  }
0xc6: {  	[dreg:$0x0] =	wrdreg $0xFFFFFFFF;
	(pc) =	sbr.abs _section_cstart, $3  }
0xc7: {  	[dreg:$0x1] =	wrdreg $0xFFFFFFFF  }
0xc8: {  	_ =	task.clear_ibuf [dreg:s11], $0x2FFFF;
	_ =	strace $0x9FFFFFFF  }
0xc9: {  	(tm) =	ssettm $0x7FFFFFFF  }
tec
execute0_lowered:
.L_overlay_start_1:
0x0: {  	(tag) =	ssettag $0x1  }
0x1: {  	s0 =	rddreg [dreg:$0x0]  }
0x2: {  	s1 =	rddreg [dreg:$0x1]  }
0x3: {  	s8 =	rddreg [dreg:$0x2]  }
0x4: {  	s9 =	rddreg [dreg:$0x3]  }
0x5: {  	s2 =	rddreg [dreg:$0x4];
	s7 =	simm.s32 $0x0  }
0x6: {  	s3 =	simm.s32 $0x2400;
	[smem:$0x7FF] =	sst s7  }
0x7: {  	s25 =	simm.s32 $0x11400;
	_ =	strace $0x80000047;
	[dreg:$0x6] =	wrdreg s3  }
0x8: {  	s26 =	simm.s32 $0x3400;
	[dreg:$0x7] =	wrdreg s25  }
0x9: {  	s28 =	simm.s32 $0x12400;
	[dreg:$0x8] =	wrdreg s26  }
0xa: {  	s29 =	simm.s32 $0x4400;
	[dreg:$0x9] =	wrdreg s28  }
0xb: {  	s30 =	simm.s32 $0x13400;
	[dreg:$0xa] =	wrdreg s29  }
0xc: {  	s31 =	simm.s32 $0x5400;
	[dreg:$0xb] =	wrdreg s30  }
0xd: {  	s5 =	simm.s32 $0x14400;
	[dreg:$0xc] =	wrdreg s31  }
0xe: {  	s6 =	simm.s32 $0x6400;
	[dreg:$0xd] =	wrdreg s5  }
0xf: {  	s11 =	simm.s32 $0x15400;
	[dreg:$0xe] =	wrdreg s6  }
0x10: {  	s12 =	simm.s32 $0x7400;
	[dreg:$0xf] =	wrdreg s11  }
0x11: {  	s13 =	simm.s32 $0x16400;
	[dreg:$0x10] =	wrdreg s12  }
0x12: {  	s15 =	simm.s32 $0x8400;
	[dreg:$0x11] =	wrdreg s13  }
0x13: {  	s16 =	simm.s32 $0x17400;
	[dreg:$0x12] =	wrdreg s15  }
0x14: {  	s17 =	simm.s32 $0x9400;
	[dreg:$0x13] =	wrdreg s16  }
0x15: {  	s18 =	simm.s32 $0x18400;
	[dreg:$0x14] =	wrdreg s17  }
0x16: {  	s4 =	srdreg.scid;
	s19 =	simm.s32 $0xA400;
	[dreg:$0x15] =	wrdreg s18  }
0x17: {  	s10 =	stileid.u32;
	s21 =	simm.s32 $0x19400;
	[dreg:$0x16] =	wrdreg s19  }
0x18: {  	s23 =	simm.s32 $0xB400;
	s24 =	simm.s32 $0x1A400;
	vm0 =	vmmov $0x1;
	[dreg:$0x17] =	wrdreg s21  }
0x19: {  	v0 =	vimm.s32 $0x0;
	vm15 =	vcmask $0x300;
	vm1 =	vcmask $0x704;
	s4 =	sand.u32 $0x1, s4;
	s14 =	sshll.u32 s10, $0x7;
	[dreg:$0x18] =	wrdreg s23  }
0x1a: {  	vm2 =	vcmask $0xB08;
	vm3 =	vcmask $0xF0C;
	vm4 =	vcmask $0x1310;
	s10 =	simm.s32 $0x1400;
	[dreg:$0x19] =	wrdreg s24;
	s25 =	simm.s32 $0xC400  }
0x1b: {  	vm5 =	vcmask $0x1714;
	vm6 =	vcmask $0x1B18;
	v0 =	vsel vm0, $0xFFFFFFFF, v0;
	s5 =	ssub.s32 $0x2, s4;
	s26 =	simm.s32 $0x1B400;
	[dreg:$0x1a] =	wrdreg s25  }
0x1c: {  	vm7 =	vcmask $0x1F1C;
	vm8 =	vcmask $0x2320;
	s4 =	sshll.u32 s4, $0x6;
	[tilespmem:$0x1FFF0] =	vst v0;
	s28 =	simm.s32 $0xD400;
	v0 =	vlaneseq.u32;
	[dreg:$0x1b] =	wrdreg s26  }
0x1d: {  	vm9 =	vcmask $0x2724;
	vm10 =	vcmask $0x2B28;
	s16 =	simm.s32 $0x7A1400;
	s29 =	simm.s32 $0x1C400;
	[dreg:$0x1c] =	wrdreg s28;
	v1 =	vmul.u32 $0x80, v0  }
0x1e: {  	vm11 =	vcmask $0x2F2C;
	vm12 =	vcmask $0x3330;
	vm13 =	vcmask $0x3734;
	s12 =	simm.s32 $0x400;
	s30 =	simm.s32 $0xE400;
	[dreg:$0x1d] =	wrdreg s29  }
0x1f: {  	vm0 =	vcmask $0x3B38;
	s31 =	simm.s32 $0x1D400;
	s4 =	sor.u32 s4, s14;
	[dreg:$0x1e] =	wrdreg s30;
	v2 =	vor.u32 $0x800, v1;
	v3 =	vor.u32 $0x1000, v1  }
0x20: {  	s13 =	simm.s32 $0xF400;
	[dreg:$0x1f] =	wrdreg s31;
	s0 =	sadd.s32 s0, s4;
	v4 =	vor.u32 $0x1800, v1;
	v5 =	vor.u32 $0x2000, v1;
	v6 =	vor.u32 $0x2800, v1  }
0x21: {  	s6 =	sshrl.u32 s5, $0x1;
	s1 =	sadd.s32 s1, s4;
	[smem:$0x7FA] =	sst s0;
	v7 =	vor.u32 $0x3000, v1;
	v8 =	vor.u32 $0x3800, v1;
	v9 =	vor.u32 $0x4000, v1  }
0x22: {  	s5 =	ssub.s32 s5, s6;
	s20 =	sadd.s32 s2, s4;
	[smem:$0x7FB] =	sst s1;
	v10 =	vor.u32 $0x4800, v1;
	v11 =	vor.u32 $0x5000, v1;
	v12 =	vor.u32 $0x5800, v1  }
0x23: {  	s11 =	simm.s32 $0x10400;
	[smem:$0x7FC] =	sst s20;
	s22 =	smax.u32 s5, $0x1;
	v13 =	vor.u32 $0x6000, v1;
	v14 =	vor.u32 $0x6800, v1;
	v15 =	vor.u32 $0x7000, v1  }
0x24: {  	s2 =	simm.s32 $0x0;
	s1 =	simm.s32 $0x1F;
	v16 =	vor.u32 $0x7800, v1;
	v17 =	vor.u32 $0x8000, v1;
	v18 =	vor.u32 $0x8800, v1;
	[smem:$0x7FD] =	sst s22  }
.LBB2_1:
0x25: {  	s0 =	sld [smem:$0x7FA];
	_ =	sdelay $0x1  }
0x26: {  	[smem:$0x7E6] =	sst s2  }
0x27: {  	[tilespmem:s7], [sflag:$0x1F] =	stream.linear.gather [hbm4b:s0+s7], $0x200, $0x38;
	[tilespmem:$0x1E600] =	vst v63  }
0x28: {  	_ =	swait.ge [sflag:s1], $0x200  }
0x29: {  	s2 =	sld [smem:$0x7FB]  }
0x2a: {  	[sflag:s1] =	ssyncset.done $0x0  }
0x2b: {  	s3 =	simm.s32 $0x200;
	[sflag:s1] =	ssyncadd.s32 $0xFFFFFE00  }
0x2c: {  	[tilespmem:s3], [sflag:$0x1F] =	stream.linear.gather [hbm4b:s2+s7], $0x200, $0x38;
	[tilespmem:$0x1E600] =	vst v63  }
0x2d: {  	_ =	swait.ge [sflag:s1], $0x200  }
0x2e: {  	[sflag:s1] =	ssyncset.done $0x0  }
0x2f: {  	v21 =	vld [tilespmem:$0x1FFF0];
	[sflag:s1] =	ssyncadd.s32 $0xFFFFFE00  }
0x30: {  	v19 =	vld [tilespmem:$0x0]  }
0x31: {  	v20 =	vld [tilespmem:$0x200];
	_ =	sdelay $0x2  }
0x32: {  	vm14 =	vnez.u8 v21  }
0x33: {  	v21 =	vnsel vm14, $0x0, v19  }
0x34: {  	v55 =	vnsel vm14, $0x0, v20;
	vm14 =	vcmask $0x308;
	(xrf0) =	vadd.scan.msk.s32 $0xffff, v21  }
0x35: {  	v56 =	vsel vm14, $0x0, v19;
	(xrf0) =	vadd.scan.msk.s32 $0xffff, v55  }
0x36: {  	v57 =	vsel vm14, $0x0, v20;
	vm14 =	vcmask $0x70C;
	(xrf0) =	vadd.scan.msk.s32 $0xffff, v56  }
0x37: {  	v58 =	vsel vm14, $0x0, v19;
	(xrf0) =	vadd.scan.msk.s32 $0xffff, v57  }
0x38: {  	v59 =	vsel vm14, $0x0, v20;
	vm14 =	vcmask $0xB10;
	(xrf0) =	vadd.scan.msk.s32 $0xffff, v58  }
0x39: {  	v60 =	vsel vm14, $0x0, v19;
	(xrf0) =	vadd.scan.msk.s32 $0xffff, v59  }
0x3a: {  	v61 =	vsel vm14, $0x0, v20;
	vm14 =	vcmask $0xF14;
	v22, _, _ =	vpop (xrf0);
	(xrf0) =	vadd.scan.msk.s32 $0xffff, v60  }
0x3b: {  	v63 =	vsel vm14, $0x0, v19;
	v62, _, _ =	vpop (xrf0);
	(xrf0) =	vadd.scan.msk.s32 $0xffff, v61  }
0x3c: {  	v25 =	vsel vm14, $0x0, v20;
	vm14 =	vcmask $0x1318;
	(v2sf) =	vpush v22, $0xF;
	v24, _, _ =	vpop (xrf0);
	(xrf0) =	vadd.scan.msk.s32 $0xffff, v63  }
0x3d: {  	v27 =	vsel vm14, $0x0, v19;
	(v2sf) =	vpush v62, $0xF;
	v26, _, _ =	vpop (xrf0);
	(xrf0) =	vadd.scan.msk.s32 $0xffff, v25  }
0x3e: {  	v29 =	vsel vm14, $0x0, v20;
	vm14 =	vcmask $0x171C;
	(v2sf) =	vpush v24, $0xF;
	v28, _, _ =	vpop (xrf0);
	(xrf0) =	vadd.scan.msk.s32 $0xffff, v27  }
0x3f: {  	v31 =	vsel vm14, $0x0, v19;
	(v2sf) =	vpush v26, $0xF;
	v30, _, _ =	vpop (xrf0);
	(xrf0) =	vadd.scan.msk.s32 $0xffff, v29  }
0x40: {  	v33 =	vsel vm14, $0x0, v20;
	vm14 =	vcmask $0x1B20;
	(v2sf) =	vpush v28, $0xF;
	v32, _, _ =	vpop (xrf0);
	(xrf0) =	vadd.scan.msk.s32 $0xffff, v31  }
0x41: {  	v35 =	vsel vm14, $0x0, v19;
	(v2sf) =	vpush v30, $0xF;
	v34, _, _ =	vpop (xrf0);
	(xrf0) =	vadd.scan.msk.s32 $0xffff, v33  }
0x42: {  	v37 =	vsel vm14, $0x0, v20;
	vm14 =	vcmask $0x1F24;
	(v2sf) =	vpush v32, $0xF;
	v36, _, _ =	vpop (xrf0);
	(xrf0) =	vadd.scan.msk.s32 $0xffff, v35  }
0x43: {  	v39 =	vsel vm14, $0x0, v19;
	(v2sf) =	vpush v34, $0xF;
	v38, _, _ =	vpop (xrf0);
	(xrf0) =	vadd.scan.msk.s32 $0xffff, v37  }
0x44: {  	v41 =	vsel vm14, $0x0, v20;
	vm14 =	vcmask $0x2328;
	(v2sf) =	vpush v36, $0xF;
	v40, _, _ =	vpop (xrf0);
	(xrf0) =	vadd.scan.msk.s32 $0xffff, v39  }
0x45: {  	v43 =	vsel vm14, $0x0, v19;
	(v2sf) =	vpush v38, $0xF;
	v42, _, _ =	vpop (xrf0);
	(xrf0) =	vadd.scan.msk.s32 $0xffff, v41  }
0x46: {  	v45 =	vsel vm14, $0x0, v20;
	vm14 =	vcmask $0x272C;
	(v2sf) =	vpush v40, $0xF;
	v44, _, _ =	vpop (xrf0);
	(xrf0) =	vadd.scan.msk.s32 $0xffff, v43  }
0x47: {  	v47 =	vsel vm14, $0x0, v19;
	(v2sf) =	vpush v42, $0xF;
	v46, _, _ =	vpop (xrf0);
	(xrf0) =	vadd.scan.msk.s32 $0xffff, v45  }
0x48: {  	v49 =	vsel vm14, $0x0, v20;
	vm14 =	vcmask $0x2B30;
	(v2sf) =	vpush v44, $0xF;
	v48, _, _ =	vpop (xrf0);
	(xrf0) =	vadd.scan.msk.s32 $0xffff, v47  }
0x49: {  	v51 =	vsel vm14, $0x0, v19;
	(v2sf) =	vpush v46, $0xF;
	v50, _, _ =	vpop (xrf0);
	(xrf0) =	vadd.scan.msk.s32 $0xffff, v49  }
0x4a: {  	v53 =	vsel vm14, $0x0, v20;
	vm14 =	vcmask $0x2F34;
	(v2sf) =	vpush v48, $0xF;
	v52, _, _ =	vpop (xrf0);
	(xrf0) =	vadd.scan.msk.s32 $0xffff, v51  }
0x4b: {  	v55 =	vsel vm14, $0x0, v19;
	s5 =	spop (v2sf);
	(v2sf) =	vpush v50, $0xF;
	v54, _, _ =	vpop (xrf0);
	(xrf0) =	vadd.scan.msk.s32 $0xffff, v53  }
0x4c: {  	v57 =	vsel vm14, $0x0, v20;
	vm14 =	vcmask $0x3338;
	s7 =	spop (v2sf);
	(v2sf) =	vpush v52, $0xF;
	v56, _, _ =	vpop (xrf0);
	(xrf0) =	vadd.scan.msk.s32 $0xffff, v55  }
0x4d: {  	v59 =	vsel vm14, $0x0, v19;
	s6 =	spop (v2sf);
	(v2sf) =	vpush v54, $0xF;
	v58, _, _ =	vpop (xrf0);
	(xrf0) =	vadd.scan.msk.s32 $0xffff, v57  }
0x4e: {  	v61 =	vsel vm14, $0x0, v20;
	vm14 =	vcmask $0x373C;
	s14 =	spop (v2sf);
	(v2sf) =	vpush v56, $0xF;
	v60, _, _ =	vpop (xrf0);
	(xrf0) =	vadd.scan.msk.s32 $0xffff, v59  }
0x4f: {  	v19 =	vsel vm14, $0x0, v19;
	s22 =	spop (v2sf);
	(v2sf) =	vpush v58, $0xF;
	v62, _, _ =	vpop (xrf0);
	(xrf0) =	vadd.scan.msk.s32 $0xffff, v61  }
0x50: {  	(v2sf) =	vpush v60, $0xF;
	s17 =	spop (v2sf);
	v63, _, _ =	vpop (xrf0);
	(xrf0) =	vadd.scan.msk.s32 $0xffff, v19;
	v19 =	vsel vm14, $0x0, v20  }
0x51: {  	s18 =	spop (v2sf);
	(v2sf) =	vpush v62, $0xF  }
0x52: {  	s19 =	spop (v2sf);
	(v2sf) =	vpush v63, $0xF;
	v20, _, _ =	vpop (xrf0);
	(xrf0) =	vadd.scan.msk.s32 $0xffff, v19  }
0x53: {  	s23 =	spop (v2sf);
	(v2sf) =	vpush v20, $0xF;
	v19, _, _ =	vpop (xrf0)  }
0x54: {  	s21 =	spop (v2sf);
	v20, _, _ =	vpop (xrf0);
	(v2sf) =	vpush v19, $0xF  }
0x55: {  	s29 =	spop (v2sf);
	v19, _, _ =	vpop (xrf0);
	(v2sf) =	vpush v20, $0xF  }
0x56: {  	s4 =	spop (v2sf);
	v20, _, _ =	vpop (xrf0);
	(v2sf) =	vpush v19, $0xF  }
0x57: {  	[smem:$0x7E7] =	sst s4;
	s15 =	spop (v2sf);
	v19, _, _ =	vpop (xrf0);
	(v2sf) =	vpush v20, $0xF  }
0x58: {  	[smem:$0x7E8] =	sst s15;
	s20 =	spop (v2sf);
	(v2sf) =	vpush v19, $0xF;
	v19, _, _ =	vpop (xrf0)  }
0x59: {  	[smem:$0x7E9] =	sst s20;
	s24 =	spop (v2sf);
	(v2sf) =	vpush v19, $0xF  }
0x5a: {  	[smem:$0x7EA] =	sst s24;
	s25 =	spop (v2sf)  }
0x5b: {  	[smem:$0x7EB] =	sst s25;
	s26 =	spop (v2sf)  }
0x5c: {  	[smem:$0x7EC] =	sst s26;
	s30 =	spop (v2sf)  }
0x5d: {  	[smem:$0x7ED] =	sst s30;
	s31 =	spop (v2sf)  }
0x5e: {  	[smem:$0x7EE] =	sst s31;
	s1 =	spop (v2sf)  }
0x5f: {  	[smem:$0x7EF] =	sst s1;
	s2 =	spop (v2sf)  }
0x60: {  	[smem:$0x7F0] =	sst s2;
	s3 =	spop (v2sf)  }
0x61: {  	[smem:$0x7F1] =	sst s3;
	s4 =	spop (v2sf)  }
0x62: {  	[smem:$0x7F2] =	sst s4;
	s15 =	spop (v2sf)  }
0x63: {  	[smem:$0x7F3] =	sst s15;
	s20 =	spop (v2sf)  }
0x64: {  	[smem:$0x7F4] =	sst s20;
	s24 =	spop (v2sf)  }
0x65: {  	[smem:$0x7F5] =	sst s24;
	s25 =	spop (v2sf)  }
0x66: {  	[smem:$0x7F6] =	sst s25;
	s26 =	spop (v2sf)  }
0x67: {  	[smem:$0x7F7] =	sst s26;
	s30 =	spop (v2sf)  }
0x68: {  	[smem:$0x7F8] =	sst s30;
	s31 =	spop (v2sf)  }
0x69: {  	s28 =	simm.s32 $0x0;
	s2 =	simm.s32 $0x7;
	[smem:$0x7F9] =	sst s31  }
.LBB2_2:
0x6a: {  	s0 =	sand.u32 $0xFFFFF80, s5  }
0x6b: {  	s4 =	sand.u32 $0xFFFFF80, s7;
	s0 =	sadd.s32 s8, s0  }
0x6c: {  	[tilespmem:s12], [sflag:$0x1] =	stream.strided.gather [hbm4b:s0+s12], $0x1000, s16, s12, $0x38;
	[tilespmem:$0x1E600] =	vst v63  }
0x6d: {  	s15 =	sand.u32 $0xFFFFF80, s6;
	s0 =	sadd.s32 s9, s4  }
0x6e: {  	[tilespmem:s13], [sflag:$0x10] =	stream.strided.gather [hbm4b:s0+s12], $0x1000, s16, s12, $0x38;
	[tilespmem:$0x1E600] =	vst v63  }
0x6f: {  	s20 =	sand.u32 $0xFFFFF80, s14;
	s0 =	sadd.s32 s8, s15  }
0x70: {  	[tilespmem:s10], [sflag:$0x2] =	stream.strided.gather [hbm4b:s0+s12], $0x1000, s16, s12, $0x38;
	[tilespmem:$0x1E600] =	vst v63  }
0x71: {  	s1 =	sand.u32 $0xFFFFF80, s22;
	s0 =	sadd.s32 s9, s20  }
0x72: {  	[tilespmem:s11], [sflag:$0x11] =	stream.strided.gather [hbm4b:s0+s12], $0x1000, s16, s12, $0x38;
	[tilespmem:$0x1E600] =	vst v63  }
0x73: {  	s24 =	rddreg [dreg:$0x6];
	s26 =	sand.u32 $0xFFFFF80, s17;
	s1 =	sadd.s32 s8, s1  }
0x74: {  	[tilespmem:s24], [sflag:$0x3] =	stream.strided.gather [hbm4b:s1+s12], $0x1000, s16, s12, $0x38;
	[tilespmem:$0x1E600] =	vst v63  }
0x75: {  	s25 =	rddreg [dreg:$0x7];
	s4 =	sand.u32 $0xFFFFF80, s18;
	s1 =	sadd.s32 s9, s26  }
0x76: {  	[tilespmem:s25], [sflag:$0x12] =	stream.strided.gather [hbm4b:s1+s12], $0x1000, s16, s12, $0x38;
	[tilespmem:$0x1E600] =	vst v63  }
0x77: {  	s3 =	rddreg [dreg:$0x8];
	s1 =	sadd.s32 s8, s4  }
0x78: {  	[tilespmem:s3], [sflag:$0x4] =	stream.strided.gather [hbm4b:s1+s12], $0x1000, s16, s12, $0x38;
	[tilespmem:$0x1E600] =	vst v63  }
0x79: {  	s0 =	rddreg [dreg:$0x9]  }
0x7a: {  	s11 =	rddreg [dreg:$0xa]  }
0x7b: {  	s20 =	rddreg [dreg:$0xb]  }
0x7c: {  	s25 =	rddreg [dreg:$0xc]  }
0x7d: {  	s10 =	sand.u32 $0xFFFFF80, s19;
	s3 =	rddreg [dreg:$0xd]  }
0x7e: {  	s15 =	sand.u32 $0xFFFFF80, s23;
	s1 =	sadd.s32 s9, s10;
	s10 =	sld [smem:$0x7E7]  }
0x7f: {  	[tilespmem:s0], [sflag:$0x13] =	stream.strided.gather [hbm4b:s1+s12], $0x1000, s16, s12, $0x38;
	[tilespmem:$0x1E600] =	vst v63  }
0x80: {  	s1 =	sadd.s32 s8, s15;
	s15 =	sld [smem:$0x7E8]  }
0x81: {  	[tilespmem:s11], [sflag:$0x5] =	stream.strided.gather [hbm4b:s1+s12], $0x1000, s16, s12, $0x38;
	[tilespmem:$0x1E600] =	vst v63  }
0x82: {  	s24 =	sand.u32 $0xFFFFF80, s21;
	s11 =	rddreg [dreg:$0xe]  }
0x83: {  	s1 =	sadd.s32 s9, s24;
	s24 =	rddreg [dreg:$0xf]  }
0x84: {  	s26 =	sand.u32 $0xFFFFF80, s29;
	[smem:$0x7E8] =	sst s15  }
0x85: {  	[tilespmem:s20], [sflag:$0x14] =	stream.strided.gather [hbm4b:s1+s12], $0x1000, s16, s12, $0x38;
	[tilespmem:$0x1E600] =	vst v63  }
0x86: {  	s1 =	sadd.s32 s8, s26;
	s26 =	rddreg [dreg:$0x10]  }
0x87: {  	s4 =	sand.u32 $0xFFFFF80, s10;
	s20 =	smov.u32 s29;
	s29 =	sld [smem:$0x7F1]  }
0x88: {  	[tilespmem:s25], [sflag:$0x6] =	stream.strided.gather [hbm4b:s1+s12], $0x1000, s16, s12, $0x38;
	[tilespmem:$0x1E600] =	vst v63  }
0x89: {  	s1 =	sadd.s32 s9, s4;
	s4 =	rddreg [dreg:$0x11]  }
0x8a: {  	[tilespmem:s3], [sflag:$0x15] =	stream.strided.gather [hbm4b:s1+s12], $0x1000, s16, s12, $0x38;
	[tilespmem:$0x1E600] =	vst v63  }
0x8b: {  	s1 =	sand.u32 $0xFFFFF80, s15;
	s15 =	sld [smem:$0x7E9]  }
0x8c: {  	s3 =	sld [smem:$0x7EA];
	s1 =	sadd.s32 s8, s1  }
0x8d: {  	[tilespmem:s11], [sflag:$0x7] =	stream.strided.gather [hbm4b:s1+s12], $0x1000, s16, s12, $0x38;
	[tilespmem:$0x1E600] =	vst v63  }
0x8e: {  	s11 =	sld [smem:$0x7EB]  }
0x8f: {  	s25 =	sand.u32 $0xFFFFF80, s15;
	[smem:$0x7EA] =	sst s3  }
0x90: {  	s1 =	sadd.s32 s9, s25;
	s25 =	sld [smem:$0x7EC]  }
0x91: {  	[tilespmem:s24], [sflag:$0x16] =	stream.strided.gather [hbm4b:s1+s12], $0x1000, s16, s12, $0x38;
	[tilespmem:$0x1E600] =	vst v63  }
0x92: {  	[smem:$0x7EB] =	sst s11  }
0x93: {  	s1 =	sand.u32 $0xFFFFF80, s3;
	s24 =	rddreg [dreg:$0x12]  }
0x94: {  	s3 =	sld [smem:$0x7ED];
	s1 =	sadd.s32 s8, s1  }
0x95: {  	[tilespmem:s26], [sflag:$0x8] =	stream.strided.gather [hbm4b:s1+s12], $0x1000, s16, s12, $0x38;
	[tilespmem:$0x1E600] =	vst v63  }
0x96: {  	[smem:$0x7EC] =	sst s25  }
0x97: {  	s26 =	rddreg [dreg:$0x13]  }
0x98: {  	s1 =	sand.u32 $0xFFFFF80, s11;
	s11 =	sld [smem:$0x7EE]  }
0x99: {  	s1 =	sadd.s32 s9, s1;
	[smem:$0x7ED] =	sst s3  }
0x9a: {  	[tilespmem:s4], [sflag:$0x17] =	stream.strided.gather [hbm4b:s1+s12], $0x1000, s16, s12, $0x38;
	[tilespmem:$0x1E600] =	vst v63  }
0x9b: {  	s4 =	rddreg [dreg:$0x14]  }
0x9c: {  	s1 =	sand.u32 $0xFFFFF80, s25;
	s25 =	sld [smem:$0x7EF]  }
0x9d: {  	s1 =	sadd.s32 s8, s1;
	[smem:$0x7EE] =	sst s11  }
0x9e: {  	[tilespmem:s24], [sflag:$0x9] =	stream.strided.gather [hbm4b:s1+s12], $0x1000, s16, s12, $0x38;
	[tilespmem:$0x1E600] =	vst v63  }
0x9f: {  	s24 =	rddreg [dreg:$0x15]  }
0xa0: {  	s1 =	sand.u32 $0xFFFFF80, s3;
	s3 =	sld [smem:$0x7F0]  }
0xa1: {  	s1 =	sadd.s32 s9, s1;
	[smem:$0x7EF] =	sst s25  }
0xa2: {  	[tilespmem:s26], [sflag:$0x18] =	stream.strided.gather [hbm4b:s1+s12], $0x1000, s16, s12, $0x38;
	[tilespmem:$0x1E600] =	vst v63  }
0xa3: {  	s1 =	sand.u32 $0xFFFFF80, s11;
	s26 =	rddreg [dreg:$0x16]  }
0xa4: {  	s1 =	sadd.s32 s8, s1;
	[smem:$0x7F0] =	sst s3  }
0xa5: {  	[tilespmem:s4], [sflag:$0xA] =	stream.strided.gather [hbm4b:s1+s12], $0x1000, s16, s12, $0x38;
	[tilespmem:$0x1E600] =	vst v63  }
0xa6: {  	s1 =	sand.u32 $0xFFFFF80, s25;
	s4 =	rddreg [dreg:$0x17]  }
0xa7: {  	s25 =	sld [smem:$0x7F2];
	s1 =	sadd.s32 s9, s1  }
0xa8: {  	[tilespmem:s24], [sflag:$0x19] =	stream.strided.gather [hbm4b:s1+s12], $0x1000, s16, s12, $0x38;
	[tilespmem:$0x1E600] =	vst v63  }
0xa9: {  	s24 =	rddreg [dreg:$0x18]  }
0xaa: {  	s1 =	sand.u32 $0xFFFFF80, s3;
	s3 =	sld [smem:$0x7F3]  }
0xab: {  	s1 =	sadd.s32 s8, s1;
	[smem:$0x7F2] =	sst s25  }
0xac: {  	[tilespmem:s26], [sflag:$0xB] =	stream.strided.gather [hbm4b:s1+s12], $0x1000, s16, s12, $0x38;
	[tilespmem:$0x1E600] =	vst v63  }
0xad: {  	s11 =	sand.u32 $0xFFFFF80, s29;
	s26 =	rddreg [dreg:$0x19]  }
0xae: {  	s1 =	sadd.s32 s9, s11;
	s11 =	sld [smem:$0x7F4]  }
0xaf: {  	[tilespmem:s4], [sflag:$0x1A] =	stream.strided.gather [hbm4b:s1+s12], $0x1000, s16, s12, $0x38;
	[tilespmem:$0x1E600] =	vst v63  }
0xb0: {  	[smem:$0x7F3] =	sst s3;
	s1 =	sand.u32 $0xFFFFF80, s25  }
0xb1: {  	s4 =	rddreg [dreg:$0x1a];
	s1 =	sadd.s32 s8, s1  }
0xb2: {  	[tilespmem:s24], [sflag:$0xC] =	stream.strided.gather [hbm4b:s1+s12], $0x1000, s16, s12, $0x38;
	[tilespmem:$0x1E600] =	vst v63  }
0xb3: {  	s25 =	sld [smem:$0x7F5];
	s1 =	sand.u32 $0xFFFFF80, s3  }
0xb4: {  	[smem:$0x7F4] =	sst s11;
	s1 =	sadd.s32 s9, s1  }
0xb5: {  	[tilespmem:s26], [sflag:$0x1B] =	stream.strided.gather [hbm4b:s1+s12], $0x1000, s16, s12, $0x38;
	[tilespmem:$0x1E600] =	vst v63  }
0xb6: {  	s24 =	rddreg [dreg:$0x1b];
	s1 =	sand.u32 $0xFFFFF80, s11  }
0xb7: {  	s3 =	sld [smem:$0x7F6];
	s1 =	sadd.s32 s8, s1  }
0xb8: {  	[tilespmem:s4], [sflag:$0xD] =	stream.strided.gather [hbm4b:s1+s12], $0x1000, s16, s12, $0x38;
	[tilespmem:$0x1E600] =	vst v63  }
0xb9: {  	[smem:$0x7F5] =	sst s25;
	s1 =	sand.u32 $0xFFFFF80, s25  }
0xba: {  	s26 =	rddreg [dreg:$0x1c];
	s1 =	sadd.s32 s9, s1  }
0xbb: {  	[tilespmem:s24], [sflag:$0x1C] =	stream.strided.gather [hbm4b:s1+s12], $0x1000, s16, s12, $0x38;
	[tilespmem:$0x1E600] =	vst v63  }
0xbc: {  	s11 =	sld [smem:$0x7F7];
	s1 =	sand.u32 $0xFFFFF80, s3  }
0xbd: {  	[smem:$0x7F6] =	sst s3;
	s1 =	sadd.s32 s8, s1  }
0xbe: {  	[tilespmem:s26], [sflag:$0xE] =	stream.strided.gather [hbm4b:s1+s12], $0x1000, s16, s12, $0x38;
	[tilespmem:$0x1E600] =	vst v63  }
0xbf: {  	s25 =	sld [smem:$0x7F8];
	s1 =	sand.u32 $0xFFFFF80, s11  }
0xc0: {  	s4 =	rddreg [dreg:$0x1d];
	s1 =	sadd.s32 s9, s1  }
0xc1: {  	[tilespmem:s4], [sflag:$0x1D] =	stream.strided.gather [hbm4b:s1+s12], $0x1000, s16, s12, $0x38;
	[tilespmem:$0x1E600] =	vst v63  }
0xc2: {  	s3 =	sld [smem:$0x7F9];
	s1 =	sand.u32 $0xFFFFF80, s25  }
0xc3: {  	s24 =	rddreg [dreg:$0x1e];
	s1 =	sadd.s32 s8, s1  }
0xc4: {  	[tilespmem:s24], [sflag:$0xF] =	stream.strided.gather [hbm4b:s1+s12], $0x1000, s16, s12, $0x38;
	[tilespmem:$0x1E600] =	vst v63  }
0xc5: {  	[smem:$0x7F9] =	sst s3;
	s1 =	sand.u32 $0xFFFFF80, s3;
	s3 =	sadd.s32 $0xF, s28  }
0xc6: {  	s26 =	rddreg [dreg:$0x1f];
	s1 =	sadd.s32 s9, s1;
	s4 =	sand.u32 $0x3F0, s3  }
0xc7: {  	[tilespmem:s26], [sflag:$0x1E] =	stream.strided.gather [hbm4b:s1+s12], $0x1000, s16, s12, $0x38;
	[tilespmem:$0x1E600] =	vst v63  }
0xc8: {  	s8 =	sadd.s32 $0x10, s28;
	v19 =	vld [tilespmem:s4+$0x0]  }
0xc9: {  	[smem:$0x7F7] =	sst s11;
	s11 =	smin.u32 s28, $0x1EE;
	s9 =	sand.u32 $0x3F0, s8;
	v20 =	vld [tilespmem:s4+$0x200]  }
0xca: {  	[smem:$0x7E5] =	sst s3;
	s3 =	sand.u32 $0xF, s3;
	s1 =	sadd.s32 $0x11, s11;
	v21 =	vld [tilespmem:s9+$0x0]  }
0xcb: {  	[smem:$0x7F8] =	sst s25;
	s25 =	smin.u32 s28, $0x1ED;
	v22 =	vmov s3;
	v23 =	vld [tilespmem:s9+$0x200];
	s24 =	sand.u32 $0x3F0, s1  }
0xcc: {  	s3 =	sadd.s32 $0x12, s25;
	vm14 =	veq.s32 v22, v0;
	s4 =	sand.u32 $0xF, s28;
	v35 =	vld [tilespmem:s24+$0x0]  }
0xcd: {  	s8 =	smin.u32 s28, $0x1EC;
	s26 =	sand.u32 $0x3F0, s3;
	v24 =	vmov s4;
	v25 =	vld [tilespmem:s24+$0x200];
	v19 =	vnsel vm14, $0x0, v19  }
0xce: {  	s1 =	sand.u32 $0xF, s1;
	s4 =	sadd.s32 $0x13, s8;
	(xrf0) =	vadd.scan.msk.s32 $0xffff, v19;
	v19 =	vnsel vm14, $0x0, v20;
	vm14 =	veq.s32 v24, v0;
	v20 =	vld [tilespmem:s26+$0x0]  }
0xcf: {  	s11 =	smin.u32 s28, $0x1EB;
	v36 =	vmov s1;
	v26 =	vld [tilespmem:s26+$0x200];
	s9 =	sand.u32 $0x3F0, s4;
	(xrf0) =	vadd.scan.msk.s32 $0xffff, v19;
	v19 =	vnsel vm14, $0x0, v21  }
0xd0: {  	s3 =	sand.u32 $0xF, s3;
	s1 =	sadd.s32 $0x14, s11;
	v37 =	vld [tilespmem:s9+$0x0];
	(xrf0) =	vadd.scan.msk.s32 $0xffff, v19;
	v19 =	vnsel vm14, $0x0, v23;
	vm14 =	veq.s32 v36, v0  }
0xd1: {  	s25 =	smin.u32 s28, $0x1EA;
	v38 =	vmov s3;
	s24 =	sand.u32 $0x3F0, s1;
	v39 =	vld [tilespmem:s9+$0x200];
	(xrf0) =	vadd.scan.msk.s32 $0xffff, v19;
	v19 =	vnsel vm14, $0x0, v35  }
0xd2: {  	s3 =	sadd.s32 $0x15, s25;
	s4 =	sand.u32 $0xF, s4;
	v40 =	vld [tilespmem:s24+$0x0];
	(xrf0) =	vadd.scan.msk.s32 $0xffff, v19;
	v19 =	vnsel vm14, $0x0, v25;
	vm14 =	veq.s32 v38, v0  }
0xd3: {  	v41 =	vmov s4;
	v42 =	vld [tilespmem:s24+$0x200];
	s26 =	sand.u32 $0x3F0, s3;
	(xrf0) =	vadd.scan.msk.s32 $0xffff, v19;
	v19 =	vnsel vm14, $0x0, v20  }
0xd4: {  	s8 =	smin.u32 s28, $0x1E9;
	s1 =	sand.u32 $0xF, s1;
	v43 =	vld [tilespmem:s26+$0x0];
	v20, _, _ =	vpop (xrf0);
	(xrf0) =	vadd.scan.msk.s32 $0xffff, v19;
	v19 =	vnsel vm14, $0x0, v26;
	vm14 =	veq.s32 v41, v0  }
0xd5: {  	s4 =	sadd.s32 $0x16, s8;
	v44 =	vmov s1;
	v27 =	vld [tilespmem:s26+$0x200];
	(v2sf) =	vpush v20, $0xF;
	v20, _, _ =	vpop (xrf0);
	(xrf0) =	vadd.scan.msk.s32 $0xffff, v19;
	v19 =	vnsel vm14, $0x0, v37  }
0xd6: {  	s11 =	smin.u32 s28, $0x1E8;
	s9 =	sand.u32 $0x3F0, s4;
	s3 =	sand.u32 $0xF, s3;
	(v2sf) =	vpush v20, $0xF;
	v20, _, _ =	vpop (xrf0);
	(xrf0) =	vadd.scan.msk.s32 $0xffff, v19;
	v19 =	vnsel vm14, $0x0, v39;
	vm14 =	veq.s32 v44, v0  }
0xd7: {  	s1 =	sadd.s32 $0x17, s11;
	v45 =	vld [tilespmem:s9+$0x0];
	v46 =	vmov s3;
	(v2sf) =	vpush v20, $0xF;
	v20, _, _ =	vpop (xrf0);
	(xrf0) =	vadd.scan.msk.s32 $0xffff, v19;
	v19 =	vnsel vm14, $0x0, v40  }
0xd8: {  	s25 =	smin.u32 s28, $0x1E7;
	s24 =	sand.u32 $0x3F0, s1;
	v47 =	vld [tilespmem:s9+$0x200];
	(v2sf) =	vpush v20, $0xF;
	v20, _, _ =	vpop (xrf0);
	(xrf0) =	vadd.scan.msk.s32 $0xffff, v19;
	v19 =	vnsel vm14, $0x0, v42;
	vm14 =	veq.s32 v46, v0  }
0xd9: {  	s4 =	sand.u32 $0xF, s4;
	v48 =	vld [tilespmem:s24+$0x0];
	s3 =	sadd.s32 $0x18, s25;
	(v2sf) =	vpush v20, $0xF;
	v20, _, _ =	vpop (xrf0);
	(xrf0) =	vadd.scan.msk.s32 $0xffff, v19;
	v19 =	vnsel vm14, $0x0, v43  }
0xda: {  	v49 =	vmov s4;
	v50 =	vld [tilespmem:s24+$0x200];
	s26 =	sand.u32 $0x3F0, s3;
	(v2sf) =	vpush v20, $0xF;
	v20, _, _ =	vpop (xrf0);
	(xrf0) =	vadd.scan.msk.s32 $0xffff, v19;
	v19 =	vnsel vm14, $0x0, v27  }
0xdb: {  	s1 =	sand.u32 $0xF, s1;
	v51 =	vld [tilespmem:s26+$0x0];
	vm14 =	veq.s32 v49, v0;
	(v2sf) =	vpush v20, $0xF;
	v20, _, _ =	vpop (xrf0);
	(xrf0) =	vadd.scan.msk.s32 $0xffff, v19  }
0xdc: {  	s8 =	smin.u32 s28, $0x1E6;
	v52 =	vmov s1;
	v19 =	vnsel vm14, $0x0, v45;
	(v2sf) =	vpush v20, $0xF;
	v20, _, _ =	vpop (xrf0)  }
0xdd: {  	s4 =	sadd.s32 $0x19, s8;
	s3 =	sand.u32 $0xF, s3;
	(xrf0) =	vadd.scan.msk.s32 $0xffff, v19;
	v19 =	vnsel vm14, $0x0, v47;
	vm14 =	veq.s32 v52, v0;
	(v2sf) =	vpush v20, $0xF;
	v20, _, _ =	vpop (xrf0)  }
0xde: {  	s30 =	sand.u32 $0x7F, s5;
	s11 =	smin.u32 s28, $0x1E5;
	s9 =	sand.u32 $0x3F0, s4;
	v55 =	vmov s3;
	(xrf0) =	vadd.scan.msk.s32 $0xffff, v19;
	v19 =	vnsel vm14, $0x0, v48;
	(v2sf) =	vpush v20, $0xF;
	v20, _, _ =	vpop (xrf0)  }
0xdf: {  	s31 =	sand.u32 $0x7F, s7;
	s0 =	sand.u32 $0x7F, s6;
	s1 =	sadd.s32 $0x1A, s11;
	v54 =	vld [tilespmem:s9+$0x0];
	(xrf0) =	vadd.scan.msk.s32 $0xffff, v19;
	v19 =	vnsel vm14, $0x0, v50;
	vm14 =	veq.s32 v55, v0;
	(v2sf) =	vpush v20, $0xF;
	v20, _, _ =	vpop (xrf0)  }
0xe0: {  	s8 =	smin.u32 s28, $0x1E3;
	s24 =	sand.u32 $0x3F0, s1;
	s25 =	smin.u32 s28, $0x1E4;
	v53 =	vld [tilespmem:s26+$0x200];
	(xrf0) =	vadd.scan.msk.s32 $0xffff, v19;
	v19 =	vnsel vm14, $0x0, v51;
	(v2sf) =	vpush v20, $0xF;
	v20, _, _ =	vpop (xrf0)  }
0xe1: {  	s11 =	smin.u32 s28, $0x1E2;
	s1 =	sand.u32 $0xF, s1;
	v57 =	vld [tilespmem:s24+$0x0];
	s3 =	sadd.s32 $0x1B, s25;
	(xrf0) =	vadd.scan.msk.s32 $0xffff, v19;
	(v2sf) =	vpush v20, $0xF;
	v20, _, _ =	vpop (xrf0)  }
0xe2: {  	s4 =	sand.u32 $0xF, s4;
	v59 =	vld [tilespmem:s24+$0x200];
	v61 =	vmov s1;
	s1 =	sadd.s32 $0x1D, s11;
	s26 =	sand.u32 $0x3F0, s3;
	(v2sf) =	vpush v20, $0xF  }
0xe3: {  	v58 =	vmov s4;
	s4 =	sadd.s32 $0x1C, s8;
	s24 =	sand.u32 $0x3F0, s1;
	s1 =	sand.u32 $0xF, s1;
	v60 =	vld [tilespmem:s26+$0x0];
	v20, _, _ =	vpop (xrf0)  }
0xe4: {  	v33 =	vmov s1;
	s1 =	sand.u32 $0x7F, s19;
	s19 =	sld [smem:$0x7E8];
	v62 =	vld [tilespmem:s26+$0x200];
	(v2sf) =	vpush v20, $0xF;
	v20, _, _ =	vpop (xrf0);
	s26 =	spop (v2sf)  }
0xe5: {  	v56 =	vld [tilespmem:s9+$0x200];
	s9 =	sand.u32 $0x3F0, s4;
	v19 =	vnsel vm14, $0x0, v53;
	vm14 =	veq.s32 v58, v0;
	(v2sf) =	vpush v20, $0xF;
	v20, _, _ =	vpop (xrf0);
	[smem:$0x7DE] =	sst s26;
	s5 =	spop (v2sf)  }
0xe6: {  	s11 =	sand.u32 $0x7F, s14;
	v63 =	vld [tilespmem:s9+$0x0];
	(xrf0) =	vadd.scan.msk.s32 $0xffff, v19;
	v19 =	vnsel vm14, $0x0, v54;
	(v2sf) =	vpush v20, $0xF;
	v20, _, _ =	vpop (xrf0);
	[smem:$0x7E2] =	sst s5;
	s6 =	spop (v2sf)  }
0xe7: {  	s25 =	sand.u32 $0xF, s4;
	v30 =	vld [tilespmem:s24+$0x0];
	(xrf0) =	vadd.scan.msk.s32 $0xffff, v19;
	(v2sf) =	vpush v20, $0xF;
	v20, _, _ =	vpop (xrf0);
	[smem:$0x7E0] =	sst s6;
	s7 =	spop (v2sf)  }
0xe8: {  	v32 =	vld [tilespmem:s24+$0x200];
	s24 =	sand.u32 $0x7F, s18;
	(v2sf) =	vpush v20, $0xF;
	[smem:$0x7E4] =	sst s7;
	s8 =	spop (v2sf)  }
0xe9: {  	v29 =	vld [tilespmem:s9+$0x200];
	v31 =	vmov s25;
	s25 =	sand.u32 $0x7F, s22;
	[smem:$0x7D5] =	sst s8;
	s9 =	spop (v2sf)  }
0xea: {  	s22 =	sand.u32 $0x7F, s23;
	s8 =	sld [smem:$0x7EA];
	s14 =	spop (v2sf)  }
0xeb: {  	s26 =	sand.u32 $0x7F, s17;
	[smem:$0x7D8] =	sst s9;
	s17 =	spop (v2sf)  }
0xec: {  	s23 =	sand.u32 $0x7F, s21;
	v19 =	vnsel vm14, $0x0, v56;
	v20, _, _ =	vpop (xrf0);
	[smem:$0x7D7] =	sst s14;
	s5 =	spop (v2sf)  }
0xed: {  	(xrf0) =	vadd.scan.msk.s32 $0xffff, v19;
	(v2sf) =	vpush v20, $0xF;
	v20, _, _ =	vpop (xrf0);
	s14 =	sand.u32 $0x7F, s19;
	s19 =	sld [smem:$0x7EC];
	s18 =	spop (v2sf)  }
0xee: {  	s21 =	sand.u32 $0x7F, s10;
	(v2sf) =	vpush v20, $0xF;
	[smem:$0x7D6] =	sst s17;
	s10 =	spop (v2sf)  }
0xef: {  	s17 =	sld [smem:$0x7EB];
	s6 =	spop (v2sf)  }
0xf0: {  	[smem:$0x7D4] =	sst s18;
	s7 =	spop (v2sf)  }
0xf1: {  	vm14 =	veq.s32 v61, v0;
	[smem:$0x7E8] =	sst s7;
	s9 =	spop (v2sf)  }
0xf2: {  	s3 =	sand.u32 $0xF, s3;
	v19 =	vnsel vm14, $0x0, v57;
	[smem:$0x7E9] =	sst s9  }
0xf3: {  	(xrf0) =	vadd.scan.msk.s32 $0xffff, v19;
	v20, _, _ =	vpop (xrf0);
	s9 =	sand.u32 $0x7F, s17;
	s18 =	spop (v2sf);
	s17 =	sld [smem:$0x7ED]  }
0xf4: {  	v28 =	vmov s3;
	(v2sf) =	vpush v20, $0xF;
	s3 =	sand.u32 $0x7F, s8;
	[smem:$0x7EA] =	sst s18;
	s7 =	spop (v2sf)  }
0xf5: {  	s8 =	sand.u32 $0x7F, s19;
	[smem:$0x7EB] =	sst s7;
	s18 =	spop (v2sf)  }
0xf6: {  	s7 =	sld [smem:$0x7EE];
	s19 =	sand.u32 $0x7F, s17;
	s17 =	spop (v2sf)  }
0xf7: {  	[smem:$0x7ED] =	sst s17;
	s17 =	spop (v2sf)  }
0xf8: {  	v19 =	vnsel vm14, $0x0, v59;
	[smem:$0x7EE] =	sst s17  }
0xf9: {  	(xrf0) =	vadd.scan.msk.s32 $0xffff, v19;
	v20, _, _ =	vpop (xrf0);
	s17 =	sld [smem:$0x7F0]  }
0xfa: {  	(v2sf) =	vpush v20, $0xF;
	[smem:$0x7E7] =	sst s6  }
0xfb: {  	[smem:$0x7EC] =	sst s18;
	s18 =	sand.u32 $0x7F, s7  }
0xfc: {  	vm14 =	veq.s32 v28, v0;
	s7 =	sld [smem:$0x7EF];
	s6 =	sand.u32 $0x7F, s17;
	s17 =	spop (v2sf)  }
0xfd: {  	v19 =	vnsel vm14, $0x0, v60;
	[smem:$0x7EF] =	sst s17;
	s17 =	sand.u32 $0x7F, s29;
	s29 =	spop (v2sf)  }
0xfe: {  	(xrf0) =	vadd.scan.msk.s32 $0xffff, v19;
	v19 =	vnsel vm14, $0x0, v62;
	vm14 =	veq.s32 v31, v0;
	[smem:$0x7F0] =	sst s29  }
0xff: {  	(xrf0) =	vadd.scan.msk.s32 $0xffff, v19;
	v19 =	vnsel vm14, $0x0, v63;
	v20, _, _ =	vpop (xrf0);
	s29 =	sld [smem:$0x7F2]  }
0x100: {  	(xrf0) =	vadd.scan.msk.s32 $0xffff, v19;
	v19 =	vnsel vm14, $0x0, v29;
	vm14 =	veq.s32 v33, v0;
	(v2sf) =	vpush v20, $0xF  }
0x101: {  	(xrf0) =	vadd.scan.msk.s32 $0xffff, v19;
	v19 =	vnsel vm14, $0x0, v30  }
0x102: {  	(xrf0) =	vadd.scan.msk.s32 $0xffff, v19;
	v19 =	vnsel vm14, $0x0, v32;
	s29 =	sand.u32 $0x7F, s29  }
0x103: {  	[smem:$0x7D9] =	sst s29;
	s29 =	spop (v2sf)  }
0x104: {  	[smem:$0x7F1] =	sst s29  }
0x105: {  	(xrf0) =	vadd.scan.msk.s32 $0xffff, v19;
	v19, _, _ =	vpop (xrf0);
	s29 =	sld [smem:$0x7F3]  }
0x106: {  	(v2sf) =	vpush v19, $0xF;
	_ =	sdelay $0x1  }
0x107: {  	s29 =	sand.u32 $0x7F, s29  }
0x108: {  	[smem:$0x7DA] =	sst s29;
	s29 =	spop (v2sf)  }
0x109: {  	[smem:$0x7F2] =	sst s29  }
0x10a: {  	v20, _, _ =	vpop (xrf0);
	s29 =	sld [smem:$0x7F4]  }
0x10b: {  	(v2sf) =	vpush v20, $0xF;
	_ =	sdelay $0x1  }
0x10c: {  	s29 =	sand.u32 $0x7F, s29  }
0x10d: {  	[smem:$0x7DB] =	sst s29;
	s29 =	spop (v2sf)  }
0x10e: {  	[smem:$0x7F3] =	sst s29  }
0x10f: {  	v19, _, _ =	vpop (xrf0);
	s29 =	sld [smem:$0x7F5]  }
0x110: {  	(v2sf) =	vpush v19, $0xF;
	_ =	sdelay $0x1  }
0x111: {  	s29 =	sand.u32 $0x7F, s29  }
0x112: {  	[smem:$0x7DC] =	sst s29;
	s29 =	spop (v2sf)  }
0x113: {  	[smem:$0x7F4] =	sst s29  }
0x114: {  	v20, _, _ =	vpop (xrf0);
	s29 =	sld [smem:$0x7F6]  }
0x115: {  	(v2sf) =	vpush v20, $0xF;
	_ =	sdelay $0x1  }
0x116: {  	s29 =	sand.u32 $0x7F, s29  }
0x117: {  	[smem:$0x7DD] =	sst s29;
	s29 =	spop (v2sf)  }
0x118: {  	[smem:$0x7F5] =	sst s29  }
0x119: {  	v19, _, _ =	vpop (xrf0);
	s29 =	sld [smem:$0x7F7]  }
0x11a: {  	(v2sf) =	vpush v19, $0xF;
	v19, _, _ =	vpop (xrf0)  }
0x11b: {  	(v2sf) =	vpush v19, $0xF  }
0x11c: {  	s29 =	sand.u32 $0x7F, s29  }
0x11d: {  	[smem:$0x7DF] =	sst s29;
	s29 =	spop (v2sf)  }
0x11e: {  	[smem:$0x7F6] =	sst s29  }
0x11f: {  	s29 =	sld [smem:$0x7F8];
	_ =	sdelay $0x2  }
0x120: {  	s29 =	sand.u32 $0x7F, s29  }
0x121: {  	[smem:$0x7E1] =	sst s29;
	s29 =	spop (v2sf)  }
0x122: {  	[smem:$0x7F7] =	sst s29  }
0x123: {  	s29 =	sld [smem:$0x7F9];
	_ =	sdelay $0x2  }
0x124: {  	s29 =	sand.u32 $0x7F, s29  }
0x125: {  	[smem:$0x7E3] =	sst s29;
	s29 =	spop (v2sf)  }
0x126: {  	[smem:$0x7F8] =	sst s29;
	s29 =	spop (v2sf)  }
0x127: {  	[smem:$0x7F9] =	sst s29;
	s29 =	simm.s32 $0x1  }
0x128: {  	_ =	swait.ge [sflag:s29], $0x1000  }
0x129: {  	v19 =	vor.u32 s30, v1;
	[sflag:s29] =	ssyncset.done $0x0  }
0x12a: {  	v20 =	vor.u32 s30, v2;
	s30 =	simm.s32 $0x10;
	[sflag:s29] =	ssyncadd.s32 $0xFFFFF000  }
0x12b: {  	v34 =	vor.u32 s31, v1;
	_ =	swait.ge [sflag:s30], $0x1000  }
0x12c: {  	v35 =	vor.u32 s31, v2;
	[sflag:s30] =	ssyncset.done $0x0  }
0x12d: {  	[sflag:s30] =	ssyncadd.s32 $0xFFFFF000  }
0x12e: {  	v19 =	vld.idx.msk [tilespmem:v19+s12+$0x0], $0xffff  }
0x12f: {  	v20 =	vld.idx.msk [tilespmem:v20+s12+$0x0], $0xffff  }
0x130: {  	v21 =	vld.idx.msk [tilespmem:v34+s13+$0x0], $0xffff  }
0x131: {  	v22 =	vld.idx.msk [tilespmem:v35+s13+$0x0], $0xffff;
	_ =	sdelay $0x4  }
0x132: {  	v19 =	vmul.f32 v21, v19;
	v20 =	vmul.f32 v22, v20;
	_ =	sdelay $0x1  }
0x133: {  	v19 =	vadd.f32 v20, v19;
	_ =	sdelay $0x1  }
0x134: {  	(xrf2) =	vadd.scan.msk.f32 $0xffff, v19;
	_ =	sdelay $0x9  }
0x135: {  	v19, _, _ =	vpop (xrf2)  }
0x136: {  	(v2sf) =	vpush v19, $0xF;
	_ =	sdelay $0xe  }
0x137: {  	s31 =	sadd.s32 $0xFFFFFFF9, s2;
	s30 =	spop (v2sf)  }
0x138: {  	[smem:s31] =	sst s30;
	s30 =	simm.s32 $0x2  }
0x139: {  	_ =	swait.ge [sflag:s30], $0x1000  }
0x13a: {  	v19 =	vor.u32 s0, v3;
	[sflag:s30] =	ssyncset.done $0x0  }
0x13b: {  	v20 =	vor.u32 s0, v4;
	s31 =	simm.s32 $0x11;
	[sflag:s30] =	ssyncadd.s32 $0xFFFFF000  }
0x13c: {  	v36 =	vor.u32 s11, v3;
	_ =	swait.ge [sflag:s31], $0x1000  }
0x13d: {  	v37 =	vor.u32 s11, v4;
	[sflag:s31] =	ssyncset.done $0x0  }
0x13e: {  	[sflag:s31] =	ssyncadd.s32 $0xFFFFF000  }
0x13f: {  	v19 =	vld.idx.msk [tilespmem:v19+s12+$0x0], $0xffff  }
0x140: {  	v20 =	vld.idx.msk [tilespmem:v20+s12+$0x0], $0xffff  }
0x141: {  	v21 =	vld.idx.msk [tilespmem:v36+s13+$0x0], $0xffff  }
0x142: {  	v22 =	vld.idx.msk [tilespmem:v37+s13+$0x0], $0xffff;
	_ =	sdelay $0x4  }
0x143: {  	v19 =	vmul.f32 v21, v19;
	v20 =	vmul.f32 v22, v20;
	_ =	sdelay $0x1  }
0x144: {  	v19 =	vadd.f32 v20, v19;
	_ =	sdelay $0x1  }
0x145: {  	(xrf2) =	vadd.scan.msk.f32 $0xffff, v19;
	_ =	sdelay $0x9  }
0x146: {  	v19, _, _ =	vpop (xrf2)  }
0x147: {  	(v2sf) =	vpush v19, $0xF;
	_ =	sdelay $0xe  }
0x148: {  	s29 =	smov.u32 s10;
	s10 =	sadd.s32 $0xFFFFFFFA, s2;
	s11 =	spop (v2sf)  }
0x149: {  	s4 =	simm.s32 $0x3;
	[smem:s10] =	sst s11  }
0x14a: {  	_ =	swait.ge [sflag:s4], $0x1000  }
0x14b: {  	v19 =	vor.u32 s25, v5;
	s11 =	simm.s32 $0x3;
	[sflag:s4] =	ssyncset.done $0x0  }
0x14c: {  	v20 =	vor.u32 s25, v6;
	s10 =	simm.s32 $0x12;
	[sflag:s11] =	ssyncadd.s32 $0xFFFFF000  }
0x14d: {  	v38 =	vor.u32 s26, v5;
	_ =	swait.ge [sflag:s10], $0x1000  }
0x14e: {  	v39 =	vor.u32 s26, v6;
	[sflag:s10] =	ssyncset.done $0x0  }
0x14f: {  	[sflag:s10] =	ssyncadd.s32 $0xFFFFF000  }
0x150: {  	v19 =	vld.idx.msk [tilespmem:v19+s12+$0x0], $0xffff  }
0x151: {  	v20 =	vld.idx.msk [tilespmem:v20+s12+$0x0], $0xffff  }
0x152: {  	v21 =	vld.idx.msk [tilespmem:v38+s13+$0x0], $0xffff  }
0x153: {  	v22 =	vld.idx.msk [tilespmem:v39+s13+$0x0], $0xffff;
	_ =	sdelay $0x4  }
0x154: {  	v19 =	vmul.f32 v21, v19;
	v20 =	vmul.f32 v22, v20;
	_ =	sdelay $0x1  }
0x155: {  	v19 =	vadd.f32 v20, v19;
	_ =	sdelay $0x1  }
0x156: {  	(xrf2) =	vadd.scan.msk.f32 $0xffff, v19;
	_ =	sdelay $0x9  }
0x157: {  	v19, _, _ =	vpop (xrf2)  }
0x158: {  	(v2sf) =	vpush v19, $0xF;
	_ =	sdelay $0xe  }
0x159: {  	s4 =	sadd.s32 $0xFFFFFFFB, s2;
	s26 =	spop (v2sf)  }
0x15a: {  	s25 =	simm.s32 $0x4;
	[smem:s4] =	sst s26  }
0x15b: {  	_ =	swait.ge [sflag:s25], $0x1000  }
0x15c: {  	v19 =	vor.u32 s24, v7;
	[sflag:s25] =	ssyncset.done $0x0  }
0x15d: {  	s10 =	simm.s32 $0x13;
	v20 =	vor.u32 s24, v8;
	[sflag:s25] =	ssyncadd.s32 $0xFFFFF000  }
0x15e: {  	v40 =	vor.u32 s1, v7;
	_ =	swait.ge [sflag:s10], $0x1000  }
0x15f: {  	v41 =	vor.u32 s1, v8;
	[sflag:s10] =	ssyncset.done $0x0  }
0x160: {  	[sflag:s10] =	ssyncadd.s32 $0xFFFFF000  }
0x161: {  	v19 =	vld.idx.msk [tilespmem:v19+s12+$0x0], $0xffff  }
0x162: {  	v20 =	vld.idx.msk [tilespmem:v20+s12+$0x0], $0xffff  }
0x163: {  	v21 =	vld.idx.msk [tilespmem:v40+s13+$0x0], $0xffff  }
0x164: {  	v22 =	vld.idx.msk [tilespmem:v41+s13+$0x0], $0xffff;
	_ =	sdelay $0x4  }
0x165: {  	v19 =	vmul.f32 v21, v19;
	v20 =	vmul.f32 v22, v20;
	_ =	sdelay $0x1  }
0x166: {  	v19 =	vadd.f32 v20, v19;
	_ =	sdelay $0x1  }
0x167: {  	(xrf2) =	vadd.scan.msk.f32 $0xffff, v19;
	_ =	sdelay $0x9  }
0x168: {  	v19, _, _ =	vpop (xrf2)  }
0x169: {  	(v2sf) =	vpush v19, $0xF;
	_ =	sdelay $0xe  }
0x16a: {  	s25 =	sadd.s32 $0xFFFFFFFC, s2;
	s24 =	spop (v2sf)  }
0x16b: {  	s4 =	simm.s32 $0x5;
	[smem:s25] =	sst s24  }
0x16c: {  	_ =	swait.ge [sflag:s4], $0x1000  }
0x16d: {  	v19 =	vor.u32 s22, v9;
	[sflag:s4] =	ssyncset.done $0x0  }
0x16e: {  	s1 =	simm.s32 $0x14;
	v20 =	vor.u32 s22, v10;
	[sflag:s4] =	ssyncadd.s32 $0xFFFFF000  }
0x16f: {  	v42 =	vor.u32 s23, v9;
	_ =	swait.ge [sflag:s1], $0x1000  }
0x170: {  	v43 =	vor.u32 s23, v10;
	[sflag:s1] =	ssyncset.done $0x0  }
0x171: {  	[sflag:s1] =	ssyncadd.s32 $0xFFFFF000  }
0x172: {  	v19 =	vld.idx.msk [tilespmem:v19+s12+$0x0], $0xffff  }
0x173: {  	v20 =	vld.idx.msk [tilespmem:v20+s12+$0x0], $0xffff  }
0x174: {  	v21 =	vld.idx.msk [tilespmem:v42+s13+$0x0], $0xffff  }
0x175: {  	v22 =	vld.idx.msk [tilespmem:v43+s13+$0x0], $0xffff;
	_ =	sdelay $0x4  }
0x176: {  	v19 =	vmul.f32 v21, v19;
	v20 =	vmul.f32 v22, v20;
	_ =	sdelay $0x1  }
0x177: {  	v19 =	vadd.f32 v20, v19;
	_ =	sdelay $0x1  }
0x178: {  	(xrf2) =	vadd.scan.msk.f32 $0xffff, v19;
	_ =	sdelay $0x9  }
0x179: {  	v19, _, _ =	vpop (xrf2)  }
0x17a: {  	(v2sf) =	vpush v19, $0xF;
	_ =	sdelay $0xe  }
0x17b: {  	s10 =	sadd.s32 $0xFFFFFFFD, s2;
	s4 =	spop (v2sf)  }
0x17c: {  	s26 =	simm.s32 $0x6;
	[smem:s10] =	sst s4  }
0x17d: {  	s20 =	sand.u32 $0x7F, s20;
	_ =	swait.ge [sflag:s26], $0x1000  }
0x17e: {  	v19 =	vor.u32 s20, v11;
	[sflag:s26] =	ssyncset.done $0x0  }
0x17f: {  	s24 =	simm.s32 $0x15;
	v20 =	vor.u32 s20, v12;
	[sflag:s26] =	ssyncadd.s32 $0xFFFFF000  }
0x180: {  	v44 =	vor.u32 s21, v11;
	_ =	swait.ge [sflag:s24], $0x1000  }
0x181: {  	v45 =	vor.u32 s21, v12;
	[sflag:s24] =	ssyncset.done $0x0  }
0x182: {  	[sflag:s24] =	ssyncadd.s32 $0xFFFFF000  }
0x183: {  	v19 =	vld.idx.msk [tilespmem:v19+s12+$0x0], $0xffff  }
0x184: {  	v20 =	vld.idx.msk [tilespmem:v20+s12+$0x0], $0xffff  }
0x185: {  	v21 =	vld.idx.msk [tilespmem:v44+s13+$0x0], $0xffff  }
0x186: {  	v22 =	vld.idx.msk [tilespmem:v45+s13+$0x0], $0xffff;
	_ =	sdelay $0x4  }
0x187: {  	v19 =	vmul.f32 v21, v19;
	v20 =	vmul.f32 v22, v20;
	_ =	sdelay $0x1  }
0x188: {  	v19 =	vadd.f32 v20, v19;
	_ =	sdelay $0x1  }
0x189: {  	(xrf2) =	vadd.scan.msk.f32 $0xffff, v19;
	_ =	sdelay $0x9  }
0x18a: {  	v19, _, _ =	vpop (xrf2)  }
0x18b: {  	(v2sf) =	vpush v19, $0xF;
	_ =	sdelay $0xe  }
0x18c: {  	s26 =	sadd.s32 $0xFFFFFFFE, s2;
	s25 =	spop (v2sf)  }
0x18d: {  	s20 =	simm.s32 $0x7;
	[smem:s26] =	sst s25  }
0x18e: {  	s21 =	sld [smem:$0x7D4];
	_ =	swait.ge [sflag:s20], $0x1000  }
0x18f: {  	v19 =	vor.u32 s14, v13;
	[sflag:s20] =	ssyncset.done $0x0  }
0x190: {  	s15 =	sand.u32 $0x7F, s15;
	s10 =	simm.s32 $0x16;
	v20 =	vor.u32 s14, v14;
	[sflag:s20] =	ssyncadd.s32 $0xFFFFF000  }
0x191: {  	v46 =	vor.u32 s15, v13;
	_ =	swait.ge [sflag:s10], $0x1000  }
0x192: {  	v47 =	vor.u32 s15, v14;
	[sflag:s10] =	ssyncset.done $0x0  }
0x193: {  	[sflag:s10] =	ssyncadd.s32 $0xFFFFF000  }
0x194: {  	v19 =	vld.idx.msk [tilespmem:v19+s12+$0x0], $0xffff  }
0x195: {  	v20 =	vld.idx.msk [tilespmem:v20+s12+$0x0], $0xffff  }
0x196: {  	v21 =	vld.idx.msk [tilespmem:v46+s13+$0x0], $0xffff  }
0x197: {  	v22 =	vld.idx.msk [tilespmem:v47+s13+$0x0], $0xffff;
	_ =	sdelay $0x4  }
0x198: {  	v19 =	vmul.f32 v21, v19;
	v20 =	vmul.f32 v22, v20;
	_ =	sdelay $0x1  }
0x199: {  	v19 =	vadd.f32 v20, v19;
	_ =	sdelay $0x1  }
0x19a: {  	(xrf2) =	vadd.scan.msk.f32 $0xffff, v19;
	_ =	sdelay $0x9  }
0x19b: {  	v19, _, _ =	vpop (xrf2)  }
0x19c: {  	(v2sf) =	vpush v19, $0xF;
	_ =	sdelay $0xe  }
0x19d: {  	s20 =	sadd.s32 $0xFFFFFFFF, s2;
	s15 =	spop (v2sf)  }
0x19e: {  	s23 =	smov.u32 s5;
	s5 =	simm.s32 $0x8;
	[smem:s20] =	sst s15  }
0x19f: {  	s22 =	sld [smem:$0x7D5];
	_ =	swait.ge [sflag:s5], $0x1000  }
0x1a0: {  	v19 =	vor.u32 s3, v15;
	[sflag:s5] =	ssyncset.done $0x0  }
0x1a1: {  	v20 =	vor.u32 s3, v16;
	[sflag:s5] =	ssyncadd.s32 $0xFFFFF000;
	s5 =	simm.s32 $0x17  }
0x1a2: {  	v48 =	vor.u32 s9, v15;
	_ =	swait.ge [sflag:s5], $0x1000  }
0x1a3: {  	v49 =	vor.u32 s9, v16;
	s9 =	rddreg [dreg:$0x3];
	[sflag:s5] =	ssyncset.done $0x0  }
0x1a4: {  	[sflag:s5] =	ssyncadd.s32 $0xFFFFF000  }
0x1a5: {  	v19 =	vld.idx.msk [tilespmem:v19+s12+$0x0], $0xffff  }
0x1a6: {  	v20 =	vld.idx.msk [tilespmem:v20+s12+$0x0], $0xffff  }
0x1a7: {  	v21 =	vld.idx.msk [tilespmem:v48+s13+$0x0], $0xffff  }
0x1a8: {  	v22 =	vld.idx.msk [tilespmem:v49+s13+$0x0], $0xffff;
	_ =	sdelay $0x4  }
0x1a9: {  	v19 =	vmul.f32 v21, v19;
	v20 =	vmul.f32 v22, v20;
	_ =	sdelay $0x1  }
0x1aa: {  	v19 =	vadd.f32 v20, v19;
	_ =	sdelay $0x1  }
0x1ab: {  	(xrf2) =	vadd.scan.msk.f32 $0xffff, v19;
	_ =	sdelay $0x9  }
0x1ac: {  	v19, _, _ =	vpop (xrf2)  }
0x1ad: {  	(v2sf) =	vpush v19, $0xF;
	_ =	sdelay $0xe  }
0x1ae: {  	s10 =	spop (v2sf)  }
0x1af: {  	s26 =	simm.s32 $0x9;
	[smem:s2] =	sst s10  }
0x1b0: {  	_ =	swait.ge [sflag:s26], $0x1000  }
0x1b1: {  	v19 =	vor.u32 s8, v17;
	[sflag:s26] =	ssyncset.done $0x0  }
0x1b2: {  	s25 =	simm.s32 $0x18;
	v20 =	vor.u32 s8, v18;
	s8 =	rddreg [dreg:$0x2];
	[sflag:s26] =	ssyncadd.s32 $0xFFFFF000  }
0x1b3: {  	v50 =	vor.u32 s19, v17;
	_ =	swait.ge [sflag:s25], $0x1000  }
0x1b4: {  	v51 =	vor.u32 s19, v18;
	[sflag:s25] =	ssyncset.done $0x0  }
0x1b5: {  	[sflag:s25] =	ssyncadd.s32 $0xFFFFF000  }
0x1b6: {  	v19 =	vld.idx.msk [tilespmem:v19+s12+$0x0], $0xffff  }
0x1b7: {  	v20 =	vld.idx.msk [tilespmem:v20+s12+$0x0], $0xffff  }
0x1b8: {  	v21 =	vld.idx.msk [tilespmem:v50+s13+$0x0], $0xffff  }
0x1b9: {  	v22 =	vld.idx.msk [tilespmem:v51+s13+$0x0], $0xffff;
	_ =	sdelay $0x4  }
0x1ba: {  	v19 =	vmul.f32 v21, v19;
	v20 =	vmul.f32 v22, v20;
	_ =	sdelay $0x1  }
0x1bb: {  	v19 =	vadd.f32 v20, v19;
	_ =	sdelay $0x1  }
0x1bc: {  	(xrf2) =	vadd.scan.msk.f32 $0xffff, v19;
	_ =	sdelay $0x9  }
0x1bd: {  	v19, _, _ =	vpop (xrf2)  }
0x1be: {  	(v2sf) =	vpush v19, $0xF;
	_ =	sdelay $0xe  }
0x1bf: {  	s20 =	sadd.s32 $0x1, s2;
	s15 =	spop (v2sf)  }
0x1c0: {  	s24 =	simm.s32 $0xA;
	[smem:s20] =	sst s15  }
0x1c1: {  	s19 =	sld [smem:$0x7D6];
	v19 =	vor.u32 $0x9000, v1;
	_ =	swait.ge [sflag:s24], $0x1000  }
0x1c2: {  	v52 =	vor.u32 $0x9800, v1;
	v20 =	vor.u32 s18, v19;
	[sflag:s24] =	ssyncset.done $0x0  }
0x1c3: {  	v53 =	vor.u32 s18, v52;
	s7 =	sand.u32 $0x7F, s7;
	s14 =	simm.s32 $0x19;
	[sflag:s24] =	ssyncadd.s32 $0xFFFFF000  }
0x1c4: {  	v19 =	vor.u32 s7, v19;
	s18 =	sld [smem:$0x7D7];
	_ =	swait.ge [sflag:s14], $0x1000  }
0x1c5: {  	v21 =	vor.u32 s7, v52;
	[sflag:s14] =	ssyncset.done $0x0  }
0x1c6: {  	[sflag:s14] =	ssyncadd.s32 $0xFFFFF000  }
0x1c7: {  	v20 =	vld.idx.msk [tilespmem:v20+s12+$0x0], $0xffff  }
0x1c8: {  	v22 =	vld.idx.msk [tilespmem:v53+s12+$0x0], $0xffff  }
0x1c9: {  	v19 =	vld.idx.msk [tilespmem:v19+s13+$0x0], $0xffff  }
0x1ca: {  	v21 =	vld.idx.msk [tilespmem:v21+s13+$0x0], $0xffff;
	_ =	sdelay $0x4  }
0x1cb: {  	v19 =	vmul.f32 v19, v20;
	v20 =	vmul.f32 v21, v22;
	_ =	sdelay $0x1  }
0x1cc: {  	v19 =	vadd.f32 v20, v19;
	_ =	sdelay $0x1  }
0x1cd: {  	(xrf2) =	vadd.scan.msk.f32 $0xffff, v19;
	_ =	sdelay $0x9  }
0x1ce: {  	v19, _, _ =	vpop (xrf2)  }
0x1cf: {  	(v2sf) =	vpush v19, $0xF;
	_ =	sdelay $0xe  }
0x1d0: {  	s5 =	sadd.s32 $0x2, s2;
	s1 =	spop (v2sf)  }
0x1d1: {  	s26 =	simm.s32 $0xB;
	[smem:s5] =	sst s1  }
0x1d2: {  	v19 =	vor.u32 $0xA000, v1;
	_ =	swait.ge [sflag:s26], $0x1000  }
0x1d3: {  	v54 =	vor.u32 $0xA800, v1;
	v20 =	vor.u32 s6, v19;
	[sflag:s26] =	ssyncset.done $0x0  }
0x1d4: {  	v55 =	vor.u32 s6, v54;
	s25 =	simm.s32 $0x1A;
	[sflag:s26] =	ssyncadd.s32 $0xFFFFF000  }
0x1d5: {  	v19 =	vor.u32 s17, v19;
	_ =	swait.ge [sflag:s25], $0x1000  }
0x1d6: {  	v21 =	vor.u32 s17, v54;
	[sflag:s25] =	ssyncset.done $0x0  }
0x1d7: {  	[sflag:s25] =	ssyncadd.s32 $0xFFFFF000  }
0x1d8: {  	v20 =	vld.idx.msk [tilespmem:v20+s12+$0x0], $0xffff  }
0x1d9: {  	v22 =	vld.idx.msk [tilespmem:v55+s12+$0x0], $0xffff  }
0x1da: {  	v19 =	vld.idx.msk [tilespmem:v19+s13+$0x0], $0xffff  }
0x1db: {  	v21 =	vld.idx.msk [tilespmem:v21+s13+$0x0], $0xffff;
	_ =	sdelay $0x4  }
0x1dc: {  	v19 =	vmul.f32 v19, v20;
	v20 =	vmul.f32 v21, v22;
	_ =	sdelay $0x1  }
0x1dd: {  	v19 =	vadd.f32 v20, v19;
	_ =	sdelay $0x1  }
0x1de: {  	(xrf2) =	vadd.scan.msk.f32 $0xffff, v19;
	_ =	sdelay $0x9  }
0x1df: {  	v19, _, _ =	vpop (xrf2)  }
0x1e0: {  	(v2sf) =	vpush v19, $0xF;
	_ =	sdelay $0xe  }
0x1e1: {  	s15 =	sadd.s32 $0x3, s2;
	s10 =	spop (v2sf)  }
0x1e2: {  	s24 =	simm.s32 $0xC;
	[smem:s15] =	sst s10  }
0x1e3: {  	s17 =	sld [smem:$0x7D8];
	_ =	swait.ge [sflag:s24], $0x1000  }
0x1e4: {  	[sflag:s24] =	ssyncset.done $0x0  }
0x1e5: {  	s14 =	simm.s32 $0x1B;
	s20 =	sld [smem:$0x7D9];
	[sflag:s24] =	ssyncadd.s32 $0xFFFFF000  }
0x1e6: {  	_ =	swait.ge [sflag:s14], $0x1000  }
0x1e7: {  	v19 =	vor.u32 $0xB000, v1;
	s24 =	sld [smem:$0x7DA]  }
0x1e8: {  	v56 =	vor.u32 $0xB800, v1;
	v20 =	vor.u32 s20, v19  }
0x1e9: {  	v57 =	vor.u32 s20, v56  }
0x1ea: {  	v19 =	vor.u32 s24, v19  }
0x1eb: {  	[sflag:s14] =	ssyncset.done $0x0;
	v21 =	vor.u32 s24, v56  }
0x1ec: {  	[sflag:s14] =	ssyncadd.s32 $0xFFFFF000  }
0x1ed: {  	v20 =	vld.idx.msk [tilespmem:v20+s12+$0x0], $0xffff  }
0x1ee: {  	v22 =	vld.idx.msk [tilespmem:v57+s12+$0x0], $0xffff  }
0x1ef: {  	v19 =	vld.idx.msk [tilespmem:v19+s13+$0x0], $0xffff  }
0x1f0: {  	v21 =	vld.idx.msk [tilespmem:v21+s13+$0x0], $0xffff;
	_ =	sdelay $0x4  }
0x1f1: {  	v19 =	vmul.f32 v19, v20;
	v20 =	vmul.f32 v21, v22;
	_ =	sdelay $0x1  }
0x1f2: {  	v19 =	vadd.f32 v20, v19;
	_ =	sdelay $0x1  }
0x1f3: {  	(xrf2) =	vadd.scan.msk.f32 $0xffff, v19;
	_ =	sdelay $0x9  }
0x1f4: {  	v19, _, _ =	vpop (xrf2)  }
0x1f5: {  	(v2sf) =	vpush v19, $0xF;
	_ =	sdelay $0xe  }
0x1f6: {  	s15 =	sadd.s32 $0x4, s2;
	s10 =	spop (v2sf)  }
0x1f7: {  	s26 =	simm.s32 $0xD;
	[smem:s15] =	sst s10  }
0x1f8: {  	_ =	swait.ge [sflag:s26], $0x1000  }
0x1f9: {  	[sflag:s26] =	ssyncset.done $0x0  }
0x1fa: {  	s25 =	simm.s32 $0x1C;
	s20 =	sld [smem:$0x7DB];
	[sflag:s26] =	ssyncadd.s32 $0xFFFFF000  }
0x1fb: {  	_ =	swait.ge [sflag:s25], $0x1000  }
0x1fc: {  	v19 =	vor.u32 $0xC000, v1;
	s24 =	sld [smem:$0x7DC]  }
0x1fd: {  	v58 =	vor.u32 $0xC800, v1;
	v20 =	vor.u32 s20, v19  }
0x1fe: {  	v59 =	vor.u32 s20, v58  }
0x1ff: {  	v19 =	vor.u32 s24, v19  }
0x200: {  	[sflag:s25] =	ssyncset.done $0x0;
	v21 =	vor.u32 s24, v58  }
0x201: {  	[sflag:s25] =	ssyncadd.s32 $0xFFFFF000  }
0x202: {  	v20 =	vld.idx.msk [tilespmem:v20+s12+$0x0], $0xffff  }
0x203: {  	v22 =	vld.idx.msk [tilespmem:v59+s12+$0x0], $0xffff  }
0x204: {  	v19 =	vld.idx.msk [tilespmem:v19+s13+$0x0], $0xffff  }
0x205: {  	v21 =	vld.idx.msk [tilespmem:v21+s13+$0x0], $0xffff;
	_ =	sdelay $0x4  }
0x206: {  	v19 =	vmul.f32 v19, v20;
	v20 =	vmul.f32 v21, v22;
	_ =	sdelay $0x1  }
0x207: {  	v19 =	vadd.f32 v20, v19;
	_ =	sdelay $0x1  }
0x208: {  	(xrf2) =	vadd.scan.msk.f32 $0xffff, v19;
	_ =	sdelay $0x9  }
0x209: {  	v19, _, _ =	vpop (xrf2)  }
0x20a: {  	(v2sf) =	vpush v19, $0xF;
	_ =	sdelay $0xe  }
0x20b: {  	s26 =	sadd.s32 $0x5, s2;
	s25 =	spop (v2sf)  }
0x20c: {  	s5 =	simm.s32 $0xE;
	[smem:s26] =	sst s25  }
0x20d: {  	_ =	swait.ge [sflag:s5], $0x1000  }
0x20e: {  	[sflag:s5] =	ssyncset.done $0x0  }
0x20f: {  	s6 =	simm.s32 $0x1D;
	s1 =	sld [smem:$0x7DD];
	[sflag:s5] =	ssyncadd.s32 $0xFFFFF000  }
0x210: {  	s5 =	sld [smem:$0x7DE];
	_ =	swait.ge [sflag:s6], $0x1000  }
0x211: {  	v19 =	vor.u32 $0xD000, v1;
	s3 =	sld [smem:$0x7DF]  }
0x212: {  	v60 =	vor.u32 $0xD800, v1;
	v20 =	vor.u32 s1, v19  }
0x213: {  	v61 =	vor.u32 s1, v60  }
0x214: {  	v19 =	vor.u32 s3, v19  }
0x215: {  	[sflag:s6] =	ssyncset.done $0x0;
	v21 =	vor.u32 s3, v60  }
0x216: {  	[sflag:s6] =	ssyncadd.s32 $0xFFFFF000  }
0x217: {  	v20 =	vld.idx.msk [tilespmem:v20+s12+$0x0], $0xffff  }
0x218: {  	v22 =	vld.idx.msk [tilespmem:v61+s12+$0x0], $0xffff  }
0x219: {  	v19 =	vld.idx.msk [tilespmem:v19+s13+$0x0], $0xffff  }
0x21a: {  	v21 =	vld.idx.msk [tilespmem:v21+s13+$0x0], $0xffff;
	_ =	sdelay $0x4  }
0x21b: {  	v19 =	vmul.f32 v19, v20;
	v20 =	vmul.f32 v21, v22;
	_ =	sdelay $0x1  }
0x21c: {  	v19 =	vadd.f32 v20, v19;
	_ =	sdelay $0x1  }
0x21d: {  	(xrf2) =	vadd.scan.msk.f32 $0xffff, v19;
	_ =	sdelay $0x9  }
0x21e: {  	v19, _, _ =	vpop (xrf2)  }
0x21f: {  	(v2sf) =	vpush v19, $0xF;
	_ =	sdelay $0xe  }
0x220: {  	s15 =	sadd.s32 $0x6, s2;
	s4 =	spop (v2sf)  }
0x221: {  	s7 =	simm.s32 $0xF;
	[smem:s15] =	sst s4  }
0x222: {  	s6 =	sld [smem:$0x7E0];
	_ =	swait.ge [sflag:s7], $0x1000  }
0x223: {  	[sflag:s7] =	ssyncset.done $0x0  }
0x224: {  	s14 =	simm.s32 $0x1E;
	s20 =	sld [smem:$0x7E1];
	[sflag:s7] =	ssyncadd.s32 $0xFFFFF000  }
0x225: {  	s7 =	sld [smem:$0x7E2];
	_ =	swait.ge [sflag:s14], $0x1000  }
0x226: {  	v19 =	vor.u32 $0xE000, v1;
	s24 =	sld [smem:$0x7E3]  }
0x227: {  	v62 =	vor.u32 $0xE800, v1;
	v20 =	vor.u32 s20, v19  }
0x228: {  	v63 =	vor.u32 s20, v62  }
0x229: {  	v19 =	vor.u32 s24, v19  }
0x22a: {  	[sflag:s14] =	ssyncset.done $0x0;
	v21 =	vor.u32 s24, v62  }
0x22b: {  	[sflag:s14] =	ssyncadd.s32 $0xFFFFF000  }
0x22c: {  	v20 =	vld.idx.msk [tilespmem:v20+s12+$0x0], $0xffff  }
0x22d: {  	v22 =	vld.idx.msk [tilespmem:v63+s12+$0x0], $0xffff  }
0x22e: {  	v19 =	vld.idx.msk [tilespmem:v19+s13+$0x0], $0xffff  }
0x22f: {  	v21 =	vld.idx.msk [tilespmem:v21+s13+$0x0], $0xffff;
	_ =	sdelay $0x4  }
0x230: {  	v19 =	vmul.f32 v19, v20;
	v20 =	vmul.f32 v21, v22;
	_ =	sdelay $0x1  }
0x231: {  	v19 =	vadd.f32 v20, v19;
	_ =	sdelay $0x1  }
0x232: {  	(xrf2) =	vadd.scan.msk.f32 $0xffff, v19;
	_ =	sdelay $0x9  }
0x233: {  	v19, _, _ =	vpop (xrf2)  }
0x234: {  	(v2sf) =	vpush v19, $0xF;
	_ =	sdelay $0xa  }
0x235: {  	p0 =	sne.s32 s28, $0x1EF  }
.Ltmp0:
0x236: {  	_ = 	snop;
	(pc) =	sbr.rel @p0 .LBB2_2-.Ltmp0, $4  }
0x237: {  	_ = 	snop  }
0x238: {  	s11 =	simm.s32 $0x10400;
	s28 =	sld [smem:$0x7E5]  }
0x239: {  	s26 =	sadd.s32 $0x7, s2;
	s14 =	sld [smem:$0x7E4];
	s25 =	spop (v2sf)  }
0x23a: {  	s10 =	simm.s32 $0x1400;
	s2 =	sadd.s32 $0xF, s2;
	[smem:s26] =	sst s25  }
0x23b: {  	v19 =	vld [tilespmem:$0x1F0]  }
0x23c: {  	v20 =	vld [tilespmem:$0x3F0];
	_ =	sdelay $0x2  }
0x23d: {  	vm14 =	vcmask $0x373C  }
0x23e: {  	v21 =	vsel vm14, $0x0, v19  }
0x23f: {  	v60 =	vsel vm14, $0x0, v20;
	(xrf0) =	vadd.scan.msk.s32 $0xffff, v21  }
0x240: {  	(xrf0) =	vadd.scan.msk.s32 $0xffff, v60  }
0x241: {  	vm14 =	vmmov $0x7fff  }
0x242: {  	v19 =	vsel vm14, $0x0, v19  }
0x243: {  	(xrf0) =	vadd.scan.msk.s32 $0xffff, v19;
	_ =	sdelay $0x1  }
0x244: {  	v19, _, _ =	vpop (xrf0)  }
0x245: {  	(v2sf) =	vpush v19, $0xF;
	v19 =	vsel vm14, $0x0, v20;
	v20, _, _ =	vpop (xrf0)  }
0x246: {  	(v2sf) =	vpush v20, $0xF  }
0x247: {  	(xrf0) =	vadd.scan.msk.s32 $0xffff, v19  }
0x248: {  	v19, _, _ =	vpop (xrf0)  }
0x249: {  	(v2sf) =	vpush v19, $0xF;
	_ =	sdelay $0x3  }
0x24a: {  	v19, _, _ =	vpop (xrf0)  }
0x24b: {  	(v2sf) =	vpush v19, $0xF;
	_ =	sdelay $0x5  }
0x24c: {  	s0 =	spop (v2sf)  }
0x24d: {  	s1 =	sand.u32 $0xFFFFF80, s0;
	s2 =	spop (v2sf)  }
0x24e: {  	s1 =	sadd.s32 s8, s1;
	s4 =	sand.u32 $0xFFFFF80, s2  }
0x24f: {  	[tilespmem:s12], [sflag:$0x1] =	stream.strided.gather [hbm4b:s1+s12], $0x1000, s16, s12, $0x38;
	[tilespmem:$0x1E600] =	vst v63  }
0x250: {  	s1 =	sadd.s32 s9, s4;
	s3 =	spop (v2sf)  }
0x251: {  	[tilespmem:s13], [sflag:$0x10] =	stream.strided.gather [hbm4b:s1+s12], $0x1000, s16, s12, $0x38;
	[tilespmem:$0x1E600] =	vst v63  }
0x252: {  	s5 =	sand.u32 $0xFFFFF80, s3  }
0x253: {  	s1 =	sadd.s32 s8, s5  }
0x254: {  	[tilespmem:s10], [sflag:$0x2] =	stream.strided.gather [hbm4b:s1+s12], $0x1000, s16, s12, $0x38;
	[tilespmem:$0x1E600] =	vst v63  }
0x255: {  	s4 =	spop (v2sf)  }
0x256: {  	s6 =	sand.u32 $0xFFFFF80, s4  }
0x257: {  	s5 =	simm.s32 $0x1;
	s1 =	sadd.s32 s9, s6  }
0x258: {  	[tilespmem:s11], [sflag:$0x11] =	stream.strided.gather [hbm4b:s1+s12], $0x1000, s16, s12, $0x38;
	[tilespmem:$0x1E600] =	vst v63  }
0x259: {  	s0 =	sand.u32 $0x7F, s0;
	_ =	swait.ge [sflag:s5], $0x1000  }
0x25a: {  	v19 =	vor.u32 s0, v1;
	[sflag:s5] =	ssyncset.done $0x0  }
0x25b: {  	s14 =	simm.s32 $0x10;
	s7 =	sand.u32 $0x7F, s2;
	v20 =	vor.u32 s0, v2;
	[sflag:s5] =	ssyncadd.s32 $0xFFFFF000  }
0x25c: {  	v61 =	vor.u32 s7, v1;
	_ =	swait.ge [sflag:s14], $0x1000  }
0x25d: {  	v22 =	vor.u32 s7, v2;
	[sflag:s14] =	ssyncset.done $0x0  }
0x25e: {  	[sflag:s14] =	ssyncadd.s32 $0xFFFFF000  }
0x25f: {  	v19 =	vld.idx.msk [tilespmem:v19+s12+$0x0], $0xffff  }
0x260: {  	v20 =	vld.idx.msk [tilespmem:v20+s12+$0x0], $0xffff  }
0x261: {  	v21 =	vld.idx.msk [tilespmem:v61+s13+$0x0], $0xffff  }
0x262: {  	v22 =	vld.idx.msk [tilespmem:v22+s13+$0x0], $0xffff;
	_ =	sdelay $0x4  }
0x263: {  	v19 =	vmul.f32 v21, v19;
	v20 =	vmul.f32 v22, v20;
	_ =	sdelay $0x1  }
0x264: {  	v19 =	vadd.f32 v20, v19;
	_ =	sdelay $0x1  }
0x265: {  	(xrf2) =	vadd.scan.msk.f32 $0xffff, v19;
	_ =	sdelay $0x9  }
0x266: {  	v19, _, _ =	vpop (xrf2)  }
0x267: {  	(v2sf) =	vpush v19, $0xF;
	_ =	sdelay $0xe  }
0x268: {  	s15 =	spop (v2sf)  }
0x269: {  	[smem:$0x1FE] =	sst s15  }
0x26a: {  	s17 =	sand.u32 $0x7F, s3;
	_ =	swait.ge [sflag:s30], $0x1000  }
0x26b: {  	v19 =	vor.u32 s17, v3;
	[sflag:s30] =	ssyncset.done $0x0  }
0x26c: {  	s18 =	sand.u32 $0x7F, s4;
	v20 =	vor.u32 s17, v4;
	[sflag:s30] =	ssyncadd.s32 $0xFFFFF000  }
0x26d: {  	v62 =	vor.u32 s18, v3;
	_ =	swait.ge [sflag:s31], $0x1000  }
0x26e: {  	v63 =	vor.u32 s18, v4;
	[sflag:s31] =	ssyncset.done $0x0  }
0x26f: {  	[sflag:s31] =	ssyncadd.s32 $0xFFFFF000  }
0x270: {  	v19 =	vld.idx.msk [tilespmem:v19+s12+$0x0], $0xffff  }
0x271: {  	v20 =	vld.idx.msk [tilespmem:v20+s12+$0x0], $0xffff  }
0x272: {  	v21 =	vld.idx.msk [tilespmem:v62+s13+$0x0], $0xffff  }
0x273: {  	v22 =	vld.idx.msk [tilespmem:v63+s13+$0x0], $0xffff;
	_ =	sdelay $0x4  }
0x274: {  	v19 =	vmul.f32 v21, v19;
	v20 =	vmul.f32 v22, v20;
	_ =	sdelay $0x1  }
0x275: {  	v19 =	vadd.f32 v20, v19;
	_ =	sdelay $0x1  }
0x276: {  	(xrf2) =	vadd.scan.msk.f32 $0xffff, v19;
	_ =	sdelay $0x9  }
0x277: {  	v19, _, _ =	vpop (xrf2)  }
0x278: {  	(v2sf) =	vpush v19, $0xF;
	_ =	sdelay $0xe  }
0x279: {  	s19 =	spop (v2sf)  }
0x27a: {  	[smem:$0x1FF] =	sst s19  }
0x27b: {  	s0 =	sld [smem:$0xF]  }
0x27c: {  	s20 =	sld [smem:$0x0]  }
0x27d: {  	s21 =	sld [smem:$0x1]  }
0x27e: {  	s22 =	sld [smem:$0x2];
	v19 =	vmov s0  }
0x27f: {  	s23 =	sld [smem:$0x3];
	v19 =	vsel vm15, s20, v19  }
0x280: {  	s24 =	sld [smem:$0x4];
	v19 =	vsel vm1, s21, v19  }
0x281: {  	s25 =	sld [smem:$0x5];
	v19 =	vsel vm2, s22, v19  }
0x282: {  	s26 =	sld [smem:$0x6];
	v19 =	vsel vm3, s23, v19  }
0x283: {  	s28 =	sld [smem:$0x7];
	v19 =	vsel vm4, s24, v19  }
0x284: {  	s29 =	sld [smem:$0x8];
	v19 =	vsel vm5, s25, v19  }
0x285: {  	s30 =	sld [smem:$0x9];
	v19 =	vsel vm6, s26, v19  }
0x286: {  	s31 =	sld [smem:$0xA];
	v19 =	vsel vm7, s28, v19  }
0x287: {  	s6 =	sld [smem:$0xB];
	v19 =	vsel vm8, s29, v19  }
0x288: {  	s3 =	sld [smem:$0xC];
	v19 =	vsel vm9, s30, v19  }
0x289: {  	s2 =	simm.s32 $0x80;
	s4 =	sld [smem:$0xD];
	v19 =	vsel vm10, s31, v19  }
0x28a: {  	s1 =	simm.s32 $0x10;
	s0 =	simm.s32 $0x0;
	s5 =	sld [smem:$0xE];
	v19 =	vsel vm11, s6, v19  }
.LBB2_4:
0x28b: {  	p0 =	sne.s32 s2, $0x7C0;
	s6 =	sld [smem:s1+$0xF];
	v19 =	vsel vm12, s3, v19  }
0x28c: {  	s3 =	sld [smem:s1+$0x0];
	v19 =	vsel vm13, s4, v19  }
0x28d: {  	s4 =	sld [smem:s1+$0x1];
	v19 =	vsel vm0, s5, v19  }
0x28e: {  	s5 =	sld [smem:s1+$0x2];
	v20 =	vmov s6;
	[tilespmem:s0+$0x1E400] =	vst v19;
	s0 =	smov.u32 s1  }
0x28f: {  	s1 =	sld [smem:s0+$0x3];
	v19 =	vsel vm15, s3, v20  }
0x290: {  	s3 =	sld [smem:s0+$0x4];
	v19 =	vsel vm1, s4, v19  }
0x291: {  	s4 =	sld [smem:s0+$0x5];
	v19 =	vsel vm2, s5, v19  }
0x292: {  	s5 =	sld [smem:s0+$0x6];
	v19 =	vsel vm3, s1, v19  }
0x293: {  	s1 =	sld [smem:s0+$0x7];
	v19 =	vsel vm4, s3, v19  }
0x294: {  	s3 =	sld [smem:s0+$0x8];
	v19 =	vsel vm5, s4, v19  }
0x295: {  	s4 =	sld [smem:s0+$0x9];
	v19 =	vsel vm6, s5, v19  }
.Ltmp1:
0x296: {  	s5 =	sld [smem:s0+$0xA];
	v19 =	vsel vm7, s1, v19;
	(pc) =	sbr.rel @p0 .LBB2_4-.Ltmp1, $4  }
0x297: {  	s6 =	sld [smem:s0+$0xB];
	v19 =	vsel vm8, s3, v19  }
0x298: {  	s3 =	sld [smem:s0+$0xC];
	v19 =	vsel vm9, s4, v19  }
0x299: {  	s4 =	sld [smem:s0+$0xD];
	v19 =	vsel vm10, s5, v19  }
0x29a: {  	s1 =	sshra.s32 s2, $0x2;
	s2 =	sadd.s32 $0x40, s2;
	s5 =	sld [smem:s0+$0xE];
	v19 =	vsel vm11, s6, v19  }
0x29b: {  	s2 =	sld [smem:s1+$0xF]  }
0x29c: {  	s6 =	sld [smem:s1+$0x0]  }
0x29d: {  	s7 =	sld [smem:s1+$0x1]  }
0x29e: {  	s31 =	sld [smem:s1+$0x2];
	v20 =	vmov s2  }
0x29f: {  	s14 =	sld [smem:s1+$0x3];
	v20 =	vsel vm15, s6, v20  }
0x2a0: {  	s15 =	sld [smem:s1+$0x4];
	v20 =	vsel vm1, s7, v20  }
0x2a1: {  	s17 =	sld [smem:s1+$0x5];
	v20 =	vsel vm2, s31, v20  }
0x2a2: {  	s18 =	sld [smem:s1+$0x6];
	v20 =	vsel vm3, s14, v20  }
0x2a3: {  	s19 =	sld [smem:s1+$0x7];
	v20 =	vsel vm4, s15, v20  }
0x2a4: {  	s20 =	sld [smem:s1+$0x8];
	v20 =	vsel vm5, s17, v20  }
0x2a5: {  	s21 =	sld [smem:s1+$0x9];
	v20 =	vsel vm6, s18, v20  }
0x2a6: {  	s22 =	sld [smem:s1+$0xA];
	v20 =	vsel vm7, s19, v20  }
0x2a7: {  	s23 =	sld [smem:s1+$0xB];
	v20 =	vsel vm8, s20, v20  }
0x2a8: {  	s24 =	sld [smem:s1+$0xC];
	v20 =	vsel vm9, s21, v20  }
0x2a9: {  	s25 =	sld [smem:s1+$0xD];
	v20 =	vsel vm10, s22, v20  }
0x2aa: {  	v19 =	vsel vm12, s3, v19;
	s26 =	sld [smem:s1+$0xE];
	v20 =	vsel vm11, s23, v20  }
0x2ab: {  	v19 =	vsel vm13, s4, v19;
	v20 =	vsel vm12, s24, v20  }
0x2ac: {  	s28 =	sld [smem:$0x7FC];
	v19 =	vsel vm0, s5, v19;
	v20 =	vsel vm13, s25, v20  }
0x2ad: {  	[tilespmem:s0+$0x1E400] =	vst v19;
	v19 =	vsel vm0, s26, v20  }
0x2ae: {  	s29 =	simm.s32 $0x1E400;
	s7 =	simm.s32 $0x0;
	[tilespmem:s1+$0x1E400] =	vst v19;
	s1 =	simm.s32 $0x1F  }
0x2af: {  	[hbm4b:s28+s7] =	stream.linear.scatter [tilespmem:s29], [sflag:$0x1F], $0x200, $0x38;
	[tilespmem:$0x1E600] =	vst v63  }
0x2b0: {  	_ =	swait.ge [sflag:s1], $0x200  }
0x2b1: {  	s30 =	sld [smem:$0x7E6]  }
0x2b2: {  	s31 =	sld [smem:$0x7FD];
	_ =	sdelay $0x1  }
0x2b3: {  	s2 =	sadd.s32 $0x1, s30  }
0x2b4: {  	p0 =	sne.s32 s2, s31  }
.Ltmp2:
0x2b5: {  	_ = 	snop;
	(pc) =	sbr.rel @p0 .LBB2_1-.Ltmp2, $3  }
0x2b6: {  	_ =	sdelay $0x1  }
0x2b7: {  	[sflag:s1] =	ssyncset.done $0x0  }
0x2b8: {  	[sflag:s1] =	ssyncadd.s32 $0xFFFFFE00  }
0x2b9: {  	_ =	sfence.sel $0x180000  }
0x2ba: {  	[bflag:$0x0] =	sbarrier.arrive $0xFFFF  }
0x2bb: {  	_ =	strace $0x90000047  }
0x2bc: {  	s0 =	stileid.u32;
	[bflag:$0x2] =	sbarrier.arrive $0xFFFF  }
0x2bd: {  	p0 =	sne.s32 s0, $0x0;
	s0 =	rddreg [dreg:$0x5]  }
0x2be: {  	s0 =	sadd.s32 @!p0 $0x100000, s0  }
0x2bf: {  	[sflag:s0] =	ssyncadd.tile.s32 @!p0 $0x1;
	_ =	shalt  }
.Lfunc_end2:
_tile_overlayer_lowered:
.L_overlay_start_2:
0x2c0: {  	(tag) =	ssettag $0x2  }
0x2c1: {  	s0 =	rddreg [dreg:$0x0];
	s2 =	stileid.u32  }
0x2c2: {  	s1 =	rddreg [dreg:$0x1];
	p0 =	sne.s32 s2, $0x0  }
0x2c3: {  	s3 =	rddreg [dreg:$0x2];
	[bflag:$0x3] =	sbarrier.arrive $0xFFFF;
	s2 =	simm.s32 @!p0 $0x1C1F  }
0x2c4: {  	[timem:s3], [sflag:s2] =	dma.local @!p0 [hbm:s0], s1  }
0x2c5: {  	s0 =	simm.s32 @!p0 $0x1F  }
0x2c6: {  	_ =	swait.ge @!p0 [sflag:s0], s1  }
0x2c7: {  	s1 =	ssub.s32 @!p0 $0x0, s1;
	[sflag:s0] =	ssyncset.done @!p0 $0x0  }
0x2c8: {  	[sflag:s0] =	ssyncadd.s32 @!p0 s1  }
0x2c9: {  	[bflag:$0x3] =	sbarrier.arrive $0xFFFF  }
0x2ca: {  	_ =	shalt  }

</sc_bundles>
